<compile_context>
chip_gen: v7x
topology: tpu7x:2x2x1
jax: 0.10.2.dev20260603
libtpu: 0.0.44.dev20260713+nightly
codegen_flags: <defaults>
</compile_context>

<pallas_src>
import functools
import math

import jax
import jax.numpy as jnp
from jax import lax
from jax.experimental import pallas as pl
from jax.experimental.pallas import tpu as pltpu
from jax.experimental.pallas import tpu_sc as plsc

N = 10000
E = 320000
H = 128
G = 50
F = 128
CUTOFF = 10.0
SHIFT = math.log(2.0)

NC = 2
NS = 16
NW = NC * NS
CH = 128
NCHUNK = E // CH
MAXJ = (NCHUNK + NW - 1) // NW

NZFULL = N // CH
NZREM = N - NZFULL * CH

NBUF = 4
LA = 2
NQUAD = (MAXJ + NBUF - 1) // NBUF
GBUF = 6
GLA = 3
NQUADG = (MAXJ + GBUF - 1) // GBUF

CHS = 64
NCHUNKS = E // CHS
MAXJS = (NCHUNKS + NW - 1) // NW
NQUADS = (MAXJS + NBUF - 1) // NBUF
NZFULL_S = N // CHS
NZREM_S = N - NZFULL_S * CHS
NBUFS = 3
NQUADS3 = (MAXJS + NBUFS - 1) // NBUFS


def _ssp(t):
    return jnp.log1p(jnp.exp(-jnp.abs(t))) + jnp.maximum(t, 0.0) - SHIFT


def _lin1_body(x_ref, w_ref, o_ref):
    o_ref[...] = lax.dot_general(
        x_ref[...], w_ref[...], (((1,), (1,)), ((), ())),
        preferred_element_type=jnp.float32)


def _lin1(x, w):
    bn = 1000
    return pl.pallas_call(
        _lin1_body,
        grid=(N // bn,),
        in_specs=[pl.BlockSpec((bn, H), lambda i: (i, 0)),
                  pl.BlockSpec((F, H), lambda i: (0, 0))],
        out_specs=pl.BlockSpec((bn, F), lambda i: (i, 0)),
        out_shape=jax.ShapeDtypeStruct((N, F), jnp.float32),
    )(x, w)


_MESH = plsc.VectorSubcoreMesh(
    core_axis_name="c", subcore_axis_name="s", num_cores=NC, num_subcores=NS)


def _preload_idx(src_hbm, idx_all, semI, wid, maxj=MAXJ, nchunk=NCHUNK):
    @pl.loop(0, maxj)
    def _pi(j):
        c = wid + NW * j

        @pl.when(c < nchunk)
        def _():
            pltpu.async_copy(src_hbm.at[c], idx_all.at[j], semI)

    @pl.loop(0, maxj)
    def _pw(j):
        c = wid + NW * j

        @pl.when(c < nchunk)
        def _():
            pltpu.make_async_copy(src_hbm.at[c], idx_all.at[j], semI).wait()


@functools.partial(
    pl.kernel,
    out_type=jax.ShapeDtypeStruct((E, F), jnp.float32),
    mesh=_MESH,
    scratch_types=[
        pltpu.VMEM((MAXJ, CH), jnp.int32),
        pltpu.VMEM((GBUF, CH, F), jnp.float32),
        pltpu.SemaphoreType.DMA,
        pltpu.SemaphoreType.DMA((GBUF,)),
        pltpu.SemaphoreType.DMA((GBUF,)),
    ],
)
def _gather_k(h_hbm, src_hbm, out_hbm, idx_all, rows_v, semI, semG, semW):
    wid = lax.axis_index("s") * NC + lax.axis_index("c")
    _preload_idx(src_hbm, idx_all, semI, wid)

    for j0 in range(GLA):
        c0 = wid + NW * j0

        @pl.when(c0 < NCHUNK)
        def _(j0=j0):
            pltpu.async_copy(h_hbm.at[idx_all.at[j0]], rows_v.at[j0 % GBUF],
                             semG.at[j0 % GBUF])

    @pl.loop(0, NQUADG)
    def _main(u):
        base = u * GBUF
        for k in range(GBUF):
            j = base + k
            c = wid + NW * j
            jn = j + GLA
            sn = (k + GLA) % GBUF
            cn = wid + NW * jn

            @pl.when(jnp.logical_and(jn < MAXJ, cn < NCHUNK))
            def _(jn=jn, sn=sn):
                @pl.when(jn >= GBUF)
                def _():
                    cw = wid + NW * (jn - GBUF)
                    pltpu.make_async_copy(
                        rows_v.at[sn],
                        out_hbm.at[pl.ds(cw * CH, CH), :],
                        semW.at[sn]).wait()
                pltpu.async_copy(h_hbm.at[idx_all.at[jn]], rows_v.at[sn],
                                 semG.at[sn])

            @pl.when(jnp.logical_and(j < MAXJ, c < NCHUNK))
            def _(j=j, k=k, c=c):
                pltpu.make_async_copy(h_hbm.at[idx_all.at[j]], rows_v.at[k],
                                      semG.at[k]).wait()
                pltpu.async_copy(rows_v.at[k],
                                 out_hbm.at[pl.ds(c * CH, CH), :], semW.at[k])

    for j in range(MAXJ - GBUF - 1, MAXJ):
        c = wid + NW * j
        cq = wid + NW * (j + GBUF)
        und = jnp.logical_or(j + GBUF >= MAXJ, cq >= NCHUNK)

        @pl.when(jnp.logical_and(c < NCHUNK, und))
        def _(j=j, c=c):
            pltpu.make_async_copy(rows_v.at[j % GBUF],
                                  out_hbm.at[pl.ds(c * CH, CH), :],
                                  semW.at[j % GBUF]).wait()


def _cw_body(ew_ref, o_ref):
    o_ref[...] = 0.5 * (jnp.cos(ew_ref[...] * (math.pi / CUTOFF)) + 1.0)


def _cutoff(ew2d):
    return pl.pallas_call(
        _cw_body,
        grid=(1,),
        in_specs=[pl.BlockSpec((NCHUNK, CH), lambda i: (0, 0))],
        out_specs=pl.BlockSpec((NCHUNK, CH), lambda i: (0, 0)),
        out_shape=jax.ShapeDtypeStruct((NCHUNK, CH), jnp.float32),
    )(ew2d)


def _edge_body(ea_ref, ew_ref, h_ref, w1_ref, b1_ref, w2_ref, b2_ref, o_ref):
    a = lax.dot_general(ea_ref[...], w1_ref[...], (((1,), (1,)), ((), ())),
                        preferred_element_type=jnp.float32) + b1_ref[...]
    a = _ssp(a)
    wf = lax.dot_general(a, w2_ref[...], (((1,), (1,)), ((), ())),
                         preferred_element_type=jnp.float32) + b2_ref[...]
    cc = 0.5 * (jnp.cos(ew_ref[...] * (math.pi / CUTOFF)) + 1.0)
    cct = cc.T
    wfh = wf * h_ref[...]
    for t in range(wfh.shape[0] // 128):
        o_ref[pl.ds(t * 128, 128), :] = (
            wfh[t * 128:(t + 1) * 128, :] * cct[:, t:t + 1])


def _edge_mlp(edge_attr, ew2d, hsrc, w1, b1, w2, b2):
    eb = 2048
    return pl.pallas_call(
        _edge_body,
        grid=((E + eb - 1) // eb,),
        in_specs=[pl.BlockSpec((eb, G), lambda i: (i, 0)),
                  pl.BlockSpec((eb // CH, CH), lambda i: (i, 0)),
                  pl.BlockSpec((eb, F), lambda i: (i, 0)),
                  pl.BlockSpec((F, G), lambda i: (0, 0)),
                  pl.BlockSpec((1, F), lambda i: (0, 0)),
                  pl.BlockSpec((F, F), lambda i: (0, 0)),
                  pl.BlockSpec((1, F), lambda i: (0, 0))],
        out_specs=pl.BlockSpec((eb, F), lambda i: (i, 0)),
        out_shape=jax.ShapeDtypeStruct((E, F), jnp.float32),
    )(edge_attr, ew2d, hsrc, w1, b1, w2, b2)


@functools.partial(
    pl.kernel,
    out_type=jax.ShapeDtypeStruct((NC, N, F), jnp.float32),
    mesh=_MESH,
    scratch_types=[
        pltpu.VMEM((MAXJS, CHS), jnp.int32),
        pltpu.VMEM((NBUFS, CHS, F), jnp.float32),
        pltpu.VMEM_SHARED((N, F), jnp.float32),
        pltpu.SemaphoreType.DMA,
        pltpu.SemaphoreType.DMA((NBUFS,)),
        pltpu.SemaphoreType.DMA((NBUFS,)),
    ],
)
def _scatter_k(msg_hbm, dst_hbm, zrow_hbm, ssum_hbm, idx_all, rows_v, acc_s,
               semI, semM, semS):
    cid = lax.axis_index("c")
    sid = lax.axis_index("s")
    wid = sid * NC + cid

    _preload_idx(dst_hbm, idx_all, semI, wid, maxj=MAXJS, nchunk=NCHUNKS)

    pltpu.sync_copy(zrow_hbm, rows_v.at[0])

    @pl.loop(0, NZFULL_S)
    def _z(z):
        @pl.when(lax.rem(z, NS) == sid)
        def _():
            pltpu.sync_copy(rows_v.at[0], acc_s.at[pl.ds(z * CHS, CHS), :])

    @pl.when(sid == NS - 1)
    def _zrem():
        pltpu.sync_copy(rows_v.at[0, pl.ds(0, NZREM_S), :],
                        acc_s.at[pl.ds(NZFULL_S * CHS, NZREM_S), :])

    plsc.subcore_barrier()

    for j0 in range(LA):
        c0 = wid + NW * j0

        @pl.when(c0 < NCHUNKS)
        def _(j0=j0):
            pltpu.async_copy(msg_hbm.at[pl.ds(c0 * CHS, CHS), :],
                             rows_v.at[j0 % NBUFS], semM.at[j0 % NBUFS])

    @pl.loop(0, NQUADS3)
    def _main(u):
        base = u * NBUFS
        for k in range(NBUFS):
            j = base + k
            c = wid + NW * j
            jn = j + LA
            sn = (k + LA) % NBUFS
            cn = wid + NW * jn

            @pl.when(jnp.logical_and(jn < MAXJS, cn < NCHUNKS))
            def _(jn=jn, sn=sn, cn=cn):
                @pl.when(jn >= NBUFS)
                def _():
                    jw = jn - NBUFS
                    pltpu.make_async_copy(rows_v.at[sn],
                                          acc_s.at[idx_all.at[jw]],
                                          semS.at[sn]).wait()
                pltpu.async_copy(msg_hbm.at[pl.ds(cn * CHS, CHS), :],
                                 rows_v.at[sn], semM.at[sn])

            @pl.when(jnp.logical_and(j < MAXJS, c < NCHUNKS))
            def _(j=j, k=k, c=c):
                pltpu.make_async_copy(msg_hbm.at[pl.ds(c * CHS, CHS), :],
                                      rows_v.at[k], semM.at[k]).wait()
                pltpu.async_copy(rows_v.at[k], acc_s.at[idx_all.at[j]],
                                 semS.at[k], add=True)

    for j in range(MAXJS - NBUFS - 1, MAXJS):
        c = wid + NW * j
        cq = wid + NW * (j + NBUFS)
        und = jnp.logical_or(j + NBUFS >= MAXJS, cq >= NCHUNKS)

        @pl.when(jnp.logical_and(c < NCHUNKS, und))
        def _(j=j):
            pltpu.make_async_copy(rows_v.at[j % NBUFS],
                                  acc_s.at[idx_all.at[j]],
                                  semS.at[j % NBUFS]).wait()

    plsc.subcore_barrier()

    @pl.loop(0, NZFULL_S)
    def _o(z):
        @pl.when(lax.rem(z, NS) == sid)
        def _():
            pltpu.sync_copy(acc_s.at[pl.ds(z * CHS, CHS), :], rows_v.at[0])
            pltpu.sync_copy(rows_v.at[0],
                            ssum_hbm.at[cid, pl.ds(z * CHS, CHS), :])

    @pl.when(sid == NS - 1)
    def _orem():
        pltpu.sync_copy(acc_s.at[pl.ds(NZFULL_S * CHS, NZREM_S), :],
                        rows_v.at[0, pl.ds(0, NZREM_S), :])
        pltpu.sync_copy(rows_v.at[0, pl.ds(0, NZREM_S), :],
                        ssum_hbm.at[cid, pl.ds(NZFULL_S * CHS, NZREM_S), :])


@functools.partial(
    pl.kernel,
    out_type=jax.ShapeDtypeStruct((NC, N, F), jnp.float32),
    mesh=_MESH,
    scratch_types=[
        pltpu.VMEM((MAXJ, CH), jnp.int32),
        pltpu.VMEM((CH, F), jnp.float32),
        pltpu.VMEM_SHARED((N, F), jnp.float32),
        pltpu.SemaphoreType.DMA,
        pltpu.SemaphoreType.DMA,
    ],
)
def _count_k(dst_hbm, zrow_hbm, ones_hbm, cnt_hbm, idx_all, rows_v, acc_s,
             semI, semA):
    cid = lax.axis_index("c")
    sid = lax.axis_index("s")
    wid = sid * NC + cid

    _preload_idx(dst_hbm, idx_all, semI, wid)

    pltpu.sync_copy(zrow_hbm, rows_v)

    @pl.loop(0, NZFULL)
    def _z(z):
        @pl.when(lax.rem(z, NS) == sid)
        def _():
            pltpu.sync_copy(rows_v, acc_s.at[pl.ds(z * CH, CH), :])

    @pl.when(sid == NS - 1)
    def _zrem():
        pltpu.sync_copy(rows_v.at[pl.ds(0, NZREM), :],
                        acc_s.at[pl.ds(NZFULL * CH, NZREM), :])

    pltpu.sync_copy(ones_hbm, rows_v)
    plsc.subcore_barrier()

    @pl.loop(0, MAXJ)
    def _chunks(j):
        c = wid + NW * j

        @pl.when(c < NCHUNK)
        def _():
            @pl.when(j >= NBUF)
            def _():
                jw = j - NBUF
                pltpu.make_async_copy(rows_v, acc_s.at[idx_all.at[jw]],
                                      semA).wait()
            pltpu.async_copy(rows_v, acc_s.at[idx_all.at[j]], semA, add=True)

    for j in range(MAXJ - NBUF - 1, MAXJ):
        c = wid + NW * j
        cq = wid + NW * (j + NBUF)
        und = jnp.logical_or(j + NBUF >= MAXJ, cq >= NCHUNK)

        @pl.when(jnp.logical_and(c < NCHUNK, und))
        def _(j=j):
            pltpu.make_async_copy(rows_v, acc_s.at[idx_all.at[j]],
                                  semA).wait()

    plsc.subcore_barrier()

    @pl.loop(0, NZFULL)
    def _o(z):
        @pl.when(lax.rem(z, NS) == sid)
        def _():
            pltpu.sync_copy(acc_s.at[pl.ds(z * CH, CH), :], rows_v)
            pltpu.sync_copy(rows_v, cnt_hbm.at[cid, pl.ds(z * CH, CH), :])

    @pl.when(sid == NS - 1)
    def _orem():
        pltpu.sync_copy(acc_s.at[pl.ds(NZFULL * CH, NZREM), :],
                        rows_v.at[pl.ds(0, NZREM), :])
        pltpu.sync_copy(rows_v.at[pl.ds(0, NZREM), :],
                        cnt_hbm.at[cid, pl.ds(NZFULL * CH, NZREM), :])


def _final_body(s_ref, c_ref, w2_ref, b2_ref, w_ref, b_ref, o_ref):
    s = s_ref[0] + s_ref[1]
    cnt = c_ref[0, :, 0:1] + c_ref[1, :, 0:1]
    mean = s / jnp.maximum(cnt, 1.0)
    t = lax.dot_general(mean, w2_ref[...], (((1,), (1,)), ((), ())),
                        preferred_element_type=jnp.float32) + b2_ref[...]
    t = _ssp(t)
    o_ref[...] = lax.dot_general(t, w_ref[...], (((1,), (1,)), ((), ())),
                                 preferred_element_type=jnp.float32) + b_ref[...]


def _final(ssum, cnt, lin2_w, lin2_b, lin_w, lin_b):
    bn = 1000
    return pl.pallas_call(
        _final_body,
        grid=(N // bn,),
        in_specs=[pl.BlockSpec((NC, bn, F), lambda i: (0, i, 0)),
                  pl.BlockSpec((NC, bn, F), lambda i: (0, i, 0)),
                  pl.BlockSpec((H, F), lambda i: (0, 0)),
                  pl.BlockSpec((1, H), lambda i: (0, 0)),
                  pl.BlockSpec((H, H), lambda i: (0, 0)),
                  pl.BlockSpec((1, H), lambda i: (0, 0))],
        out_specs=pl.BlockSpec((bn, H), lambda i: (i, 0)),
        out_shape=jax.ShapeDtypeStruct((N, H), jnp.float32),
    )(ssum, cnt, lin2_w, lin2_b, lin_w, lin_b)


def kernel(x, edge_index, edge_weight, edge_attr, mlp_w1, mlp_b1, mlp_w2,
           mlp_b2, lin1_w, lin2_w, lin2_b, lin_w, lin_b):
    h = _lin1(x, lin1_w)
    src2 = edge_index[0].reshape(NCHUNK, CH)
    dst2 = edge_index[1].reshape(NCHUNK, CH)
    zrow = jnp.zeros((CH, F), jnp.float32)
    ones = jnp.ones((CH, F), jnp.float32)
    hsrc = _gather_k(h, src2)
    cnt = _count_k(dst2, zrow, ones)
    msg = _edge_mlp(edge_attr, edge_weight.reshape(NCHUNK, CH),
                    hsrc, mlp_w1, mlp_b1.reshape(1, F),
                    mlp_w2, mlp_b2.reshape(1, F))
    ssum = _scatter_k(msg, edge_index[1].reshape(NCHUNKS, CHS),
                      jnp.zeros((CHS, F), jnp.float32))
    return _final(ssum, cnt, lin2_w, lin2_b.reshape(1, H),
                  lin_w, lin_b.reshape(1, H))

# --- scband reference (transcript-rebuilt; emitter-appended) ---
"""Pipeline reference for scband-interaction-block-76544907149345 (READ-ONLY COPY).

The authoritative reference and input builder live on the scoring server;
editing this copy changes nothing except your own understanding.
"""

import jax, jax.numpy as jnp
import numpy as np
import math

N = 10000
E = 320000
H = 128
G = 50
F = 128
CUTOFF = 10.0
SHIFT = math.log(2.0)


def _ssp(t):
    return jax.nn.softplus(t) - SHIFT


def setup_inputs(seed: int = 0) -> dict:
    key = jax.random.key(seed)
    ks = jax.random.split(key, 14)
    x = jax.random.normal(ks[0], (N, H), dtype=jnp.float32)
    edge_index = jax.random.randint(ks[1], (2, E), 0, N, dtype=jnp.int32)
    edge_weight = jax.random.uniform(ks[2], (E,), dtype=jnp.float32)
    edge_attr = jax.random.normal(ks[3], (E, G), dtype=jnp.float32)
    s = 0.1
    mlp_w1 = jax.random.normal(ks[4], (F, G), dtype=jnp.float32) * s
    mlp_b1 = jnp.zeros((F,), dtype=jnp.float32)
    mlp_w2 = jax.random.normal(ks[5], (F, F), dtype=jnp.float32) * s
    mlp_b2 = jnp.zeros((F,), dtype=jnp.float32)
    lin1_w = jax.random.normal(ks[6], (F, H), dtype=jnp.float32) * s
    lin2_w = jax.random.normal(ks[7], (H, F), dtype=jnp.float32) * s
    lin2_b = jnp.zeros((H,), dtype=jnp.float32)
    lin_w = jax.random.normal(ks[8], (H, H), dtype=jnp.float32) * s
    lin_b = jnp.zeros((H,), dtype=jnp.float32)
    return {
        "x": x,
        "edge_index": edge_index,
        "edge_weight": edge_weight,
        "edge_attr": edge_attr,
        "mlp_w1": mlp_w1,
        "mlp_b1": mlp_b1,
        "mlp_w2": mlp_w2,
        "mlp_b2": mlp_b2,
        "lin1_w": lin1_w,
        "lin2_w": lin2_w,
        "lin2_b": lin2_b,
        "lin_w": lin_w,
        "lin_b": lin_b,
    }


def reference(x, edge_index, edge_weight, edge_attr, mlp_w1, mlp_b1, mlp_w2, mlp_b2, lin1_w, lin2_w, lin2_b, lin_w, lin_b):
    # CFConv forward (cutoff_l <= 0, so no long-range branch)
    C = 0.5 * (jnp.cos(edge_weight * math.pi / CUTOFF) + 1.0)
    Wfilt = _ssp(edge_attr @ mlp_w1.T + mlp_b1) @ mlp_w2.T + mlp_b2
    Wfilt = Wfilt * C[:, None]
    h = x @ lin1_w.T  # lin1, no bias
    src = edge_index[0]
    dst = edge_index[1]
    msg = h[src] * Wfilt  # message: x_j * W
    ssum = jax.ops.segment_sum(msg, dst, num_segments=N)
    cnt = jax.ops.segment_sum(jnp.ones((E, 1), dtype=msg.dtype), dst, num_segments=N)
    mean = ssum / jnp.maximum(cnt, 1.0)  # aggr='mean'
    out = mean @ lin2_w.T + lin2_b
    out = _ssp(out)
    out = out @ lin_w.T + lin_b
    return out

if __name__ == "__main__":
    import jax
    _d = setup_inputs()
    print(jax.jit(kernel)(*tuple(_d.values())))

</pallas_src>

<mosaic_0001>
#map = affine_map<(d0, d1) -> (0, 0)>
#map1 = affine_map<(d0, d1) -> (0, 0, 0)>
module attributes {stable_mosaic.version = 14 : i64} {
  func.func @_scatter_k(%arg0: i32, %arg1: i32, %arg2: memref<320000x128xf32, #tpu.memory_space<hbm>>, %arg3: memref<5000x64xi32, #tpu.memory_space<hbm>>, %arg4: memref<64x128xf32, #tpu.memory_space<hbm>>, %arg5: memref<2x10000x128xf32, #tpu.memory_space<hbm>>, %arg6: memref<157x64xi32, #tpu.memory_space<vmem>>, %arg7: memref<3x64x128xf32, #tpu.memory_space<vmem>>, %arg8: memref<10000x128xf32, #tpu.memory_space<vmem_shared>>, %arg9: memref<!tpu.dma_semaphore, #tpu.memory_space<semaphore_mem>>, %arg10: memref<3x!tpu.dma_semaphore, #tpu.memory_space<semaphore_mem>>, %arg11: memref<3x!tpu.dma_semaphore, #tpu.memory_space<semaphore_mem>>) attributes {dimension_semantics = [#tpu.dimension_semantics<core_parallel>, #tpu.dimension_semantics<subcore_parallel>], iteration_bounds = array<i64: 2, 16>, scalar_prefetch = 0 : i64, scratch_operands = 6 : i64, tpu.core_type = #tpu.core_type<sc_vector_subcore>, window_params = [{transform_indices = #map}, {transform_indices = #map}, {transform_indices = #map}, {transform_indices = #map1}]} {
    %mul3A = arith.constant 2 : i32
    %mul3A_0 = arith.muli %arg1, %mul3A : i32
    %add3A = arith.addi %mul3A_0, %arg0 : i32
    %scan3A = arith.constant 0 : i32
    %scan3A_1 = arith.constant 157 : i32
    %scan3A_2 = arith.addi %scan3A, %scan3A_1 : i32
    %scan3A_3 = arith.constant 1 : i32
    scf.for %scan3A_99 = %scan3A to %scan3A_2 step %scan3A_3  : i32 {
      %mul3A_100 = arith.constant 1 : i32
      %mul3A_101 = arith.muli %scan3A_99, %mul3A_100 : i32
      %add3A_102 = arith.constant 0 : i32
      %add3A_103 = arith.addi %add3A_102, %mul3A_101 : i32
      %mul3A_104 = arith.constant 32 : i32
      %mul3A_105 = arith.muli %mul3A_104, %add3A_103 : i32
      %add3A_106 = arith.addi %add3A, %mul3A_105 : i32
      %lt3A_107 = arith.constant 5000 : i32
      %lt3A_108 = arith.cmpi slt, %add3A_106, %lt3A_107 : i32
      %convert_element_type3A_109 = arith.extui %lt3A_108 : i1 to i32
      %cond3A_110 = arith.constant 0 : i32
      %cond3A_111 = arith.cmpi ne, %convert_element_type3A_109, %cond3A_110 : i32
      scf.if %cond3A_111 {
        %dma_start3A = arith.constant 0 : i32
        %dma_start3A_112 = tpu.memref_slice %arg6[%add3A_103, %dma_start3A] : memref<157x64xi32, #tpu.memory_space<vmem>> -> memref<1x64xi32, #tpu.memory_space<vmem>>
        %dma_start3A_113 = tpu.memref_squeeze %dma_start3A_112 : memref<1x64xi32, #tpu.memory_space<vmem>> -> memref<64xi32, #tpu.memory_space<vmem>>
        %dma_start3A_114 = arith.constant 0 : i32
        %dma_start3A_115 = tpu.memref_slice %arg3[%add3A_106, %dma_start3A_114] : memref<5000x64xi32, #tpu.memory_space<hbm>> -> memref<1x64xi32, #tpu.memory_space<hbm>>
        %dma_start3A_116 = tpu.memref_squeeze %dma_start3A_115 : memref<1x64xi32, #tpu.memory_space<hbm>> -> memref<64xi32, #tpu.memory_space<hbm>>
        %dma_start3A_117 = arith.constant 0 : i32
        %dma_start3A_118 = tpu.memref_slice %arg6[%add3A_103, %dma_start3A_117] : memref<157x64xi32, #tpu.memory_space<vmem>> -> memref<1x64xi32, #tpu.memory_space<vmem>>
        %dma_start3A_119 = tpu.memref_squeeze %dma_start3A_118 : memref<1x64xi32, #tpu.memory_space<vmem>> -> memref<64xi32, #tpu.memory_space<vmem>>
        %dma_start3A_120 = arith.constant 0 : i32
        %dma_start3A_121 = tpu.memref_slice %arg3[%add3A_106, %dma_start3A_120] : memref<5000x64xi32, #tpu.memory_space<hbm>> -> memref<1x64xi32, #tpu.memory_space<hbm>>
        %dma_start3A_122 = tpu.memref_squeeze %dma_start3A_121 : memref<1x64xi32, #tpu.memory_space<hbm>> -> memref<64xi32, #tpu.memory_space<hbm>>
        tpu.enqueue_dma source(%dma_start3A_122 : memref<64xi32, #tpu.memory_space<hbm>>) target(%dma_start3A_119 : memref<64xi32, #tpu.memory_space<vmem>>) target_semaphore(%arg9 : memref<!tpu.dma_semaphore, #tpu.memory_space<semaphore_mem>>)
      } else {
      }
    }
    %scan3A_4 = arith.constant 157 : i32
    %scan3A_5 = arith.constant 0 : i32
    %scan3A_6 = arith.constant 157 : i32
    %scan3A_7 = arith.addi %scan3A_5, %scan3A_6 : i32
    %scan3A_8 = arith.constant 1 : i32
    scf.for %scan3A_99 = %scan3A_5 to %scan3A_7 step %scan3A_8  : i32 {
      %mul3A_100 = arith.constant 1 : i32
      %mul3A_101 = arith.muli %scan3A_99, %mul3A_100 : i32
      %add3A_102 = arith.constant 0 : i32
      %add3A_103 = arith.addi %add3A_102, %mul3A_101 : i32
      %mul3A_104 = arith.constant 32 : i32
      %mul3A_105 = arith.muli %mul3A_104, %add3A_103 : i32
      %add3A_106 = arith.addi %add3A, %mul3A_105 : i32
      %lt3A_107 = arith.constant 5000 : i32
      %lt3A_108 = arith.cmpi slt, %add3A_106, %lt3A_107 : i32
      %convert_element_type3A_109 = arith.extui %lt3A_108 : i1 to i32
      %cond3A_110 = arith.constant 0 : i32
      %cond3A_111 = arith.cmpi ne, %convert_element_type3A_109, %cond3A_110 : i32
      scf.if %cond3A_111 {
        %dma_wait3A = arith.constant 0 : i32
        %dma_wait3A_112 = tpu.memref_slice %arg6[%add3A_103, %dma_wait3A] : memref<157x64xi32, #tpu.memory_space<vmem>> -> memref<1x64xi32, #tpu.memory_space<vmem>>
        %dma_wait3A_113 = tpu.memref_squeeze %dma_wait3A_112 : memref<1x64xi32, #tpu.memory_space<vmem>> -> memref<64xi32, #tpu.memory_space<vmem>>
        %dma_wait3A_114 = arith.constant 0 : i32
        %dma_wait3A_115 = tpu.memref_slice %arg3[%add3A_106, %dma_wait3A_114] : memref<5000x64xi32, #tpu.memory_space<hbm>> -> memref<1x64xi32, #tpu.memory_space<hbm>>
        %dma_wait3A_116 = tpu.memref_squeeze %dma_wait3A_115 : memref<1x64xi32, #tpu.memory_space<hbm>> -> memref<64xi32, #tpu.memory_space<hbm>>
        %dma_wait3A_117 = arith.constant 0 : i32
        %dma_wait3A_118 = tpu.memref_slice %arg6[%add3A_103, %dma_wait3A_117] : memref<157x64xi32, #tpu.memory_space<vmem>> -> memref<1x64xi32, #tpu.memory_space<vmem>>
        %dma_wait3A_119 = tpu.memref_squeeze %dma_wait3A_118 : memref<1x64xi32, #tpu.memory_space<vmem>> -> memref<64xi32, #tpu.memory_space<vmem>>
        %dma_wait3A_120 = arith.constant 0 : i32
        %dma_wait3A_121 = tpu.memref_slice %arg3[%add3A_106, %dma_wait3A_120] : memref<5000x64xi32, #tpu.memory_space<hbm>> -> memref<1x64xi32, #tpu.memory_space<hbm>>
        %dma_wait3A_122 = tpu.memref_squeeze %dma_wait3A_121 : memref<1x64xi32, #tpu.memory_space<hbm>> -> memref<64xi32, #tpu.memory_space<hbm>>
        tpu.wait_dma2 semaphore(%arg9 : memref<!tpu.dma_semaphore, #tpu.memory_space<semaphore_mem>>) src(%dma_wait3A_122 : memref<64xi32, #tpu.memory_space<hbm>>) dst(%dma_wait3A_119 : memref<64xi32, #tpu.memory_space<vmem>>)
      } else {
      }
    }
    %scan3A_9 = arith.constant 157 : i32
    %run_scoped3A = arith.constant 0 : i32
    "tpu.region"() ({
      %run_scoped3A_99 = tpu.sem_alloc : memref<!tpu.dma_semaphore, #tpu.memory_space<semaphore_mem>>
      %dma_start3A = arith.constant 0 : i32
      %dma_start3A_100 = arith.constant 0 : i32
      %dma_start3A_101 = tpu.memref_slice %arg7[%run_scoped3A, %dma_start3A, %dma_start3A_100] : memref<3x64x128xf32, #tpu.memory_space<vmem>> -> memref<1x64x128xf32, #tpu.memory_space<vmem>>
      %dma_start3A_102 = tpu.memref_squeeze %dma_start3A_101 : memref<1x64x128xf32, #tpu.memory_space<vmem>> -> memref<64x128xf32, #tpu.memory_space<vmem>>
      %dma_start3A_103 = arith.constant 0 : i32
      %dma_start3A_104 = arith.constant 0 : i32
      %dma_start3A_105 = tpu.memref_slice %arg7[%run_scoped3A, %dma_start3A_103, %dma_start3A_104] : memref<3x64x128xf32, #tpu.memory_space<vmem>> -> memref<1x64x128xf32, #tpu.memory_space<vmem>>
      %dma_start3A_106 = tpu.memref_squeeze %dma_start3A_105 : memref<1x64x128xf32, #tpu.memory_space<vmem>> -> memref<64x128xf32, #tpu.memory_space<vmem>>
      tpu.enqueue_dma source(%arg4 : memref<64x128xf32, #tpu.memory_space<hbm>>) target(%dma_start3A_106 : memref<64x128xf32, #tpu.memory_space<vmem>>) target_semaphore(%run_scoped3A_99 : memref<!tpu.dma_semaphore, #tpu.memory_space<semaphore_mem>>)
      %dma_wait3A = arith.constant 0 : i32
      %dma_wait3A_107 = arith.constant 0 : i32
      %dma_wait3A_108 = tpu.memref_slice %arg7[%run_scoped3A, %dma_wait3A, %dma_wait3A_107] : memref<3x64x128xf32, #tpu.memory_space<vmem>> -> memref<1x64x128xf32, #tpu.memory_space<vmem>>
      %dma_wait3A_109 = tpu.memref_squeeze %dma_wait3A_108 : memref<1x64x128xf32, #tpu.memory_space<vmem>> -> memref<64x128xf32, #tpu.memory_space<vmem>>
      %dma_wait3A_110 = arith.constant 0 : i32
      %dma_wait3A_111 = arith.constant 0 : i32
      %dma_wait3A_112 = tpu.memref_slice %arg7[%run_scoped3A, %dma_wait3A_110, %dma_wait3A_111] : memref<3x64x128xf32, #tpu.memory_space<vmem>> -> memref<1x64x128xf32, #tpu.memory_space<vmem>>
      %dma_wait3A_113 = tpu.memref_squeeze %dma_wait3A_112 : memref<1x64x128xf32, #tpu.memory_space<vmem>> -> memref<64x128xf32, #tpu.memory_space<vmem>>
      tpu.wait_dma2 semaphore(%run_scoped3A_99 : memref<!tpu.dma_semaphore, #tpu.memory_space<semaphore_mem>>) src(%arg4 : memref<64x128xf32, #tpu.memory_space<hbm>>) dst(%dma_wait3A_113 : memref<64x128xf32, #tpu.memory_space<vmem>>)
      tpu.yield
    }) : () -> ()
    %scan3A_10 = arith.constant 0 : i32
    %scan3A_11 = arith.constant 156 : i32
    %scan3A_12 = arith.addi %scan3A_10, %scan3A_11 : i32
    %scan3A_13 = arith.constant 1 : i32
    scf.for %scan3A_99 = %scan3A_10 to %scan3A_12 step %scan3A_13  : i32 {
      %mul3A_100 = arith.constant 1 : i32
      %mul3A_101 = arith.muli %scan3A_99, %mul3A_100 : i32
      %add3A_102 = arith.constant 0 : i32
      %add3A_103 = arith.addi %add3A_102, %mul3A_101 : i32
      %rem3A = arith.constant 16 : i32
      %rem3A_104 = arith.remsi %add3A_103, %rem3A : i32
      %eq3A_105 = arith.cmpi eq, %rem3A_104, %arg1 : i32
      %convert_element_type3A_106 = arith.extui %eq3A_105 : i1 to i32
      %cond3A_107 = arith.constant 0 : i32
      %cond3A_108 = arith.cmpi ne, %convert_element_type3A_106, %cond3A_107 : i32
      scf.if %cond3A_108 {
        %mul3A_109 = arith.constant 64 : i32
        %mul3A_110 = arith.muli %add3A_103, %mul3A_109 : i32
        %run_scoped3A_111 = arith.constant 0 : i32
        "tpu.region"() ({
          %run_scoped3A_112 = tpu.sem_alloc : memref<!tpu.dma_semaphore, #tpu.memory_space<semaphore_mem>>
          %dma_start3A = arith.constant 0 : i32
          %dma_start3A_113 = arith.constant 0 : i32
          %dma_start3A_114 = tpu.memref_slice %arg7[%run_scoped3A_111, %dma_start3A, %dma_start3A_113] : memref<3x64x128xf32, #tpu.memory_space<vmem>> -> memref<1x64x128xf32, #tpu.memory_space<vmem>>
          %dma_start3A_115 = tpu.memref_squeeze %dma_start3A_114 : memref<1x64x128xf32, #tpu.memory_space<vmem>> -> memref<64x128xf32, #tpu.memory_space<vmem>>
          %dma_start3A_116 = arith.constant 0 : i32
          %dma_start3A_117 = tpu.memref_slice %arg8[%mul3A_110, %dma_start3A_116] : memref<10000x128xf32, #tpu.memory_space<vmem_shared>> -> memref<64x128xf32, #tpu.memory_space<vmem_shared>>
          %dma_start3A_118 = arith.constant 0 : i32
          %dma_start3A_119 = tpu.memref_slice %arg8[%mul3A_110, %dma_start3A_118] : memref<10000x128xf32, #tpu.memory_space<vmem_shared>> -> memref<64x128xf32, #tpu.memory_space<vmem_shared>>
          %dma_start3A_120 = arith.constant 0 : i32
          %dma_start3A_121 = arith.constant 0 : i32
          %dma_start3A_122 = tpu.memref_slice %arg7[%run_scoped3A_111, %dma_start3A_120, %dma_start3A_121] : memref<3x64x128xf32, #tpu.memory_space<vmem>> -> memref<1x64x128xf32, #tpu.memory_space<vmem>>
          %dma_start3A_123 = tpu.memref_squeeze %dma_start3A_122 : memref<1x64x128xf32, #tpu.memory_space<vmem>> -> memref<64x128xf32, #tpu.memory_space<vmem>>
          tpu.enqueue_dma source(%dma_start3A_123 : memref<64x128xf32, #tpu.memory_space<vmem>>) target(%dma_start3A_119 : memref<64x128xf32, #tpu.memory_space<vmem_shared>>) target_semaphore(%run_scoped3A_112 : memref<!tpu.dma_semaphore, #tpu.memory_space<semaphore_mem>>)
          %dma_wait3A = arith.constant 0 : i32
          %dma_wait3A_124 = arith.constant 0 : i32
          %dma_wait3A_125 = tpu.memref_slice %arg7[%run_scoped3A_111, %dma_wait3A, %dma_wait3A_124] : memref<3x64x128xf32, #tpu.memory_space<vmem>> -> memref<1x64x128xf32, #tpu.memory_space<vmem>>
          %dma_wait3A_126 = tpu.memref_squeeze %dma_wait3A_125 : memref<1x64x128xf32, #tpu.memory_space<vmem>> -> memref<64x128xf32, #tpu.memory_space<vmem>>
          %dma_wait3A_127 = arith.constant 0 : i32
          %dma_wait3A_128 = tpu.memref_slice %arg8[%mul3A_110, %dma_wait3A_127] : memref<10000x128xf32, #tpu.memory_space<vmem_shared>> -> memref<64x128xf32, #tpu.memory_space<vmem_shared>>
          %dma_wait3A_129 = arith.constant 0 : i32
          %dma_wait3A_130 = tpu.memref_slice %arg8[%mul3A_110, %dma_wait3A_129] : memref<10000x128xf32, #tpu.memory_space<vmem_shared>> -> memref<64x128xf32, #tpu.memory_space<vmem_shared>>
          %dma_wait3A_131 = arith.constant 0 : i32
          %dma_wait3A_132 = arith.constant 0 : i32
          %dma_wait3A_133 = tpu.memref_slice %arg7[%run_scoped3A_111, %dma_wait3A_131, %dma_wait3A_132] : memref<3x64x128xf32, #tpu.memory_space<vmem>> -> memref<1x64x128xf32, #tpu.memory_space<vmem>>
          %dma_wait3A_134 = tpu.memref_squeeze %dma_wait3A_133 : memref<1x64x128xf32, #tpu.memory_space<vmem>> -> memref<64x128xf32, #tpu.memory_space<vmem>>
          tpu.wait_dma2 semaphore(%run_scoped3A_112 : memref<!tpu.dma_semaphore, #tpu.memory_space<semaphore_mem>>) src(%dma_wait3A_134 : memref<64x128xf32, #tpu.memory_space<vmem>>) dst(%dma_wait3A_130 : memref<64x128xf32, #tpu.memory_space<vmem_shared>>)
          tpu.yield
        }) : () -> ()
      } else {
      }
    }
    %scan3A_14 = arith.constant 156 : i32
    %eq3A = arith.constant 15 : i32
    %eq3A_15 = arith.cmpi eq, %arg1, %eq3A : i32
    %convert_element_type3A = arith.extui %eq3A_15 : i1 to i32
    %cond3A = arith.constant 0 : i32
    %cond3A_16 = arith.cmpi ne, %convert_element_type3A, %cond3A : i32
    scf.if %cond3A_16 {
      %run_scoped3A_99 = arith.constant 0 : i32
      "tpu.region"() ({
        %run_scoped3A_100 = tpu.sem_alloc : memref<!tpu.dma_semaphore, #tpu.memory_space<semaphore_mem>>
        %dma_start3A = arith.constant 0 : i32
        %dma_start3A_101 = arith.constant 0 : i32
        %dma_start3A_102 = tpu.memref_slice %arg7[%run_scoped3A_99, %dma_start3A, %dma_start3A_101] : memref<3x64x128xf32, #tpu.memory_space<vmem>> -> memref<1x16x128xf32, #tpu.memory_space<vmem>>
        %dma_start3A_103 = tpu.memref_squeeze %dma_start3A_102 : memref<1x16x128xf32, #tpu.memory_space<vmem>> -> memref<16x128xf32, #tpu.memory_space<vmem>>
        %dma_start3A_104 = arith.constant 9984 : i32
        %dma_start3A_105 = arith.constant 0 : i32
        %dma_start3A_106 = tpu.memref_slice %arg8[%dma_start3A_104, %dma_start3A_105] : memref<10000x128xf32, #tpu.memory_space<vmem_shared>> -> memref<16x128xf32, #tpu.memory_space<vmem_shared>>
        %dma_start3A_107 = arith.constant 9984 : i32
        %dma_start3A_108 = arith.constant 0 : i32
        %dma_start3A_109 = tpu.memref_slice %arg8[%dma_start3A_107, %dma_start3A_108] : memref<10000x128xf32, #tpu.memory_space<vmem_shared>> -> memref<16x128xf32, #tpu.memory_space<vmem_shared>>
        %dma_start3A_110 = arith.constant 0 : i32
        %dma_start3A_111 = arith.constant 0 : i32
        %dma_start3A_112 = tpu.memref_slice %arg7[%run_scoped3A_99, %dma_start3A_110, %dma_start3A_111] : memref<3x64x128xf32, #tpu.memory_space<vmem>> -> memref<1x16x128xf32, #tpu.memory_space<vmem>>
        %dma_start3A_113 = tpu.memref_squeeze %dma_start3A_112 : memref<1x16x128xf32, #tpu.memory_space<vmem>> -> memref<16x128xf32, #tpu.memory_space<vmem>>
        tpu.enqueue_dma source(%dma_start3A_113 : memref<16x128xf32, #tpu.memory_space<vmem>>) target(%dma_start3A_109 : memref<16x128xf32, #tpu.memory_space<vmem_shared>>) target_semaphore(%run_scoped3A_100 : memref<!tpu.dma_semaphore, #tpu.memory_space<semaphore_mem>>)
        %dma_wait3A = arith.constant 0 : i32
        %dma_wait3A_114 = arith.constant 0 : i32
        %dma_wait3A_115 = tpu.memref_slice %arg7[%run_scoped3A_99, %dma_wait3A, %dma_wait3A_114] : memref<3x64x128xf32, #tpu.memory_space<vmem>> -> memref<1x16x128xf32, #tpu.memory_space<vmem>>
        %dma_wait3A_116 = tpu.memref_squeeze %dma_wait3A_115 : memref<1x16x128xf32, #tpu.memory_space<vmem>> -> memref<16x128xf32, #tpu.memory_space<vmem>>
        %dma_wait3A_117 = arith.constant 9984 : i32
        %dma_wait3A_118 = arith.constant 0 : i32
        %dma_wait3A_119 = tpu.memref_slice %arg8[%dma_wait3A_117, %dma_wait3A_118] : memref<10000x128xf32, #tpu.memory_space<vmem_shared>> -> memref<16x128xf32, #tpu.memory_space<vmem_shared>>
        %dma_wait3A_120 = arith.constant 9984 : i32
        %dma_wait3A_121 = arith.constant 0 : i32
        %dma_wait3A_122 = tpu.memref_slice %arg8[%dma_wait3A_120, %dma_wait3A_121] : memref<10000x128xf32, #tpu.memory_space<vmem_shared>> -> memref<16x128xf32, #tpu.memory_space<vmem_shared>>
        %dma_wait3A_123 = arith.constant 0 : i32
        %dma_wait3A_124 = arith.constant 0 : i32
        %dma_wait3A_125 = tpu.memref_slice %arg7[%run_scoped3A_99, %dma_wait3A_123, %dma_wait3A_124] : memref<3x64x128xf32, #tpu.memory_space<vmem>> -> memref<1x16x128xf32, #tpu.memory_space<vmem>>
        %dma_wait3A_126 = tpu.memref_squeeze %dma_wait3A_125 : memref<1x16x128xf32, #tpu.memory_space<vmem>> -> memref<16x128xf32, #tpu.memory_space<vmem>>
        tpu.wait_dma2 semaphore(%run_scoped3A_100 : memref<!tpu.dma_semaphore, #tpu.memory_space<semaphore_mem>>) src(%dma_wait3A_126 : memref<16x128xf32, #tpu.memory_space<vmem>>) dst(%dma_wait3A_122 : memref<16x128xf32, #tpu.memory_space<vmem_shared>>)
        tpu.yield
      }) : () -> ()
    } else {
    }
    %barrier3A = arith.constant 0 : index
    tpu.barrier barrier_id(%barrier3A)
    %add3A_17 = arith.constant 0 : i32
    %add3A_18 = arith.addi %add3A, %add3A_17 : i32
    %lt3A = arith.constant 5000 : i32
    %lt3A_19 = arith.cmpi slt, %add3A_18, %lt3A : i32
    %convert_element_type3A_20 = arith.extui %lt3A_19 : i1 to i32
    %cond3A_21 = arith.constant 0 : i32
    %cond3A_22 = arith.cmpi ne, %convert_element_type3A_20, %cond3A_21 : i32
    scf.if %cond3A_22 {
      %mul3A_99 = arith.constant 64 : i32
      %mul3A_100 = arith.muli %add3A_18, %mul3A_99 : i32
      %dma_start3A = arith.constant 0 : i32
      %dma_start3A_101 = arith.constant 0 : i32
      %dma_start3A_102 = arith.constant 0 : i32
      %dma_start3A_103 = arith.constant 0 : i32
      %dma_start3A_104 = tpu.memref_slice %arg7[%dma_start3A, %dma_start3A_102, %dma_start3A_103] : memref<3x64x128xf32, #tpu.memory_space<vmem>> -> memref<1x64x128xf32, #tpu.memory_space<vmem>>
      %dma_start3A_105 = tpu.memref_squeeze %dma_start3A_104 : memref<1x64x128xf32, #tpu.memory_space<vmem>> -> memref<64x128xf32, #tpu.memory_space<vmem>>
      %dma_start3A_106 = arith.constant 0 : i32
      %dma_start3A_107 = tpu.memref_slice %arg2[%mul3A_100, %dma_start3A_106] : memref<320000x128xf32, #tpu.memory_space<hbm>> -> memref<64x128xf32, #tpu.memory_space<hbm>>
      %dma_start3A_108 = tpu.memref_slice %arg10[%dma_start3A_101] : memref<3x!tpu.dma_semaphore, #tpu.memory_space<semaphore_mem>> -> memref<1x!tpu.dma_semaphore, #tpu.memory_space<semaphore_mem>>
      %dma_start3A_109 = tpu.memref_squeeze %dma_start3A_108 : memref<1x!tpu.dma_semaphore, #tpu.memory_space<semaphore_mem>> -> memref<!tpu.dma_semaphore, #tpu.memory_space<semaphore_mem>>
      %dma_start3A_110 = arith.constant 0 : i32
      %dma_start3A_111 = arith.constant 0 : i32
      %dma_start3A_112 = tpu.memref_slice %arg7[%dma_start3A, %dma_start3A_110, %dma_start3A_111] : memref<3x64x128xf32, #tpu.memory_space<vmem>> -> memref<1x64x128xf32, #tpu.memory_space<vmem>>
      %dma_start3A_113 = tpu.memref_squeeze %dma_start3A_112 : memref<1x64x128xf32, #tpu.memory_space<vmem>> -> memref<64x128xf32, #tpu.memory_space<vmem>>
      %dma_start3A_114 = arith.constant 0 : i32
      %dma_start3A_115 = tpu.memref_slice %arg2[%mul3A_100, %dma_start3A_114] : memref<320000x128xf32, #tpu.memory_space<hbm>> -> memref<64x128xf32, #tpu.memory_space<hbm>>
      tpu.enqueue_dma source(%dma_start3A_115 : memref<64x128xf32, #tpu.memory_space<hbm>>) target(%dma_start3A_113 : memref<64x128xf32, #tpu.memory_space<vmem>>) target_semaphore(%dma_start3A_109 : memref<!tpu.dma_semaphore, #tpu.memory_space<semaphore_mem>>)
    } else {
    }
    %add3A_23 = arith.constant 32 : i32
    %add3A_24 = arith.addi %add3A, %add3A_23 : i32
    %lt3A_25 = arith.constant 5000 : i32
    %lt3A_26 = arith.cmpi slt, %add3A_24, %lt3A_25 : i32
    %convert_element_type3A_27 = arith.extui %lt3A_26 : i1 to i32
    %cond3A_28 = arith.constant 0 : i32
    %cond3A_29 = arith.cmpi ne, %convert_element_type3A_27, %cond3A_28 : i32
    scf.if %cond3A_29 {
      %mul3A_99 = arith.constant 64 : i32
      %mul3A_100 = arith.muli %add3A_24, %mul3A_99 : i32
      %dma_start3A = arith.constant 1 : i32
      %dma_start3A_101 = arith.constant 1 : i32
      %dma_start3A_102 = arith.constant 0 : i32
      %dma_start3A_103 = arith.constant 0 : i32
      %dma_start3A_104 = tpu.memref_slice %arg7[%dma_start3A, %dma_start3A_102, %dma_start3A_103] : memref<3x64x128xf32, #tpu.memory_space<vmem>> -> memref<1x64x128xf32, #tpu.memory_space<vmem>>
      %dma_start3A_105 = tpu.memref_squeeze %dma_start3A_104 : memref<1x64x128xf32, #tpu.memory_space<vmem>> -> memref<64x128xf32, #tpu.memory_space<vmem>>
      %dma_start3A_106 = arith.constant 0 : i32
      %dma_start3A_107 = tpu.memref_slice %arg2[%mul3A_100, %dma_start3A_106] : memref<320000x128xf32, #tpu.memory_space<hbm>> -> memref<64x128xf32, #tpu.memory_space<hbm>>
      %dma_start3A_108 = tpu.memref_slice %arg10[%dma_start3A_101] : memref<3x!tpu.dma_semaphore, #tpu.memory_space<semaphore_mem>> -> memref<1x!tpu.dma_semaphore, #tpu.memory_space<semaphore_mem>>
      %dma_start3A_109 = tpu.memref_squeeze %dma_start3A_108 : memref<1x!tpu.dma_semaphore, #tpu.memory_space<semaphore_mem>> -> memref<!tpu.dma_semaphore, #tpu.memory_space<semaphore_mem>>
      %dma_start3A_110 = arith.constant 0 : i32
      %dma_start3A_111 = arith.constant 0 : i32
      %dma_start3A_112 = tpu.memref_slice %arg7[%dma_start3A, %dma_start3A_110, %dma_start3A_111] : memref<3x64x128xf32, #tpu.memory_space<vmem>> -> memref<1x64x128xf32, #tpu.memory_space<vmem>>
      %dma_start3A_113 = tpu.memref_squeeze %dma_start3A_112 : memref<1x64x128xf32, #tpu.memory_space<vmem>> -> memref<64x128xf32, #tpu.memory_space<vmem>>
      %dma_start3A_114 = arith.constant 0 : i32
      %dma_start3A_115 = tpu.memref_slice %arg2[%mul3A_100, %dma_start3A_114] : memref<320000x128xf32, #tpu.memory_space<hbm>> -> memref<64x128xf32, #tpu.memory_space<hbm>>
      tpu.enqueue_dma source(%dma_start3A_115 : memref<64x128xf32, #tpu.memory_space<hbm>>) target(%dma_start3A_113 : memref<64x128xf32, #tpu.memory_space<vmem>>) target_semaphore(%dma_start3A_109 : memref<!tpu.dma_semaphore, #tpu.memory_space<semaphore_mem>>)
    } else {
    }
    %scan3A_30 = arith.constant 0 : i32
    %scan3A_31 = arith.constant 53 : i32
    %scan3A_32 = arith.addi %scan3A_30, %scan3A_31 : i32
    %scan3A_33 = arith.constant 1 : i32
    scf.for %scan3A_99 = %scan3A_30 to %scan3A_32 step %scan3A_33  : i32 {
      %mul3A_100 = arith.constant 1 : i32
      %mul3A_101 = arith.muli %scan3A_99, %mul3A_100 : i32
      %add3A_102 = arith.constant 0 : i32
      %add3A_103 = arith.addi %add3A_102, %mul3A_101 : i32
      %mul3A_104 = arith.constant 3 : i32
      %mul3A_105 = arith.muli %add3A_103, %mul3A_104 : i32
      %add3A_106 = arith.constant 0 : i32
      %add3A_107 = arith.addi %mul3A_105, %add3A_106 : i32
      %mul3A_108 = arith.constant 32 : i32
      %mul3A_109 = arith.muli %mul3A_108, %add3A_107 : i32
      %add3A_110 = arith.addi %add3A, %mul3A_109 : i32
      %add3A_111 = arith.constant 2 : i32
      %add3A_112 = arith.addi %add3A_107, %add3A_111 : i32
      %mul3A_113 = arith.constant 32 : i32
      %mul3A_114 = arith.muli %mul3A_113, %add3A_112 : i32
      %add3A_115 = arith.addi %add3A, %mul3A_114 : i32
      %lt3A_116 = arith.constant 157 : i32
      %lt3A_117 = arith.cmpi slt, %add3A_112, %lt3A_116 : i32
      %lt3A_118 = arith.constant 5000 : i32
      %lt3A_119 = arith.cmpi slt, %add3A_115, %lt3A_118 : i32
      %and3A_120 = arith.andi %lt3A_117, %lt3A_119 : i1
      %convert_element_type3A_121 = arith.extui %and3A_120 : i1 to i32
      %cond3A_122 = arith.constant 0 : i32
      %cond3A_123 = arith.cmpi ne, %convert_element_type3A_121, %cond3A_122 : i32
      scf.if %cond3A_123 {
        %ge3A_184 = arith.constant 3 : i32
        %ge3A_185 = arith.cmpi sge, %add3A_112, %ge3A_184 : i32
        %convert_element_type3A_186 = arith.extui %ge3A_185 : i1 to i32
        %cond3A_187 = arith.constant 0 : i32
        %cond3A_188 = arith.cmpi ne, %convert_element_type3A_186, %cond3A_187 : i32
        scf.if %cond3A_188 {
          %sub3A = arith.constant 3 : i32
          %sub3A_206 = arith.subi %add3A_112, %sub3A : i32
          %dma_wait3A = arith.constant 2 : i32
          %dma_wait3A_207 = arith.constant 2 : i32
          %dma_wait3A_208 = arith.constant 0 : i32
          %dma_wait3A_209 = arith.constant 0 : i32
          %dma_wait3A_210 = tpu.memref_slice %arg7[%dma_wait3A, %dma_wait3A_208, %dma_wait3A_209] : memref<3x64x128xf32, #tpu.memory_space<vmem>> -> memref<1x64x128xf32, #tpu.memory_space<vmem>>
          %dma_wait3A_211 = tpu.memref_squeeze %dma_wait3A_210 : memref<1x64x128xf32, #tpu.memory_space<vmem>> -> memref<64x128xf32, #tpu.memory_space<vmem>>
          %dma_wait3A_212 = arith.constant 0 : i32
          %dma_wait3A_213 = tpu.memref_slice %arg6[%sub3A_206, %dma_wait3A_212] : memref<157x64xi32, #tpu.memory_space<vmem>> -> memref<1x64xi32, #tpu.memory_space<vmem>>
          %dma_wait3A_214 = tpu.memref_squeeze %dma_wait3A_213 : memref<1x64xi32, #tpu.memory_space<vmem>> -> memref<64xi32, #tpu.memory_space<vmem>>
          %dma_wait3A_215 = arith.constant 0 : i32
          %dma_wait3A_216 = arith.constant 0 : i32
          %dma_wait3A_217 = tpu.memref_slice %arg8[%dma_wait3A_215, %dma_wait3A_216] : memref<10000x128xf32, #tpu.memory_space<vmem_shared>> -> memref<10000x128xf32, #tpu.memory_space<vmem_shared>>
          %dma_wait3A_218 = tpu.memref_slice %arg11[%dma_wait3A_207] : memref<3x!tpu.dma_semaphore, #tpu.memory_space<semaphore_mem>> -> memref<1x!tpu.dma_semaphore, #tpu.memory_space<semaphore_mem>>
          %dma_wait3A_219 = tpu.memref_squeeze %dma_wait3A_218 : memref<1x!tpu.dma_semaphore, #tpu.memory_space<semaphore_mem>> -> memref<!tpu.dma_semaphore, #tpu.memory_space<semaphore_mem>>
          tpu.wait_indirect_dma semaphore(%dma_wait3A_219 : memref<!tpu.dma_semaphore, #tpu.memory_space<semaphore_mem>>) src(%dma_wait3A_211 : memref<64x128xf32, #tpu.memory_space<vmem>>) dst(%dma_wait3A_217 : memref<10000x128xf32, #tpu.memory_space<vmem_shared>>)
        } else {
        }
        %mul3A_189 = arith.constant 64 : i32
        %mul3A_190 = arith.muli %add3A_115, %mul3A_189 : i32
        %dma_start3A = arith.constant 2 : i32
        %dma_start3A_191 = arith.constant 2 : i32
        %dma_start3A_192 = arith.constant 0 : i32
        %dma_start3A_193 = arith.constant 0 : i32
        %dma_start3A_194 = tpu.memref_slice %arg7[%dma_start3A, %dma_start3A_192, %dma_start3A_193] : memref<3x64x128xf32, #tpu.memory_space<vmem>> -> memref<1x64x128xf32, #tpu.memory_space<vmem>>
        %dma_start3A_195 = tpu.memref_squeeze %dma_start3A_194 : memref<1x64x128xf32, #tpu.memory_space<vmem>> -> memref<64x128xf32, #tpu.memory_space<vmem>>
        %dma_start3A_196 = arith.constant 0 : i32
        %dma_start3A_197 = tpu.memref_slice %arg2[%mul3A_190, %dma_start3A_196] : memref<320000x128xf32, #tpu.memory_space<hbm>> -> memref<64x128xf32, #tpu.memory_space<hbm>>
        %dma_start3A_198 = tpu.memref_slice %arg10[%dma_start3A_191] : memref<3x!tpu.dma_semaphore, #tpu.memory_space<semaphore_mem>> -> memref<1x!tpu.dma_semaphore, #tpu.memory_space<semaphore_mem>>
        %dma_start3A_199 = tpu.memref_squeeze %dma_start3A_198 : memref<1x!tpu.dma_semaphore, #tpu.memory_space<semaphore_mem>> -> memref<!tpu.dma_semaphore, #tpu.memory_space<semaphore_mem>>
        %dma_start3A_200 = arith.constant 0 : i32
        %dma_start3A_201 = arith.constant 0 : i32
        %dma_start3A_202 = tpu.memref_slice %arg7[%dma_start3A, %dma_start3A_200, %dma_start3A_201] : memref<3x64x128xf32, #tpu.memory_space<vmem>> -> memref<1x64x128xf32, #tpu.memory_space<vmem>>
        %dma_start3A_203 = tpu.memref_squeeze %dma_start3A_202 : memref<1x64x128xf32, #tpu.memory_space<vmem>> -> memref<64x128xf32, #tpu.memory_space<vmem>>
        %dma_start3A_204 = arith.constant 0 : i32
        %dma_start3A_205 = tpu.memref_slice %arg2[%mul3A_190, %dma_start3A_204] : memref<320000x128xf32, #tpu.memory_space<hbm>> -> memref<64x128xf32, #tpu.memory_space<hbm>>
        tpu.enqueue_dma source(%dma_start3A_205 : memref<64x128xf32, #tpu.memory_space<hbm>>) target(%dma_start3A_203 : memref<64x128xf32, #tpu.memory_space<vmem>>) target_semaphore(%dma_start3A_199 : memref<!tpu.dma_semaphore, #tpu.memory_space<semaphore_mem>>)
      } else {
      }
      %lt3A_124 = arith.constant 157 : i32
      %lt3A_125 = arith.cmpi slt, %add3A_107, %lt3A_124 : i32
      %lt3A_126 = arith.constant 5000 : i32
      %lt3A_127 = arith.cmpi slt, %add3A_110, %lt3A_126 : i32
      %and3A_128 = arith.andi %lt3A_125, %lt3A_127 : i1
      %convert_element_type3A_129 = arith.extui %and3A_128 : i1 to i32
      %cond3A_130 = arith.constant 0 : i32
      %cond3A_131 = arith.cmpi ne, %convert_element_type3A_129, %cond3A_130 : i32
      scf.if %cond3A_131 {
        %mul3A_184 = arith.constant 64 : i32
        %mul3A_185 = arith.muli %add3A_110, %mul3A_184 : i32
        %dma_wait3A = arith.constant 0 : i32
        %dma_wait3A_186 = arith.constant 0 : i32
        %dma_wait3A_187 = arith.constant 0 : i32
        %dma_wait3A_188 = arith.constant 0 : i32
        %dma_wait3A_189 = tpu.memref_slice %arg7[%dma_wait3A, %dma_wait3A_187, %dma_wait3A_188] : memref<3x64x128xf32, #tpu.memory_space<vmem>> -> memref<1x64x128xf32, #tpu.memory_space<vmem>>
        %dma_wait3A_190 = tpu.memref_squeeze %dma_wait3A_189 : memref<1x64x128xf32, #tpu.memory_space<vmem>> -> memref<64x128xf32, #tpu.memory_space<vmem>>
        %dma_wait3A_191 = arith.constant 0 : i32
        %dma_wait3A_192 = tpu.memref_slice %arg2[%mul3A_185, %dma_wait3A_191] : memref<320000x128xf32, #tpu.memory_space<hbm>> -> memref<64x128xf32, #tpu.memory_space<hbm>>
        %dma_wait3A_193 = tpu.memref_slice %arg10[%dma_wait3A_186] : memref<3x!tpu.dma_semaphore, #tpu.memory_space<semaphore_mem>> -> memref<1x!tpu.dma_semaphore, #tpu.memory_space<semaphore_mem>>
        %dma_wait3A_194 = tpu.memref_squeeze %dma_wait3A_193 : memref<1x!tpu.dma_semaphore, #tpu.memory_space<semaphore_mem>> -> memref<!tpu.dma_semaphore, #tpu.memory_space<semaphore_mem>>
        %dma_wait3A_195 = arith.constant 0 : i32
        %dma_wait3A_196 = arith.constant 0 : i32
        %dma_wait3A_197 = tpu.memref_slice %arg7[%dma_wait3A, %dma_wait3A_195, %dma_wait3A_196] : memref<3x64x128xf32, #tpu.memory_space<vmem>> -> memref<1x64x128xf32, #tpu.memory_space<vmem>>
        %dma_wait3A_198 = tpu.memref_squeeze %dma_wait3A_197 : memref<1x64x128xf32, #tpu.memory_space<vmem>> -> memref<64x128xf32, #tpu.memory_space<vmem>>
        %dma_wait3A_199 = arith.constant 0 : i32
        %dma_wait3A_200 = tpu.memref_slice %arg2[%mul3A_185, %dma_wait3A_199] : memref<320000x128xf32, #tpu.memory_space<hbm>> -> memref<64x128xf32, #tpu.memory_space<hbm>>
        tpu.wait_dma2 semaphore(%dma_wait3A_194 : memref<!tpu.dma_semaphore, #tpu.memory_space<semaphore_mem>>) src(%dma_wait3A_200 : memref<64x128xf32, #tpu.memory_space<hbm>>) dst(%dma_wait3A_198 : memref<64x128xf32, #tpu.memory_space<vmem>>)
        %dma_start3A = arith.constant 0 : i32
        %dma_start3A_201 = arith.constant 0 : i32
        %dma_start3A_202 = arith.constant 0 : i32
        %dma_start3A_203 = arith.constant 0 : i32
        %dma_start3A_204 = tpu.memref_slice %arg7[%dma_start3A, %dma_start3A_202, %dma_start3A_203] : memref<3x64x128xf32, #tpu.memory_space<vmem>> -> memref<1x64x128xf32, #tpu.memory_space<vmem>>
        %dma_start3A_205 = tpu.memref_squeeze %dma_start3A_204 : memref<1x64x128xf32, #tpu.memory_space<vmem>> -> memref<64x128xf32, #tpu.memory_space<vmem>>
        %dma_start3A_206 = arith.constant 0 : i32
        %dma_start3A_207 = tpu.memref_slice %arg6[%add3A_107, %dma_start3A_206] : memref<157x64xi32, #tpu.memory_space<vmem>> -> memref<1x64xi32, #tpu.memory_space<vmem>>
        %dma_start3A_208 = tpu.memref_squeeze %dma_start3A_207 : memref<1x64xi32, #tpu.memory_space<vmem>> -> memref<64xi32, #tpu.memory_space<vmem>>
        %dma_start3A_209 = arith.constant 0 : i32
        %dma_start3A_210 = arith.constant 0 : i32
        %dma_start3A_211 = tpu.memref_slice %arg8[%dma_start3A_209, %dma_start3A_210] : memref<10000x128xf32, #tpu.memory_space<vmem_shared>> -> memref<10000x128xf32, #tpu.memory_space<vmem_shared>>
        %dma_start3A_212 = tpu.memref_slice %arg11[%dma_start3A_201] : memref<3x!tpu.dma_semaphore, #tpu.memory_space<semaphore_mem>> -> memref<1x!tpu.dma_semaphore, #tpu.memory_space<semaphore_mem>>
        %dma_start3A_213 = tpu.memref_squeeze %dma_start3A_212 : memref<1x!tpu.dma_semaphore, #tpu.memory_space<semaphore_mem>> -> memref<!tpu.dma_semaphore, #tpu.memory_space<semaphore_mem>>
        tpu.enqueue_indirect_dma source(%dma_start3A_205 : memref<64x128xf32, #tpu.memory_space<vmem>>) target(%dma_start3A_211 : memref<10000x128xf32, #tpu.memory_space<vmem_shared>>) offsets(%dma_start3A_208 : memref<64xi32, #tpu.memory_space<vmem>>) semaphore(%dma_start3A_213 : memref<!tpu.dma_semaphore, #tpu.memory_space<semaphore_mem>>) {add = true}
      } else {
      }
      %add3A_132 = arith.constant 1 : i32
      %add3A_133 = arith.addi %mul3A_105, %add3A_132 : i32
      %mul3A_134 = arith.constant 32 : i32
      %mul3A_135 = arith.muli %mul3A_134, %add3A_133 : i32
      %add3A_136 = arith.addi %add3A, %mul3A_135 : i32
      %add3A_137 = arith.constant 2 : i32
      %add3A_138 = arith.addi %add3A_133, %add3A_137 : i32
      %mul3A_139 = arith.constant 32 : i32
      %mul3A_140 = arith.muli %mul3A_139, %add3A_138 : i32
      %add3A_141 = arith.addi %add3A, %mul3A_140 : i32
      %lt3A_142 = arith.constant 157 : i32
      %lt3A_143 = arith.cmpi slt, %add3A_138, %lt3A_142 : i32
      %lt3A_144 = arith.constant 5000 : i32
      %lt3A_145 = arith.cmpi slt, %add3A_141, %lt3A_144 : i32
      %and3A_146 = arith.andi %lt3A_143, %lt3A_145 : i1
      %convert_element_type3A_147 = arith.extui %and3A_146 : i1 to i32
      %cond3A_148 = arith.constant 0 : i32
      %cond3A_149 = arith.cmpi ne, %convert_element_type3A_147, %cond3A_148 : i32
      scf.if %cond3A_149 {
        %ge3A_184 = arith.constant 3 : i32
        %ge3A_185 = arith.cmpi sge, %add3A_138, %ge3A_184 : i32
        %convert_element_type3A_186 = arith.extui %ge3A_185 : i1 to i32
        %cond3A_187 = arith.constant 0 : i32
        %cond3A_188 = arith.cmpi ne, %convert_element_type3A_186, %cond3A_187 : i32
        scf.if %cond3A_188 {
          %sub3A = arith.constant 3 : i32
          %sub3A_206 = arith.subi %add3A_138, %sub3A : i32
          %dma_wait3A = arith.constant 0 : i32
          %dma_wait3A_207 = arith.constant 0 : i32
          %dma_wait3A_208 = arith.constant 0 : i32
          %dma_wait3A_209 = arith.constant 0 : i32
          %dma_wait3A_210 = tpu.memref_slice %arg7[%dma_wait3A, %dma_wait3A_208, %dma_wait3A_209] : memref<3x64x128xf32, #tpu.memory_space<vmem>> -> memref<1x64x128xf32, #tpu.memory_space<vmem>>
          %dma_wait3A_211 = tpu.memref_squeeze %dma_wait3A_210 : memref<1x64x128xf32, #tpu.memory_space<vmem>> -> memref<64x128xf32, #tpu.memory_space<vmem>>
          %dma_wait3A_212 = arith.constant 0 : i32
          %dma_wait3A_213 = tpu.memref_slice %arg6[%sub3A_206, %dma_wait3A_212] : memref<157x64xi32, #tpu.memory_space<vmem>> -> memref<1x64xi32, #tpu.memory_space<vmem>>
          %dma_wait3A_214 = tpu.memref_squeeze %dma_wait3A_213 : memref<1x64xi32, #tpu.memory_space<vmem>> -> memref<64xi32, #tpu.memory_space<vmem>>
          %dma_wait3A_215 = arith.constant 0 : i32
          %dma_wait3A_216 = arith.constant 0 : i32
          %dma_wait3A_217 = tpu.memref_slice %arg8[%dma_wait3A_215, %dma_wait3A_216] : memref<10000x128xf32, #tpu.memory_space<vmem_shared>> -> memref<10000x128xf32, #tpu.memory_space<vmem_shared>>
          %dma_wait3A_218 = tpu.memref_slice %arg11[%dma_wait3A_207] : memref<3x!tpu.dma_semaphore, #tpu.memory_space<semaphore_mem>> -> memref<1x!tpu.dma_semaphore, #tpu.memory_space<semaphore_mem>>
          %dma_wait3A_219 = tpu.memref_squeeze %dma_wait3A_218 : memref<1x!tpu.dma_semaphore, #tpu.memory_space<semaphore_mem>> -> memref<!tpu.dma_semaphore, #tpu.memory_space<semaphore_mem>>
          tpu.wait_indirect_dma semaphore(%dma_wait3A_219 : memref<!tpu.dma_semaphore, #tpu.memory_space<semaphore_mem>>) src(%dma_wait3A_211 : memref<64x128xf32, #tpu.memory_space<vmem>>) dst(%dma_wait3A_217 : memref<10000x128xf32, #tpu.memory_space<vmem_shared>>)
        } else {
        }
        %mul3A_189 = arith.constant 64 : i32
        %mul3A_190 = arith.muli %add3A_141, %mul3A_189 : i32
        %dma_start3A = arith.constant 0 : i32
        %dma_start3A_191 = arith.constant 0 : i32
        %dma_start3A_192 = arith.constant 0 : i32
        %dma_start3A_193 = arith.constant 0 : i32
        %dma_start3A_194 = tpu.memref_slice %arg7[%dma_start3A, %dma_start3A_192, %dma_start3A_193] : memref<3x64x128xf32, #tpu.memory_space<vmem>> -> memref<1x64x128xf32, #tpu.memory_space<vmem>>
        %dma_start3A_195 = tpu.memref_squeeze %dma_start3A_194 : memref<1x64x128xf32, #tpu.memory_space<vmem>> -> memref<64x128xf32, #tpu.memory_space<vmem>>
        %dma_start3A_196 = arith.constant 0 : i32
        %dma_start3A_197 = tpu.memref_slice %arg2[%mul3A_190, %dma_start3A_196] : memref<320000x128xf32, #tpu.memory_space<hbm>> -> memref<64x128xf32, #tpu.memory_space<hbm>>
        %dma_start3A_198 = tpu.memref_slice %arg10[%dma_start3A_191] : memref<3x!tpu.dma_semaphore, #tpu.memory_space<semaphore_mem>> -> memref<1x!tpu.dma_semaphore, #tpu.memory_space<semaphore_mem>>
        %dma_start3A_199 = tpu.memref_squeeze %dma_start3A_198 : memref<1x!tpu.dma_semaphore, #tpu.memory_space<semaphore_mem>> -> memref<!tpu.dma_semaphore, #tpu.memory_space<semaphore_mem>>
        %dma_start3A_200 = arith.constant 0 : i32
        %dma_start3A_201 = arith.constant 0 : i32
        %dma_start3A_202 = tpu.memref_slice %arg7[%dma_start3A, %dma_start3A_200, %dma_start3A_201] : memref<3x64x128xf32, #tpu.memory_space<vmem>> -> memref<1x64x128xf32, #tpu.memory_space<vmem>>
        %dma_start3A_203 = tpu.memref_squeeze %dma_start3A_202 : memref<1x64x128xf32, #tpu.memory_space<vmem>> -> memref<64x128xf32, #tpu.memory_space<vmem>>
        %dma_start3A_204 = arith.constant 0 : i32
        %dma_start3A_205 = tpu.memref_slice %arg2[%mul3A_190, %dma_start3A_204] : memref<320000x128xf32, #tpu.memory_space<hbm>> -> memref<64x128xf32, #tpu.memory_space<hbm>>
        tpu.enqueue_dma source(%dma_start3A_205 : memref<64x128xf32, #tpu.memory_space<hbm>>) target(%dma_start3A_203 : memref<64x128xf32, #tpu.memory_space<vmem>>) target_semaphore(%dma_start3A_199 : memref<!tpu.dma_semaphore, #tpu.memory_space<semaphore_mem>>)
      } else {
      }
      %lt3A_150 = arith.constant 157 : i32
      %lt3A_151 = arith.cmpi slt, %add3A_133, %lt3A_150 : i32
      %lt3A_152 = arith.constant 5000 : i32
      %lt3A_153 = arith.cmpi slt, %add3A_136, %lt3A_152 : i32
      %and3A_154 = arith.andi %lt3A_151, %lt3A_153 : i1
      %convert_element_type3A_155 = arith.extui %and3A_154 : i1 to i32
      %cond3A_156 = arith.constant 0 : i32
      %cond3A_157 = arith.cmpi ne, %convert_element_type3A_155, %cond3A_156 : i32
      scf.if %cond3A_157 {
        %mul3A_184 = arith.constant 64 : i32
        %mul3A_185 = arith.muli %add3A_136, %mul3A_184 : i32
        %dma_wait3A = arith.constant 1 : i32
        %dma_wait3A_186 = arith.constant 1 : i32
        %dma_wait3A_187 = arith.constant 0 : i32
        %dma_wait3A_188 = arith.constant 0 : i32
        %dma_wait3A_189 = tpu.memref_slice %arg7[%dma_wait3A, %dma_wait3A_187, %dma_wait3A_188] : memref<3x64x128xf32, #tpu.memory_space<vmem>> -> memref<1x64x128xf32, #tpu.memory_space<vmem>>
        %dma_wait3A_190 = tpu.memref_squeeze %dma_wait3A_189 : memref<1x64x128xf32, #tpu.memory_space<vmem>> -> memref<64x128xf32, #tpu.memory_space<vmem>>
        %dma_wait3A_191 = arith.constant 0 : i32
        %dma_wait3A_192 = tpu.memref_slice %arg2[%mul3A_185, %dma_wait3A_191] : memref<320000x128xf32, #tpu.memory_space<hbm>> -> memref<64x128xf32, #tpu.memory_space<hbm>>
        %dma_wait3A_193 = tpu.memref_slice %arg10[%dma_wait3A_186] : memref<3x!tpu.dma_semaphore, #tpu.memory_space<semaphore_mem>> -> memref<1x!tpu.dma_semaphore, #tpu.memory_space<semaphore_mem>>
        %dma_wait3A_194 = tpu.memref_squeeze %dma_wait3A_193 : memref<1x!tpu.dma_semaphore, #tpu.memory_space<semaphore_mem>> -> memref<!tpu.dma_semaphore, #tpu.memory_space<semaphore_mem>>
        %dma_wait3A_195 = arith.constant 0 : i32
        %dma_wait3A_196 = arith.constant 0 : i32
        %dma_wait3A_197 = tpu.memref_slice %arg7[%dma_wait3A, %dma_wait3A_195, %dma_wait3A_196] : memref<3x64x128xf32, #tpu.memory_space<vmem>> -> memref<1x64x128xf32, #tpu.memory_space<vmem>>
        %dma_wait3A_198 = tpu.memref_squeeze %dma_wait3A_197 : memref<1x64x128xf32, #tpu.memory_space<vmem>> -> memref<64x128xf32, #tpu.memory_space<vmem>>
        %dma_wait3A_199 = arith.constant 0 : i32
        %dma_wait3A_200 = tpu.memref_slice %arg2[%mul3A_185, %dma_wait3A_199] : memref<320000x128xf32, #tpu.memory_space<hbm>> -> memref<64x128xf32, #tpu.memory_space<hbm>>
        tpu.wait_dma2 semaphore(%dma_wait3A_194 : memref<!tpu.dma_semaphore, #tpu.memory_space<semaphore_mem>>) src(%dma_wait3A_200 : memref<64x128xf32, #tpu.memory_space<hbm>>) dst(%dma_wait3A_198 : memref<64x128xf32, #tpu.memory_space<vmem>>)
        %dma_start3A = arith.constant 1 : i32
        %dma_start3A_201 = arith.constant 1 : i32
        %dma_start3A_202 = arith.constant 0 : i32
        %dma_start3A_203 = arith.constant 0 : i32
        %dma_start3A_204 = tpu.memref_slice %arg7[%dma_start3A, %dma_start3A_202, %dma_start3A_203] : memref<3x64x128xf32, #tpu.memory_space<vmem>> -> memref<1x64x128xf32, #tpu.memory_space<vmem>>
        %dma_start3A_205 = tpu.memref_squeeze %dma_start3A_204 : memref<1x64x128xf32, #tpu.memory_space<vmem>> -> memref<64x128xf32, #tpu.memory_space<vmem>>
        %dma_start3A_206 = arith.constant 0 : i32
        %dma_start3A_207 = tpu.memref_slice %arg6[%add3A_133, %dma_start3A_206] : memref<157x64xi32, #tpu.memory_space<vmem>> -> memref<1x64xi32, #tpu.memory_space<vmem>>
        %dma_start3A_208 = tpu.memref_squeeze %dma_start3A_207 : memref<1x64xi32, #tpu.memory_space<vmem>> -> memref<64xi32, #tpu.memory_space<vmem>>
        %dma_start3A_209 = arith.constant 0 : i32
        %dma_start3A_210 = arith.constant 0 : i32
        %dma_start3A_211 = tpu.memref_slice %arg8[%dma_start3A_209, %dma_start3A_210] : memref<10000x128xf32, #tpu.memory_space<vmem_shared>> -> memref<10000x128xf32, #tpu.memory_space<vmem_shared>>
        %dma_start3A_212 = tpu.memref_slice %arg11[%dma_start3A_201] : memref<3x!tpu.dma_semaphore, #tpu.memory_space<semaphore_mem>> -> memref<1x!tpu.dma_semaphore, #tpu.memory_space<semaphore_mem>>
        %dma_start3A_213 = tpu.memref_squeeze %dma_start3A_212 : memref<1x!tpu.dma_semaphore, #tpu.memory_space<semaphore_mem>> -> memref<!tpu.dma_semaphore, #tpu.memory_space<semaphore_mem>>
        tpu.enqueue_indirect_dma source(%dma_start3A_205 : memref<64x128xf32, #tpu.memory_space<vmem>>) target(%dma_start3A_211 : memref<10000x128xf32, #tpu.memory_space<vmem_shared>>) offsets(%dma_start3A_208 : memref<64xi32, #tpu.memory_space<vmem>>) semaphore(%dma_start3A_213 : memref<!tpu.dma_semaphore, #tpu.memory_space<semaphore_mem>>) {add = true}
      } else {
      }
      %add3A_158 = arith.constant 2 : i32
      %add3A_159 = arith.addi %mul3A_105, %add3A_158 : i32
      %mul3A_160 = arith.constant 32 : i32
      %mul3A_161 = arith.muli %mul3A_160, %add3A_159 : i32
      %add3A_162 = arith.addi %add3A, %mul3A_161 : i32
      %add3A_163 = arith.constant 2 : i32
      %add3A_164 = arith.addi %add3A_159, %add3A_163 : i32
      %mul3A_165 = arith.constant 32 : i32
      %mul3A_166 = arith.muli %mul3A_165, %add3A_164 : i32
      %add3A_167 = arith.addi %add3A, %mul3A_166 : i32
      %lt3A_168 = arith.constant 157 : i32
      %lt3A_169 = arith.cmpi slt, %add3A_164, %lt3A_168 : i32
      %lt3A_170 = arith.constant 5000 : i32
      %lt3A_171 = arith.cmpi slt, %add3A_167, %lt3A_170 : i32
      %and3A_172 = arith.andi %lt3A_169, %lt3A_171 : i1
      %convert_element_type3A_173 = arith.extui %and3A_172 : i1 to i32
      %cond3A_174 = arith.constant 0 : i32
      %cond3A_175 = arith.cmpi ne, %convert_element_type3A_173, %cond3A_174 : i32
      scf.if %cond3A_175 {
        %ge3A_184 = arith.constant 3 : i32
        %ge3A_185 = arith.cmpi sge, %add3A_164, %ge3A_184 : i32
        %convert_element_type3A_186 = arith.extui %ge3A_185 : i1 to i32
        %cond3A_187 = arith.constant 0 : i32
        %cond3A_188 = arith.cmpi ne, %convert_element_type3A_186, %cond3A_187 : i32
        scf.if %cond3A_188 {
          %sub3A = arith.constant 3 : i32
          %sub3A_206 = arith.subi %add3A_164, %sub3A : i32
          %dma_wait3A = arith.constant 1 : i32
          %dma_wait3A_207 = arith.constant 1 : i32
          %dma_wait3A_208 = arith.constant 0 : i32
          %dma_wait3A_209 = arith.constant 0 : i32
          %dma_wait3A_210 = tpu.memref_slice %arg7[%dma_wait3A, %dma_wait3A_208, %dma_wait3A_209] : memref<3x64x128xf32, #tpu.memory_space<vmem>> -> memref<1x64x128xf32, #tpu.memory_space<vmem>>
          %dma_wait3A_211 = tpu.memref_squeeze %dma_wait3A_210 : memref<1x64x128xf32, #tpu.memory_space<vmem>> -> memref<64x128xf32, #tpu.memory_space<vmem>>
          %dma_wait3A_212 = arith.constant 0 : i32
          %dma_wait3A_213 = tpu.memref_slice %arg6[%sub3A_206, %dma_wait3A_212] : memref<157x64xi32, #tpu.memory_space<vmem>> -> memref<1x64xi32, #tpu.memory_space<vmem>>
          %dma_wait3A_214 = tpu.memref_squeeze %dma_wait3A_213 : memref<1x64xi32, #tpu.memory_space<vmem>> -> memref<64xi32, #tpu.memory_space<vmem>>
          %dma_wait3A_215 = arith.constant 0 : i32
          %dma_wait3A_216 = arith.constant 0 : i32
          %dma_wait3A_217 = tpu.memref_slice %arg8[%dma_wait3A_215, %dma_wait3A_216] : memref<10000x128xf32, #tpu.memory_space<vmem_shared>> -> memref<10000x128xf32, #tpu.memory_space<vmem_shared>>
          %dma_wait3A_218 = tpu.memref_slice %arg11[%dma_wait3A_207] : memref<3x!tpu.dma_semaphore, #tpu.memory_space<semaphore_mem>> -> memref<1x!tpu.dma_semaphore, #tpu.memory_space<semaphore_mem>>
          %dma_wait3A_219 = tpu.memref_squeeze %dma_wait3A_218 : memref<1x!tpu.dma_semaphore, #tpu.memory_space<semaphore_mem>> -> memref<!tpu.dma_semaphore, #tpu.memory_space<semaphore_mem>>
          tpu.wait_indirect_dma semaphore(%dma_wait3A_219 : memref<!tpu.dma_semaphore, #tpu.memory_space<semaphore_mem>>) src(%dma_wait3A_211 : memref<64x128xf32, #tpu.memory_space<vmem>>) dst(%dma_wait3A_217 : memref<10000x128xf32, #tpu.memory_space<vmem_shared>>)
        } else {
        }
        %mul3A_189 = arith.constant 64 : i32
        %mul3A_190 = arith.muli %add3A_167, %mul3A_189 : i32
        %dma_start3A = arith.constant 1 : i32
        %dma_start3A_191 = arith.constant 1 : i32
        %dma_start3A_192 = arith.constant 0 : i32
        %dma_start3A_193 = arith.constant 0 : i32
        %dma_start3A_194 = tpu.memref_slice %arg7[%dma_start3A, %dma_start3A_192, %dma_start3A_193] : memref<3x64x128xf32, #tpu.memory_space<vmem>> -> memref<1x64x128xf32, #tpu.memory_space<vmem>>
        %dma_start3A_195 = tpu.memref_squeeze %dma_start3A_194 : memref<1x64x128xf32, #tpu.memory_space<vmem>> -> memref<64x128xf32, #tpu.memory_space<vmem>>
        %dma_start3A_196 = arith.constant 0 : i32
        %dma_start3A_197 = tpu.memref_slice %arg2[%mul3A_190, %dma_start3A_196] : memref<320000x128xf32, #tpu.memory_space<hbm>> -> memref<64x128xf32, #tpu.memory_space<hbm>>
        %dma_start3A_198 = tpu.memref_slice %arg10[%dma_start3A_191] : memref<3x!tpu.dma_semaphore, #tpu.memory_space<semaphore_mem>> -> memref<1x!tpu.dma_semaphore, #tpu.memory_space<semaphore_mem>>
        %dma_start3A_199 = tpu.memref_squeeze %dma_start3A_198 : memref<1x!tpu.dma_semaphore, #tpu.memory_space<semaphore_mem>> -> memref<!tpu.dma_semaphore, #tpu.memory_space<semaphore_mem>>
        %dma_start3A_200 = arith.constant 0 : i32
        %dma_start3A_201 = arith.constant 0 : i32
        %dma_start3A_202 = tpu.memref_slice %arg7[%dma_start3A, %dma_start3A_200, %dma_start3A_201] : memref<3x64x128xf32, #tpu.memory_space<vmem>> -> memref<1x64x128xf32, #tpu.memory_space<vmem>>
        %dma_start3A_203 = tpu.memref_squeeze %dma_start3A_202 : memref<1x64x128xf32, #tpu.memory_space<vmem>> -> memref<64x128xf32, #tpu.memory_space<vmem>>
        %dma_start3A_204 = arith.constant 0 : i32
        %dma_start3A_205 = tpu.memref_slice %arg2[%mul3A_190, %dma_start3A_204] : memref<320000x128xf32, #tpu.memory_space<hbm>> -> memref<64x128xf32, #tpu.memory_space<hbm>>
        tpu.enqueue_dma source(%dma_start3A_205 : memref<64x128xf32, #tpu.memory_space<hbm>>) target(%dma_start3A_203 : memref<64x128xf32, #tpu.memory_space<vmem>>) target_semaphore(%dma_start3A_199 : memref<!tpu.dma_semaphore, #tpu.memory_space<semaphore_mem>>)
      } else {
      }
      %lt3A_176 = arith.constant 157 : i32
      %lt3A_177 = arith.cmpi slt, %add3A_159, %lt3A_176 : i32
      %lt3A_178 = arith.constant 5000 : i32
      %lt3A_179 = arith.cmpi slt, %add3A_162, %lt3A_178 : i32
      %and3A_180 = arith.andi %lt3A_177, %lt3A_179 : i1
      %convert_element_type3A_181 = arith.extui %and3A_180 : i1 to i32
      %cond3A_182 = arith.constant 0 : i32
      %cond3A_183 = arith.cmpi ne, %convert_element_type3A_181, %cond3A_182 : i32
      scf.if %cond3A_183 {
        %mul3A_184 = arith.constant 64 : i32
        %mul3A_185 = arith.muli %add3A_162, %mul3A_184 : i32
        %dma_wait3A = arith.constant 2 : i32
        %dma_wait3A_186 = arith.constant 2 : i32
        %dma_wait3A_187 = arith.constant 0 : i32
        %dma_wait3A_188 = arith.constant 0 : i32
        %dma_wait3A_189 = tpu.memref_slice %arg7[%dma_wait3A, %dma_wait3A_187, %dma_wait3A_188] : memref<3x64x128xf32, #tpu.memory_space<vmem>> -> memref<1x64x128xf32, #tpu.memory_space<vmem>>
        %dma_wait3A_190 = tpu.memref_squeeze %dma_wait3A_189 : memref<1x64x128xf32, #tpu.memory_space<vmem>> -> memref<64x128xf32, #tpu.memory_space<vmem>>
        %dma_wait3A_191 = arith.constant 0 : i32
        %dma_wait3A_192 = tpu.memref_slice %arg2[%mul3A_185, %dma_wait3A_191] : memref<320000x128xf32, #tpu.memory_space<hbm>> -> memref<64x128xf32, #tpu.memory_space<hbm>>
        %dma_wait3A_193 = tpu.memref_slice %arg10[%dma_wait3A_186] : memref<3x!tpu.dma_semaphore, #tpu.memory_space<semaphore_mem>> -> memref<1x!tpu.dma_semaphore, #tpu.memory_space<semaphore_mem>>
        %dma_wait3A_194 = tpu.memref_squeeze %dma_wait3A_193 : memref<1x!tpu.dma_semaphore, #tpu.memory_space<semaphore_mem>> -> memref<!tpu.dma_semaphore, #tpu.memory_space<semaphore_mem>>
        %dma_wait3A_195 = arith.constant 0 : i32
        %dma_wait3A_196 = arith.constant 0 : i32
        %dma_wait3A_197 = tpu.memref_slice %arg7[%dma_wait3A, %dma_wait3A_195, %dma_wait3A_196] : memref<3x64x128xf32, #tpu.memory_space<vmem>> -> memref<1x64x128xf32, #tpu.memory_space<vmem>>
        %dma_wait3A_198 = tpu.memref_squeeze %dma_wait3A_197 : memref<1x64x128xf32, #tpu.memory_space<vmem>> -> memref<64x128xf32, #tpu.memory_space<vmem>>
        %dma_wait3A_199 = arith.constant 0 : i32
        %dma_wait3A_200 = tpu.memref_slice %arg2[%mul3A_185, %dma_wait3A_199] : memref<320000x128xf32, #tpu.memory_space<hbm>> -> memref<64x128xf32, #tpu.memory_space<hbm>>
        tpu.wait_dma2 semaphore(%dma_wait3A_194 : memref<!tpu.dma_semaphore, #tpu.memory_space<semaphore_mem>>) src(%dma_wait3A_200 : memref<64x128xf32, #tpu.memory_space<hbm>>) dst(%dma_wait3A_198 : memref<64x128xf32, #tpu.memory_space<vmem>>)
        %dma_start3A = arith.constant 2 : i32
        %dma_start3A_201 = arith.constant 2 : i32
        %dma_start3A_202 = arith.constant 0 : i32
        %dma_start3A_203 = arith.constant 0 : i32
        %dma_start3A_204 = tpu.memref_slice %arg7[%dma_start3A, %dma_start3A_202, %dma_start3A_203] : memref<3x64x128xf32, #tpu.memory_space<vmem>> -> memref<1x64x128xf32, #tpu.memory_space<vmem>>
        %dma_start3A_205 = tpu.memref_squeeze %dma_start3A_204 : memref<1x64x128xf32, #tpu.memory_space<vmem>> -> memref<64x128xf32, #tpu.memory_space<vmem>>
        %dma_start3A_206 = arith.constant 0 : i32
        %dma_start3A_207 = tpu.memref_slice %arg6[%add3A_159, %dma_start3A_206] : memref<157x64xi32, #tpu.memory_space<vmem>> -> memref<1x64xi32, #tpu.memory_space<vmem>>
        %dma_start3A_208 = tpu.memref_squeeze %dma_start3A_207 : memref<1x64xi32, #tpu.memory_space<vmem>> -> memref<64xi32, #tpu.memory_space<vmem>>
        %dma_start3A_209 = arith.constant 0 : i32
        %dma_start3A_210 = arith.constant 0 : i32
        %dma_start3A_211 = tpu.memref_slice %arg8[%dma_start3A_209, %dma_start3A_210] : memref<10000x128xf32, #tpu.memory_space<vmem_shared>> -> memref<10000x128xf32, #tpu.memory_space<vmem_shared>>
        %dma_start3A_212 = tpu.memref_slice %arg11[%dma_start3A_201] : memref<3x!tpu.dma_semaphore, #tpu.memory_space<semaphore_mem>> -> memref<1x!tpu.dma_semaphore, #tpu.memory_space<semaphore_mem>>
        %dma_start3A_213 = tpu.memref_squeeze %dma_start3A_212 : memref<1x!tpu.dma_semaphore, #tpu.memory_space<semaphore_mem>> -> memref<!tpu.dma_semaphore, #tpu.memory_space<semaphore_mem>>
        tpu.enqueue_indirect_dma source(%dma_start3A_205 : memref<64x128xf32, #tpu.memory_space<vmem>>) target(%dma_start3A_211 : memref<10000x128xf32, #tpu.memory_space<vmem_shared>>) offsets(%dma_start3A_208 : memref<64xi32, #tpu.memory_space<vmem>>) semaphore(%dma_start3A_213 : memref<!tpu.dma_semaphore, #tpu.memory_space<semaphore_mem>>) {add = true}
      } else {
      }
    }
    %scan3A_34 = arith.constant 53 : i32
    %add3A_35 = arith.constant 4896 : i32
    %add3A_36 = arith.addi %add3A, %add3A_35 : i32
    %add3A_37 = arith.constant 4992 : i32
    %add3A_38 = arith.addi %add3A, %add3A_37 : i32
    %ge3A = arith.constant 5000 : i32
    %ge3A_39 = arith.cmpi sge, %add3A_38, %ge3A : i32
    %or3A = arith.constant false
    %or3A_40 = arith.ori %or3A, %ge3A_39 : i1
    %lt3A_41 = arith.constant 5000 : i32
    %lt3A_42 = arith.cmpi slt, %add3A_36, %lt3A_41 : i32
    %and3A = arith.andi %lt3A_42, %or3A_40 : i1
    %convert_element_type3A_43 = arith.extui %and3A : i1 to i32
    %cond3A_44 = arith.constant 0 : i32
    %cond3A_45 = arith.cmpi ne, %convert_element_type3A_43, %cond3A_44 : i32
    scf.if %cond3A_45 {
      %dma_wait3A = arith.constant 0 : i32
      %dma_wait3A_99 = arith.constant 153 : i32
      %dma_wait3A_100 = arith.constant 0 : i32
      %dma_wait3A_101 = arith.constant 0 : i32
      %dma_wait3A_102 = arith.constant 0 : i32
      %dma_wait3A_103 = tpu.memref_slice %arg7[%dma_wait3A, %dma_wait3A_101, %dma_wait3A_102] : memref<3x64x128xf32, #tpu.memory_space<vmem>> -> memref<1x64x128xf32, #tpu.memory_space<vmem>>
      %dma_wait3A_104 = tpu.memref_squeeze %dma_wait3A_103 : memref<1x64x128xf32, #tpu.memory_space<vmem>> -> memref<64x128xf32, #tpu.memory_space<vmem>>
      %dma_wait3A_105 = arith.constant 0 : i32
      %dma_wait3A_106 = tpu.memref_slice %arg6[%dma_wait3A_99, %dma_wait3A_105] : memref<157x64xi32, #tpu.memory_space<vmem>> -> memref<1x64xi32, #tpu.memory_space<vmem>>
      %dma_wait3A_107 = tpu.memref_squeeze %dma_wait3A_106 : memref<1x64xi32, #tpu.memory_space<vmem>> -> memref<64xi32, #tpu.memory_space<vmem>>
      %dma_wait3A_108 = arith.constant 0 : i32
      %dma_wait3A_109 = arith.constant 0 : i32
      %dma_wait3A_110 = tpu.memref_slice %arg8[%dma_wait3A_108, %dma_wait3A_109] : memref<10000x128xf32, #tpu.memory_space<vmem_shared>> -> memref<10000x128xf32, #tpu.memory_space<vmem_shared>>
      %dma_wait3A_111 = tpu.memref_slice %arg11[%dma_wait3A_100] : memref<3x!tpu.dma_semaphore, #tpu.memory_space<semaphore_mem>> -> memref<1x!tpu.dma_semaphore, #tpu.memory_space<semaphore_mem>>
      %dma_wait3A_112 = tpu.memref_squeeze %dma_wait3A_111 : memref<1x!tpu.dma_semaphore, #tpu.memory_space<semaphore_mem>> -> memref<!tpu.dma_semaphore, #tpu.memory_space<semaphore_mem>>
      tpu.wait_indirect_dma semaphore(%dma_wait3A_112 : memref<!tpu.dma_semaphore, #tpu.memory_space<semaphore_mem>>) src(%dma_wait3A_104 : memref<64x128xf32, #tpu.memory_space<vmem>>) dst(%dma_wait3A_110 : memref<10000x128xf32, #tpu.memory_space<vmem_shared>>)
    } else {
    }
    %add3A_46 = arith.constant 4928 : i32
    %add3A_47 = arith.addi %add3A, %add3A_46 : i32
    %add3A_48 = arith.constant 5024 : i32
    %add3A_49 = arith.addi %add3A, %add3A_48 : i32
    %ge3A_50 = arith.constant 5000 : i32
    %ge3A_51 = arith.cmpi sge, %add3A_49, %ge3A_50 : i32
    %or3A_52 = arith.constant true
    %or3A_53 = arith.ori %or3A_52, %ge3A_51 : i1
    %lt3A_54 = arith.constant 5000 : i32
    %lt3A_55 = arith.cmpi slt, %add3A_47, %lt3A_54 : i32
    %and3A_56 = arith.andi %lt3A_55, %or3A_53 : i1
    %convert_element_type3A_57 = arith.extui %and3A_56 : i1 to i32
    %cond3A_58 = arith.constant 0 : i32
    %cond3A_59 = arith.cmpi ne, %convert_element_type3A_57, %cond3A_58 : i32
    scf.if %cond3A_59 {
      %dma_wait3A = arith.constant 1 : i32
      %dma_wait3A_99 = arith.constant 154 : i32
      %dma_wait3A_100 = arith.constant 1 : i32
      %dma_wait3A_101 = arith.constant 0 : i32
      %dma_wait3A_102 = arith.constant 0 : i32
      %dma_wait3A_103 = tpu.memref_slice %arg7[%dma_wait3A, %dma_wait3A_101, %dma_wait3A_102] : memref<3x64x128xf32, #tpu.memory_space<vmem>> -> memref<1x64x128xf32, #tpu.memory_space<vmem>>
      %dma_wait3A_104 = tpu.memref_squeeze %dma_wait3A_103 : memref<1x64x128xf32, #tpu.memory_space<vmem>> -> memref<64x128xf32, #tpu.memory_space<vmem>>
      %dma_wait3A_105 = arith.constant 0 : i32
      %dma_wait3A_106 = tpu.memref_slice %arg6[%dma_wait3A_99, %dma_wait3A_105] : memref<157x64xi32, #tpu.memory_space<vmem>> -> memref<1x64xi32, #tpu.memory_space<vmem>>
      %dma_wait3A_107 = tpu.memref_squeeze %dma_wait3A_106 : memref<1x64xi32, #tpu.memory_space<vmem>> -> memref<64xi32, #tpu.memory_space<vmem>>
      %dma_wait3A_108 = arith.constant 0 : i32
      %dma_wait3A_109 = arith.constant 0 : i32
      %dma_wait3A_110 = tpu.memref_slice %arg8[%dma_wait3A_108, %dma_wait3A_109] : memref<10000x128xf32, #tpu.memory_space<vmem_shared>> -> memref<10000x128xf32, #tpu.memory_space<vmem_shared>>
      %dma_wait3A_111 = tpu.memref_slice %arg11[%dma_wait3A_100] : memref<3x!tpu.dma_semaphore, #tpu.memory_space<semaphore_mem>> -> memref<1x!tpu.dma_semaphore, #tpu.memory_space<semaphore_mem>>
      %dma_wait3A_112 = tpu.memref_squeeze %dma_wait3A_111 : memref<1x!tpu.dma_semaphore, #tpu.memory_space<semaphore_mem>> -> memref<!tpu.dma_semaphore, #tpu.memory_space<semaphore_mem>>
      tpu.wait_indirect_dma semaphore(%dma_wait3A_112 : memref<!tpu.dma_semaphore, #tpu.memory_space<semaphore_mem>>) src(%dma_wait3A_104 : memref<64x128xf32, #tpu.memory_space<vmem>>) dst(%dma_wait3A_110 : memref<10000x128xf32, #tpu.memory_space<vmem_shared>>)
    } else {
    }
    %add3A_60 = arith.constant 4960 : i32
    %add3A_61 = arith.addi %add3A, %add3A_60 : i32
    %add3A_62 = arith.constant 5056 : i32
    %add3A_63 = arith.addi %add3A, %add3A_62 : i32
    %ge3A_64 = arith.constant 5000 : i32
    %ge3A_65 = arith.cmpi sge, %add3A_63, %ge3A_64 : i32
    %or3A_66 = arith.constant true
    %or3A_67 = arith.ori %or3A_66, %ge3A_65 : i1
    %lt3A_68 = arith.constant 5000 : i32
    %lt3A_69 = arith.cmpi slt, %add3A_61, %lt3A_68 : i32
    %and3A_70 = arith.andi %lt3A_69, %or3A_67 : i1
    %convert_element_type3A_71 = arith.extui %and3A_70 : i1 to i32
    %cond3A_72 = arith.constant 0 : i32
    %cond3A_73 = arith.cmpi ne, %convert_element_type3A_71, %cond3A_72 : i32
    scf.if %cond3A_73 {
      %dma_wait3A = arith.constant 2 : i32
      %dma_wait3A_99 = arith.constant 155 : i32
      %dma_wait3A_100 = arith.constant 2 : i32
      %dma_wait3A_101 = arith.constant 0 : i32
      %dma_wait3A_102 = arith.constant 0 : i32
      %dma_wait3A_103 = tpu.memref_slice %arg7[%dma_wait3A, %dma_wait3A_101, %dma_wait3A_102] : memref<3x64x128xf32, #tpu.memory_space<vmem>> -> memref<1x64x128xf32, #tpu.memory_space<vmem>>
      %dma_wait3A_104 = tpu.memref_squeeze %dma_wait3A_103 : memref<1x64x128xf32, #tpu.memory_space<vmem>> -> memref<64x128xf32, #tpu.memory_space<vmem>>
      %dma_wait3A_105 = arith.constant 0 : i32
      %dma_wait3A_106 = tpu.memref_slice %arg6[%dma_wait3A_99, %dma_wait3A_105] : memref<157x64xi32, #tpu.memory_space<vmem>> -> memref<1x64xi32, #tpu.memory_space<vmem>>
      %dma_wait3A_107 = tpu.memref_squeeze %dma_wait3A_106 : memref<1x64xi32, #tpu.memory_space<vmem>> -> memref<64xi32, #tpu.memory_space<vmem>>
      %dma_wait3A_108 = arith.constant 0 : i32
      %dma_wait3A_109 = arith.constant 0 : i32
      %dma_wait3A_110 = tpu.memref_slice %arg8[%dma_wait3A_108, %dma_wait3A_109] : memref<10000x128xf32, #tpu.memory_space<vmem_shared>> -> memref<10000x128xf32, #tpu.memory_space<vmem_shared>>
      %dma_wait3A_111 = tpu.memref_slice %arg11[%dma_wait3A_100] : memref<3x!tpu.dma_semaphore, #tpu.memory_space<semaphore_mem>> -> memref<1x!tpu.dma_semaphore, #tpu.memory_space<semaphore_mem>>
      %dma_wait3A_112 = tpu.memref_squeeze %dma_wait3A_111 : memref<1x!tpu.dma_semaphore, #tpu.memory_space<semaphore_mem>> -> memref<!tpu.dma_semaphore, #tpu.memory_space<semaphore_mem>>
      tpu.wait_indirect_dma semaphore(%dma_wait3A_112 : memref<!tpu.dma_semaphore, #tpu.memory_space<semaphore_mem>>) src(%dma_wait3A_104 : memref<64x128xf32, #tpu.memory_space<vmem>>) dst(%dma_wait3A_110 : memref<10000x128xf32, #tpu.memory_space<vmem_shared>>)
    } else {
    }
    %add3A_74 = arith.constant 4992 : i32
    %add3A_75 = arith.addi %add3A, %add3A_74 : i32
    %add3A_76 = arith.constant 5088 : i32
    %add3A_77 = arith.addi %add3A, %add3A_76 : i32
    %ge3A_78 = arith.constant 5000 : i32
    %ge3A_79 = arith.cmpi sge, %add3A_77, %ge3A_78 : i32
    %or3A_80 = arith.constant true
    %or3A_81 = arith.ori %or3A_80, %ge3A_79 : i1
    %lt3A_82 = arith.constant 5000 : i32
    %lt3A_83 = arith.cmpi slt, %add3A_75, %lt3A_82 : i32
    %and3A_84 = arith.andi %lt3A_83, %or3A_81 : i1
    %convert_element_type3A_85 = arith.extui %and3A_84 : i1 to i32
    %cond3A_86 = arith.constant 0 : i32
    %cond3A_87 = arith.cmpi ne, %convert_element_type3A_85, %cond3A_86 : i32
    scf.if %cond3A_87 {
      %dma_wait3A = arith.constant 0 : i32
      %dma_wait3A_99 = arith.constant 156 : i32
      %dma_wait3A_100 = arith.constant 0 : i32
      %dma_wait3A_101 = arith.constant 0 : i32
      %dma_wait3A_102 = arith.constant 0 : i32
      %dma_wait3A_103 = tpu.memref_slice %arg7[%dma_wait3A, %dma_wait3A_101, %dma_wait3A_102] : memref<3x64x128xf32, #tpu.memory_space<vmem>> -> memref<1x64x128xf32, #tpu.memory_space<vmem>>
      %dma_wait3A_104 = tpu.memref_squeeze %dma_wait3A_103 : memref<1x64x128xf32, #tpu.memory_space<vmem>> -> memref<64x128xf32, #tpu.memory_space<vmem>>
      %dma_wait3A_105 = arith.constant 0 : i32
      %dma_wait3A_106 = tpu.memref_slice %arg6[%dma_wait3A_99, %dma_wait3A_105] : memref<157x64xi32, #tpu.memory_space<vmem>> -> memref<1x64xi32, #tpu.memory_space<vmem>>
      %dma_wait3A_107 = tpu.memref_squeeze %dma_wait3A_106 : memref<1x64xi32, #tpu.memory_space<vmem>> -> memref<64xi32, #tpu.memory_space<vmem>>
      %dma_wait3A_108 = arith.constant 0 : i32
      %dma_wait3A_109 = arith.constant 0 : i32
      %dma_wait3A_110 = tpu.memref_slice %arg8[%dma_wait3A_108, %dma_wait3A_109] : memref<10000x128xf32, #tpu.memory_space<vmem_shared>> -> memref<10000x128xf32, #tpu.memory_space<vmem_shared>>
      %dma_wait3A_111 = tpu.memref_slice %arg11[%dma_wait3A_100] : memref<3x!tpu.dma_semaphore, #tpu.memory_space<semaphore_mem>> -> memref<1x!tpu.dma_semaphore, #tpu.memory_space<semaphore_mem>>
      %dma_wait3A_112 = tpu.memref_squeeze %dma_wait3A_111 : memref<1x!tpu.dma_semaphore, #tpu.memory_space<semaphore_mem>> -> memref<!tpu.dma_semaphore, #tpu.memory_space<semaphore_mem>>
      tpu.wait_indirect_dma semaphore(%dma_wait3A_112 : memref<!tpu.dma_semaphore, #tpu.memory_space<semaphore_mem>>) src(%dma_wait3A_104 : memref<64x128xf32, #tpu.memory_space<vmem>>) dst(%dma_wait3A_110 : memref<10000x128xf32, #tpu.memory_space<vmem_shared>>)
    } else {
    }
    %barrier3A_88 = arith.constant 0 : index
    tpu.barrier barrier_id(%barrier3A_88)
    %scan3A_89 = arith.constant 0 : i32
    %scan3A_90 = arith.constant 156 : i32
    %scan3A_91 = arith.addi %scan3A_89, %scan3A_90 : i32
    %scan3A_92 = arith.constant 1 : i32
    scf.for %scan3A_99 = %scan3A_89 to %scan3A_91 step %scan3A_92  : i32 {
      %mul3A_100 = arith.constant 1 : i32
      %mul3A_101 = arith.muli %scan3A_99, %mul3A_100 : i32
      %add3A_102 = arith.constant 0 : i32
      %add3A_103 = arith.addi %add3A_102, %mul3A_101 : i32
      %rem3A = arith.constant 16 : i32
      %rem3A_104 = arith.remsi %add3A_103, %rem3A : i32
      %eq3A_105 = arith.cmpi eq, %rem3A_104, %arg1 : i32
      %convert_element_type3A_106 = arith.extui %eq3A_105 : i1 to i32
      %cond3A_107 = arith.constant 0 : i32
      %cond3A_108 = arith.cmpi ne, %convert_element_type3A_106, %cond3A_107 : i32
      scf.if %cond3A_108 {
        %mul3A_109 = arith.constant 64 : i32
        %mul3A_110 = arith.muli %add3A_103, %mul3A_109 : i32
        %run_scoped3A_111 = arith.constant 0 : i32
        "tpu.region"() ({
          %run_scoped3A_115 = tpu.sem_alloc : memref<!tpu.dma_semaphore, #tpu.memory_space<semaphore_mem>>
          %dma_start3A = arith.constant 0 : i32
          %dma_start3A_116 = arith.constant 0 : i32
          %dma_start3A_117 = tpu.memref_slice %arg7[%run_scoped3A_111, %dma_start3A, %dma_start3A_116] : memref<3x64x128xf32, #tpu.memory_space<vmem>> -> memref<1x64x128xf32, #tpu.memory_space<vmem>>
          %dma_start3A_118 = tpu.memref_squeeze %dma_start3A_117 : memref<1x64x128xf32, #tpu.memory_space<vmem>> -> memref<64x128xf32, #tpu.memory_space<vmem>>
          %dma_start3A_119 = arith.constant 0 : i32
          %dma_start3A_120 = tpu.memref_slice %arg8[%mul3A_110, %dma_start3A_119] : memref<10000x128xf32, #tpu.memory_space<vmem_shared>> -> memref<64x128xf32, #tpu.memory_space<vmem_shared>>
          %dma_start3A_121 = arith.constant 0 : i32
          %dma_start3A_122 = arith.constant 0 : i32
          %dma_start3A_123 = tpu.memref_slice %arg7[%run_scoped3A_111, %dma_start3A_121, %dma_start3A_122] : memref<3x64x128xf32, #tpu.memory_space<vmem>> -> memref<1x64x128xf32, #tpu.memory_space<vmem>>
          %dma_start3A_124 = tpu.memref_squeeze %dma_start3A_123 : memref<1x64x128xf32, #tpu.memory_space<vmem>> -> memref<64x128xf32, #tpu.memory_space<vmem>>
          %dma_start3A_125 = arith.constant 0 : i32
          %dma_start3A_126 = tpu.memref_slice %arg8[%mul3A_110, %dma_start3A_125] : memref<10000x128xf32, #tpu.memory_space<vmem_shared>> -> memref<64x128xf32, #tpu.memory_space<vmem_shared>>
          tpu.enqueue_dma source(%dma_start3A_126 : memref<64x128xf32, #tpu.memory_space<vmem_shared>>) target(%dma_start3A_124 : memref<64x128xf32, #tpu.memory_space<vmem>>) target_semaphore(%run_scoped3A_115 : memref<!tpu.dma_semaphore, #tpu.memory_space<semaphore_mem>>)
          %dma_wait3A = arith.constant 0 : i32
          %dma_wait3A_127 = arith.constant 0 : i32
          %dma_wait3A_128 = tpu.memref_slice %arg7[%run_scoped3A_111, %dma_wait3A, %dma_wait3A_127] : memref<3x64x128xf32, #tpu.memory_space<vmem>> -> memref<1x64x128xf32, #tpu.memory_space<vmem>>
          %dma_wait3A_129 = tpu.memref_squeeze %dma_wait3A_128 : memref<1x64x128xf32, #tpu.memory_space<vmem>> -> memref<64x128xf32, #tpu.memory_space<vmem>>
          %dma_wait3A_130 = arith.constant 0 : i32
          %dma_wait3A_131 = tpu.memref_slice %arg8[%mul3A_110, %dma_wait3A_130] : memref<10000x128xf32, #tpu.memory_space<vmem_shared>> -> memref<64x128xf32, #tpu.memory_space<vmem_shared>>
          %dma_wait3A_132 = arith.constant 0 : i32
          %dma_wait3A_133 = arith.constant 0 : i32
          %dma_wait3A_134 = tpu.memref_slice %arg7[%run_scoped3A_111, %dma_wait3A_132, %dma_wait3A_133] : memref<3x64x128xf32, #tpu.memory_space<vmem>> -> memref<1x64x128xf32, #tpu.memory_space<vmem>>
          %dma_wait3A_135 = tpu.memref_squeeze %dma_wait3A_134 : memref<1x64x128xf32, #tpu.memory_space<vmem>> -> memref<64x128xf32, #tpu.memory_space<vmem>>
          %dma_wait3A_136 = arith.constant 0 : i32
          %dma_wait3A_137 = tpu.memref_slice %arg8[%mul3A_110, %dma_wait3A_136] : memref<10000x128xf32, #tpu.memory_space<vmem_shared>> -> memref<64x128xf32, #tpu.memory_space<vmem_shared>>
          tpu.wait_dma2 semaphore(%run_scoped3A_115 : memref<!tpu.dma_semaphore, #tpu.memory_space<semaphore_mem>>) src(%dma_wait3A_137 : memref<64x128xf32, #tpu.memory_space<vmem_shared>>) dst(%dma_wait3A_135 : memref<64x128xf32, #tpu.memory_space<vmem>>)
          tpu.yield
        }) : () -> ()
        %mul3A_112 = arith.constant 64 : i32
        %mul3A_113 = arith.muli %add3A_103, %mul3A_112 : i32
        %run_scoped3A_114 = arith.constant 0 : i32
        "tpu.region"() ({
          %run_scoped3A_115 = tpu.sem_alloc : memref<!tpu.dma_semaphore, #tpu.memory_space<semaphore_mem>>
          %dma_start3A = arith.constant 0 : i32
          %dma_start3A_116 = arith.constant 0 : i32
          %dma_start3A_117 = tpu.memref_slice %arg7[%run_scoped3A_114, %dma_start3A, %dma_start3A_116] : memref<3x64x128xf32, #tpu.memory_space<vmem>> -> memref<1x64x128xf32, #tpu.memory_space<vmem>>
          %dma_start3A_118 = tpu.memref_squeeze %dma_start3A_117 : memref<1x64x128xf32, #tpu.memory_space<vmem>> -> memref<64x128xf32, #tpu.memory_space<vmem>>
          %dma_start3A_119 = arith.constant 0 : i32
          %dma_start3A_120 = tpu.memref_slice %arg5[%arg0, %mul3A_113, %dma_start3A_119] : memref<2x10000x128xf32, #tpu.memory_space<hbm>> -> memref<1x64x128xf32, #tpu.memory_space<hbm>>
          %dma_start3A_121 = tpu.memref_squeeze %dma_start3A_120 : memref<1x64x128xf32, #tpu.memory_space<hbm>> -> memref<64x128xf32, #tpu.memory_space<hbm>>
          %dma_start3A_122 = arith.constant 0 : i32
          %dma_start3A_123 = tpu.memref_slice %arg5[%arg0, %mul3A_113, %dma_start3A_122] : memref<2x10000x128xf32, #tpu.memory_space<hbm>> -> memref<1x64x128xf32, #tpu.memory_space<hbm>>
          %dma_start3A_124 = tpu.memref_squeeze %dma_start3A_123 : memref<1x64x128xf32, #tpu.memory_space<hbm>> -> memref<64x128xf32, #tpu.memory_space<hbm>>
          %dma_start3A_125 = arith.constant 0 : i32
          %dma_start3A_126 = arith.constant 0 : i32
          %dma_start3A_127 = tpu.memref_slice %arg7[%run_scoped3A_114, %dma_start3A_125, %dma_start3A_126] : memref<3x64x128xf32, #tpu.memory_space<vmem>> -> memref<1x64x128xf32, #tpu.memory_space<vmem>>
          %dma_start3A_128 = tpu.memref_squeeze %dma_start3A_127 : memref<1x64x128xf32, #tpu.memory_space<vmem>> -> memref<64x128xf32, #tpu.memory_space<vmem>>
          tpu.enqueue_dma source(%dma_start3A_128 : memref<64x128xf32, #tpu.memory_space<vmem>>) target(%dma_start3A_124 : memref<64x128xf32, #tpu.memory_space<hbm>>) target_semaphore(%run_scoped3A_115 : memref<!tpu.dma_semaphore, #tpu.memory_space<semaphore_mem>>)
          %dma_wait3A = arith.constant 0 : i32
          %dma_wait3A_129 = arith.constant 0 : i32
          %dma_wait3A_130 = tpu.memref_slice %arg7[%run_scoped3A_114, %dma_wait3A, %dma_wait3A_129] : memref<3x64x128xf32, #tpu.memory_space<vmem>> -> memref<1x64x128xf32, #tpu.memory_space<vmem>>
          %dma_wait3A_131 = tpu.memref_squeeze %dma_wait3A_130 : memref<1x64x128xf32, #tpu.memory_space<vmem>> -> memref<64x128xf32, #tpu.memory_space<vmem>>
          %dma_wait3A_132 = arith.constant 0 : i32
          %dma_wait3A_133 = tpu.memref_slice %arg5[%arg0, %mul3A_113, %dma_wait3A_132] : memref<2x10000x128xf32, #tpu.memory_space<hbm>> -> memref<1x64x128xf32, #tpu.memory_space<hbm>>
          %dma_wait3A_134 = tpu.memref_squeeze %dma_wait3A_133 : memref<1x64x128xf32, #tpu.memory_space<hbm>> -> memref<64x128xf32, #tpu.memory_space<hbm>>
          %dma_wait3A_135 = arith.constant 0 : i32
          %dma_wait3A_136 = tpu.memref_slice %arg5[%arg0, %mul3A_113, %dma_wait3A_135] : memref<2x10000x128xf32, #tpu.memory_space<hbm>> -> memref<1x64x128xf32, #tpu.memory_space<hbm>>
          %dma_wait3A_137 = tpu.memref_squeeze %dma_wait3A_136 : memref<1x64x128xf32, #tpu.memory_space<hbm>> -> memref<64x128xf32, #tpu.memory_space<hbm>>
          %dma_wait3A_138 = arith.constant 0 : i32
          %dma_wait3A_139 = arith.constant 0 : i32
          %dma_wait3A_140 = tpu.memref_slice %arg7[%run_scoped3A_114, %dma_wait3A_138, %dma_wait3A_139] : memref<3x64x128xf32, #tpu.memory_space<vmem>> -> memref<1x64x128xf32, #tpu.memory_space<vmem>>
          %dma_wait3A_141 = tpu.memref_squeeze %dma_wait3A_140 : memref<1x64x128xf32, #tpu.memory_space<vmem>> -> memref<64x128xf32, #tpu.memory_space<vmem>>
          tpu.wait_dma2 semaphore(%run_scoped3A_115 : memref<!tpu.dma_semaphore, #tpu.memory_space<semaphore_mem>>) src(%dma_wait3A_141 : memref<64x128xf32, #tpu.memory_space<vmem>>) dst(%dma_wait3A_137 : memref<64x128xf32, #tpu.memory_space<hbm>>)
          tpu.yield
        }) : () -> ()
      } else {
      }
    }
    %scan3A_93 = arith.constant 156 : i32
    %eq3A_94 = arith.constant 15 : i32
    %eq3A_95 = arith.cmpi eq, %arg1, %eq3A_94 : i32
    %convert_element_type3A_96 = arith.extui %eq3A_95 : i1 to i32
    %cond3A_97 = arith.constant 0 : i32
    %cond3A_98 = arith.cmpi ne, %convert_element_type3A_96, %cond3A_97 : i32
    scf.if %cond3A_98 {
      %run_scoped3A_99 = arith.constant 0 : i32
      "tpu.region"() ({
        %run_scoped3A_101 = tpu.sem_alloc : memref<!tpu.dma_semaphore, #tpu.memory_space<semaphore_mem>>
        %dma_start3A = arith.constant 0 : i32
        %dma_start3A_102 = arith.constant 0 : i32
        %dma_start3A_103 = tpu.memref_slice %arg7[%run_scoped3A_99, %dma_start3A, %dma_start3A_102] : memref<3x64x128xf32, #tpu.memory_space<vmem>> -> memref<1x16x128xf32, #tpu.memory_space<vmem>>
        %dma_start3A_104 = tpu.memref_squeeze %dma_start3A_103 : memref<1x16x128xf32, #tpu.memory_space<vmem>> -> memref<16x128xf32, #tpu.memory_space<vmem>>
        %dma_start3A_105 = arith.constant 9984 : i32
        %dma_start3A_106 = arith.constant 0 : i32
        %dma_start3A_107 = tpu.memref_slice %arg8[%dma_start3A_105, %dma_start3A_106] : memref<10000x128xf32, #tpu.memory_space<vmem_shared>> -> memref<16x128xf32, #tpu.memory_space<vmem_shared>>
        %dma_start3A_108 = arith.constant 0 : i32
        %dma_start3A_109 = arith.constant 0 : i32
        %dma_start3A_110 = tpu.memref_slice %arg7[%run_scoped3A_99, %dma_start3A_108, %dma_start3A_109] : memref<3x64x128xf32, #tpu.memory_space<vmem>> -> memref<1x16x128xf32, #tpu.memory_space<vmem>>
        %dma_start3A_111 = tpu.memref_squeeze %dma_start3A_110 : memref<1x16x128xf32, #tpu.memory_space<vmem>> -> memref<16x128xf32, #tpu.memory_space<vmem>>
        %dma_start3A_112 = arith.constant 9984 : i32
        %dma_start3A_113 = arith.constant 0 : i32
        %dma_start3A_114 = tpu.memref_slice %arg8[%dma_start3A_112, %dma_start3A_113] : memref<10000x128xf32, #tpu.memory_space<vmem_shared>> -> memref<16x128xf32, #tpu.memory_space<vmem_shared>>
        tpu.enqueue_dma source(%dma_start3A_114 : memref<16x128xf32, #tpu.memory_space<vmem_shared>>) target(%dma_start3A_111 : memref<16x128xf32, #tpu.memory_space<vmem>>) target_semaphore(%run_scoped3A_101 : memref<!tpu.dma_semaphore, #tpu.memory_space<semaphore_mem>>)
        %dma_wait3A = arith.constant 0 : i32
        %dma_wait3A_115 = arith.constant 0 : i32
        %dma_wait3A_116 = tpu.memref_slice %arg7[%run_scoped3A_99, %dma_wait3A, %dma_wait3A_115] : memref<3x64x128xf32, #tpu.memory_space<vmem>> -> memref<1x16x128xf32, #tpu.memory_space<vmem>>
        %dma_wait3A_117 = tpu.memref_squeeze %dma_wait3A_116 : memref<1x16x128xf32, #tpu.memory_space<vmem>> -> memref<16x128xf32, #tpu.memory_space<vmem>>
        %dma_wait3A_118 = arith.constant 9984 : i32
        %dma_wait3A_119 = arith.constant 0 : i32
        %dma_wait3A_120 = tpu.memref_slice %arg8[%dma_wait3A_118, %dma_wait3A_119] : memref<10000x128xf32, #tpu.memory_space<vmem_shared>> -> memref<16x128xf32, #tpu.memory_space<vmem_shared>>
        %dma_wait3A_121 = arith.constant 0 : i32
        %dma_wait3A_122 = arith.constant 0 : i32
        %dma_wait3A_123 = tpu.memref_slice %arg7[%run_scoped3A_99, %dma_wait3A_121, %dma_wait3A_122] : memref<3x64x128xf32, #tpu.memory_space<vmem>> -> memref<1x16x128xf32, #tpu.memory_space<vmem>>
        %dma_wait3A_124 = tpu.memref_squeeze %dma_wait3A_123 : memref<1x16x128xf32, #tpu.memory_space<vmem>> -> memref<16x128xf32, #tpu.memory_space<vmem>>
        %dma_wait3A_125 = arith.constant 9984 : i32
        %dma_wait3A_126 = arith.constant 0 : i32
        %dma_wait3A_127 = tpu.memref_slice %arg8[%dma_wait3A_125, %dma_wait3A_126] : memref<10000x128xf32, #tpu.memory_space<vmem_shared>> -> memref<16x128xf32, #tpu.memory_space<vmem_shared>>
        tpu.wait_dma2 semaphore(%run_scoped3A_101 : memref<!tpu.dma_semaphore, #tpu.memory_space<semaphore_mem>>) src(%dma_wait3A_127 : memref<16x128xf32, #tpu.memory_space<vmem_shared>>) dst(%dma_wait3A_124 : memref<16x128xf32, #tpu.memory_space<vmem>>)
        tpu.yield
      }) : () -> ()
      %run_scoped3A_100 = arith.constant 0 : i32
      "tpu.region"() ({
        %run_scoped3A_101 = tpu.sem_alloc : memref<!tpu.dma_semaphore, #tpu.memory_space<semaphore_mem>>
        %dma_start3A = arith.constant 0 : i32
        %dma_start3A_102 = arith.constant 0 : i32
        %dma_start3A_103 = tpu.memref_slice %arg7[%run_scoped3A_100, %dma_start3A, %dma_start3A_102] : memref<3x64x128xf32, #tpu.memory_space<vmem>> -> memref<1x16x128xf32, #tpu.memory_space<vmem>>
        %dma_start3A_104 = tpu.memref_squeeze %dma_start3A_103 : memref<1x16x128xf32, #tpu.memory_space<vmem>> -> memref<16x128xf32, #tpu.memory_space<vmem>>
        %dma_start3A_105 = arith.constant 9984 : i32
        %dma_start3A_106 = arith.constant 0 : i32
        %dma_start3A_107 = tpu.memref_slice %arg5[%arg0, %dma_start3A_105, %dma_start3A_106] : memref<2x10000x128xf32, #tpu.memory_space<hbm>> -> memref<1x16x128xf32, #tpu.memory_space<hbm>>
        %dma_start3A_108 = tpu.memref_squeeze %dma_start3A_107 : memref<1x16x128xf32, #tpu.memory_space<hbm>> -> memref<16x128xf32, #tpu.memory_space<hbm>>
        %dma_start3A_109 = arith.constant 9984 : i32
        %dma_start3A_110 = arith.constant 0 : i32
        %dma_start3A_111 = tpu.memref_slice %arg5[%arg0, %dma_start3A_109, %dma_start3A_110] : memref<2x10000x128xf32, #tpu.memory_space<hbm>> -> memref<1x16x128xf32, #tpu.memory_space<hbm>>
        %dma_start3A_112 = tpu.memref_squeeze %dma_start3A_111 : memref<1x16x128xf32, #tpu.memory_space<hbm>> -> memref<16x128xf32, #tpu.memory_space<hbm>>
        %dma_start3A_113 = arith.constant 0 : i32
        %dma_start3A_114 = arith.constant 0 : i32
        %dma_start3A_115 = tpu.memref_slice %arg7[%run_scoped3A_100, %dma_start3A_113, %dma_start3A_114] : memref<3x64x128xf32, #tpu.memory_space<vmem>> -> memref<1x16x128xf32, #tpu.memory_space<vmem>>
        %dma_start3A_116 = tpu.memref_squeeze %dma_start3A_115 : memref<1x16x128xf32, #tpu.memory_space<vmem>> -> memref<16x128xf32, #tpu.memory_space<vmem>>
        tpu.enqueue_dma source(%dma_start3A_116 : memref<16x128xf32, #tpu.memory_space<vmem>>) target(%dma_start3A_112 : memref<16x128xf32, #tpu.memory_space<hbm>>) target_semaphore(%run_scoped3A_101 : memref<!tpu.dma_semaphore, #tpu.memory_space<semaphore_mem>>)
        %dma_wait3A = arith.constant 0 : i32
        %dma_wait3A_117 = arith.constant 0 : i32
        %dma_wait3A_118 = tpu.memref_slice %arg7[%run_scoped3A_100, %dma_wait3A, %dma_wait3A_117] : memref<3x64x128xf32, #tpu.memory_space<vmem>> -> memref<1x16x128xf32, #tpu.memory_space<vmem>>
        %dma_wait3A_119 = tpu.memref_squeeze %dma_wait3A_118 : memref<1x16x128xf32, #tpu.memory_space<vmem>> -> memref<16x128xf32, #tpu.memory_space<vmem>>
        %dma_wait3A_120 = arith.constant 9984 : i32
        %dma_wait3A_121 = arith.constant 0 : i32
        %dma_wait3A_122 = tpu.memref_slice %arg5[%arg0, %dma_wait3A_120, %dma_wait3A_121] : memref<2x10000x128xf32, #tpu.memory_space<hbm>> -> memref<1x16x128xf32, #tpu.memory_space<hbm>>
        %dma_wait3A_123 = tpu.memref_squeeze %dma_wait3A_122 : memref<1x16x128xf32, #tpu.memory_space<hbm>> -> memref<16x128xf32, #tpu.memory_space<hbm>>
        %dma_wait3A_124 = arith.constant 9984 : i32
        %dma_wait3A_125 = arith.constant 0 : i32
        %dma_wait3A_126 = tpu.memref_slice %arg5[%arg0, %dma_wait3A_124, %dma_wait3A_125] : memref<2x10000x128xf32, #tpu.memory_space<hbm>> -> memref<1x16x128xf32, #tpu.memory_space<hbm>>
        %dma_wait3A_127 = tpu.memref_squeeze %dma_wait3A_126 : memref<1x16x128xf32, #tpu.memory_space<hbm>> -> memref<16x128xf32, #tpu.memory_space<hbm>>
        %dma_wait3A_128 = arith.constant 0 : i32
        %dma_wait3A_129 = arith.constant 0 : i32
        %dma_wait3A_130 = tpu.memref_slice %arg7[%run_scoped3A_100, %dma_wait3A_128, %dma_wait3A_129] : memref<3x64x128xf32, #tpu.memory_space<vmem>> -> memref<1x16x128xf32, #tpu.memory_space<vmem>>
        %dma_wait3A_131 = tpu.memref_squeeze %dma_wait3A_130 : memref<1x16x128xf32, #tpu.memory_space<vmem>> -> memref<16x128xf32, #tpu.memory_space<vmem>>
        tpu.wait_dma2 semaphore(%run_scoped3A_101 : memref<!tpu.dma_semaphore, #tpu.memory_space<semaphore_mem>>) src(%dma_wait3A_131 : memref<16x128xf32, #tpu.memory_space<vmem>>) dst(%dma_wait3A_127 : memref<16x128xf32, #tpu.memory_space<hbm>>)
        tpu.yield
      }) : () -> ()
    } else {
    }
    return
  }
}

#map = affine_map<(d0, d1) -> (0, 0)>
module attributes {stable_mosaic.version = 14 : i64} {
  func.func @_gather_k(%arg0: i32, %arg1: i32, %arg2: memref<10000x128xf32, #tpu.memory_space<hbm>>, %arg3: memref<2500x128xi32, #tpu.memory_space<hbm>>, %arg4: memref<320000x128xf32, #tpu.memory_space<hbm>>, %arg5: memref<79x128xi32, #tpu.memory_space<vmem>>, %arg6: memref<6x128x128xf32, #tpu.memory_space<vmem>>, %arg7: memref<!tpu.dma_semaphore, #tpu.memory_space<semaphore_mem>>, %arg8: memref<6x!tpu.dma_semaphore, #tpu.memory_space<semaphore_mem>>, %arg9: memref<6x!tpu.dma_semaphore, #tpu.memory_space<semaphore_mem>>) attributes {dimension_semantics = [#tpu.dimension_semantics<core_parallel>, #tpu.dimension_semantics<subcore_parallel>], iteration_bounds = array<i64: 2, 16>, scalar_prefetch = 0 : i64, scratch_operands = 5 : i64, tpu.core_type = #tpu.core_type<sc_vector_subcore>, window_params = [{transform_indices = #map}, {transform_indices = #map}, {transform_indices = #map}]} {
    %mul3A = arith.constant 2 : i32
    %mul3A_0 = arith.muli %arg1, %mul3A : i32
    %add3A = arith.addi %mul3A_0, %arg0 : i32
    %scan3A = arith.constant 0 : i32
    %scan3A_1 = arith.constant 79 : i32
    %scan3A_2 = arith.addi %scan3A, %scan3A_1 : i32
    %scan3A_3 = arith.constant 1 : i32
    scf.for %scan3A_128 = %scan3A to %scan3A_2 step %scan3A_3  : i32 {
      %mul3A_129 = arith.constant 1 : i32
      %mul3A_130 = arith.muli %scan3A_128, %mul3A_129 : i32
      %add3A_131 = arith.constant 0 : i32
      %add3A_132 = arith.addi %add3A_131, %mul3A_130 : i32
      %mul3A_133 = arith.constant 32 : i32
      %mul3A_134 = arith.muli %mul3A_133, %add3A_132 : i32
      %add3A_135 = arith.addi %add3A, %mul3A_134 : i32
      %lt3A_136 = arith.constant 2500 : i32
      %lt3A_137 = arith.cmpi slt, %add3A_135, %lt3A_136 : i32
      %convert_element_type3A_138 = arith.extui %lt3A_137 : i1 to i32
      %cond3A_139 = arith.constant 0 : i32
      %cond3A_140 = arith.cmpi ne, %convert_element_type3A_138, %cond3A_139 : i32
      scf.if %cond3A_140 {
        %dma_start3A = arith.constant 0 : i32
        %dma_start3A_141 = tpu.memref_slice %arg5[%add3A_132, %dma_start3A] : memref<79x128xi32, #tpu.memory_space<vmem>> -> memref<1x128xi32, #tpu.memory_space<vmem>>
        %dma_start3A_142 = tpu.memref_squeeze %dma_start3A_141 : memref<1x128xi32, #tpu.memory_space<vmem>> -> memref<128xi32, #tpu.memory_space<vmem>>
        %dma_start3A_143 = arith.constant 0 : i32
        %dma_start3A_144 = tpu.memref_slice %arg3[%add3A_135, %dma_start3A_143] : memref<2500x128xi32, #tpu.memory_space<hbm>> -> memref<1x128xi32, #tpu.memory_space<hbm>>
        %dma_start3A_145 = tpu.memref_squeeze %dma_start3A_144 : memref<1x128xi32, #tpu.memory_space<hbm>> -> memref<128xi32, #tpu.memory_space<hbm>>
        %dma_start3A_146 = arith.constant 0 : i32
        %dma_start3A_147 = tpu.memref_slice %arg5[%add3A_132, %dma_start3A_146] : memref<79x128xi32, #tpu.memory_space<vmem>> -> memref<1x128xi32, #tpu.memory_space<vmem>>
        %dma_start3A_148 = tpu.memref_squeeze %dma_start3A_147 : memref<1x128xi32, #tpu.memory_space<vmem>> -> memref<128xi32, #tpu.memory_space<vmem>>
        %dma_start3A_149 = arith.constant 0 : i32
        %dma_start3A_150 = tpu.memref_slice %arg3[%add3A_135, %dma_start3A_149] : memref<2500x128xi32, #tpu.memory_space<hbm>> -> memref<1x128xi32, #tpu.memory_space<hbm>>
        %dma_start3A_151 = tpu.memref_squeeze %dma_start3A_150 : memref<1x128xi32, #tpu.memory_space<hbm>> -> memref<128xi32, #tpu.memory_space<hbm>>
        tpu.enqueue_dma source(%dma_start3A_151 : memref<128xi32, #tpu.memory_space<hbm>>) target(%dma_start3A_148 : memref<128xi32, #tpu.memory_space<vmem>>) target_semaphore(%arg7 : memref<!tpu.dma_semaphore, #tpu.memory_space<semaphore_mem>>)
      } else {
      }
    }
    %scan3A_4 = arith.constant 79 : i32
    %scan3A_5 = arith.constant 0 : i32
    %scan3A_6 = arith.constant 79 : i32
    %scan3A_7 = arith.addi %scan3A_5, %scan3A_6 : i32
    %scan3A_8 = arith.constant 1 : i32
    scf.for %scan3A_128 = %scan3A_5 to %scan3A_7 step %scan3A_8  : i32 {
      %mul3A_129 = arith.constant 1 : i32
      %mul3A_130 = arith.muli %scan3A_128, %mul3A_129 : i32
      %add3A_131 = arith.constant 0 : i32
      %add3A_132 = arith.addi %add3A_131, %mul3A_130 : i32
      %mul3A_133 = arith.constant 32 : i32
      %mul3A_134 = arith.muli %mul3A_133, %add3A_132 : i32
      %add3A_135 = arith.addi %add3A, %mul3A_134 : i32
      %lt3A_136 = arith.constant 2500 : i32
      %lt3A_137 = arith.cmpi slt, %add3A_135, %lt3A_136 : i32
      %convert_element_type3A_138 = arith.extui %lt3A_137 : i1 to i32
      %cond3A_139 = arith.constant 0 : i32
      %cond3A_140 = arith.cmpi ne, %convert_element_type3A_138, %cond3A_139 : i32
      scf.if %cond3A_140 {
        %dma_wait3A = arith.constant 0 : i32
        %dma_wait3A_141 = tpu.memref_slice %arg5[%add3A_132, %dma_wait3A] : memref<79x128xi32, #tpu.memory_space<vmem>> -> memref<1x128xi32, #tpu.memory_space<vmem>>
        %dma_wait3A_142 = tpu.memref_squeeze %dma_wait3A_141 : memref<1x128xi32, #tpu.memory_space<vmem>> -> memref<128xi32, #tpu.memory_space<vmem>>
        %dma_wait3A_143 = arith.constant 0 : i32
        %dma_wait3A_144 = tpu.memref_slice %arg3[%add3A_135, %dma_wait3A_143] : memref<2500x128xi32, #tpu.memory_space<hbm>> -> memref<1x128xi32, #tpu.memory_space<hbm>>
        %dma_wait3A_145 = tpu.memref_squeeze %dma_wait3A_144 : memref<1x128xi32, #tpu.memory_space<hbm>> -> memref<128xi32, #tpu.memory_space<hbm>>
        %dma_wait3A_146 = arith.constant 0 : i32
        %dma_wait3A_147 = tpu.memref_slice %arg5[%add3A_132, %dma_wait3A_146] : memref<79x128xi32, #tpu.memory_space<vmem>> -> memref<1x128xi32, #tpu.memory_space<vmem>>
        %dma_wait3A_148 = tpu.memref_squeeze %dma_wait3A_147 : memref<1x128xi32, #tpu.memory_space<vmem>> -> memref<128xi32, #tpu.memory_space<vmem>>
        %dma_wait3A_149 = arith.constant 0 : i32
        %dma_wait3A_150 = tpu.memref_slice %arg3[%add3A_135, %dma_wait3A_149] : memref<2500x128xi32, #tpu.memory_space<hbm>> -> memref<1x128xi32, #tpu.memory_space<hbm>>
        %dma_wait3A_151 = tpu.memref_squeeze %dma_wait3A_150 : memref<1x128xi32, #tpu.memory_space<hbm>> -> memref<128xi32, #tpu.memory_space<hbm>>
        tpu.wait_dma2 semaphore(%arg7 : memref<!tpu.dma_semaphore, #tpu.memory_space<semaphore_mem>>) src(%dma_wait3A_151 : memref<128xi32, #tpu.memory_space<hbm>>) dst(%dma_wait3A_148 : memref<128xi32, #tpu.memory_space<vmem>>)
      } else {
      }
    }
    %scan3A_9 = arith.constant 79 : i32
    %add3A_10 = arith.constant 0 : i32
    %add3A_11 = arith.addi %add3A, %add3A_10 : i32
    %lt3A = arith.constant 2500 : i32
    %lt3A_12 = arith.cmpi slt, %add3A_11, %lt3A : i32
    %convert_element_type3A = arith.extui %lt3A_12 : i1 to i32
    %cond3A = arith.constant 0 : i32
    %cond3A_13 = arith.cmpi ne, %convert_element_type3A, %cond3A : i32
    scf.if %cond3A_13 {
      %dma_start3A = arith.constant 0 : i32
      %dma_start3A_128 = arith.constant 0 : i32
      %dma_start3A_129 = arith.constant 0 : i32
      %dma_start3A_130 = arith.constant 0 : i32
      %dma_start3A_131 = arith.constant 0 : i32
      %dma_start3A_132 = tpu.memref_slice %arg6[%dma_start3A_128, %dma_start3A_130, %dma_start3A_131] : memref<6x128x128xf32, #tpu.memory_space<vmem>> -> memref<1x128x128xf32, #tpu.memory_space<vmem>>
      %dma_start3A_133 = tpu.memref_squeeze %dma_start3A_132 : memref<1x128x128xf32, #tpu.memory_space<vmem>> -> memref<128x128xf32, #tpu.memory_space<vmem>>
      %dma_start3A_134 = arith.constant 0 : i32
      %dma_start3A_135 = tpu.memref_slice %arg5[%dma_start3A, %dma_start3A_134] : memref<79x128xi32, #tpu.memory_space<vmem>> -> memref<1x128xi32, #tpu.memory_space<vmem>>
      %dma_start3A_136 = tpu.memref_squeeze %dma_start3A_135 : memref<1x128xi32, #tpu.memory_space<vmem>> -> memref<128xi32, #tpu.memory_space<vmem>>
      %dma_start3A_137 = arith.constant 0 : i32
      %dma_start3A_138 = arith.constant 0 : i32
      %dma_start3A_139 = tpu.memref_slice %arg2[%dma_start3A_137, %dma_start3A_138] : memref<10000x128xf32, #tpu.memory_space<hbm>> -> memref<10000x128xf32, #tpu.memory_space<hbm>>
      %dma_start3A_140 = tpu.memref_slice %arg8[%dma_start3A_129] : memref<6x!tpu.dma_semaphore, #tpu.memory_space<semaphore_mem>> -> memref<1x!tpu.dma_semaphore, #tpu.memory_space<semaphore_mem>>
      %dma_start3A_141 = tpu.memref_squeeze %dma_start3A_140 : memref<1x!tpu.dma_semaphore, #tpu.memory_space<semaphore_mem>> -> memref<!tpu.dma_semaphore, #tpu.memory_space<semaphore_mem>>
      tpu.enqueue_indirect_dma source(%dma_start3A_139 : memref<10000x128xf32, #tpu.memory_space<hbm>>) target(%dma_start3A_133 : memref<128x128xf32, #tpu.memory_space<vmem>>) offsets(%dma_start3A_136 : memref<128xi32, #tpu.memory_space<vmem>>) semaphore(%dma_start3A_141 : memref<!tpu.dma_semaphore, #tpu.memory_space<semaphore_mem>>)
    } else {
    }
    %add3A_14 = arith.constant 32 : i32
    %add3A_15 = arith.addi %add3A, %add3A_14 : i32
    %lt3A_16 = arith.constant 2500 : i32
    %lt3A_17 = arith.cmpi slt, %add3A_15, %lt3A_16 : i32
    %convert_element_type3A_18 = arith.extui %lt3A_17 : i1 to i32
    %cond3A_19 = arith.constant 0 : i32
    %cond3A_20 = arith.cmpi ne, %convert_element_type3A_18, %cond3A_19 : i32
    scf.if %cond3A_20 {
      %dma_start3A = arith.constant 1 : i32
      %dma_start3A_128 = arith.constant 1 : i32
      %dma_start3A_129 = arith.constant 1 : i32
      %dma_start3A_130 = arith.constant 0 : i32
      %dma_start3A_131 = arith.constant 0 : i32
      %dma_start3A_132 = tpu.memref_slice %arg6[%dma_start3A_128, %dma_start3A_130, %dma_start3A_131] : memref<6x128x128xf32, #tpu.memory_space<vmem>> -> memref<1x128x128xf32, #tpu.memory_space<vmem>>
      %dma_start3A_133 = tpu.memref_squeeze %dma_start3A_132 : memref<1x128x128xf32, #tpu.memory_space<vmem>> -> memref<128x128xf32, #tpu.memory_space<vmem>>
      %dma_start3A_134 = arith.constant 0 : i32
      %dma_start3A_135 = tpu.memref_slice %arg5[%dma_start3A, %dma_start3A_134] : memref<79x128xi32, #tpu.memory_space<vmem>> -> memref<1x128xi32, #tpu.memory_space<vmem>>
      %dma_start3A_136 = tpu.memref_squeeze %dma_start3A_135 : memref<1x128xi32, #tpu.memory_space<vmem>> -> memref<128xi32, #tpu.memory_space<vmem>>
      %dma_start3A_137 = arith.constant 0 : i32
      %dma_start3A_138 = arith.constant 0 : i32
      %dma_start3A_139 = tpu.memref_slice %arg2[%dma_start3A_137, %dma_start3A_138] : memref<10000x128xf32, #tpu.memory_space<hbm>> -> memref<10000x128xf32, #tpu.memory_space<hbm>>
      %dma_start3A_140 = tpu.memref_slice %arg8[%dma_start3A_129] : memref<6x!tpu.dma_semaphore, #tpu.memory_space<semaphore_mem>> -> memref<1x!tpu.dma_semaphore, #tpu.memory_space<semaphore_mem>>
      %dma_start3A_141 = tpu.memref_squeeze %dma_start3A_140 : memref<1x!tpu.dma_semaphore, #tpu.memory_space<semaphore_mem>> -> memref<!tpu.dma_semaphore, #tpu.memory_space<semaphore_mem>>
      tpu.enqueue_indirect_dma source(%dma_start3A_139 : memref<10000x128xf32, #tpu.memory_space<hbm>>) target(%dma_start3A_133 : memref<128x128xf32, #tpu.memory_space<vmem>>) offsets(%dma_start3A_136 : memref<128xi32, #tpu.memory_space<vmem>>) semaphore(%dma_start3A_141 : memref<!tpu.dma_semaphore, #tpu.memory_space<semaphore_mem>>)
    } else {
    }
    %add3A_21 = arith.constant 64 : i32
    %add3A_22 = arith.addi %add3A, %add3A_21 : i32
    %lt3A_23 = arith.constant 2500 : i32
    %lt3A_24 = arith.cmpi slt, %add3A_22, %lt3A_23 : i32
    %convert_element_type3A_25 = arith.extui %lt3A_24 : i1 to i32
    %cond3A_26 = arith.constant 0 : i32
    %cond3A_27 = arith.cmpi ne, %convert_element_type3A_25, %cond3A_26 : i32
    scf.if %cond3A_27 {
      %dma_start3A = arith.constant 2 : i32
      %dma_start3A_128 = arith.constant 2 : i32
      %dma_start3A_129 = arith.constant 2 : i32
      %dma_start3A_130 = arith.constant 0 : i32
      %dma_start3A_131 = arith.constant 0 : i32
      %dma_start3A_132 = tpu.memref_slice %arg6[%dma_start3A_128, %dma_start3A_130, %dma_start3A_131] : memref<6x128x128xf32, #tpu.memory_space<vmem>> -> memref<1x128x128xf32, #tpu.memory_space<vmem>>
      %dma_start3A_133 = tpu.memref_squeeze %dma_start3A_132 : memref<1x128x128xf32, #tpu.memory_space<vmem>> -> memref<128x128xf32, #tpu.memory_space<vmem>>
      %dma_start3A_134 = arith.constant 0 : i32
      %dma_start3A_135 = tpu.memref_slice %arg5[%dma_start3A, %dma_start3A_134] : memref<79x128xi32, #tpu.memory_space<vmem>> -> memref<1x128xi32, #tpu.memory_space<vmem>>
      %dma_start3A_136 = tpu.memref_squeeze %dma_start3A_135 : memref<1x128xi32, #tpu.memory_space<vmem>> -> memref<128xi32, #tpu.memory_space<vmem>>
      %dma_start3A_137 = arith.constant 0 : i32
      %dma_start3A_138 = arith.constant 0 : i32
      %dma_start3A_139 = tpu.memref_slice %arg2[%dma_start3A_137, %dma_start3A_138] : memref<10000x128xf32, #tpu.memory_space<hbm>> -> memref<10000x128xf32, #tpu.memory_space<hbm>>
      %dma_start3A_140 = tpu.memref_slice %arg8[%dma_start3A_129] : memref<6x!tpu.dma_semaphore, #tpu.memory_space<semaphore_mem>> -> memref<1x!tpu.dma_semaphore, #tpu.memory_space<semaphore_mem>>
      %dma_start3A_141 = tpu.memref_squeeze %dma_start3A_140 : memref<1x!tpu.dma_semaphore, #tpu.memory_space<semaphore_mem>> -> memref<!tpu.dma_semaphore, #tpu.memory_space<semaphore_mem>>
      tpu.enqueue_indirect_dma source(%dma_start3A_139 : memref<10000x128xf32, #tpu.memory_space<hbm>>) target(%dma_start3A_133 : memref<128x128xf32, #tpu.memory_space<vmem>>) offsets(%dma_start3A_136 : memref<128xi32, #tpu.memory_space<vmem>>) semaphore(%dma_start3A_141 : memref<!tpu.dma_semaphore, #tpu.memory_space<semaphore_mem>>)
    } else {
    }
    %scan3A_28 = arith.constant 0 : i32
    %scan3A_29 = arith.constant 14 : i32
    %scan3A_30 = arith.addi %scan3A_28, %scan3A_29 : i32
    %scan3A_31 = arith.constant 1 : i32
    scf.for %scan3A_128 = %scan3A_28 to %scan3A_30 step %scan3A_31  : i32 {
      %mul3A_129 = arith.constant 1 : i32
      %mul3A_130 = arith.muli %scan3A_128, %mul3A_129 : i32
      %add3A_131 = arith.constant 0 : i32
      %add3A_132 = arith.addi %add3A_131, %mul3A_130 : i32
      %mul3A_133 = arith.constant 6 : i32
      %mul3A_134 = arith.muli %add3A_132, %mul3A_133 : i32
      %add3A_135 = arith.constant 0 : i32
      %add3A_136 = arith.addi %mul3A_134, %add3A_135 : i32
      %mul3A_137 = arith.constant 32 : i32
      %mul3A_138 = arith.muli %mul3A_137, %add3A_136 : i32
      %add3A_139 = arith.addi %add3A, %mul3A_138 : i32
      %add3A_140 = arith.constant 3 : i32
      %add3A_141 = arith.addi %add3A_136, %add3A_140 : i32
      %mul3A_142 = arith.constant 32 : i32
      %mul3A_143 = arith.muli %mul3A_142, %add3A_141 : i32
      %add3A_144 = arith.addi %add3A, %mul3A_143 : i32
      %lt3A_145 = arith.constant 79 : i32
      %lt3A_146 = arith.cmpi slt, %add3A_141, %lt3A_145 : i32
      %lt3A_147 = arith.constant 2500 : i32
      %lt3A_148 = arith.cmpi slt, %add3A_144, %lt3A_147 : i32
      %and3A_149 = arith.andi %lt3A_146, %lt3A_148 : i1
      %convert_element_type3A_150 = arith.extui %and3A_149 : i1 to i32
      %cond3A_151 = arith.constant 0 : i32
      %cond3A_152 = arith.cmpi ne, %convert_element_type3A_150, %cond3A_151 : i32
      scf.if %cond3A_152 {
        %ge3A_291 = arith.constant 6 : i32
        %ge3A_292 = arith.cmpi sge, %add3A_141, %ge3A_291 : i32
        %convert_element_type3A_293 = arith.extui %ge3A_292 : i1 to i32
        %cond3A_294 = arith.constant 0 : i32
        %cond3A_295 = arith.cmpi ne, %convert_element_type3A_293, %cond3A_294 : i32
        scf.if %cond3A_295 {
          %sub3A = arith.constant 6 : i32
          %sub3A_309 = arith.subi %add3A_141, %sub3A : i32
          %mul3A_310 = arith.constant 32 : i32
          %mul3A_311 = arith.muli %mul3A_310, %sub3A_309 : i32
          %add3A_312 = arith.addi %add3A, %mul3A_311 : i32
          %mul3A_313 = arith.constant 128 : i32
          %mul3A_314 = arith.muli %add3A_312, %mul3A_313 : i32
          %dma_wait3A = arith.constant 3 : i32
          %dma_wait3A_315 = arith.constant 3 : i32
          %dma_wait3A_316 = arith.constant 0 : i32
          %dma_wait3A_317 = arith.constant 0 : i32
          %dma_wait3A_318 = tpu.memref_slice %arg6[%dma_wait3A, %dma_wait3A_316, %dma_wait3A_317] : memref<6x128x128xf32, #tpu.memory_space<vmem>> -> memref<1x128x128xf32, #tpu.memory_space<vmem>>
          %dma_wait3A_319 = tpu.memref_squeeze %dma_wait3A_318 : memref<1x128x128xf32, #tpu.memory_space<vmem>> -> memref<128x128xf32, #tpu.memory_space<vmem>>
          %dma_wait3A_320 = arith.constant 0 : i32
          %dma_wait3A_321 = tpu.memref_slice %arg4[%mul3A_314, %dma_wait3A_320] : memref<320000x128xf32, #tpu.memory_space<hbm>> -> memref<128x128xf32, #tpu.memory_space<hbm>>
          %dma_wait3A_322 = tpu.memref_slice %arg9[%dma_wait3A_315] : memref<6x!tpu.dma_semaphore, #tpu.memory_space<semaphore_mem>> -> memref<1x!tpu.dma_semaphore, #tpu.memory_space<semaphore_mem>>
          %dma_wait3A_323 = tpu.memref_squeeze %dma_wait3A_322 : memref<1x!tpu.dma_semaphore, #tpu.memory_space<semaphore_mem>> -> memref<!tpu.dma_semaphore, #tpu.memory_space<semaphore_mem>>
          %dma_wait3A_324 = arith.constant 0 : i32
          %dma_wait3A_325 = tpu.memref_slice %arg4[%mul3A_314, %dma_wait3A_324] : memref<320000x128xf32, #tpu.memory_space<hbm>> -> memref<128x128xf32, #tpu.memory_space<hbm>>
          %dma_wait3A_326 = arith.constant 0 : i32
          %dma_wait3A_327 = arith.constant 0 : i32
          %dma_wait3A_328 = tpu.memref_slice %arg6[%dma_wait3A, %dma_wait3A_326, %dma_wait3A_327] : memref<6x128x128xf32, #tpu.memory_space<vmem>> -> memref<1x128x128xf32, #tpu.memory_space<vmem>>
          %dma_wait3A_329 = tpu.memref_squeeze %dma_wait3A_328 : memref<1x128x128xf32, #tpu.memory_space<vmem>> -> memref<128x128xf32, #tpu.memory_space<vmem>>
          tpu.wait_dma2 semaphore(%dma_wait3A_323 : memref<!tpu.dma_semaphore, #tpu.memory_space<semaphore_mem>>) src(%dma_wait3A_329 : memref<128x128xf32, #tpu.memory_space<vmem>>) dst(%dma_wait3A_325 : memref<128x128xf32, #tpu.memory_space<hbm>>)
        } else {
        }
        %dma_start3A = arith.constant 3 : i32
        %dma_start3A_296 = arith.constant 3 : i32
        %dma_start3A_297 = arith.constant 0 : i32
        %dma_start3A_298 = arith.constant 0 : i32
        %dma_start3A_299 = tpu.memref_slice %arg6[%dma_start3A, %dma_start3A_297, %dma_start3A_298] : memref<6x128x128xf32, #tpu.memory_space<vmem>> -> memref<1x128x128xf32, #tpu.memory_space<vmem>>
        %dma_start3A_300 = tpu.memref_squeeze %dma_start3A_299 : memref<1x128x128xf32, #tpu.memory_space<vmem>> -> memref<128x128xf32, #tpu.memory_space<vmem>>
        %dma_start3A_301 = arith.constant 0 : i32
        %dma_start3A_302 = tpu.memref_slice %arg5[%add3A_141, %dma_start3A_301] : memref<79x128xi32, #tpu.memory_space<vmem>> -> memref<1x128xi32, #tpu.memory_space<vmem>>
        %dma_start3A_303 = tpu.memref_squeeze %dma_start3A_302 : memref<1x128xi32, #tpu.memory_space<vmem>> -> memref<128xi32, #tpu.memory_space<vmem>>
        %dma_start3A_304 = arith.constant 0 : i32
        %dma_start3A_305 = arith.constant 0 : i32
        %dma_start3A_306 = tpu.memref_slice %arg2[%dma_start3A_304, %dma_start3A_305] : memref<10000x128xf32, #tpu.memory_space<hbm>> -> memref<10000x128xf32, #tpu.memory_space<hbm>>
        %dma_start3A_307 = tpu.memref_slice %arg8[%dma_start3A_296] : memref<6x!tpu.dma_semaphore, #tpu.memory_space<semaphore_mem>> -> memref<1x!tpu.dma_semaphore, #tpu.memory_space<semaphore_mem>>
        %dma_start3A_308 = tpu.memref_squeeze %dma_start3A_307 : memref<1x!tpu.dma_semaphore, #tpu.memory_space<semaphore_mem>> -> memref<!tpu.dma_semaphore, #tpu.memory_space<semaphore_mem>>
        tpu.enqueue_indirect_dma source(%dma_start3A_306 : memref<10000x128xf32, #tpu.memory_space<hbm>>) target(%dma_start3A_300 : memref<128x128xf32, #tpu.memory_space<vmem>>) offsets(%dma_start3A_303 : memref<128xi32, #tpu.memory_space<vmem>>) semaphore(%dma_start3A_308 : memref<!tpu.dma_semaphore, #tpu.memory_space<semaphore_mem>>)
      } else {
      }
      %lt3A_153 = arith.constant 79 : i32
      %lt3A_154 = arith.cmpi slt, %add3A_136, %lt3A_153 : i32
      %lt3A_155 = arith.constant 2500 : i32
      %lt3A_156 = arith.cmpi slt, %add3A_139, %lt3A_155 : i32
      %and3A_157 = arith.andi %lt3A_154, %lt3A_156 : i1
      %convert_element_type3A_158 = arith.extui %and3A_157 : i1 to i32
      %cond3A_159 = arith.constant 0 : i32
      %cond3A_160 = arith.cmpi ne, %convert_element_type3A_158, %cond3A_159 : i32
      scf.if %cond3A_160 {
        %dma_wait3A = arith.constant 0 : i32
        %dma_wait3A_291 = arith.constant 0 : i32
        %dma_wait3A_292 = arith.constant 0 : i32
        %dma_wait3A_293 = arith.constant 0 : i32
        %dma_wait3A_294 = tpu.memref_slice %arg6[%dma_wait3A, %dma_wait3A_292, %dma_wait3A_293] : memref<6x128x128xf32, #tpu.memory_space<vmem>> -> memref<1x128x128xf32, #tpu.memory_space<vmem>>
        %dma_wait3A_295 = tpu.memref_squeeze %dma_wait3A_294 : memref<1x128x128xf32, #tpu.memory_space<vmem>> -> memref<128x128xf32, #tpu.memory_space<vmem>>
        %dma_wait3A_296 = arith.constant 0 : i32
        %dma_wait3A_297 = tpu.memref_slice %arg5[%add3A_136, %dma_wait3A_296] : memref<79x128xi32, #tpu.memory_space<vmem>> -> memref<1x128xi32, #tpu.memory_space<vmem>>
        %dma_wait3A_298 = tpu.memref_squeeze %dma_wait3A_297 : memref<1x128xi32, #tpu.memory_space<vmem>> -> memref<128xi32, #tpu.memory_space<vmem>>
        %dma_wait3A_299 = arith.constant 0 : i32
        %dma_wait3A_300 = arith.constant 0 : i32
        %dma_wait3A_301 = tpu.memref_slice %arg2[%dma_wait3A_299, %dma_wait3A_300] : memref<10000x128xf32, #tpu.memory_space<hbm>> -> memref<10000x128xf32, #tpu.memory_space<hbm>>
        %dma_wait3A_302 = tpu.memref_slice %arg8[%dma_wait3A_291] : memref<6x!tpu.dma_semaphore, #tpu.memory_space<semaphore_mem>> -> memref<1x!tpu.dma_semaphore, #tpu.memory_space<semaphore_mem>>
        %dma_wait3A_303 = tpu.memref_squeeze %dma_wait3A_302 : memref<1x!tpu.dma_semaphore, #tpu.memory_space<semaphore_mem>> -> memref<!tpu.dma_semaphore, #tpu.memory_space<semaphore_mem>>
        tpu.wait_indirect_dma semaphore(%dma_wait3A_303 : memref<!tpu.dma_semaphore, #tpu.memory_space<semaphore_mem>>) src(%dma_wait3A_301 : memref<10000x128xf32, #tpu.memory_space<hbm>>) dst(%dma_wait3A_295 : memref<128x128xf32, #tpu.memory_space<vmem>>)
        %mul3A_304 = arith.constant 128 : i32
        %mul3A_305 = arith.muli %add3A_139, %mul3A_304 : i32
        %dma_start3A = arith.constant 0 : i32
        %dma_start3A_306 = arith.constant 0 : i32
        %dma_start3A_307 = arith.constant 0 : i32
        %dma_start3A_308 = arith.constant 0 : i32
        %dma_start3A_309 = tpu.memref_slice %arg6[%dma_start3A, %dma_start3A_307, %dma_start3A_308] : memref<6x128x128xf32, #tpu.memory_space<vmem>> -> memref<1x128x128xf32, #tpu.memory_space<vmem>>
        %dma_start3A_310 = tpu.memref_squeeze %dma_start3A_309 : memref<1x128x128xf32, #tpu.memory_space<vmem>> -> memref<128x128xf32, #tpu.memory_space<vmem>>
        %dma_start3A_311 = arith.constant 0 : i32
        %dma_start3A_312 = tpu.memref_slice %arg4[%mul3A_305, %dma_start3A_311] : memref<320000x128xf32, #tpu.memory_space<hbm>> -> memref<128x128xf32, #tpu.memory_space<hbm>>
        %dma_start3A_313 = tpu.memref_slice %arg9[%dma_start3A_306] : memref<6x!tpu.dma_semaphore, #tpu.memory_space<semaphore_mem>> -> memref<1x!tpu.dma_semaphore, #tpu.memory_space<semaphore_mem>>
        %dma_start3A_314 = tpu.memref_squeeze %dma_start3A_313 : memref<1x!tpu.dma_semaphore, #tpu.memory_space<semaphore_mem>> -> memref<!tpu.dma_semaphore, #tpu.memory_space<semaphore_mem>>
        %dma_start3A_315 = arith.constant 0 : i32
        %dma_start3A_316 = tpu.memref_slice %arg4[%mul3A_305, %dma_start3A_315] : memref<320000x128xf32, #tpu.memory_space<hbm>> -> memref<128x128xf32, #tpu.memory_space<hbm>>
        %dma_start3A_317 = arith.constant 0 : i32
        %dma_start3A_318 = arith.constant 0 : i32
        %dma_start3A_319 = tpu.memref_slice %arg6[%dma_start3A, %dma_start3A_317, %dma_start3A_318] : memref<6x128x128xf32, #tpu.memory_space<vmem>> -> memref<1x128x128xf32, #tpu.memory_space<vmem>>
        %dma_start3A_320 = tpu.memref_squeeze %dma_start3A_319 : memref<1x128x128xf32, #tpu.memory_space<vmem>> -> memref<128x128xf32, #tpu.memory_space<vmem>>
        tpu.enqueue_dma source(%dma_start3A_320 : memref<128x128xf32, #tpu.memory_space<vmem>>) target(%dma_start3A_316 : memref<128x128xf32, #tpu.memory_space<hbm>>) target_semaphore(%dma_start3A_314 : memref<!tpu.dma_semaphore, #tpu.memory_space<semaphore_mem>>)
      } else {
      }
      %add3A_161 = arith.constant 1 : i32
      %add3A_162 = arith.addi %mul3A_134, %add3A_161 : i32
      %mul3A_163 = arith.constant 32 : i32
      %mul3A_164 = arith.muli %mul3A_163, %add3A_162 : i32
      %add3A_165 = arith.addi %add3A, %mul3A_164 : i32
      %add3A_166 = arith.constant 3 : i32
      %add3A_167 = arith.addi %add3A_162, %add3A_166 : i32
      %mul3A_168 = arith.constant 32 : i32
      %mul3A_169 = arith.muli %mul3A_168, %add3A_167 : i32
      %add3A_170 = arith.addi %add3A, %mul3A_169 : i32
      %lt3A_171 = arith.constant 79 : i32
      %lt3A_172 = arith.cmpi slt, %add3A_167, %lt3A_171 : i32
      %lt3A_173 = arith.constant 2500 : i32
      %lt3A_174 = arith.cmpi slt, %add3A_170, %lt3A_173 : i32
      %and3A_175 = arith.andi %lt3A_172, %lt3A_174 : i1
      %convert_element_type3A_176 = arith.extui %and3A_175 : i1 to i32
      %cond3A_177 = arith.constant 0 : i32
      %cond3A_178 = arith.cmpi ne, %convert_element_type3A_176, %cond3A_177 : i32
      scf.if %cond3A_178 {
        %ge3A_291 = arith.constant 6 : i32
        %ge3A_292 = arith.cmpi sge, %add3A_167, %ge3A_291 : i32
        %convert_element_type3A_293 = arith.extui %ge3A_292 : i1 to i32
        %cond3A_294 = arith.constant 0 : i32
        %cond3A_295 = arith.cmpi ne, %convert_element_type3A_293, %cond3A_294 : i32
        scf.if %cond3A_295 {
          %sub3A = arith.constant 6 : i32
          %sub3A_309 = arith.subi %add3A_167, %sub3A : i32
          %mul3A_310 = arith.constant 32 : i32
          %mul3A_311 = arith.muli %mul3A_310, %sub3A_309 : i32
          %add3A_312 = arith.addi %add3A, %mul3A_311 : i32
          %mul3A_313 = arith.constant 128 : i32
          %mul3A_314 = arith.muli %add3A_312, %mul3A_313 : i32
          %dma_wait3A = arith.constant 4 : i32
          %dma_wait3A_315 = arith.constant 4 : i32
          %dma_wait3A_316 = arith.constant 0 : i32
          %dma_wait3A_317 = arith.constant 0 : i32
          %dma_wait3A_318 = tpu.memref_slice %arg6[%dma_wait3A, %dma_wait3A_316, %dma_wait3A_317] : memref<6x128x128xf32, #tpu.memory_space<vmem>> -> memref<1x128x128xf32, #tpu.memory_space<vmem>>
          %dma_wait3A_319 = tpu.memref_squeeze %dma_wait3A_318 : memref<1x128x128xf32, #tpu.memory_space<vmem>> -> memref<128x128xf32, #tpu.memory_space<vmem>>
          %dma_wait3A_320 = arith.constant 0 : i32
          %dma_wait3A_321 = tpu.memref_slice %arg4[%mul3A_314, %dma_wait3A_320] : memref<320000x128xf32, #tpu.memory_space<hbm>> -> memref<128x128xf32, #tpu.memory_space<hbm>>
          %dma_wait3A_322 = tpu.memref_slice %arg9[%dma_wait3A_315] : memref<6x!tpu.dma_semaphore, #tpu.memory_space<semaphore_mem>> -> memref<1x!tpu.dma_semaphore, #tpu.memory_space<semaphore_mem>>
          %dma_wait3A_323 = tpu.memref_squeeze %dma_wait3A_322 : memref<1x!tpu.dma_semaphore, #tpu.memory_space<semaphore_mem>> -> memref<!tpu.dma_semaphore, #tpu.memory_space<semaphore_mem>>
          %dma_wait3A_324 = arith.constant 0 : i32
          %dma_wait3A_325 = tpu.memref_slice %arg4[%mul3A_314, %dma_wait3A_324] : memref<320000x128xf32, #tpu.memory_space<hbm>> -> memref<128x128xf32, #tpu.memory_space<hbm>>
          %dma_wait3A_326 = arith.constant 0 : i32
          %dma_wait3A_327 = arith.constant 0 : i32
          %dma_wait3A_328 = tpu.memref_slice %arg6[%dma_wait3A, %dma_wait3A_326, %dma_wait3A_327] : memref<6x128x128xf32, #tpu.memory_space<vmem>> -> memref<1x128x128xf32, #tpu.memory_space<vmem>>
          %dma_wait3A_329 = tpu.memref_squeeze %dma_wait3A_328 : memref<1x128x128xf32, #tpu.memory_space<vmem>> -> memref<128x128xf32, #tpu.memory_space<vmem>>
          tpu.wait_dma2 semaphore(%dma_wait3A_323 : memref<!tpu.dma_semaphore, #tpu.memory_space<semaphore_mem>>) src(%dma_wait3A_329 : memref<128x128xf32, #tpu.memory_space<vmem>>) dst(%dma_wait3A_325 : memref<128x128xf32, #tpu.memory_space<hbm>>)
        } else {
        }
        %dma_start3A = arith.constant 4 : i32
        %dma_start3A_296 = arith.constant 4 : i32
        %dma_start3A_297 = arith.constant 0 : i32
        %dma_start3A_298 = arith.constant 0 : i32
        %dma_start3A_299 = tpu.memref_slice %arg6[%dma_start3A, %dma_start3A_297, %dma_start3A_298] : memref<6x128x128xf32, #tpu.memory_space<vmem>> -> memref<1x128x128xf32, #tpu.memory_space<vmem>>
        %dma_start3A_300 = tpu.memref_squeeze %dma_start3A_299 : memref<1x128x128xf32, #tpu.memory_space<vmem>> -> memref<128x128xf32, #tpu.memory_space<vmem>>
        %dma_start3A_301 = arith.constant 0 : i32
        %dma_start3A_302 = tpu.memref_slice %arg5[%add3A_167, %dma_start3A_301] : memref<79x128xi32, #tpu.memory_space<vmem>> -> memref<1x128xi32, #tpu.memory_space<vmem>>
        %dma_start3A_303 = tpu.memref_squeeze %dma_start3A_302 : memref<1x128xi32, #tpu.memory_space<vmem>> -> memref<128xi32, #tpu.memory_space<vmem>>
        %dma_start3A_304 = arith.constant 0 : i32
        %dma_start3A_305 = arith.constant 0 : i32
        %dma_start3A_306 = tpu.memref_slice %arg2[%dma_start3A_304, %dma_start3A_305] : memref<10000x128xf32, #tpu.memory_space<hbm>> -> memref<10000x128xf32, #tpu.memory_space<hbm>>
        %dma_start3A_307 = tpu.memref_slice %arg8[%dma_start3A_296] : memref<6x!tpu.dma_semaphore, #tpu.memory_space<semaphore_mem>> -> memref<1x!tpu.dma_semaphore, #tpu.memory_space<semaphore_mem>>
        %dma_start3A_308 = tpu.memref_squeeze %dma_start3A_307 : memref<1x!tpu.dma_semaphore, #tpu.memory_space<semaphore_mem>> -> memref<!tpu.dma_semaphore, #tpu.memory_space<semaphore_mem>>
        tpu.enqueue_indirect_dma source(%dma_start3A_306 : memref<10000x128xf32, #tpu.memory_space<hbm>>) target(%dma_start3A_300 : memref<128x128xf32, #tpu.memory_space<vmem>>) offsets(%dma_start3A_303 : memref<128xi32, #tpu.memory_space<vmem>>) semaphore(%dma_start3A_308 : memref<!tpu.dma_semaphore, #tpu.memory_space<semaphore_mem>>)
      } else {
      }
      %lt3A_179 = arith.constant 79 : i32
      %lt3A_180 = arith.cmpi slt, %add3A_162, %lt3A_179 : i32
      %lt3A_181 = arith.constant 2500 : i32
      %lt3A_182 = arith.cmpi slt, %add3A_165, %lt3A_181 : i32
      %and3A_183 = arith.andi %lt3A_180, %lt3A_182 : i1
      %convert_element_type3A_184 = arith.extui %and3A_183 : i1 to i32
      %cond3A_185 = arith.constant 0 : i32
      %cond3A_186 = arith.cmpi ne, %convert_element_type3A_184, %cond3A_185 : i32
      scf.if %cond3A_186 {
        %dma_wait3A = arith.constant 1 : i32
        %dma_wait3A_291 = arith.constant 1 : i32
        %dma_wait3A_292 = arith.constant 0 : i32
        %dma_wait3A_293 = arith.constant 0 : i32
        %dma_wait3A_294 = tpu.memref_slice %arg6[%dma_wait3A, %dma_wait3A_292, %dma_wait3A_293] : memref<6x128x128xf32, #tpu.memory_space<vmem>> -> memref<1x128x128xf32, #tpu.memory_space<vmem>>
        %dma_wait3A_295 = tpu.memref_squeeze %dma_wait3A_294 : memref<1x128x128xf32, #tpu.memory_space<vmem>> -> memref<128x128xf32, #tpu.memory_space<vmem>>
        %dma_wait3A_296 = arith.constant 0 : i32
        %dma_wait3A_297 = tpu.memref_slice %arg5[%add3A_162, %dma_wait3A_296] : memref<79x128xi32, #tpu.memory_space<vmem>> -> memref<1x128xi32, #tpu.memory_space<vmem>>
        %dma_wait3A_298 = tpu.memref_squeeze %dma_wait3A_297 : memref<1x128xi32, #tpu.memory_space<vmem>> -> memref<128xi32, #tpu.memory_space<vmem>>
        %dma_wait3A_299 = arith.constant 0 : i32
        %dma_wait3A_300 = arith.constant 0 : i32
        %dma_wait3A_301 = tpu.memref_slice %arg2[%dma_wait3A_299, %dma_wait3A_300] : memref<10000x128xf32, #tpu.memory_space<hbm>> -> memref<10000x128xf32, #tpu.memory_space<hbm>>
        %dma_wait3A_302 = tpu.memref_slice %arg8[%dma_wait3A_291] : memref<6x!tpu.dma_semaphore, #tpu.memory_space<semaphore_mem>> -> memref<1x!tpu.dma_semaphore, #tpu.memory_space<semaphore_mem>>
        %dma_wait3A_303 = tpu.memref_squeeze %dma_wait3A_302 : memref<1x!tpu.dma_semaphore, #tpu.memory_space<semaphore_mem>> -> memref<!tpu.dma_semaphore, #tpu.memory_space<semaphore_mem>>
        tpu.wait_indirect_dma semaphore(%dma_wait3A_303 : memref<!tpu.dma_semaphore, #tpu.memory_space<semaphore_mem>>) src(%dma_wait3A_301 : memref<10000x128xf32, #tpu.memory_space<hbm>>) dst(%dma_wait3A_295 : memref<128x128xf32, #tpu.memory_space<vmem>>)
        %mul3A_304 = arith.constant 128 : i32
        %mul3A_305 = arith.muli %add3A_165, %mul3A_304 : i32
        %dma_start3A = arith.constant 1 : i32
        %dma_start3A_306 = arith.constant 1 : i32
        %dma_start3A_307 = arith.constant 0 : i32
        %dma_start3A_308 = arith.constant 0 : i32
        %dma_start3A_309 = tpu.memref_slice %arg6[%dma_start3A, %dma_start3A_307, %dma_start3A_308] : memref<6x128x128xf32, #tpu.memory_space<vmem>> -> memref<1x128x128xf32, #tpu.memory_space<vmem>>
        %dma_start3A_310 = tpu.memref_squeeze %dma_start3A_309 : memref<1x128x128xf32, #tpu.memory_space<vmem>> -> memref<128x128xf32, #tpu.memory_space<vmem>>
        %dma_start3A_311 = arith.constant 0 : i32
        %dma_start3A_312 = tpu.memref_slice %arg4[%mul3A_305, %dma_start3A_311] : memref<320000x128xf32, #tpu.memory_space<hbm>> -> memref<128x128xf32, #tpu.memory_space<hbm>>
        %dma_start3A_313 = tpu.memref_slice %arg9[%dma_start3A_306] : memref<6x!tpu.dma_semaphore, #tpu.memory_space<semaphore_mem>> -> memref<1x!tpu.dma_semaphore, #tpu.memory_space<semaphore_mem>>
        %dma_start3A_314 = tpu.memref_squeeze %dma_start3A_313 : memref<1x!tpu.dma_semaphore, #tpu.memory_space<semaphore_mem>> -> memref<!tpu.dma_semaphore, #tpu.memory_space<semaphore_mem>>
        %dma_start3A_315 = arith.constant 0 : i32
        %dma_start3A_316 = tpu.memref_slice %arg4[%mul3A_305, %dma_start3A_315] : memref<320000x128xf32, #tpu.memory_space<hbm>> -> memref<128x128xf32, #tpu.memory_space<hbm>>
        %dma_start3A_317 = arith.constant 0 : i32
        %dma_start3A_318 = arith.constant 0 : i32
        %dma_start3A_319 = tpu.memref_slice %arg6[%dma_start3A, %dma_start3A_317, %dma_start3A_318] : memref<6x128x128xf32, #tpu.memory_space<vmem>> -> memref<1x128x128xf32, #tpu.memory_space<vmem>>
        %dma_start3A_320 = tpu.memref_squeeze %dma_start3A_319 : memref<1x128x128xf32, #tpu.memory_space<vmem>> -> memref<128x128xf32, #tpu.memory_space<vmem>>
        tpu.enqueue_dma source(%dma_start3A_320 : memref<128x128xf32, #tpu.memory_space<vmem>>) target(%dma_start3A_316 : memref<128x128xf32, #tpu.memory_space<hbm>>) target_semaphore(%dma_start3A_314 : memref<!tpu.dma_semaphore, #tpu.memory_space<semaphore_mem>>)
      } else {
      }
      %add3A_187 = arith.constant 2 : i32
      %add3A_188 = arith.addi %mul3A_134, %add3A_187 : i32
      %mul3A_189 = arith.constant 32 : i32
      %mul3A_190 = arith.muli %mul3A_189, %add3A_188 : i32
      %add3A_191 = arith.addi %add3A, %mul3A_190 : i32
      %add3A_192 = arith.constant 3 : i32
      %add3A_193 = arith.addi %add3A_188, %add3A_192 : i32
      %mul3A_194 = arith.constant 32 : i32
      %mul3A_195 = arith.muli %mul3A_194, %add3A_193 : i32
      %add3A_196 = arith.addi %add3A, %mul3A_195 : i32
      %lt3A_197 = arith.constant 79 : i32
      %lt3A_198 = arith.cmpi slt, %add3A_193, %lt3A_197 : i32
      %lt3A_199 = arith.constant 2500 : i32
      %lt3A_200 = arith.cmpi slt, %add3A_196, %lt3A_199 : i32
      %and3A_201 = arith.andi %lt3A_198, %lt3A_200 : i1
      %convert_element_type3A_202 = arith.extui %and3A_201 : i1 to i32
      %cond3A_203 = arith.constant 0 : i32
      %cond3A_204 = arith.cmpi ne, %convert_element_type3A_202, %cond3A_203 : i32
      scf.if %cond3A_204 {
        %ge3A_291 = arith.constant 6 : i32
        %ge3A_292 = arith.cmpi sge, %add3A_193, %ge3A_291 : i32
        %convert_element_type3A_293 = arith.extui %ge3A_292 : i1 to i32
        %cond3A_294 = arith.constant 0 : i32
        %cond3A_295 = arith.cmpi ne, %convert_element_type3A_293, %cond3A_294 : i32
        scf.if %cond3A_295 {
          %sub3A = arith.constant 6 : i32
          %sub3A_309 = arith.subi %add3A_193, %sub3A : i32
          %mul3A_310 = arith.constant 32 : i32
          %mul3A_311 = arith.muli %mul3A_310, %sub3A_309 : i32
          %add3A_312 = arith.addi %add3A, %mul3A_311 : i32
          %mul3A_313 = arith.constant 128 : i32
          %mul3A_314 = arith.muli %add3A_312, %mul3A_313 : i32
          %dma_wait3A = arith.constant 5 : i32
          %dma_wait3A_315 = arith.constant 5 : i32
          %dma_wait3A_316 = arith.constant 0 : i32
          %dma_wait3A_317 = arith.constant 0 : i32
          %dma_wait3A_318 = tpu.memref_slice %arg6[%dma_wait3A, %dma_wait3A_316, %dma_wait3A_317] : memref<6x128x128xf32, #tpu.memory_space<vmem>> -> memref<1x128x128xf32, #tpu.memory_space<vmem>>
          %dma_wait3A_319 = tpu.memref_squeeze %dma_wait3A_318 : memref<1x128x128xf32, #tpu.memory_space<vmem>> -> memref<128x128xf32, #tpu.memory_space<vmem>>
          %dma_wait3A_320 = arith.constant 0 : i32
          %dma_wait3A_321 = tpu.memref_slice %arg4[%mul3A_314, %dma_wait3A_320] : memref<320000x128xf32, #tpu.memory_space<hbm>> -> memref<128x128xf32, #tpu.memory_space<hbm>>
          %dma_wait3A_322 = tpu.memref_slice %arg9[%dma_wait3A_315] : memref<6x!tpu.dma_semaphore, #tpu.memory_space<semaphore_mem>> -> memref<1x!tpu.dma_semaphore, #tpu.memory_space<semaphore_mem>>
          %dma_wait3A_323 = tpu.memref_squeeze %dma_wait3A_322 : memref<1x!tpu.dma_semaphore, #tpu.memory_space<semaphore_mem>> -> memref<!tpu.dma_semaphore, #tpu.memory_space<semaphore_mem>>
          %dma_wait3A_324 = arith.constant 0 : i32
          %dma_wait3A_325 = tpu.memref_slice %arg4[%mul3A_314, %dma_wait3A_324] : memref<320000x128xf32, #tpu.memory_space<hbm>> -> memref<128x128xf32, #tpu.memory_space<hbm>>
          %dma_wait3A_326 = arith.constant 0 : i32
          %dma_wait3A_327 = arith.constant 0 : i32
          %dma_wait3A_328 = tpu.memref_slice %arg6[%dma_wait3A, %dma_wait3A_326, %dma_wait3A_327] : memref<6x128x128xf32, #tpu.memory_space<vmem>> -> memref<1x128x128xf32, #tpu.memory_space<vmem>>
          %dma_wait3A_329 = tpu.memref_squeeze %dma_wait3A_328 : memref<1x128x128xf32, #tpu.memory_space<vmem>> -> memref<128x128xf32, #tpu.memory_space<vmem>>
          tpu.wait_dma2 semaphore(%dma_wait3A_323 : memref<!tpu.dma_semaphore, #tpu.memory_space<semaphore_mem>>) src(%dma_wait3A_329 : memref<128x128xf32, #tpu.memory_space<vmem>>) dst(%dma_wait3A_325 : memref<128x128xf32, #tpu.memory_space<hbm>>)
        } else {
        }
        %dma_start3A = arith.constant 5 : i32
        %dma_start3A_296 = arith.constant 5 : i32
        %dma_start3A_297 = arith.constant 0 : i32
        %dma_start3A_298 = arith.constant 0 : i32
        %dma_start3A_299 = tpu.memref_slice %arg6[%dma_start3A, %dma_start3A_297, %dma_start3A_298] : memref<6x128x128xf32, #tpu.memory_space<vmem>> -> memref<1x128x128xf32, #tpu.memory_space<vmem>>
        %dma_start3A_300 = tpu.memref_squeeze %dma_start3A_299 : memref<1x128x128xf32, #tpu.memory_space<vmem>> -> memref<128x128xf32, #tpu.memory_space<vmem>>
        %dma_start3A_301 = arith.constant 0 : i32
        %dma_start3A_302 = tpu.memref_slice %arg5[%add3A_193, %dma_start3A_301] : memref<79x128xi32, #tpu.memory_space<vmem>> -> memref<1x128xi32, #tpu.memory_space<vmem>>
        %dma_start3A_303 = tpu.memref_squeeze %dma_start3A_302 : memref<1x128xi32, #tpu.memory_space<vmem>> -> memref<128xi32, #tpu.memory_space<vmem>>
        %dma_start3A_304 = arith.constant 0 : i32
        %dma_start3A_305 = arith.constant 0 : i32
        %dma_start3A_306 = tpu.memref_slice %arg2[%dma_start3A_304, %dma_start3A_305] : memref<10000x128xf32, #tpu.memory_space<hbm>> -> memref<10000x128xf32, #tpu.memory_space<hbm>>
        %dma_start3A_307 = tpu.memref_slice %arg8[%dma_start3A_296] : memref<6x!tpu.dma_semaphore, #tpu.memory_space<semaphore_mem>> -> memref<1x!tpu.dma_semaphore, #tpu.memory_space<semaphore_mem>>
        %dma_start3A_308 = tpu.memref_squeeze %dma_start3A_307 : memref<1x!tpu.dma_semaphore, #tpu.memory_space<semaphore_mem>> -> memref<!tpu.dma_semaphore, #tpu.memory_space<semaphore_mem>>
        tpu.enqueue_indirect_dma source(%dma_start3A_306 : memref<10000x128xf32, #tpu.memory_space<hbm>>) target(%dma_start3A_300 : memref<128x128xf32, #tpu.memory_space<vmem>>) offsets(%dma_start3A_303 : memref<128xi32, #tpu.memory_space<vmem>>) semaphore(%dma_start3A_308 : memref<!tpu.dma_semaphore, #tpu.memory_space<semaphore_mem>>)
      } else {
      }
      %lt3A_205 = arith.constant 79 : i32
      %lt3A_206 = arith.cmpi slt, %add3A_188, %lt3A_205 : i32
      %lt3A_207 = arith.constant 2500 : i32
      %lt3A_208 = arith.cmpi slt, %add3A_191, %lt3A_207 : i32
      %and3A_209 = arith.andi %lt3A_206, %lt3A_208 : i1
      %convert_element_type3A_210 = arith.extui %and3A_209 : i1 to i32
      %cond3A_211 = arith.constant 0 : i32
      %cond3A_212 = arith.cmpi ne, %convert_element_type3A_210, %cond3A_211 : i32
      scf.if %cond3A_212 {
        %dma_wait3A = arith.constant 2 : i32
        %dma_wait3A_291 = arith.constant 2 : i32
        %dma_wait3A_292 = arith.constant 0 : i32
        %dma_wait3A_293 = arith.constant 0 : i32
        %dma_wait3A_294 = tpu.memref_slice %arg6[%dma_wait3A, %dma_wait3A_292, %dma_wait3A_293] : memref<6x128x128xf32, #tpu.memory_space<vmem>> -> memref<1x128x128xf32, #tpu.memory_space<vmem>>
        %dma_wait3A_295 = tpu.memref_squeeze %dma_wait3A_294 : memref<1x128x128xf32, #tpu.memory_space<vmem>> -> memref<128x128xf32, #tpu.memory_space<vmem>>
        %dma_wait3A_296 = arith.constant 0 : i32
        %dma_wait3A_297 = tpu.memref_slice %arg5[%add3A_188, %dma_wait3A_296] : memref<79x128xi32, #tpu.memory_space<vmem>> -> memref<1x128xi32, #tpu.memory_space<vmem>>
        %dma_wait3A_298 = tpu.memref_squeeze %dma_wait3A_297 : memref<1x128xi32, #tpu.memory_space<vmem>> -> memref<128xi32, #tpu.memory_space<vmem>>
        %dma_wait3A_299 = arith.constant 0 : i32
        %dma_wait3A_300 = arith.constant 0 : i32
        %dma_wait3A_301 = tpu.memref_slice %arg2[%dma_wait3A_299, %dma_wait3A_300] : memref<10000x128xf32, #tpu.memory_space<hbm>> -> memref<10000x128xf32, #tpu.memory_space<hbm>>
        %dma_wait3A_302 = tpu.memref_slice %arg8[%dma_wait3A_291] : memref<6x!tpu.dma_semaphore, #tpu.memory_space<semaphore_mem>> -> memref<1x!tpu.dma_semaphore, #tpu.memory_space<semaphore_mem>>
        %dma_wait3A_303 = tpu.memref_squeeze %dma_wait3A_302 : memref<1x!tpu.dma_semaphore, #tpu.memory_space<semaphore_mem>> -> memref<!tpu.dma_semaphore, #tpu.memory_space<semaphore_mem>>
        tpu.wait_indirect_dma semaphore(%dma_wait3A_303 : memref<!tpu.dma_semaphore, #tpu.memory_space<semaphore_mem>>) src(%dma_wait3A_301 : memref<10000x128xf32, #tpu.memory_space<hbm>>) dst(%dma_wait3A_295 : memref<128x128xf32, #tpu.memory_space<vmem>>)
        %mul3A_304 = arith.constant 128 : i32
        %mul3A_305 = arith.muli %add3A_191, %mul3A_304 : i32
        %dma_start3A = arith.constant 2 : i32
        %dma_start3A_306 = arith.constant 2 : i32
        %dma_start3A_307 = arith.constant 0 : i32
        %dma_start3A_308 = arith.constant 0 : i32
        %dma_start3A_309 = tpu.memref_slice %arg6[%dma_start3A, %dma_start3A_307, %dma_start3A_308] : memref<6x128x128xf32, #tpu.memory_space<vmem>> -> memref<1x128x128xf32, #tpu.memory_space<vmem>>
        %dma_start3A_310 = tpu.memref_squeeze %dma_start3A_309 : memref<1x128x128xf32, #tpu.memory_space<vmem>> -> memref<128x128xf32, #tpu.memory_space<vmem>>
        %dma_start3A_311 = arith.constant 0 : i32
        %dma_start3A_312 = tpu.memref_slice %arg4[%mul3A_305, %dma_start3A_311] : memref<320000x128xf32, #tpu.memory_space<hbm>> -> memref<128x128xf32, #tpu.memory_space<hbm>>
        %dma_start3A_313 = tpu.memref_slice %arg9[%dma_start3A_306] : memref<6x!tpu.dma_semaphore, #tpu.memory_space<semaphore_mem>> -> memref<1x!tpu.dma_semaphore, #tpu.memory_space<semaphore_mem>>
        %dma_start3A_314 = tpu.memref_squeeze %dma_start3A_313 : memref<1x!tpu.dma_semaphore, #tpu.memory_space<semaphore_mem>> -> memref<!tpu.dma_semaphore, #tpu.memory_space<semaphore_mem>>
        %dma_start3A_315 = arith.constant 0 : i32
        %dma_start3A_316 = tpu.memref_slice %arg4[%mul3A_305, %dma_start3A_315] : memref<320000x128xf32, #tpu.memory_space<hbm>> -> memref<128x128xf32, #tpu.memory_space<hbm>>
        %dma_start3A_317 = arith.constant 0 : i32
        %dma_start3A_318 = arith.constant 0 : i32
        %dma_start3A_319 = tpu.memref_slice %arg6[%dma_start3A, %dma_start3A_317, %dma_start3A_318] : memref<6x128x128xf32, #tpu.memory_space<vmem>> -> memref<1x128x128xf32, #tpu.memory_space<vmem>>
        %dma_start3A_320 = tpu.memref_squeeze %dma_start3A_319 : memref<1x128x128xf32, #tpu.memory_space<vmem>> -> memref<128x128xf32, #tpu.memory_space<vmem>>
        tpu.enqueue_dma source(%dma_start3A_320 : memref<128x128xf32, #tpu.memory_space<vmem>>) target(%dma_start3A_316 : memref<128x128xf32, #tpu.memory_space<hbm>>) target_semaphore(%dma_start3A_314 : memref<!tpu.dma_semaphore, #tpu.memory_space<semaphore_mem>>)
      } else {
      }
      %add3A_213 = arith.constant 3 : i32
      %add3A_214 = arith.addi %mul3A_134, %add3A_213 : i32
      %mul3A_215 = arith.constant 32 : i32
      %mul3A_216 = arith.muli %mul3A_215, %add3A_214 : i32
      %add3A_217 = arith.addi %add3A, %mul3A_216 : i32
      %add3A_218 = arith.constant 3 : i32
      %add3A_219 = arith.addi %add3A_214, %add3A_218 : i32
      %mul3A_220 = arith.constant 32 : i32
      %mul3A_221 = arith.muli %mul3A_220, %add3A_219 : i32
      %add3A_222 = arith.addi %add3A, %mul3A_221 : i32
      %lt3A_223 = arith.constant 79 : i32
      %lt3A_224 = arith.cmpi slt, %add3A_219, %lt3A_223 : i32
      %lt3A_225 = arith.constant 2500 : i32
      %lt3A_226 = arith.cmpi slt, %add3A_222, %lt3A_225 : i32
      %and3A_227 = arith.andi %lt3A_224, %lt3A_226 : i1
      %convert_element_type3A_228 = arith.extui %and3A_227 : i1 to i32
      %cond3A_229 = arith.constant 0 : i32
      %cond3A_230 = arith.cmpi ne, %convert_element_type3A_228, %cond3A_229 : i32
      scf.if %cond3A_230 {
        %ge3A_291 = arith.constant 6 : i32
        %ge3A_292 = arith.cmpi sge, %add3A_219, %ge3A_291 : i32
        %convert_element_type3A_293 = arith.extui %ge3A_292 : i1 to i32
        %cond3A_294 = arith.constant 0 : i32
        %cond3A_295 = arith.cmpi ne, %convert_element_type3A_293, %cond3A_294 : i32
        scf.if %cond3A_295 {
          %sub3A = arith.constant 6 : i32
          %sub3A_309 = arith.subi %add3A_219, %sub3A : i32
          %mul3A_310 = arith.constant 32 : i32
          %mul3A_311 = arith.muli %mul3A_310, %sub3A_309 : i32
          %add3A_312 = arith.addi %add3A, %mul3A_311 : i32
          %mul3A_313 = arith.constant 128 : i32
          %mul3A_314 = arith.muli %add3A_312, %mul3A_313 : i32
          %dma_wait3A = arith.constant 0 : i32
          %dma_wait3A_315 = arith.constant 0 : i32
          %dma_wait3A_316 = arith.constant 0 : i32
          %dma_wait3A_317 = arith.constant 0 : i32
          %dma_wait3A_318 = tpu.memref_slice %arg6[%dma_wait3A, %dma_wait3A_316, %dma_wait3A_317] : memref<6x128x128xf32, #tpu.memory_space<vmem>> -> memref<1x128x128xf32, #tpu.memory_space<vmem>>
          %dma_wait3A_319 = tpu.memref_squeeze %dma_wait3A_318 : memref<1x128x128xf32, #tpu.memory_space<vmem>> -> memref<128x128xf32, #tpu.memory_space<vmem>>
          %dma_wait3A_320 = arith.constant 0 : i32
          %dma_wait3A_321 = tpu.memref_slice %arg4[%mul3A_314, %dma_wait3A_320] : memref<320000x128xf32, #tpu.memory_space<hbm>> -> memref<128x128xf32, #tpu.memory_space<hbm>>
          %dma_wait3A_322 = tpu.memref_slice %arg9[%dma_wait3A_315] : memref<6x!tpu.dma_semaphore, #tpu.memory_space<semaphore_mem>> -> memref<1x!tpu.dma_semaphore, #tpu.memory_space<semaphore_mem>>
          %dma_wait3A_323 = tpu.memref_squeeze %dma_wait3A_322 : memref<1x!tpu.dma_semaphore, #tpu.memory_space<semaphore_mem>> -> memref<!tpu.dma_semaphore, #tpu.memory_space<semaphore_mem>>
          %dma_wait3A_324 = arith.constant 0 : i32
          %dma_wait3A_325 = tpu.memref_slice %arg4[%mul3A_314, %dma_wait3A_324] : memref<320000x128xf32, #tpu.memory_space<hbm>> -> memref<128x128xf32, #tpu.memory_space<hbm>>
          %dma_wait3A_326 = arith.constant 0 : i32
          %dma_wait3A_327 = arith.constant 0 : i32
          %dma_wait3A_328 = tpu.memref_slice %arg6[%dma_wait3A, %dma_wait3A_326, %dma_wait3A_327] : memref<6x128x128xf32, #tpu.memory_space<vmem>> -> memref<1x128x128xf32, #tpu.memory_space<vmem>>
          %dma_wait3A_329 = tpu.memref_squeeze %dma_wait3A_328 : memref<1x128x128xf32, #tpu.memory_space<vmem>> -> memref<128x128xf32, #tpu.memory_space<vmem>>
          tpu.wait_dma2 semaphore(%dma_wait3A_323 : memref<!tpu.dma_semaphore, #tpu.memory_space<semaphore_mem>>) src(%dma_wait3A_329 : memref<128x128xf32, #tpu.memory_space<vmem>>) dst(%dma_wait3A_325 : memref<128x128xf32, #tpu.memory_space<hbm>>)
        } else {
        }
        %dma_start3A = arith.constant 0 : i32
        %dma_start3A_296 = arith.constant 0 : i32
        %dma_start3A_297 = arith.constant 0 : i32
        %dma_start3A_298 = arith.constant 0 : i32
        %dma_start3A_299 = tpu.memref_slice %arg6[%dma_start3A, %dma_start3A_297, %dma_start3A_298] : memref<6x128x128xf32, #tpu.memory_space<vmem>> -> memref<1x128x128xf32, #tpu.memory_space<vmem>>
        %dma_start3A_300 = tpu.memref_squeeze %dma_start3A_299 : memref<1x128x128xf32, #tpu.memory_space<vmem>> -> memref<128x128xf32, #tpu.memory_space<vmem>>
        %dma_start3A_301 = arith.constant 0 : i32
        %dma_start3A_302 = tpu.memref_slice %arg5[%add3A_219, %dma_start3A_301] : memref<79x128xi32, #tpu.memory_space<vmem>> -> memref<1x128xi32, #tpu.memory_space<vmem>>
        %dma_start3A_303 = tpu.memref_squeeze %dma_start3A_302 : memref<1x128xi32, #tpu.memory_space<vmem>> -> memref<128xi32, #tpu.memory_space<vmem>>
        %dma_start3A_304 = arith.constant 0 : i32
        %dma_start3A_305 = arith.constant 0 : i32
        %dma_start3A_306 = tpu.memref_slice %arg2[%dma_start3A_304, %dma_start3A_305] : memref<10000x128xf32, #tpu.memory_space<hbm>> -> memref<10000x128xf32, #tpu.memory_space<hbm>>
        %dma_start3A_307 = tpu.memref_slice %arg8[%dma_start3A_296] : memref<6x!tpu.dma_semaphore, #tpu.memory_space<semaphore_mem>> -> memref<1x!tpu.dma_semaphore, #tpu.memory_space<semaphore_mem>>
        %dma_start3A_308 = tpu.memref_squeeze %dma_start3A_307 : memref<1x!tpu.dma_semaphore, #tpu.memory_space<semaphore_mem>> -> memref<!tpu.dma_semaphore, #tpu.memory_space<semaphore_mem>>
        tpu.enqueue_indirect_dma source(%dma_start3A_306 : memref<10000x128xf32, #tpu.memory_space<hbm>>) target(%dma_start3A_300 : memref<128x128xf32, #tpu.memory_space<vmem>>) offsets(%dma_start3A_303 : memref<128xi32, #tpu.memory_space<vmem>>) semaphore(%dma_start3A_308 : memref<!tpu.dma_semaphore, #tpu.memory_space<semaphore_mem>>)
      } else {
      }
      %lt3A_231 = arith.constant 79 : i32
      %lt3A_232 = arith.cmpi slt, %add3A_214, %lt3A_231 : i32
      %lt3A_233 = arith.constant 2500 : i32
      %lt3A_234 = arith.cmpi slt, %add3A_217, %lt3A_233 : i32
      %and3A_235 = arith.andi %lt3A_232, %lt3A_234 : i1
      %convert_element_type3A_236 = arith.extui %and3A_235 : i1 to i32
      %cond3A_237 = arith.constant 0 : i32
      %cond3A_238 = arith.cmpi ne, %convert_element_type3A_236, %cond3A_237 : i32
      scf.if %cond3A_238 {
        %dma_wait3A = arith.constant 3 : i32
        %dma_wait3A_291 = arith.constant 3 : i32
        %dma_wait3A_292 = arith.constant 0 : i32
        %dma_wait3A_293 = arith.constant 0 : i32
        %dma_wait3A_294 = tpu.memref_slice %arg6[%dma_wait3A, %dma_wait3A_292, %dma_wait3A_293] : memref<6x128x128xf32, #tpu.memory_space<vmem>> -> memref<1x128x128xf32, #tpu.memory_space<vmem>>
        %dma_wait3A_295 = tpu.memref_squeeze %dma_wait3A_294 : memref<1x128x128xf32, #tpu.memory_space<vmem>> -> memref<128x128xf32, #tpu.memory_space<vmem>>
        %dma_wait3A_296 = arith.constant 0 : i32
        %dma_wait3A_297 = tpu.memref_slice %arg5[%add3A_214, %dma_wait3A_296] : memref<79x128xi32, #tpu.memory_space<vmem>> -> memref<1x128xi32, #tpu.memory_space<vmem>>
        %dma_wait3A_298 = tpu.memref_squeeze %dma_wait3A_297 : memref<1x128xi32, #tpu.memory_space<vmem>> -> memref<128xi32, #tpu.memory_space<vmem>>
        %dma_wait3A_299 = arith.constant 0 : i32
        %dma_wait3A_300 = arith.constant 0 : i32
        %dma_wait3A_301 = tpu.memref_slice %arg2[%dma_wait3A_299, %dma_wait3A_300] : memref<10000x128xf32, #tpu.memory_space<hbm>> -> memref<10000x128xf32, #tpu.memory_space<hbm>>
        %dma_wait3A_302 = tpu.memref_slice %arg8[%dma_wait3A_291] : memref<6x!tpu.dma_semaphore, #tpu.memory_space<semaphore_mem>> -> memref<1x!tpu.dma_semaphore, #tpu.memory_space<semaphore_mem>>
        %dma_wait3A_303 = tpu.memref_squeeze %dma_wait3A_302 : memref<1x!tpu.dma_semaphore, #tpu.memory_space<semaphore_mem>> -> memref<!tpu.dma_semaphore, #tpu.memory_space<semaphore_mem>>
        tpu.wait_indirect_dma semaphore(%dma_wait3A_303 : memref<!tpu.dma_semaphore, #tpu.memory_space<semaphore_mem>>) src(%dma_wait3A_301 : memref<10000x128xf32, #tpu.memory_space<hbm>>) dst(%dma_wait3A_295 : memref<128x128xf32, #tpu.memory_space<vmem>>)
        %mul3A_304 = arith.constant 128 : i32
        %mul3A_305 = arith.muli %add3A_217, %mul3A_304 : i32
        %dma_start3A = arith.constant 3 : i32
        %dma_start3A_306 = arith.constant 3 : i32
        %dma_start3A_307 = arith.constant 0 : i32
        %dma_start3A_308 = arith.constant 0 : i32
        %dma_start3A_309 = tpu.memref_slice %arg6[%dma_start3A, %dma_start3A_307, %dma_start3A_308] : memref<6x128x128xf32, #tpu.memory_space<vmem>> -> memref<1x128x128xf32, #tpu.memory_space<vmem>>
        %dma_start3A_310 = tpu.memref_squeeze %dma_start3A_309 : memref<1x128x128xf32, #tpu.memory_space<vmem>> -> memref<128x128xf32, #tpu.memory_space<vmem>>
        %dma_start3A_311 = arith.constant 0 : i32
        %dma_start3A_312 = tpu.memref_slice %arg4[%mul3A_305, %dma_start3A_311] : memref<320000x128xf32, #tpu.memory_space<hbm>> -> memref<128x128xf32, #tpu.memory_space<hbm>>
        %dma_start3A_313 = tpu.memref_slice %arg9[%dma_start3A_306] : memref<6x!tpu.dma_semaphore, #tpu.memory_space<semaphore_mem>> -> memref<1x!tpu.dma_semaphore, #tpu.memory_space<semaphore_mem>>
        %dma_start3A_314 = tpu.memref_squeeze %dma_start3A_313 : memref<1x!tpu.dma_semaphore, #tpu.memory_space<semaphore_mem>> -> memref<!tpu.dma_semaphore, #tpu.memory_space<semaphore_mem>>
        %dma_start3A_315 = arith.constant 0 : i32
        %dma_start3A_316 = tpu.memref_slice %arg4[%mul3A_305, %dma_start3A_315] : memref<320000x128xf32, #tpu.memory_space<hbm>> -> memref<128x128xf32, #tpu.memory_space<hbm>>
        %dma_start3A_317 = arith.constant 0 : i32
        %dma_start3A_318 = arith.constant 0 : i32
        %dma_start3A_319 = tpu.memref_slice %arg6[%dma_start3A, %dma_start3A_317, %dma_start3A_318] : memref<6x128x128xf32, #tpu.memory_space<vmem>> -> memref<1x128x128xf32, #tpu.memory_space<vmem>>
        %dma_start3A_320 = tpu.memref_squeeze %dma_start3A_319 : memref<1x128x128xf32, #tpu.memory_space<vmem>> -> memref<128x128xf32, #tpu.memory_space<vmem>>
        tpu.enqueue_dma source(%dma_start3A_320 : memref<128x128xf32, #tpu.memory_space<vmem>>) target(%dma_start3A_316 : memref<128x128xf32, #tpu.memory_space<hbm>>) target_semaphore(%dma_start3A_314 : memref<!tpu.dma_semaphore, #tpu.memory_space<semaphore_mem>>)
      } else {
      }
      %add3A_239 = arith.constant 4 : i32
      %add3A_240 = arith.addi %mul3A_134, %add3A_239 : i32
      %mul3A_241 = arith.constant 32 : i32
      %mul3A_242 = arith.muli %mul3A_241, %add3A_240 : i32
      %add3A_243 = arith.addi %add3A, %mul3A_242 : i32
      %add3A_244 = arith.constant 3 : i32
      %add3A_245 = arith.addi %add3A_240, %add3A_244 : i32
      %mul3A_246 = arith.constant 32 : i32
      %mul3A_247 = arith.muli %mul3A_246, %add3A_245 : i32
      %add3A_248 = arith.addi %add3A, %mul3A_247 : i32
      %lt3A_249 = arith.constant 79 : i32
      %lt3A_250 = arith.cmpi slt, %add3A_245, %lt3A_249 : i32
      %lt3A_251 = arith.constant 2500 : i32
      %lt3A_252 = arith.cmpi slt, %add3A_248, %lt3A_251 : i32
      %and3A_253 = arith.andi %lt3A_250, %lt3A_252 : i1
      %convert_element_type3A_254 = arith.extui %and3A_253 : i1 to i32
      %cond3A_255 = arith.constant 0 : i32
      %cond3A_256 = arith.cmpi ne, %convert_element_type3A_254, %cond3A_255 : i32
      scf.if %cond3A_256 {
        %ge3A_291 = arith.constant 6 : i32
        %ge3A_292 = arith.cmpi sge, %add3A_245, %ge3A_291 : i32
        %convert_element_type3A_293 = arith.extui %ge3A_292 : i1 to i32
        %cond3A_294 = arith.constant 0 : i32
        %cond3A_295 = arith.cmpi ne, %convert_element_type3A_293, %cond3A_294 : i32
        scf.if %cond3A_295 {
          %sub3A = arith.constant 6 : i32
          %sub3A_309 = arith.subi %add3A_245, %sub3A : i32
          %mul3A_310 = arith.constant 32 : i32
          %mul3A_311 = arith.muli %mul3A_310, %sub3A_309 : i32
          %add3A_312 = arith.addi %add3A, %mul3A_311 : i32
          %mul3A_313 = arith.constant 128 : i32
          %mul3A_314 = arith.muli %add3A_312, %mul3A_313 : i32
          %dma_wait3A = arith.constant 1 : i32
          %dma_wait3A_315 = arith.constant 1 : i32
          %dma_wait3A_316 = arith.constant 0 : i32
          %dma_wait3A_317 = arith.constant 0 : i32
          %dma_wait3A_318 = tpu.memref_slice %arg6[%dma_wait3A, %dma_wait3A_316, %dma_wait3A_317] : memref<6x128x128xf32, #tpu.memory_space<vmem>> -> memref<1x128x128xf32, #tpu.memory_space<vmem>>
          %dma_wait3A_319 = tpu.memref_squeeze %dma_wait3A_318 : memref<1x128x128xf32, #tpu.memory_space<vmem>> -> memref<128x128xf32, #tpu.memory_space<vmem>>
          %dma_wait3A_320 = arith.constant 0 : i32
          %dma_wait3A_321 = tpu.memref_slice %arg4[%mul3A_314, %dma_wait3A_320] : memref<320000x128xf32, #tpu.memory_space<hbm>> -> memref<128x128xf32, #tpu.memory_space<hbm>>
          %dma_wait3A_322 = tpu.memref_slice %arg9[%dma_wait3A_315] : memref<6x!tpu.dma_semaphore, #tpu.memory_space<semaphore_mem>> -> memref<1x!tpu.dma_semaphore, #tpu.memory_space<semaphore_mem>>
          %dma_wait3A_323 = tpu.memref_squeeze %dma_wait3A_322 : memref<1x!tpu.dma_semaphore, #tpu.memory_space<semaphore_mem>> -> memref<!tpu.dma_semaphore, #tpu.memory_space<semaphore_mem>>
          %dma_wait3A_324 = arith.constant 0 : i32
          %dma_wait3A_325 = tpu.memref_slice %arg4[%mul3A_314, %dma_wait3A_324] : memref<320000x128xf32, #tpu.memory_space<hbm>> -> memref<128x128xf32, #tpu.memory_space<hbm>>
          %dma_wait3A_326 = arith.constant 0 : i32
          %dma_wait3A_327 = arith.constant 0 : i32
          %dma_wait3A_328 = tpu.memref_slice %arg6[%dma_wait3A, %dma_wait3A_326, %dma_wait3A_327] : memref<6x128x128xf32, #tpu.memory_space<vmem>> -> memref<1x128x128xf32, #tpu.memory_space<vmem>>
          %dma_wait3A_329 = tpu.memref_squeeze %dma_wait3A_328 : memref<1x128x128xf32, #tpu.memory_space<vmem>> -> memref<128x128xf32, #tpu.memory_space<vmem>>
          tpu.wait_dma2 semaphore(%dma_wait3A_323 : memref<!tpu.dma_semaphore, #tpu.memory_space<semaphore_mem>>) src(%dma_wait3A_329 : memref<128x128xf32, #tpu.memory_space<vmem>>) dst(%dma_wait3A_325 : memref<128x128xf32, #tpu.memory_space<hbm>>)
        } else {
        }
        %dma_start3A = arith.constant 1 : i32
        %dma_start3A_296 = arith.constant 1 : i32
        %dma_start3A_297 = arith.constant 0 : i32
        %dma_start3A_298 = arith.constant 0 : i32
        %dma_start3A_299 = tpu.memref_slice %arg6[%dma_start3A, %dma_start3A_297, %dma_start3A_298] : memref<6x128x128xf32, #tpu.memory_space<vmem>> -> memref<1x128x128xf32, #tpu.memory_space<vmem>>
        %dma_start3A_300 = tpu.memref_squeeze %dma_start3A_299 : memref<1x128x128xf32, #tpu.memory_space<vmem>> -> memref<128x128xf32, #tpu.memory_space<vmem>>
        %dma_start3A_301 = arith.constant 0 : i32
        %dma_start3A_302 = tpu.memref_slice %arg5[%add3A_245, %dma_start3A_301] : memref<79x128xi32, #tpu.memory_space<vmem>> -> memref<1x128xi32, #tpu.memory_space<vmem>>
        %dma_start3A_303 = tpu.memref_squeeze %dma_start3A_302 : memref<1x128xi32, #tpu.memory_space<vmem>> -> memref<128xi32, #tpu.memory_space<vmem>>
        %dma_start3A_304 = arith.constant 0 : i32
        %dma_start3A_305 = arith.constant 0 : i32
        %dma_start3A_306 = tpu.memref_slice %arg2[%dma_start3A_304, %dma_start3A_305] : memref<10000x128xf32, #tpu.memory_space<hbm>> -> memref<10000x128xf32, #tpu.memory_space<hbm>>
        %dma_start3A_307 = tpu.memref_slice %arg8[%dma_start3A_296] : memref<6x!tpu.dma_semaphore, #tpu.memory_space<semaphore_mem>> -> memref<1x!tpu.dma_semaphore, #tpu.memory_space<semaphore_mem>>
        %dma_start3A_308 = tpu.memref_squeeze %dma_start3A_307 : memref<1x!tpu.dma_semaphore, #tpu.memory_space<semaphore_mem>> -> memref<!tpu.dma_semaphore, #tpu.memory_space<semaphore_mem>>
        tpu.enqueue_indirect_dma source(%dma_start3A_306 : memref<10000x128xf32, #tpu.memory_space<hbm>>) target(%dma_start3A_300 : memref<128x128xf32, #tpu.memory_space<vmem>>) offsets(%dma_start3A_303 : memref<128xi32, #tpu.memory_space<vmem>>) semaphore(%dma_start3A_308 : memref<!tpu.dma_semaphore, #tpu.memory_space<semaphore_mem>>)
      } else {
      }
      %lt3A_257 = arith.constant 79 : i32
      %lt3A_258 = arith.cmpi slt, %add3A_240, %lt3A_257 : i32
      %lt3A_259 = arith.constant 2500 : i32
      %lt3A_260 = arith.cmpi slt, %add3A_243, %lt3A_259 : i32
      %and3A_261 = arith.andi %lt3A_258, %lt3A_260 : i1
      %convert_element_type3A_262 = arith.extui %and3A_261 : i1 to i32
      %cond3A_263 = arith.constant 0 : i32
      %cond3A_264 = arith.cmpi ne, %convert_element_type3A_262, %cond3A_263 : i32
      scf.if %cond3A_264 {
        %dma_wait3A = arith.constant 4 : i32
        %dma_wait3A_291 = arith.constant 4 : i32
        %dma_wait3A_292 = arith.constant 0 : i32
        %dma_wait3A_293 = arith.constant 0 : i32
        %dma_wait3A_294 = tpu.memref_slice %arg6[%dma_wait3A, %dma_wait3A_292, %dma_wait3A_293] : memref<6x128x128xf32, #tpu.memory_space<vmem>> -> memref<1x128x128xf32, #tpu.memory_space<vmem>>
        %dma_wait3A_295 = tpu.memref_squeeze %dma_wait3A_294 : memref<1x128x128xf32, #tpu.memory_space<vmem>> -> memref<128x128xf32, #tpu.memory_space<vmem>>
        %dma_wait3A_296 = arith.constant 0 : i32
        %dma_wait3A_297 = tpu.memref_slice %arg5[%add3A_240, %dma_wait3A_296] : memref<79x128xi32, #tpu.memory_space<vmem>> -> memref<1x128xi32, #tpu.memory_space<vmem>>
        %dma_wait3A_298 = tpu.memref_squeeze %dma_wait3A_297 : memref<1x128xi32, #tpu.memory_space<vmem>> -> memref<128xi32, #tpu.memory_space<vmem>>
        %dma_wait3A_299 = arith.constant 0 : i32
        %dma_wait3A_300 = arith.constant 0 : i32
        %dma_wait3A_301 = tpu.memref_slice %arg2[%dma_wait3A_299, %dma_wait3A_300] : memref<10000x128xf32, #tpu.memory_space<hbm>> -> memref<10000x128xf32, #tpu.memory_space<hbm>>
        %dma_wait3A_302 = tpu.memref_slice %arg8[%dma_wait3A_291] : memref<6x!tpu.dma_semaphore, #tpu.memory_space<semaphore_mem>> -> memref<1x!tpu.dma_semaphore, #tpu.memory_space<semaphore_mem>>
        %dma_wait3A_303 = tpu.memref_squeeze %dma_wait3A_302 : memref<1x!tpu.dma_semaphore, #tpu.memory_space<semaphore_mem>> -> memref<!tpu.dma_semaphore, #tpu.memory_space<semaphore_mem>>
        tpu.wait_indirect_dma semaphore(%dma_wait3A_303 : memref<!tpu.dma_semaphore, #tpu.memory_space<semaphore_mem>>) src(%dma_wait3A_301 : memref<10000x128xf32, #tpu.memory_space<hbm>>) dst(%dma_wait3A_295 : memref<128x128xf32, #tpu.memory_space<vmem>>)
        %mul3A_304 = arith.constant 128 : i32
        %mul3A_305 = arith.muli %add3A_243, %mul3A_304 : i32
        %dma_start3A = arith.constant 4 : i32
        %dma_start3A_306 = arith.constant 4 : i32
        %dma_start3A_307 = arith.constant 0 : i32
        %dma_start3A_308 = arith.constant 0 : i32
        %dma_start3A_309 = tpu.memref_slice %arg6[%dma_start3A, %dma_start3A_307, %dma_start3A_308] : memref<6x128x128xf32, #tpu.memory_space<vmem>> -> memref<1x128x128xf32, #tpu.memory_space<vmem>>
        %dma_start3A_310 = tpu.memref_squeeze %dma_start3A_309 : memref<1x128x128xf32, #tpu.memory_space<vmem>> -> memref<128x128xf32, #tpu.memory_space<vmem>>
        %dma_start3A_311 = arith.constant 0 : i32
        %dma_start3A_312 = tpu.memref_slice %arg4[%mul3A_305, %dma_start3A_311] : memref<320000x128xf32, #tpu.memory_space<hbm>> -> memref<128x128xf32, #tpu.memory_space<hbm>>
        %dma_start3A_313 = tpu.memref_slice %arg9[%dma_start3A_306] : memref<6x!tpu.dma_semaphore, #tpu.memory_space<semaphore_mem>> -> memref<1x!tpu.dma_semaphore, #tpu.memory_space<semaphore_mem>>
        %dma_start3A_314 = tpu.memref_squeeze %dma_start3A_313 : memref<1x!tpu.dma_semaphore, #tpu.memory_space<semaphore_mem>> -> memref<!tpu.dma_semaphore, #tpu.memory_space<semaphore_mem>>
        %dma_start3A_315 = arith.constant 0 : i32
        %dma_start3A_316 = tpu.memref_slice %arg4[%mul3A_305, %dma_start3A_315] : memref<320000x128xf32, #tpu.memory_space<hbm>> -> memref<128x128xf32, #tpu.memory_space<hbm>>
        %dma_start3A_317 = arith.constant 0 : i32
        %dma_start3A_318 = arith.constant 0 : i32
        %dma_start3A_319 = tpu.memref_slice %arg6[%dma_start3A, %dma_start3A_317, %dma_start3A_318] : memref<6x128x128xf32, #tpu.memory_space<vmem>> -> memref<1x128x128xf32, #tpu.memory_space<vmem>>
        %dma_start3A_320 = tpu.memref_squeeze %dma_start3A_319 : memref<1x128x128xf32, #tpu.memory_space<vmem>> -> memref<128x128xf32, #tpu.memory_space<vmem>>
        tpu.enqueue_dma source(%dma_start3A_320 : memref<128x128xf32, #tpu.memory_space<vmem>>) target(%dma_start3A_316 : memref<128x128xf32, #tpu.memory_space<hbm>>) target_semaphore(%dma_start3A_314 : memref<!tpu.dma_semaphore, #tpu.memory_space<semaphore_mem>>)
      } else {
      }
      %add3A_265 = arith.constant 5 : i32
      %add3A_266 = arith.addi %mul3A_134, %add3A_265 : i32
      %mul3A_267 = arith.constant 32 : i32
      %mul3A_268 = arith.muli %mul3A_267, %add3A_266 : i32
      %add3A_269 = arith.addi %add3A, %mul3A_268 : i32
      %add3A_270 = arith.constant 3 : i32
      %add3A_271 = arith.addi %add3A_266, %add3A_270 : i32
      %mul3A_272 = arith.constant 32 : i32
      %mul3A_273 = arith.muli %mul3A_272, %add3A_271 : i32
      %add3A_274 = arith.addi %add3A, %mul3A_273 : i32
      %lt3A_275 = arith.constant 79 : i32
      %lt3A_276 = arith.cmpi slt, %add3A_271, %lt3A_275 : i32
      %lt3A_277 = arith.constant 2500 : i32
      %lt3A_278 = arith.cmpi slt, %add3A_274, %lt3A_277 : i32
      %and3A_279 = arith.andi %lt3A_276, %lt3A_278 : i1
      %convert_element_type3A_280 = arith.extui %and3A_279 : i1 to i32
      %cond3A_281 = arith.constant 0 : i32
      %cond3A_282 = arith.cmpi ne, %convert_element_type3A_280, %cond3A_281 : i32
      scf.if %cond3A_282 {
        %ge3A_291 = arith.constant 6 : i32
        %ge3A_292 = arith.cmpi sge, %add3A_271, %ge3A_291 : i32
        %convert_element_type3A_293 = arith.extui %ge3A_292 : i1 to i32
        %cond3A_294 = arith.constant 0 : i32
        %cond3A_295 = arith.cmpi ne, %convert_element_type3A_293, %cond3A_294 : i32
        scf.if %cond3A_295 {
          %sub3A = arith.constant 6 : i32
          %sub3A_309 = arith.subi %add3A_271, %sub3A : i32
          %mul3A_310 = arith.constant 32 : i32
          %mul3A_311 = arith.muli %mul3A_310, %sub3A_309 : i32
          %add3A_312 = arith.addi %add3A, %mul3A_311 : i32
          %mul3A_313 = arith.constant 128 : i32
          %mul3A_314 = arith.muli %add3A_312, %mul3A_313 : i32
          %dma_wait3A = arith.constant 2 : i32
          %dma_wait3A_315 = arith.constant 2 : i32
          %dma_wait3A_316 = arith.constant 0 : i32
          %dma_wait3A_317 = arith.constant 0 : i32
          %dma_wait3A_318 = tpu.memref_slice %arg6[%dma_wait3A, %dma_wait3A_316, %dma_wait3A_317] : memref<6x128x128xf32, #tpu.memory_space<vmem>> -> memref<1x128x128xf32, #tpu.memory_space<vmem>>
          %dma_wait3A_319 = tpu.memref_squeeze %dma_wait3A_318 : memref<1x128x128xf32, #tpu.memory_space<vmem>> -> memref<128x128xf32, #tpu.memory_space<vmem>>
          %dma_wait3A_320 = arith.constant 0 : i32
          %dma_wait3A_321 = tpu.memref_slice %arg4[%mul3A_314, %dma_wait3A_320] : memref<320000x128xf32, #tpu.memory_space<hbm>> -> memref<128x128xf32, #tpu.memory_space<hbm>>
          %dma_wait3A_322 = tpu.memref_slice %arg9[%dma_wait3A_315] : memref<6x!tpu.dma_semaphore, #tpu.memory_space<semaphore_mem>> -> memref<1x!tpu.dma_semaphore, #tpu.memory_space<semaphore_mem>>
          %dma_wait3A_323 = tpu.memref_squeeze %dma_wait3A_322 : memref<1x!tpu.dma_semaphore, #tpu.memory_space<semaphore_mem>> -> memref<!tpu.dma_semaphore, #tpu.memory_space<semaphore_mem>>
          %dma_wait3A_324 = arith.constant 0 : i32
          %dma_wait3A_325 = tpu.memref_slice %arg4[%mul3A_314, %dma_wait3A_324] : memref<320000x128xf32, #tpu.memory_space<hbm>> -> memref<128x128xf32, #tpu.memory_space<hbm>>
          %dma_wait3A_326 = arith.constant 0 : i32
          %dma_wait3A_327 = arith.constant 0 : i32
          %dma_wait3A_328 = tpu.memref_slice %arg6[%dma_wait3A, %dma_wait3A_326, %dma_wait3A_327] : memref<6x128x128xf32, #tpu.memory_space<vmem>> -> memref<1x128x128xf32, #tpu.memory_space<vmem>>
          %dma_wait3A_329 = tpu.memref_squeeze %dma_wait3A_328 : memref<1x128x128xf32, #tpu.memory_space<vmem>> -> memref<128x128xf32, #tpu.memory_space<vmem>>
          tpu.wait_dma2 semaphore(%dma_wait3A_323 : memref<!tpu.dma_semaphore, #tpu.memory_space<semaphore_mem>>) src(%dma_wait3A_329 : memref<128x128xf32, #tpu.memory_space<vmem>>) dst(%dma_wait3A_325 : memref<128x128xf32, #tpu.memory_space<hbm>>)
        } else {
        }
        %dma_start3A = arith.constant 2 : i32
        %dma_start3A_296 = arith.constant 2 : i32
        %dma_start3A_297 = arith.constant 0 : i32
        %dma_start3A_298 = arith.constant 0 : i32
        %dma_start3A_299 = tpu.memref_slice %arg6[%dma_start3A, %dma_start3A_297, %dma_start3A_298] : memref<6x128x128xf32, #tpu.memory_space<vmem>> -> memref<1x128x128xf32, #tpu.memory_space<vmem>>
        %dma_start3A_300 = tpu.memref_squeeze %dma_start3A_299 : memref<1x128x128xf32, #tpu.memory_space<vmem>> -> memref<128x128xf32, #tpu.memory_space<vmem>>
        %dma_start3A_301 = arith.constant 0 : i32
        %dma_start3A_302 = tpu.memref_slice %arg5[%add3A_271, %dma_start3A_301] : memref<79x128xi32, #tpu.memory_space<vmem>> -> memref<1x128xi32, #tpu.memory_space<vmem>>
        %dma_start3A_303 = tpu.memref_squeeze %dma_start3A_302 : memref<1x128xi32, #tpu.memory_space<vmem>> -> memref<128xi32, #tpu.memory_space<vmem>>
        %dma_start3A_304 = arith.constant 0 : i32
        %dma_start3A_305 = arith.constant 0 : i32
        %dma_start3A_306 = tpu.memref_slice %arg2[%dma_start3A_304, %dma_start3A_305] : memref<10000x128xf32, #tpu.memory_space<hbm>> -> memref<10000x128xf32, #tpu.memory_space<hbm>>
        %dma_start3A_307 = tpu.memref_slice %arg8[%dma_start3A_296] : memref<6x!tpu.dma_semaphore, #tpu.memory_space<semaphore_mem>> -> memref<1x!tpu.dma_semaphore, #tpu.memory_space<semaphore_mem>>
        %dma_start3A_308 = tpu.memref_squeeze %dma_start3A_307 : memref<1x!tpu.dma_semaphore, #tpu.memory_space<semaphore_mem>> -> memref<!tpu.dma_semaphore, #tpu.memory_space<semaphore_mem>>
        tpu.enqueue_indirect_dma source(%dma_start3A_306 : memref<10000x128xf32, #tpu.memory_space<hbm>>) target(%dma_start3A_300 : memref<128x128xf32, #tpu.memory_space<vmem>>) offsets(%dma_start3A_303 : memref<128xi32, #tpu.memory_space<vmem>>) semaphore(%dma_start3A_308 : memref<!tpu.dma_semaphore, #tpu.memory_space<semaphore_mem>>)
      } else {
      }
      %lt3A_283 = arith.constant 79 : i32
      %lt3A_284 = arith.cmpi slt, %add3A_266, %lt3A_283 : i32
      %lt3A_285 = arith.constant 2500 : i32
      %lt3A_286 = arith.cmpi slt, %add3A_269, %lt3A_285 : i32
      %and3A_287 = arith.andi %lt3A_284, %lt3A_286 : i1
      %convert_element_type3A_288 = arith.extui %and3A_287 : i1 to i32
      %cond3A_289 = arith.constant 0 : i32
      %cond3A_290 = arith.cmpi ne, %convert_element_type3A_288, %cond3A_289 : i32
      scf.if %cond3A_290 {
        %dma_wait3A = arith.constant 5 : i32
        %dma_wait3A_291 = arith.constant 5 : i32
        %dma_wait3A_292 = arith.constant 0 : i32
        %dma_wait3A_293 = arith.constant 0 : i32
        %dma_wait3A_294 = tpu.memref_slice %arg6[%dma_wait3A, %dma_wait3A_292, %dma_wait3A_293] : memref<6x128x128xf32, #tpu.memory_space<vmem>> -> memref<1x128x128xf32, #tpu.memory_space<vmem>>
        %dma_wait3A_295 = tpu.memref_squeeze %dma_wait3A_294 : memref<1x128x128xf32, #tpu.memory_space<vmem>> -> memref<128x128xf32, #tpu.memory_space<vmem>>
        %dma_wait3A_296 = arith.constant 0 : i32
        %dma_wait3A_297 = tpu.memref_slice %arg5[%add3A_266, %dma_wait3A_296] : memref<79x128xi32, #tpu.memory_space<vmem>> -> memref<1x128xi32, #tpu.memory_space<vmem>>
        %dma_wait3A_298 = tpu.memref_squeeze %dma_wait3A_297 : memref<1x128xi32, #tpu.memory_space<vmem>> -> memref<128xi32, #tpu.memory_space<vmem>>
        %dma_wait3A_299 = arith.constant 0 : i32
        %dma_wait3A_300 = arith.constant 0 : i32
        %dma_wait3A_301 = tpu.memref_slice %arg2[%dma_wait3A_299, %dma_wait3A_300] : memref<10000x128xf32, #tpu.memory_space<hbm>> -> memref<10000x128xf32, #tpu.memory_space<hbm>>
        %dma_wait3A_302 = tpu.memref_slice %arg8[%dma_wait3A_291] : memref<6x!tpu.dma_semaphore, #tpu.memory_space<semaphore_mem>> -> memref<1x!tpu.dma_semaphore, #tpu.memory_space<semaphore_mem>>
        %dma_wait3A_303 = tpu.memref_squeeze %dma_wait3A_302 : memref<1x!tpu.dma_semaphore, #tpu.memory_space<semaphore_mem>> -> memref<!tpu.dma_semaphore, #tpu.memory_space<semaphore_mem>>
        tpu.wait_indirect_dma semaphore(%dma_wait3A_303 : memref<!tpu.dma_semaphore, #tpu.memory_space<semaphore_mem>>) src(%dma_wait3A_301 : memref<10000x128xf32, #tpu.memory_space<hbm>>) dst(%dma_wait3A_295 : memref<128x128xf32, #tpu.memory_space<vmem>>)
        %mul3A_304 = arith.constant 128 : i32
        %mul3A_305 = arith.muli %add3A_269, %mul3A_304 : i32
        %dma_start3A = arith.constant 5 : i32
        %dma_start3A_306 = arith.constant 5 : i32
        %dma_start3A_307 = arith.constant 0 : i32
        %dma_start3A_308 = arith.constant 0 : i32
        %dma_start3A_309 = tpu.memref_slice %arg6[%dma_start3A, %dma_start3A_307, %dma_start3A_308] : memref<6x128x128xf32, #tpu.memory_space<vmem>> -> memref<1x128x128xf32, #tpu.memory_space<vmem>>
        %dma_start3A_310 = tpu.memref_squeeze %dma_start3A_309 : memref<1x128x128xf32, #tpu.memory_space<vmem>> -> memref<128x128xf32, #tpu.memory_space<vmem>>
        %dma_start3A_311 = arith.constant 0 : i32
        %dma_start3A_312 = tpu.memref_slice %arg4[%mul3A_305, %dma_start3A_311] : memref<320000x128xf32, #tpu.memory_space<hbm>> -> memref<128x128xf32, #tpu.memory_space<hbm>>
        %dma_start3A_313 = tpu.memref_slice %arg9[%dma_start3A_306] : memref<6x!tpu.dma_semaphore, #tpu.memory_space<semaphore_mem>> -> memref<1x!tpu.dma_semaphore, #tpu.memory_space<semaphore_mem>>
        %dma_start3A_314 = tpu.memref_squeeze %dma_start3A_313 : memref<1x!tpu.dma_semaphore, #tpu.memory_space<semaphore_mem>> -> memref<!tpu.dma_semaphore, #tpu.memory_space<semaphore_mem>>
        %dma_start3A_315 = arith.constant 0 : i32
        %dma_start3A_316 = tpu.memref_slice %arg4[%mul3A_305, %dma_start3A_315] : memref<320000x128xf32, #tpu.memory_space<hbm>> -> memref<128x128xf32, #tpu.memory_space<hbm>>
        %dma_start3A_317 = arith.constant 0 : i32
        %dma_start3A_318 = arith.constant 0 : i32
        %dma_start3A_319 = tpu.memref_slice %arg6[%dma_start3A, %dma_start3A_317, %dma_start3A_318] : memref<6x128x128xf32, #tpu.memory_space<vmem>> -> memref<1x128x128xf32, #tpu.memory_space<vmem>>
        %dma_start3A_320 = tpu.memref_squeeze %dma_start3A_319 : memref<1x128x128xf32, #tpu.memory_space<vmem>> -> memref<128x128xf32, #tpu.memory_space<vmem>>
        tpu.enqueue_dma source(%dma_start3A_320 : memref<128x128xf32, #tpu.memory_space<vmem>>) target(%dma_start3A_316 : memref<128x128xf32, #tpu.memory_space<hbm>>) target_semaphore(%dma_start3A_314 : memref<!tpu.dma_semaphore, #tpu.memory_space<semaphore_mem>>)
      } else {
      }
    }
    %scan3A_32 = arith.constant 14 : i32
    %add3A_33 = arith.constant 2304 : i32
    %add3A_34 = arith.addi %add3A, %add3A_33 : i32
    %add3A_35 = arith.constant 2496 : i32
    %add3A_36 = arith.addi %add3A, %add3A_35 : i32
    %ge3A = arith.constant 2500 : i32
    %ge3A_37 = arith.cmpi sge, %add3A_36, %ge3A : i32
    %or3A = arith.constant false
    %or3A_38 = arith.ori %or3A, %ge3A_37 : i1
    %lt3A_39 = arith.constant 2500 : i32
    %lt3A_40 = arith.cmpi slt, %add3A_34, %lt3A_39 : i32
    %and3A = arith.andi %lt3A_40, %or3A_38 : i1
    %convert_element_type3A_41 = arith.extui %and3A : i1 to i32
    %cond3A_42 = arith.constant 0 : i32
    %cond3A_43 = arith.cmpi ne, %convert_element_type3A_41, %cond3A_42 : i32
    scf.if %cond3A_43 {
      %mul3A_128 = arith.constant 128 : i32
      %mul3A_129 = arith.muli %add3A_34, %mul3A_128 : i32
      %dma_wait3A = arith.constant 0 : i32
      %dma_wait3A_130 = arith.constant 0 : i32
      %dma_wait3A_131 = arith.constant 0 : i32
      %dma_wait3A_132 = arith.constant 0 : i32
      %dma_wait3A_133 = tpu.memref_slice %arg6[%dma_wait3A, %dma_wait3A_131, %dma_wait3A_132] : memref<6x128x128xf32, #tpu.memory_space<vmem>> -> memref<1x128x128xf32, #tpu.memory_space<vmem>>
      %dma_wait3A_134 = tpu.memref_squeeze %dma_wait3A_133 : memref<1x128x128xf32, #tpu.memory_space<vmem>> -> memref<128x128xf32, #tpu.memory_space<vmem>>
      %dma_wait3A_135 = arith.constant 0 : i32
      %dma_wait3A_136 = tpu.memref_slice %arg4[%mul3A_129, %dma_wait3A_135] : memref<320000x128xf32, #tpu.memory_space<hbm>> -> memref<128x128xf32, #tpu.memory_space<hbm>>
      %dma_wait3A_137 = tpu.memref_slice %arg9[%dma_wait3A_130] : memref<6x!tpu.dma_semaphore, #tpu.memory_space<semaphore_mem>> -> memref<1x!tpu.dma_semaphore, #tpu.memory_space<semaphore_mem>>
      %dma_wait3A_138 = tpu.memref_squeeze %dma_wait3A_137 : memref<1x!tpu.dma_semaphore, #tpu.memory_space<semaphore_mem>> -> memref<!tpu.dma_semaphore, #tpu.memory_space<semaphore_mem>>
      %dma_wait3A_139 = arith.constant 0 : i32
      %dma_wait3A_140 = tpu.memref_slice %arg4[%mul3A_129, %dma_wait3A_139] : memref<320000x128xf32, #tpu.memory_space<hbm>> -> memref<128x128xf32, #tpu.memory_space<hbm>>
      %dma_wait3A_141 = arith.constant 0 : i32
      %dma_wait3A_142 = arith.constant 0 : i32
      %dma_wait3A_143 = tpu.memref_slice %arg6[%dma_wait3A, %dma_wait3A_141, %dma_wait3A_142] : memref<6x128x128xf32, #tpu.memory_space<vmem>> -> memref<1x128x128xf32, #tpu.memory_space<vmem>>
      %dma_wait3A_144 = tpu.memref_squeeze %dma_wait3A_143 : memref<1x128x128xf32, #tpu.memory_space<vmem>> -> memref<128x128xf32, #tpu.memory_space<vmem>>
      tpu.wait_dma2 semaphore(%dma_wait3A_138 : memref<!tpu.dma_semaphore, #tpu.memory_space<semaphore_mem>>) src(%dma_wait3A_144 : memref<128x128xf32, #tpu.memory_space<vmem>>) dst(%dma_wait3A_140 : memref<128x128xf32, #tpu.memory_space<hbm>>)
    } else {
    }
    %add3A_44 = arith.constant 2336 : i32
    %add3A_45 = arith.addi %add3A, %add3A_44 : i32
    %add3A_46 = arith.constant 2528 : i32
    %add3A_47 = arith.addi %add3A, %add3A_46 : i32
    %ge3A_48 = arith.constant 2500 : i32
    %ge3A_49 = arith.cmpi sge, %add3A_47, %ge3A_48 : i32
    %or3A_50 = arith.constant true
    %or3A_51 = arith.ori %or3A_50, %ge3A_49 : i1
    %lt3A_52 = arith.constant 2500 : i32
    %lt3A_53 = arith.cmpi slt, %add3A_45, %lt3A_52 : i32
    %and3A_54 = arith.andi %lt3A_53, %or3A_51 : i1
    %convert_element_type3A_55 = arith.extui %and3A_54 : i1 to i32
    %cond3A_56 = arith.constant 0 : i32
    %cond3A_57 = arith.cmpi ne, %convert_element_type3A_55, %cond3A_56 : i32
    scf.if %cond3A_57 {
      %mul3A_128 = arith.constant 128 : i32
      %mul3A_129 = arith.muli %add3A_45, %mul3A_128 : i32
      %dma_wait3A = arith.constant 1 : i32
      %dma_wait3A_130 = arith.constant 1 : i32
      %dma_wait3A_131 = arith.constant 0 : i32
      %dma_wait3A_132 = arith.constant 0 : i32
      %dma_wait3A_133 = tpu.memref_slice %arg6[%dma_wait3A, %dma_wait3A_131, %dma_wait3A_132] : memref<6x128x128xf32, #tpu.memory_space<vmem>> -> memref<1x128x128xf32, #tpu.memory_space<vmem>>
      %dma_wait3A_134 = tpu.memref_squeeze %dma_wait3A_133 : memref<1x128x128xf32, #tpu.memory_space<vmem>> -> memref<128x128xf32, #tpu.memory_space<vmem>>
      %dma_wait3A_135 = arith.constant 0 : i32
      %dma_wait3A_136 = tpu.memref_slice %arg4[%mul3A_129, %dma_wait3A_135] : memref<320000x128xf32, #tpu.memory_space<hbm>> -> memref<128x128xf32, #tpu.memory_space<hbm>>
      %dma_wait3A_137 = tpu.memref_slice %arg9[%dma_wait3A_130] : memref<6x!tpu.dma_semaphore, #tpu.memory_space<semaphore_mem>> -> memref<1x!tpu.dma_semaphore, #tpu.memory_space<semaphore_mem>>
      %dma_wait3A_138 = tpu.memref_squeeze %dma_wait3A_137 : memref<1x!tpu.dma_semaphore, #tpu.memory_space<semaphore_mem>> -> memref<!tpu.dma_semaphore, #tpu.memory_space<semaphore_mem>>
      %dma_wait3A_139 = arith.constant 0 : i32
      %dma_wait3A_140 = tpu.memref_slice %arg4[%mul3A_129, %dma_wait3A_139] : memref<320000x128xf32, #tpu.memory_space<hbm>> -> memref<128x128xf32, #tpu.memory_space<hbm>>
      %dma_wait3A_141 = arith.constant 0 : i32
      %dma_wait3A_142 = arith.constant 0 : i32
      %dma_wait3A_143 = tpu.memref_slice %arg6[%dma_wait3A, %dma_wait3A_141, %dma_wait3A_142] : memref<6x128x128xf32, #tpu.memory_space<vmem>> -> memref<1x128x128xf32, #tpu.memory_space<vmem>>
      %dma_wait3A_144 = tpu.memref_squeeze %dma_wait3A_143 : memref<1x128x128xf32, #tpu.memory_space<vmem>> -> memref<128x128xf32, #tpu.memory_space<vmem>>
      tpu.wait_dma2 semaphore(%dma_wait3A_138 : memref<!tpu.dma_semaphore, #tpu.memory_space<semaphore_mem>>) src(%dma_wait3A_144 : memref<128x128xf32, #tpu.memory_space<vmem>>) dst(%dma_wait3A_140 : memref<128x128xf32, #tpu.memory_space<hbm>>)
    } else {
    }
    %add3A_58 = arith.constant 2368 : i32
    %add3A_59 = arith.addi %add3A, %add3A_58 : i32
    %add3A_60 = arith.constant 2560 : i32
    %add3A_61 = arith.addi %add3A, %add3A_60 : i32
    %ge3A_62 = arith.constant 2500 : i32
    %ge3A_63 = arith.cmpi sge, %add3A_61, %ge3A_62 : i32
    %or3A_64 = arith.constant true
    %or3A_65 = arith.ori %or3A_64, %ge3A_63 : i1
    %lt3A_66 = arith.constant 2500 : i32
    %lt3A_67 = arith.cmpi slt, %add3A_59, %lt3A_66 : i32
    %and3A_68 = arith.andi %lt3A_67, %or3A_65 : i1
    %convert_element_type3A_69 = arith.extui %and3A_68 : i1 to i32
    %cond3A_70 = arith.constant 0 : i32
    %cond3A_71 = arith.cmpi ne, %convert_element_type3A_69, %cond3A_70 : i32
    scf.if %cond3A_71 {
      %mul3A_128 = arith.constant 128 : i32
      %mul3A_129 = arith.muli %add3A_59, %mul3A_128 : i32
      %dma_wait3A = arith.constant 2 : i32
      %dma_wait3A_130 = arith.constant 2 : i32
      %dma_wait3A_131 = arith.constant 0 : i32
      %dma_wait3A_132 = arith.constant 0 : i32
      %dma_wait3A_133 = tpu.memref_slice %arg6[%dma_wait3A, %dma_wait3A_131, %dma_wait3A_132] : memref<6x128x128xf32, #tpu.memory_space<vmem>> -> memref<1x128x128xf32, #tpu.memory_space<vmem>>
      %dma_wait3A_134 = tpu.memref_squeeze %dma_wait3A_133 : memref<1x128x128xf32, #tpu.memory_space<vmem>> -> memref<128x128xf32, #tpu.memory_space<vmem>>
      %dma_wait3A_135 = arith.constant 0 : i32
      %dma_wait3A_136 = tpu.memref_slice %arg4[%mul3A_129, %dma_wait3A_135] : memref<320000x128xf32, #tpu.memory_space<hbm>> -> memref<128x128xf32, #tpu.memory_space<hbm>>
      %dma_wait3A_137 = tpu.memref_slice %arg9[%dma_wait3A_130] : memref<6x!tpu.dma_semaphore, #tpu.memory_space<semaphore_mem>> -> memref<1x!tpu.dma_semaphore, #tpu.memory_space<semaphore_mem>>
      %dma_wait3A_138 = tpu.memref_squeeze %dma_wait3A_137 : memref<1x!tpu.dma_semaphore, #tpu.memory_space<semaphore_mem>> -> memref<!tpu.dma_semaphore, #tpu.memory_space<semaphore_mem>>
      %dma_wait3A_139 = arith.constant 0 : i32
      %dma_wait3A_140 = tpu.memref_slice %arg4[%mul3A_129, %dma_wait3A_139] : memref<320000x128xf32, #tpu.memory_space<hbm>> -> memref<128x128xf32, #tpu.memory_space<hbm>>
      %dma_wait3A_141 = arith.constant 0 : i32
      %dma_wait3A_142 = arith.constant 0 : i32
      %dma_wait3A_143 = tpu.memref_slice %arg6[%dma_wait3A, %dma_wait3A_141, %dma_wait3A_142] : memref<6x128x128xf32, #tpu.memory_space<vmem>> -> memref<1x128x128xf32, #tpu.memory_space<vmem>>
      %dma_wait3A_144 = tpu.memref_squeeze %dma_wait3A_143 : memref<1x128x128xf32, #tpu.memory_space<vmem>> -> memref<128x128xf32, #tpu.memory_space<vmem>>
      tpu.wait_dma2 semaphore(%dma_wait3A_138 : memref<!tpu.dma_semaphore, #tpu.memory_space<semaphore_mem>>) src(%dma_wait3A_144 : memref<128x128xf32, #tpu.memory_space<vmem>>) dst(%dma_wait3A_140 : memref<128x128xf32, #tpu.memory_space<hbm>>)
    } else {
    }
    %add3A_72 = arith.constant 2400 : i32
    %add3A_73 = arith.addi %add3A, %add3A_72 : i32
    %add3A_74 = arith.constant 2592 : i32
    %add3A_75 = arith.addi %add3A, %add3A_74 : i32
    %ge3A_76 = arith.constant 2500 : i32
    %ge3A_77 = arith.cmpi sge, %add3A_75, %ge3A_76 : i32
    %or3A_78 = arith.constant true
    %or3A_79 = arith.ori %or3A_78, %ge3A_77 : i1
    %lt3A_80 = arith.constant 2500 : i32
    %lt3A_81 = arith.cmpi slt, %add3A_73, %lt3A_80 : i32
    %and3A_82 = arith.andi %lt3A_81, %or3A_79 : i1
    %convert_element_type3A_83 = arith.extui %and3A_82 : i1 to i32
    %cond3A_84 = arith.constant 0 : i32
    %cond3A_85 = arith.cmpi ne, %convert_element_type3A_83, %cond3A_84 : i32
    scf.if %cond3A_85 {
      %mul3A_128 = arith.constant 128 : i32
      %mul3A_129 = arith.muli %add3A_73, %mul3A_128 : i32
      %dma_wait3A = arith.constant 3 : i32
      %dma_wait3A_130 = arith.constant 3 : i32
      %dma_wait3A_131 = arith.constant 0 : i32
      %dma_wait3A_132 = arith.constant 0 : i32
      %dma_wait3A_133 = tpu.memref_slice %arg6[%dma_wait3A, %dma_wait3A_131, %dma_wait3A_132] : memref<6x128x128xf32, #tpu.memory_space<vmem>> -> memref<1x128x128xf32, #tpu.memory_space<vmem>>
      %dma_wait3A_134 = tpu.memref_squeeze %dma_wait3A_133 : memref<1x128x128xf32, #tpu.memory_space<vmem>> -> memref<128x128xf32, #tpu.memory_space<vmem>>
      %dma_wait3A_135 = arith.constant 0 : i32
      %dma_wait3A_136 = tpu.memref_slice %arg4[%mul3A_129, %dma_wait3A_135] : memref<320000x128xf32, #tpu.memory_space<hbm>> -> memref<128x128xf32, #tpu.memory_space<hbm>>
      %dma_wait3A_137 = tpu.memref_slice %arg9[%dma_wait3A_130] : memref<6x!tpu.dma_semaphore, #tpu.memory_space<semaphore_mem>> -> memref<1x!tpu.dma_semaphore, #tpu.memory_space<semaphore_mem>>
      %dma_wait3A_138 = tpu.memref_squeeze %dma_wait3A_137 : memref<1x!tpu.dma_semaphore, #tpu.memory_space<semaphore_mem>> -> memref<!tpu.dma_semaphore, #tpu.memory_space<semaphore_mem>>
      %dma_wait3A_139 = arith.constant 0 : i32
      %dma_wait3A_140 = tpu.memref_slice %arg4[%mul3A_129, %dma_wait3A_139] : memref<320000x128xf32, #tpu.memory_space<hbm>> -> memref<128x128xf32, #tpu.memory_space<hbm>>
      %dma_wait3A_141 = arith.constant 0 : i32
      %dma_wait3A_142 = arith.constant 0 : i32
      %dma_wait3A_143 = tpu.memref_slice %arg6[%dma_wait3A, %dma_wait3A_141, %dma_wait3A_142] : memref<6x128x128xf32, #tpu.memory_space<vmem>> -> memref<1x128x128xf32, #tpu.memory_space<vmem>>
      %dma_wait3A_144 = tpu.memref_squeeze %dma_wait3A_143 : memref<1x128x128xf32, #tpu.memory_space<vmem>> -> memref<128x128xf32, #tpu.memory_space<vmem>>
      tpu.wait_dma2 semaphore(%dma_wait3A_138 : memref<!tpu.dma_semaphore, #tpu.memory_space<semaphore_mem>>) src(%dma_wait3A_144 : memref<128x128xf32, #tpu.memory_space<vmem>>) dst(%dma_wait3A_140 : memref<128x128xf32, #tpu.memory_space<hbm>>)
    } else {
    }
    %add3A_86 = arith.constant 2432 : i32
    %add3A_87 = arith.addi %add3A, %add3A_86 : i32
    %add3A_88 = arith.constant 2624 : i32
    %add3A_89 = arith.addi %add3A, %add3A_88 : i32
    %ge3A_90 = arith.constant 2500 : i32
    %ge3A_91 = arith.cmpi sge, %add3A_89, %ge3A_90 : i32
    %or3A_92 = arith.constant true
    %or3A_93 = arith.ori %or3A_92, %ge3A_91 : i1
    %lt3A_94 = arith.constant 2500 : i32
    %lt3A_95 = arith.cmpi slt, %add3A_87, %lt3A_94 : i32
    %and3A_96 = arith.andi %lt3A_95, %or3A_93 : i1
    %convert_element_type3A_97 = arith.extui %and3A_96 : i1 to i32
    %cond3A_98 = arith.constant 0 : i32
    %cond3A_99 = arith.cmpi ne, %convert_element_type3A_97, %cond3A_98 : i32
    scf.if %cond3A_99 {
      %mul3A_128 = arith.constant 128 : i32
      %mul3A_129 = arith.muli %add3A_87, %mul3A_128 : i32
      %dma_wait3A = arith.constant 4 : i32
      %dma_wait3A_130 = arith.constant 4 : i32
      %dma_wait3A_131 = arith.constant 0 : i32
      %dma_wait3A_132 = arith.constant 0 : i32
      %dma_wait3A_133 = tpu.memref_slice %arg6[%dma_wait3A, %dma_wait3A_131, %dma_wait3A_132] : memref<6x128x128xf32, #tpu.memory_space<vmem>> -> memref<1x128x128xf32, #tpu.memory_space<vmem>>
      %dma_wait3A_134 = tpu.memref_squeeze %dma_wait3A_133 : memref<1x128x128xf32, #tpu.memory_space<vmem>> -> memref<128x128xf32, #tpu.memory_space<vmem>>
      %dma_wait3A_135 = arith.constant 0 : i32
      %dma_wait3A_136 = tpu.memref_slice %arg4[%mul3A_129, %dma_wait3A_135] : memref<320000x128xf32, #tpu.memory_space<hbm>> -> memref<128x128xf32, #tpu.memory_space<hbm>>
      %dma_wait3A_137 = tpu.memref_slice %arg9[%dma_wait3A_130] : memref<6x!tpu.dma_semaphore, #tpu.memory_space<semaphore_mem>> -> memref<1x!tpu.dma_semaphore, #tpu.memory_space<semaphore_mem>>
      %dma_wait3A_138 = tpu.memref_squeeze %dma_wait3A_137 : memref<1x!tpu.dma_semaphore, #tpu.memory_space<semaphore_mem>> -> memref<!tpu.dma_semaphore, #tpu.memory_space<semaphore_mem>>
      %dma_wait3A_139 = arith.constant 0 : i32
      %dma_wait3A_140 = tpu.memref_slice %arg4[%mul3A_129, %dma_wait3A_139] : memref<320000x128xf32, #tpu.memory_space<hbm>> -> memref<128x128xf32, #tpu.memory_space<hbm>>
      %dma_wait3A_141 = arith.constant 0 : i32
      %dma_wait3A_142 = arith.constant 0 : i32
      %dma_wait3A_143 = tpu.memref_slice %arg6[%dma_wait3A, %dma_wait3A_141, %dma_wait3A_142] : memref<6x128x128xf32, #tpu.memory_space<vmem>> -> memref<1x128x128xf32, #tpu.memory_space<vmem>>
      %dma_wait3A_144 = tpu.memref_squeeze %dma_wait3A_143 : memref<1x128x128xf32, #tpu.memory_space<vmem>> -> memref<128x128xf32, #tpu.memory_space<vmem>>
      tpu.wait_dma2 semaphore(%dma_wait3A_138 : memref<!tpu.dma_semaphore, #tpu.memory_space<semaphore_mem>>) src(%dma_wait3A_144 : memref<128x128xf32, #tpu.memory_space<vmem>>) dst(%dma_wait3A_140 : memref<128x128xf32, #tpu.memory_space<hbm>>)
    } else {
    }
    %add3A_100 = arith.constant 2464 : i32
    %add3A_101 = arith.addi %add3A, %add3A_100 : i32
    %add3A_102 = arith.constant 2656 : i32
    %add3A_103 = arith.addi %add3A, %add3A_102 : i32
    %ge3A_104 = arith.constant 2500 : i32
    %ge3A_105 = arith.cmpi sge, %add3A_103, %ge3A_104 : i32
    %or3A_106 = arith.constant true
    %or3A_107 = arith.ori %or3A_106, %ge3A_105 : i1
    %lt3A_108 = arith.constant 2500 : i32
    %lt3A_109 = arith.cmpi slt, %add3A_101, %lt3A_108 : i32
    %and3A_110 = arith.andi %lt3A_109, %or3A_107 : i1
    %convert_element_type3A_111 = arith.extui %and3A_110 : i1 to i32
    %cond3A_112 = arith.constant 0 : i32
    %cond3A_113 = arith.cmpi ne, %convert_element_type3A_111, %cond3A_112 : i32
    scf.if %cond3A_113 {
      %mul3A_128 = arith.constant 128 : i32
      %mul3A_129 = arith.muli %add3A_101, %mul3A_128 : i32
      %dma_wait3A = arith.constant 5 : i32
      %dma_wait3A_130 = arith.constant 5 : i32
      %dma_wait3A_131 = arith.constant 0 : i32
      %dma_wait3A_132 = arith.constant 0 : i32
      %dma_wait3A_133 = tpu.memref_slice %arg6[%dma_wait3A, %dma_wait3A_131, %dma_wait3A_132] : memref<6x128x128xf32, #tpu.memory_space<vmem>> -> memref<1x128x128xf32, #tpu.memory_space<vmem>>
      %dma_wait3A_134 = tpu.memref_squeeze %dma_wait3A_133 : memref<1x128x128xf32, #tpu.memory_space<vmem>> -> memref<128x128xf32, #tpu.memory_space<vmem>>
      %dma_wait3A_135 = arith.constant 0 : i32
      %dma_wait3A_136 = tpu.memref_slice %arg4[%mul3A_129, %dma_wait3A_135] : memref<320000x128xf32, #tpu.memory_space<hbm>> -> memref<128x128xf32, #tpu.memory_space<hbm>>
      %dma_wait3A_137 = tpu.memref_slice %arg9[%dma_wait3A_130] : memref<6x!tpu.dma_semaphore, #tpu.memory_space<semaphore_mem>> -> memref<1x!tpu.dma_semaphore, #tpu.memory_space<semaphore_mem>>
      %dma_wait3A_138 = tpu.memref_squeeze %dma_wait3A_137 : memref<1x!tpu.dma_semaphore, #tpu.memory_space<semaphore_mem>> -> memref<!tpu.dma_semaphore, #tpu.memory_space<semaphore_mem>>
      %dma_wait3A_139 = arith.constant 0 : i32
      %dma_wait3A_140 = tpu.memref_slice %arg4[%mul3A_129, %dma_wait3A_139] : memref<320000x128xf32, #tpu.memory_space<hbm>> -> memref<128x128xf32, #tpu.memory_space<hbm>>
      %dma_wait3A_141 = arith.constant 0 : i32
      %dma_wait3A_142 = arith.constant 0 : i32
      %dma_wait3A_143 = tpu.memref_slice %arg6[%dma_wait3A, %dma_wait3A_141, %dma_wait3A_142] : memref<6x128x128xf32, #tpu.memory_space<vmem>> -> memref<1x128x128xf32, #tpu.memory_space<vmem>>
      %dma_wait3A_144 = tpu.memref_squeeze %dma_wait3A_143 : memref<1x128x128xf32, #tpu.memory_space<vmem>> -> memref<128x128xf32, #tpu.memory_space<vmem>>
      tpu.wait_dma2 semaphore(%dma_wait3A_138 : memref<!tpu.dma_semaphore, #tpu.memory_space<semaphore_mem>>) src(%dma_wait3A_144 : memref<128x128xf32, #tpu.memory_space<vmem>>) dst(%dma_wait3A_140 : memref<128x128xf32, #tpu.memory_space<hbm>>)
    } else {
    }
    %add3A_114 = arith.constant 2496 : i32
    %add3A_115 = arith.addi %add3A, %add3A_114 : i32
    %add3A_116 = arith.constant 2688 : i32
    %add3A_117 = arith.addi %add3A, %add3A_116 : i32
    %ge3A_118 = arith.constant 2500 : i32
    %ge3A_119 = arith.cmpi sge, %add3A_117, %ge3A_118 : i32
    %or3A_120 = arith.constant true
    %or3A_121 = arith.ori %or3A_120, %ge3A_119 : i1
    %lt3A_122 = arith.constant 2500 : i32
    %lt3A_123 = arith.cmpi slt, %add3A_115, %lt3A_122 : i32
    %and3A_124 = arith.andi %lt3A_123, %or3A_121 : i1
    %convert_element_type3A_125 = arith.extui %and3A_124 : i1 to i32
    %cond3A_126 = arith.constant 0 : i32
    %cond3A_127 = arith.cmpi ne, %convert_element_type3A_125, %cond3A_126 : i32
    scf.if %cond3A_127 {
      %mul3A_128 = arith.constant 128 : i32
      %mul3A_129 = arith.muli %add3A_115, %mul3A_128 : i32
      %dma_wait3A = arith.constant 0 : i32
      %dma_wait3A_130 = arith.constant 0 : i32
      %dma_wait3A_131 = arith.constant 0 : i32
      %dma_wait3A_132 = arith.constant 0 : i32
      %dma_wait3A_133 = tpu.memref_slice %arg6[%dma_wait3A, %dma_wait3A_131, %dma_wait3A_132] : memref<6x128x128xf32, #tpu.memory_space<vmem>> -> memref<1x128x128xf32, #tpu.memory_space<vmem>>
      %dma_wait3A_134 = tpu.memref_squeeze %dma_wait3A_133 : memref<1x128x128xf32, #tpu.memory_space<vmem>> -> memref<128x128xf32, #tpu.memory_space<vmem>>
      %dma_wait3A_135 = arith.constant 0 : i32
      %dma_wait3A_136 = tpu.memref_slice %arg4[%mul3A_129, %dma_wait3A_135] : memref<320000x128xf32, #tpu.memory_space<hbm>> -> memref<128x128xf32, #tpu.memory_space<hbm>>
      %dma_wait3A_137 = tpu.memref_slice %arg9[%dma_wait3A_130] : memref<6x!tpu.dma_semaphore, #tpu.memory_space<semaphore_mem>> -> memref<1x!tpu.dma_semaphore, #tpu.memory_space<semaphore_mem>>
      %dma_wait3A_138 = tpu.memref_squeeze %dma_wait3A_137 : memref<1x!tpu.dma_semaphore, #tpu.memory_space<semaphore_mem>> -> memref<!tpu.dma_semaphore, #tpu.memory_space<semaphore_mem>>
      %dma_wait3A_139 = arith.constant 0 : i32
      %dma_wait3A_140 = tpu.memref_slice %arg4[%mul3A_129, %dma_wait3A_139] : memref<320000x128xf32, #tpu.memory_space<hbm>> -> memref<128x128xf32, #tpu.memory_space<hbm>>
      %dma_wait3A_141 = arith.constant 0 : i32
      %dma_wait3A_142 = arith.constant 0 : i32
      %dma_wait3A_143 = tpu.memref_slice %arg6[%dma_wait3A, %dma_wait3A_141, %dma_wait3A_142] : memref<6x128x128xf32, #tpu.memory_space<vmem>> -> memref<1x128x128xf32, #tpu.memory_space<vmem>>
      %dma_wait3A_144 = tpu.memref_squeeze %dma_wait3A_143 : memref<1x128x128xf32, #tpu.memory_space<vmem>> -> memref<128x128xf32, #tpu.memory_space<vmem>>
      tpu.wait_dma2 semaphore(%dma_wait3A_138 : memref<!tpu.dma_semaphore, #tpu.memory_space<semaphore_mem>>) src(%dma_wait3A_144 : memref<128x128xf32, #tpu.memory_space<vmem>>) dst(%dma_wait3A_140 : memref<128x128xf32, #tpu.memory_space<hbm>>)
    } else {
    }
    return
  }
}

#map = affine_map<(d0, d1) -> (0, 0)>
#map1 = affine_map<(d0, d1) -> (0, 0, 0)>
module attributes {stable_mosaic.version = 14 : i64} {
  func.func @_count_k(%arg0: i32, %arg1: i32, %arg2: memref<2500x128xi32, #tpu.memory_space<hbm>>, %arg3: memref<128x128xf32, #tpu.memory_space<hbm>>, %arg4: memref<128x128xf32, #tpu.memory_space<hbm>>, %arg5: memref<2x10000x128xf32, #tpu.memory_space<hbm>>, %arg6: memref<79x128xi32, #tpu.memory_space<vmem>>, %arg7: memref<128x128xf32, #tpu.memory_space<vmem>>, %arg8: memref<10000x128xf32, #tpu.memory_space<vmem_shared>>, %arg9: memref<!tpu.dma_semaphore, #tpu.memory_space<semaphore_mem>>, %arg10: memref<!tpu.dma_semaphore, #tpu.memory_space<semaphore_mem>>) attributes {dimension_semantics = [#tpu.dimension_semantics<core_parallel>, #tpu.dimension_semantics<subcore_parallel>], iteration_bounds = array<i64: 2, 16>, scalar_prefetch = 0 : i64, scratch_operands = 5 : i64, tpu.core_type = #tpu.core_type<sc_vector_subcore>, window_params = [{transform_indices = #map}, {transform_indices = #map}, {transform_indices = #map}, {transform_indices = #map1}]} {
    %mul3A = arith.constant 2 : i32
    %mul3A_0 = arith.muli %arg1, %mul3A : i32
    %add3A = arith.addi %mul3A_0, %arg0 : i32
    %scan3A = arith.constant 0 : i32
    %scan3A_1 = arith.constant 79 : i32
    %scan3A_2 = arith.addi %scan3A, %scan3A_1 : i32
    %scan3A_3 = arith.constant 1 : i32
    scf.for %scan3A_99 = %scan3A to %scan3A_2 step %scan3A_3  : i32 {
      %mul3A_100 = arith.constant 1 : i32
      %mul3A_101 = arith.muli %scan3A_99, %mul3A_100 : i32
      %add3A_102 = arith.constant 0 : i32
      %add3A_103 = arith.addi %add3A_102, %mul3A_101 : i32
      %mul3A_104 = arith.constant 32 : i32
      %mul3A_105 = arith.muli %mul3A_104, %add3A_103 : i32
      %add3A_106 = arith.addi %add3A, %mul3A_105 : i32
      %lt3A_107 = arith.constant 2500 : i32
      %lt3A_108 = arith.cmpi slt, %add3A_106, %lt3A_107 : i32
      %convert_element_type3A_109 = arith.extui %lt3A_108 : i1 to i32
      %cond3A_110 = arith.constant 0 : i32
      %cond3A_111 = arith.cmpi ne, %convert_element_type3A_109, %cond3A_110 : i32
      scf.if %cond3A_111 {
        %dma_start3A = arith.constant 0 : i32
        %dma_start3A_112 = tpu.memref_slice %arg6[%add3A_103, %dma_start3A] : memref<79x128xi32, #tpu.memory_space<vmem>> -> memref<1x128xi32, #tpu.memory_space<vmem>>
        %dma_start3A_113 = tpu.memref_squeeze %dma_start3A_112 : memref<1x128xi32, #tpu.memory_space<vmem>> -> memref<128xi32, #tpu.memory_space<vmem>>
        %dma_start3A_114 = arith.constant 0 : i32
        %dma_start3A_115 = tpu.memref_slice %arg2[%add3A_106, %dma_start3A_114] : memref<2500x128xi32, #tpu.memory_space<hbm>> -> memref<1x128xi32, #tpu.memory_space<hbm>>
        %dma_start3A_116 = tpu.memref_squeeze %dma_start3A_115 : memref<1x128xi32, #tpu.memory_space<hbm>> -> memref<128xi32, #tpu.memory_space<hbm>>
        %dma_start3A_117 = arith.constant 0 : i32
        %dma_start3A_118 = tpu.memref_slice %arg6[%add3A_103, %dma_start3A_117] : memref<79x128xi32, #tpu.memory_space<vmem>> -> memref<1x128xi32, #tpu.memory_space<vmem>>
        %dma_start3A_119 = tpu.memref_squeeze %dma_start3A_118 : memref<1x128xi32, #tpu.memory_space<vmem>> -> memref<128xi32, #tpu.memory_space<vmem>>
        %dma_start3A_120 = arith.constant 0 : i32
        %dma_start3A_121 = tpu.memref_slice %arg2[%add3A_106, %dma_start3A_120] : memref<2500x128xi32, #tpu.memory_space<hbm>> -> memref<1x128xi32, #tpu.memory_space<hbm>>
        %dma_start3A_122 = tpu.memref_squeeze %dma_start3A_121 : memref<1x128xi32, #tpu.memory_space<hbm>> -> memref<128xi32, #tpu.memory_space<hbm>>
        tpu.enqueue_dma source(%dma_start3A_122 : memref<128xi32, #tpu.memory_space<hbm>>) target(%dma_start3A_119 : memref<128xi32, #tpu.memory_space<vmem>>) target_semaphore(%arg9 : memref<!tpu.dma_semaphore, #tpu.memory_space<semaphore_mem>>)
      } else {
      }
    }
    %scan3A_4 = arith.constant 79 : i32
    %scan3A_5 = arith.constant 0 : i32
    %scan3A_6 = arith.constant 79 : i32
    %scan3A_7 = arith.addi %scan3A_5, %scan3A_6 : i32
    %scan3A_8 = arith.constant 1 : i32
    scf.for %scan3A_99 = %scan3A_5 to %scan3A_7 step %scan3A_8  : i32 {
      %mul3A_100 = arith.constant 1 : i32
      %mul3A_101 = arith.muli %scan3A_99, %mul3A_100 : i32
      %add3A_102 = arith.constant 0 : i32
      %add3A_103 = arith.addi %add3A_102, %mul3A_101 : i32
      %mul3A_104 = arith.constant 32 : i32
      %mul3A_105 = arith.muli %mul3A_104, %add3A_103 : i32
      %add3A_106 = arith.addi %add3A, %mul3A_105 : i32
      %lt3A_107 = arith.constant 2500 : i32
      %lt3A_108 = arith.cmpi slt, %add3A_106, %lt3A_107 : i32
      %convert_element_type3A_109 = arith.extui %lt3A_108 : i1 to i32
      %cond3A_110 = arith.constant 0 : i32
      %cond3A_111 = arith.cmpi ne, %convert_element_type3A_109, %cond3A_110 : i32
      scf.if %cond3A_111 {
        %dma_wait3A = arith.constant 0 : i32
        %dma_wait3A_112 = tpu.memref_slice %arg6[%add3A_103, %dma_wait3A] : memref<79x128xi32, #tpu.memory_space<vmem>> -> memref<1x128xi32, #tpu.memory_space<vmem>>
        %dma_wait3A_113 = tpu.memref_squeeze %dma_wait3A_112 : memref<1x128xi32, #tpu.memory_space<vmem>> -> memref<128xi32, #tpu.memory_space<vmem>>
        %dma_wait3A_114 = arith.constant 0 : i32
        %dma_wait3A_115 = tpu.memref_slice %arg2[%add3A_106, %dma_wait3A_114] : memref<2500x128xi32, #tpu.memory_space<hbm>> -> memref<1x128xi32, #tpu.memory_space<hbm>>
        %dma_wait3A_116 = tpu.memref_squeeze %dma_wait3A_115 : memref<1x128xi32, #tpu.memory_space<hbm>> -> memref<128xi32, #tpu.memory_space<hbm>>
        %dma_wait3A_117 = arith.constant 0 : i32
        %dma_wait3A_118 = tpu.memref_slice %arg6[%add3A_103, %dma_wait3A_117] : memref<79x128xi32, #tpu.memory_space<vmem>> -> memref<1x128xi32, #tpu.memory_space<vmem>>
        %dma_wait3A_119 = tpu.memref_squeeze %dma_wait3A_118 : memref<1x128xi32, #tpu.memory_space<vmem>> -> memref<128xi32, #tpu.memory_space<vmem>>
        %dma_wait3A_120 = arith.constant 0 : i32
        %dma_wait3A_121 = tpu.memref_slice %arg2[%add3A_106, %dma_wait3A_120] : memref<2500x128xi32, #tpu.memory_space<hbm>> -> memref<1x128xi32, #tpu.memory_space<hbm>>
        %dma_wait3A_122 = tpu.memref_squeeze %dma_wait3A_121 : memref<1x128xi32, #tpu.memory_space<hbm>> -> memref<128xi32, #tpu.memory_space<hbm>>
        tpu.wait_dma2 semaphore(%arg9 : memref<!tpu.dma_semaphore, #tpu.memory_space<semaphore_mem>>) src(%dma_wait3A_122 : memref<128xi32, #tpu.memory_space<hbm>>) dst(%dma_wait3A_119 : memref<128xi32, #tpu.memory_space<vmem>>)
      } else {
      }
    }
    %scan3A_9 = arith.constant 79 : i32
    "tpu.region"() ({
      %run_scoped3A = tpu.sem_alloc : memref<!tpu.dma_semaphore, #tpu.memory_space<semaphore_mem>>
      tpu.enqueue_dma source(%arg3 : memref<128x128xf32, #tpu.memory_space<hbm>>) target(%arg7 : memref<128x128xf32, #tpu.memory_space<vmem>>) target_semaphore(%run_scoped3A : memref<!tpu.dma_semaphore, #tpu.memory_space<semaphore_mem>>)
      tpu.wait_dma2 semaphore(%run_scoped3A : memref<!tpu.dma_semaphore, #tpu.memory_space<semaphore_mem>>) src(%arg3 : memref<128x128xf32, #tpu.memory_space<hbm>>) dst(%arg7 : memref<128x128xf32, #tpu.memory_space<vmem>>)
      tpu.yield
    }) : () -> ()
    %scan3A_10 = arith.constant 0 : i32
    %scan3A_11 = arith.constant 78 : i32
    %scan3A_12 = arith.addi %scan3A_10, %scan3A_11 : i32
    %scan3A_13 = arith.constant 1 : i32
    scf.for %scan3A_99 = %scan3A_10 to %scan3A_12 step %scan3A_13  : i32 {
      %mul3A_100 = arith.constant 1 : i32
      %mul3A_101 = arith.muli %scan3A_99, %mul3A_100 : i32
      %add3A_102 = arith.constant 0 : i32
      %add3A_103 = arith.addi %add3A_102, %mul3A_101 : i32
      %rem3A = arith.constant 16 : i32
      %rem3A_104 = arith.remsi %add3A_103, %rem3A : i32
      %eq3A_105 = arith.cmpi eq, %rem3A_104, %arg1 : i32
      %convert_element_type3A_106 = arith.extui %eq3A_105 : i1 to i32
      %cond3A_107 = arith.constant 0 : i32
      %cond3A_108 = arith.cmpi ne, %convert_element_type3A_106, %cond3A_107 : i32
      scf.if %cond3A_108 {
        %mul3A_109 = arith.constant 128 : i32
        %mul3A_110 = arith.muli %add3A_103, %mul3A_109 : i32
        "tpu.region"() ({
          %run_scoped3A = tpu.sem_alloc : memref<!tpu.dma_semaphore, #tpu.memory_space<semaphore_mem>>
          %dma_start3A = arith.constant 0 : i32
          %dma_start3A_111 = tpu.memref_slice %arg8[%mul3A_110, %dma_start3A] : memref<10000x128xf32, #tpu.memory_space<vmem_shared>> -> memref<128x128xf32, #tpu.memory_space<vmem_shared>>
          %dma_start3A_112 = arith.constant 0 : i32
          %dma_start3A_113 = tpu.memref_slice %arg8[%mul3A_110, %dma_start3A_112] : memref<10000x128xf32, #tpu.memory_space<vmem_shared>> -> memref<128x128xf32, #tpu.memory_space<vmem_shared>>
          tpu.enqueue_dma source(%arg7 : memref<128x128xf32, #tpu.memory_space<vmem>>) target(%dma_start3A_113 : memref<128x128xf32, #tpu.memory_space<vmem_shared>>) target_semaphore(%run_scoped3A : memref<!tpu.dma_semaphore, #tpu.memory_space<semaphore_mem>>)
          %dma_wait3A = arith.constant 0 : i32
          %dma_wait3A_114 = tpu.memref_slice %arg8[%mul3A_110, %dma_wait3A] : memref<10000x128xf32, #tpu.memory_space<vmem_shared>> -> memref<128x128xf32, #tpu.memory_space<vmem_shared>>
          %dma_wait3A_115 = arith.constant 0 : i32
          %dma_wait3A_116 = tpu.memref_slice %arg8[%mul3A_110, %dma_wait3A_115] : memref<10000x128xf32, #tpu.memory_space<vmem_shared>> -> memref<128x128xf32, #tpu.memory_space<vmem_shared>>
          tpu.wait_dma2 semaphore(%run_scoped3A : memref<!tpu.dma_semaphore, #tpu.memory_space<semaphore_mem>>) src(%arg7 : memref<128x128xf32, #tpu.memory_space<vmem>>) dst(%dma_wait3A_116 : memref<128x128xf32, #tpu.memory_space<vmem_shared>>)
          tpu.yield
        }) : () -> ()
      } else {
      }
    }
    %scan3A_14 = arith.constant 78 : i32
    %eq3A = arith.constant 15 : i32
    %eq3A_15 = arith.cmpi eq, %arg1, %eq3A : i32
    %convert_element_type3A = arith.extui %eq3A_15 : i1 to i32
    %cond3A = arith.constant 0 : i32
    %cond3A_16 = arith.cmpi ne, %convert_element_type3A, %cond3A : i32
    scf.if %cond3A_16 {
      "tpu.region"() ({
        %run_scoped3A = tpu.sem_alloc : memref<!tpu.dma_semaphore, #tpu.memory_space<semaphore_mem>>
        %dma_start3A = arith.constant 0 : i32
        %dma_start3A_99 = arith.constant 0 : i32
        %dma_start3A_100 = tpu.memref_slice %arg7[%dma_start3A, %dma_start3A_99] : memref<128x128xf32, #tpu.memory_space<vmem>> -> memref<16x128xf32, #tpu.memory_space<vmem>>
        %dma_start3A_101 = arith.constant 9984 : i32
        %dma_start3A_102 = arith.constant 0 : i32
        %dma_start3A_103 = tpu.memref_slice %arg8[%dma_start3A_101, %dma_start3A_102] : memref<10000x128xf32, #tpu.memory_space<vmem_shared>> -> memref<16x128xf32, #tpu.memory_space<vmem_shared>>
        %dma_start3A_104 = arith.constant 9984 : i32
        %dma_start3A_105 = arith.constant 0 : i32
        %dma_start3A_106 = tpu.memref_slice %arg8[%dma_start3A_104, %dma_start3A_105] : memref<10000x128xf32, #tpu.memory_space<vmem_shared>> -> memref<16x128xf32, #tpu.memory_space<vmem_shared>>
        %dma_start3A_107 = arith.constant 0 : i32
        %dma_start3A_108 = arith.constant 0 : i32
        %dma_start3A_109 = tpu.memref_slice %arg7[%dma_start3A_107, %dma_start3A_108] : memref<128x128xf32, #tpu.memory_space<vmem>> -> memref<16x128xf32, #tpu.memory_space<vmem>>
        tpu.enqueue_dma source(%dma_start3A_109 : memref<16x128xf32, #tpu.memory_space<vmem>>) target(%dma_start3A_106 : memref<16x128xf32, #tpu.memory_space<vmem_shared>>) target_semaphore(%run_scoped3A : memref<!tpu.dma_semaphore, #tpu.memory_space<semaphore_mem>>)
        %dma_wait3A = arith.constant 0 : i32
        %dma_wait3A_110 = arith.constant 0 : i32
        %dma_wait3A_111 = tpu.memref_slice %arg7[%dma_wait3A, %dma_wait3A_110] : memref<128x128xf32, #tpu.memory_space<vmem>> -> memref<16x128xf32, #tpu.memory_space<vmem>>
        %dma_wait3A_112 = arith.constant 9984 : i32
        %dma_wait3A_113 = arith.constant 0 : i32
        %dma_wait3A_114 = tpu.memref_slice %arg8[%dma_wait3A_112, %dma_wait3A_113] : memref<10000x128xf32, #tpu.memory_space<vmem_shared>> -> memref<16x128xf32, #tpu.memory_space<vmem_shared>>
        %dma_wait3A_115 = arith.constant 9984 : i32
        %dma_wait3A_116 = arith.constant 0 : i32
        %dma_wait3A_117 = tpu.memref_slice %arg8[%dma_wait3A_115, %dma_wait3A_116] : memref<10000x128xf32, #tpu.memory_space<vmem_shared>> -> memref<16x128xf32, #tpu.memory_space<vmem_shared>>
        %dma_wait3A_118 = arith.constant 0 : i32
        %dma_wait3A_119 = arith.constant 0 : i32
        %dma_wait3A_120 = tpu.memref_slice %arg7[%dma_wait3A_118, %dma_wait3A_119] : memref<128x128xf32, #tpu.memory_space<vmem>> -> memref<16x128xf32, #tpu.memory_space<vmem>>
        tpu.wait_dma2 semaphore(%run_scoped3A : memref<!tpu.dma_semaphore, #tpu.memory_space<semaphore_mem>>) src(%dma_wait3A_120 : memref<16x128xf32, #tpu.memory_space<vmem>>) dst(%dma_wait3A_117 : memref<16x128xf32, #tpu.memory_space<vmem_shared>>)
        tpu.yield
      }) : () -> ()
    } else {
    }
    "tpu.region"() ({
      %run_scoped3A = tpu.sem_alloc : memref<!tpu.dma_semaphore, #tpu.memory_space<semaphore_mem>>
      tpu.enqueue_dma source(%arg4 : memref<128x128xf32, #tpu.memory_space<hbm>>) target(%arg7 : memref<128x128xf32, #tpu.memory_space<vmem>>) target_semaphore(%run_scoped3A : memref<!tpu.dma_semaphore, #tpu.memory_space<semaphore_mem>>)
      tpu.wait_dma2 semaphore(%run_scoped3A : memref<!tpu.dma_semaphore, #tpu.memory_space<semaphore_mem>>) src(%arg4 : memref<128x128xf32, #tpu.memory_space<hbm>>) dst(%arg7 : memref<128x128xf32, #tpu.memory_space<vmem>>)
      tpu.yield
    }) : () -> ()
    %barrier3A = arith.constant 0 : index
    tpu.barrier barrier_id(%barrier3A)
    %scan3A_17 = arith.constant 0 : i32
    %scan3A_18 = arith.constant 79 : i32
    %scan3A_19 = arith.addi %scan3A_17, %scan3A_18 : i32
    %scan3A_20 = arith.constant 1 : i32
    scf.for %scan3A_99 = %scan3A_17 to %scan3A_19 step %scan3A_20  : i32 {
      %mul3A_100 = arith.constant 1 : i32
      %mul3A_101 = arith.muli %scan3A_99, %mul3A_100 : i32
      %add3A_102 = arith.constant 0 : i32
      %add3A_103 = arith.addi %add3A_102, %mul3A_101 : i32
      %mul3A_104 = arith.constant 32 : i32
      %mul3A_105 = arith.muli %mul3A_104, %add3A_103 : i32
      %add3A_106 = arith.addi %add3A, %mul3A_105 : i32
      %lt3A_107 = arith.constant 2500 : i32
      %lt3A_108 = arith.cmpi slt, %add3A_106, %lt3A_107 : i32
      %convert_element_type3A_109 = arith.extui %lt3A_108 : i1 to i32
      %cond3A_110 = arith.constant 0 : i32
      %cond3A_111 = arith.cmpi ne, %convert_element_type3A_109, %cond3A_110 : i32
      scf.if %cond3A_111 {
        %ge3A_112 = arith.constant 4 : i32
        %ge3A_113 = arith.cmpi sge, %add3A_103, %ge3A_112 : i32
        %convert_element_type3A_114 = arith.extui %ge3A_113 : i1 to i32
        %cond3A_115 = arith.constant 0 : i32
        %cond3A_116 = arith.cmpi ne, %convert_element_type3A_114, %cond3A_115 : i32
        scf.if %cond3A_116 {
          %sub3A = arith.constant 4 : i32
          %sub3A_122 = arith.subi %add3A_103, %sub3A : i32
          %dma_wait3A = arith.constant 0 : i32
          %dma_wait3A_123 = tpu.memref_slice %arg6[%sub3A_122, %dma_wait3A] : memref<79x128xi32, #tpu.memory_space<vmem>> -> memref<1x128xi32, #tpu.memory_space<vmem>>
          %dma_wait3A_124 = tpu.memref_squeeze %dma_wait3A_123 : memref<1x128xi32, #tpu.memory_space<vmem>> -> memref<128xi32, #tpu.memory_space<vmem>>
          %dma_wait3A_125 = arith.constant 0 : i32
          %dma_wait3A_126 = arith.constant 0 : i32
          %dma_wait3A_127 = tpu.memref_slice %arg8[%dma_wait3A_125, %dma_wait3A_126] : memref<10000x128xf32, #tpu.memory_space<vmem_shared>> -> memref<10000x128xf32, #tpu.memory_space<vmem_shared>>
          tpu.wait_indirect_dma semaphore(%arg10 : memref<!tpu.dma_semaphore, #tpu.memory_space<semaphore_mem>>) src(%arg7 : memref<128x128xf32, #tpu.memory_space<vmem>>) dst(%dma_wait3A_127 : memref<10000x128xf32, #tpu.memory_space<vmem_shared>>)
        } else {
        }
        %dma_start3A = arith.constant 0 : i32
        %dma_start3A_117 = tpu.memref_slice %arg6[%add3A_103, %dma_start3A] : memref<79x128xi32, #tpu.memory_space<vmem>> -> memref<1x128xi32, #tpu.memory_space<vmem>>
        %dma_start3A_118 = tpu.memref_squeeze %dma_start3A_117 : memref<1x128xi32, #tpu.memory_space<vmem>> -> memref<128xi32, #tpu.memory_space<vmem>>
        %dma_start3A_119 = arith.constant 0 : i32
        %dma_start3A_120 = arith.constant 0 : i32
        %dma_start3A_121 = tpu.memref_slice %arg8[%dma_start3A_119, %dma_start3A_120] : memref<10000x128xf32, #tpu.memory_space<vmem_shared>> -> memref<10000x128xf32, #tpu.memory_space<vmem_shared>>
        tpu.enqueue_indirect_dma source(%arg7 : memref<128x128xf32, #tpu.memory_space<vmem>>) target(%dma_start3A_121 : memref<10000x128xf32, #tpu.memory_space<vmem_shared>>) offsets(%dma_start3A_118 : memref<128xi32, #tpu.memory_space<vmem>>) semaphore(%arg10 : memref<!tpu.dma_semaphore, #tpu.memory_space<semaphore_mem>>) {add = true}
      } else {
      }
    }
    %scan3A_21 = arith.constant 79 : i32
    %add3A_22 = arith.constant 2368 : i32
    %add3A_23 = arith.addi %add3A, %add3A_22 : i32
    %add3A_24 = arith.constant 2496 : i32
    %add3A_25 = arith.addi %add3A, %add3A_24 : i32
    %ge3A = arith.constant 2500 : i32
    %ge3A_26 = arith.cmpi sge, %add3A_25, %ge3A : i32
    %or3A = arith.constant false
    %or3A_27 = arith.ori %or3A, %ge3A_26 : i1
    %lt3A = arith.constant 2500 : i32
    %lt3A_28 = arith.cmpi slt, %add3A_23, %lt3A : i32
    %and3A = arith.andi %lt3A_28, %or3A_27 : i1
    %convert_element_type3A_29 = arith.extui %and3A : i1 to i32
    %cond3A_30 = arith.constant 0 : i32
    %cond3A_31 = arith.cmpi ne, %convert_element_type3A_29, %cond3A_30 : i32
    scf.if %cond3A_31 {
      %dma_wait3A = arith.constant 74 : i32
      %dma_wait3A_99 = arith.constant 0 : i32
      %dma_wait3A_100 = tpu.memref_slice %arg6[%dma_wait3A, %dma_wait3A_99] : memref<79x128xi32, #tpu.memory_space<vmem>> -> memref<1x128xi32, #tpu.memory_space<vmem>>
      %dma_wait3A_101 = tpu.memref_squeeze %dma_wait3A_100 : memref<1x128xi32, #tpu.memory_space<vmem>> -> memref<128xi32, #tpu.memory_space<vmem>>
      %dma_wait3A_102 = arith.constant 0 : i32
      %dma_wait3A_103 = arith.constant 0 : i32
      %dma_wait3A_104 = tpu.memref_slice %arg8[%dma_wait3A_102, %dma_wait3A_103] : memref<10000x128xf32, #tpu.memory_space<vmem_shared>> -> memref<10000x128xf32, #tpu.memory_space<vmem_shared>>
      tpu.wait_indirect_dma semaphore(%arg10 : memref<!tpu.dma_semaphore, #tpu.memory_space<semaphore_mem>>) src(%arg7 : memref<128x128xf32, #tpu.memory_space<vmem>>) dst(%dma_wait3A_104 : memref<10000x128xf32, #tpu.memory_space<vmem_shared>>)
    } else {
    }
    %add3A_32 = arith.constant 2400 : i32
    %add3A_33 = arith.addi %add3A, %add3A_32 : i32
    %add3A_34 = arith.constant 2528 : i32
    %add3A_35 = arith.addi %add3A, %add3A_34 : i32
    %ge3A_36 = arith.constant 2500 : i32
    %ge3A_37 = arith.cmpi sge, %add3A_35, %ge3A_36 : i32
    %or3A_38 = arith.constant true
    %or3A_39 = arith.ori %or3A_38, %ge3A_37 : i1
    %lt3A_40 = arith.constant 2500 : i32
    %lt3A_41 = arith.cmpi slt, %add3A_33, %lt3A_40 : i32
    %and3A_42 = arith.andi %lt3A_41, %or3A_39 : i1
    %convert_element_type3A_43 = arith.extui %and3A_42 : i1 to i32
    %cond3A_44 = arith.constant 0 : i32
    %cond3A_45 = arith.cmpi ne, %convert_element_type3A_43, %cond3A_44 : i32
    scf.if %cond3A_45 {
      %dma_wait3A = arith.constant 75 : i32
      %dma_wait3A_99 = arith.constant 0 : i32
      %dma_wait3A_100 = tpu.memref_slice %arg6[%dma_wait3A, %dma_wait3A_99] : memref<79x128xi32, #tpu.memory_space<vmem>> -> memref<1x128xi32, #tpu.memory_space<vmem>>
      %dma_wait3A_101 = tpu.memref_squeeze %dma_wait3A_100 : memref<1x128xi32, #tpu.memory_space<vmem>> -> memref<128xi32, #tpu.memory_space<vmem>>
      %dma_wait3A_102 = arith.constant 0 : i32
      %dma_wait3A_103 = arith.constant 0 : i32
      %dma_wait3A_104 = tpu.memref_slice %arg8[%dma_wait3A_102, %dma_wait3A_103] : memref<10000x128xf32, #tpu.memory_space<vmem_shared>> -> memref<10000x128xf32, #tpu.memory_space<vmem_shared>>
      tpu.wait_indirect_dma semaphore(%arg10 : memref<!tpu.dma_semaphore, #tpu.memory_space<semaphore_mem>>) src(%arg7 : memref<128x128xf32, #tpu.memory_space<vmem>>) dst(%dma_wait3A_104 : memref<10000x128xf32, #tpu.memory_space<vmem_shared>>)
    } else {
    }
    %add3A_46 = arith.constant 2432 : i32
    %add3A_47 = arith.addi %add3A, %add3A_46 : i32
    %add3A_48 = arith.constant 2560 : i32
    %add3A_49 = arith.addi %add3A, %add3A_48 : i32
    %ge3A_50 = arith.constant 2500 : i32
    %ge3A_51 = arith.cmpi sge, %add3A_49, %ge3A_50 : i32
    %or3A_52 = arith.constant true
    %or3A_53 = arith.ori %or3A_52, %ge3A_51 : i1
    %lt3A_54 = arith.constant 2500 : i32
    %lt3A_55 = arith.cmpi slt, %add3A_47, %lt3A_54 : i32
    %and3A_56 = arith.andi %lt3A_55, %or3A_53 : i1
    %convert_element_type3A_57 = arith.extui %and3A_56 : i1 to i32
    %cond3A_58 = arith.constant 0 : i32
    %cond3A_59 = arith.cmpi ne, %convert_element_type3A_57, %cond3A_58 : i32
    scf.if %cond3A_59 {
      %dma_wait3A = arith.constant 76 : i32
      %dma_wait3A_99 = arith.constant 0 : i32
      %dma_wait3A_100 = tpu.memref_slice %arg6[%dma_wait3A, %dma_wait3A_99] : memref<79x128xi32, #tpu.memory_space<vmem>> -> memref<1x128xi32, #tpu.memory_space<vmem>>
      %dma_wait3A_101 = tpu.memref_squeeze %dma_wait3A_100 : memref<1x128xi32, #tpu.memory_space<vmem>> -> memref<128xi32, #tpu.memory_space<vmem>>
      %dma_wait3A_102 = arith.constant 0 : i32
      %dma_wait3A_103 = arith.constant 0 : i32
      %dma_wait3A_104 = tpu.memref_slice %arg8[%dma_wait3A_102, %dma_wait3A_103] : memref<10000x128xf32, #tpu.memory_space<vmem_shared>> -> memref<10000x128xf32, #tpu.memory_space<vmem_shared>>
      tpu.wait_indirect_dma semaphore(%arg10 : memref<!tpu.dma_semaphore, #tpu.memory_space<semaphore_mem>>) src(%arg7 : memref<128x128xf32, #tpu.memory_space<vmem>>) dst(%dma_wait3A_104 : memref<10000x128xf32, #tpu.memory_space<vmem_shared>>)
    } else {
    }
    %add3A_60 = arith.constant 2464 : i32
    %add3A_61 = arith.addi %add3A, %add3A_60 : i32
    %add3A_62 = arith.constant 2592 : i32
    %add3A_63 = arith.addi %add3A, %add3A_62 : i32
    %ge3A_64 = arith.constant 2500 : i32
    %ge3A_65 = arith.cmpi sge, %add3A_63, %ge3A_64 : i32
    %or3A_66 = arith.constant true
    %or3A_67 = arith.ori %or3A_66, %ge3A_65 : i1
    %lt3A_68 = arith.constant 2500 : i32
    %lt3A_69 = arith.cmpi slt, %add3A_61, %lt3A_68 : i32
    %and3A_70 = arith.andi %lt3A_69, %or3A_67 : i1
    %convert_element_type3A_71 = arith.extui %and3A_70 : i1 to i32
    %cond3A_72 = arith.constant 0 : i32
    %cond3A_73 = arith.cmpi ne, %convert_element_type3A_71, %cond3A_72 : i32
    scf.if %cond3A_73 {
      %dma_wait3A = arith.constant 77 : i32
      %dma_wait3A_99 = arith.constant 0 : i32
      %dma_wait3A_100 = tpu.memref_slice %arg6[%dma_wait3A, %dma_wait3A_99] : memref<79x128xi32, #tpu.memory_space<vmem>> -> memref<1x128xi32, #tpu.memory_space<vmem>>
      %dma_wait3A_101 = tpu.memref_squeeze %dma_wait3A_100 : memref<1x128xi32, #tpu.memory_space<vmem>> -> memref<128xi32, #tpu.memory_space<vmem>>
      %dma_wait3A_102 = arith.constant 0 : i32
      %dma_wait3A_103 = arith.constant 0 : i32
      %dma_wait3A_104 = tpu.memref_slice %arg8[%dma_wait3A_102, %dma_wait3A_103] : memref<10000x128xf32, #tpu.memory_space<vmem_shared>> -> memref<10000x128xf32, #tpu.memory_space<vmem_shared>>
      tpu.wait_indirect_dma semaphore(%arg10 : memref<!tpu.dma_semaphore, #tpu.memory_space<semaphore_mem>>) src(%arg7 : memref<128x128xf32, #tpu.memory_space<vmem>>) dst(%dma_wait3A_104 : memref<10000x128xf32, #tpu.memory_space<vmem_shared>>)
    } else {
    }
    %add3A_74 = arith.constant 2496 : i32
    %add3A_75 = arith.addi %add3A, %add3A_74 : i32
    %add3A_76 = arith.constant 2624 : i32
    %add3A_77 = arith.addi %add3A, %add3A_76 : i32
    %ge3A_78 = arith.constant 2500 : i32
    %ge3A_79 = arith.cmpi sge, %add3A_77, %ge3A_78 : i32
    %or3A_80 = arith.constant true
    %or3A_81 = arith.ori %or3A_80, %ge3A_79 : i1
    %lt3A_82 = arith.constant 2500 : i32
    %lt3A_83 = arith.cmpi slt, %add3A_75, %lt3A_82 : i32
    %and3A_84 = arith.andi %lt3A_83, %or3A_81 : i1
    %convert_element_type3A_85 = arith.extui %and3A_84 : i1 to i32
    %cond3A_86 = arith.constant 0 : i32
    %cond3A_87 = arith.cmpi ne, %convert_element_type3A_85, %cond3A_86 : i32
    scf.if %cond3A_87 {
      %dma_wait3A = arith.constant 78 : i32
      %dma_wait3A_99 = arith.constant 0 : i32
      %dma_wait3A_100 = tpu.memref_slice %arg6[%dma_wait3A, %dma_wait3A_99] : memref<79x128xi32, #tpu.memory_space<vmem>> -> memref<1x128xi32, #tpu.memory_space<vmem>>
      %dma_wait3A_101 = tpu.memref_squeeze %dma_wait3A_100 : memref<1x128xi32, #tpu.memory_space<vmem>> -> memref<128xi32, #tpu.memory_space<vmem>>
      %dma_wait3A_102 = arith.constant 0 : i32
      %dma_wait3A_103 = arith.constant 0 : i32
      %dma_wait3A_104 = tpu.memref_slice %arg8[%dma_wait3A_102, %dma_wait3A_103] : memref<10000x128xf32, #tpu.memory_space<vmem_shared>> -> memref<10000x128xf32, #tpu.memory_space<vmem_shared>>
      tpu.wait_indirect_dma semaphore(%arg10 : memref<!tpu.dma_semaphore, #tpu.memory_space<semaphore_mem>>) src(%arg7 : memref<128x128xf32, #tpu.memory_space<vmem>>) dst(%dma_wait3A_104 : memref<10000x128xf32, #tpu.memory_space<vmem_shared>>)
    } else {
    }
    %barrier3A_88 = arith.constant 0 : index
    tpu.barrier barrier_id(%barrier3A_88)
    %scan3A_89 = arith.constant 0 : i32
    %scan3A_90 = arith.constant 78 : i32
    %scan3A_91 = arith.addi %scan3A_89, %scan3A_90 : i32
    %scan3A_92 = arith.constant 1 : i32
    scf.for %scan3A_99 = %scan3A_89 to %scan3A_91 step %scan3A_92  : i32 {
      %mul3A_100 = arith.constant 1 : i32
      %mul3A_101 = arith.muli %scan3A_99, %mul3A_100 : i32
      %add3A_102 = arith.constant 0 : i32
      %add3A_103 = arith.addi %add3A_102, %mul3A_101 : i32
      %rem3A = arith.constant 16 : i32
      %rem3A_104 = arith.remsi %add3A_103, %rem3A : i32
      %eq3A_105 = arith.cmpi eq, %rem3A_104, %arg1 : i32
      %convert_element_type3A_106 = arith.extui %eq3A_105 : i1 to i32
      %cond3A_107 = arith.constant 0 : i32
      %cond3A_108 = arith.cmpi ne, %convert_element_type3A_106, %cond3A_107 : i32
      scf.if %cond3A_108 {
        %mul3A_109 = arith.constant 128 : i32
        %mul3A_110 = arith.muli %add3A_103, %mul3A_109 : i32
        "tpu.region"() ({
          %run_scoped3A = tpu.sem_alloc : memref<!tpu.dma_semaphore, #tpu.memory_space<semaphore_mem>>
          %dma_start3A = arith.constant 0 : i32
          %dma_start3A_113 = tpu.memref_slice %arg8[%mul3A_110, %dma_start3A] : memref<10000x128xf32, #tpu.memory_space<vmem_shared>> -> memref<128x128xf32, #tpu.memory_space<vmem_shared>>
          %dma_start3A_114 = arith.constant 0 : i32
          %dma_start3A_115 = tpu.memref_slice %arg8[%mul3A_110, %dma_start3A_114] : memref<10000x128xf32, #tpu.memory_space<vmem_shared>> -> memref<128x128xf32, #tpu.memory_space<vmem_shared>>
          tpu.enqueue_dma source(%dma_start3A_115 : memref<128x128xf32, #tpu.memory_space<vmem_shared>>) target(%arg7 : memref<128x128xf32, #tpu.memory_space<vmem>>) target_semaphore(%run_scoped3A : memref<!tpu.dma_semaphore, #tpu.memory_space<semaphore_mem>>)
          %dma_wait3A = arith.constant 0 : i32
          %dma_wait3A_116 = tpu.memref_slice %arg8[%mul3A_110, %dma_wait3A] : memref<10000x128xf32, #tpu.memory_space<vmem_shared>> -> memref<128x128xf32, #tpu.memory_space<vmem_shared>>
          %dma_wait3A_117 = arith.constant 0 : i32
          %dma_wait3A_118 = tpu.memref_slice %arg8[%mul3A_110, %dma_wait3A_117] : memref<10000x128xf32, #tpu.memory_space<vmem_shared>> -> memref<128x128xf32, #tpu.memory_space<vmem_shared>>
          tpu.wait_dma2 semaphore(%run_scoped3A : memref<!tpu.dma_semaphore, #tpu.memory_space<semaphore_mem>>) src(%dma_wait3A_118 : memref<128x128xf32, #tpu.memory_space<vmem_shared>>) dst(%arg7 : memref<128x128xf32, #tpu.memory_space<vmem>>)
          tpu.yield
        }) : () -> ()
        %mul3A_111 = arith.constant 128 : i32
        %mul3A_112 = arith.muli %add3A_103, %mul3A_111 : i32
        "tpu.region"() ({
          %run_scoped3A = tpu.sem_alloc : memref<!tpu.dma_semaphore, #tpu.memory_space<semaphore_mem>>
          %dma_start3A = arith.constant 0 : i32
          %dma_start3A_113 = tpu.memref_slice %arg5[%arg0, %mul3A_112, %dma_start3A] : memref<2x10000x128xf32, #tpu.memory_space<hbm>> -> memref<1x128x128xf32, #tpu.memory_space<hbm>>
          %dma_start3A_114 = tpu.memref_squeeze %dma_start3A_113 : memref<1x128x128xf32, #tpu.memory_space<hbm>> -> memref<128x128xf32, #tpu.memory_space<hbm>>
          %dma_start3A_115 = arith.constant 0 : i32
          %dma_start3A_116 = tpu.memref_slice %arg5[%arg0, %mul3A_112, %dma_start3A_115] : memref<2x10000x128xf32, #tpu.memory_space<hbm>> -> memref<1x128x128xf32, #tpu.memory_space<hbm>>
          %dma_start3A_117 = tpu.memref_squeeze %dma_start3A_116 : memref<1x128x128xf32, #tpu.memory_space<hbm>> -> memref<128x128xf32, #tpu.memory_space<hbm>>
          tpu.enqueue_dma source(%arg7 : memref<128x128xf32, #tpu.memory_space<vmem>>) target(%dma_start3A_117 : memref<128x128xf32, #tpu.memory_space<hbm>>) target_semaphore(%run_scoped3A : memref<!tpu.dma_semaphore, #tpu.memory_space<semaphore_mem>>)
          %dma_wait3A = arith.constant 0 : i32
          %dma_wait3A_118 = tpu.memref_slice %arg5[%arg0, %mul3A_112, %dma_wait3A] : memref<2x10000x128xf32, #tpu.memory_space<hbm>> -> memref<1x128x128xf32, #tpu.memory_space<hbm>>
          %dma_wait3A_119 = tpu.memref_squeeze %dma_wait3A_118 : memref<1x128x128xf32, #tpu.memory_space<hbm>> -> memref<128x128xf32, #tpu.memory_space<hbm>>
          %dma_wait3A_120 = arith.constant 0 : i32
          %dma_wait3A_121 = tpu.memref_slice %arg5[%arg0, %mul3A_112, %dma_wait3A_120] : memref<2x10000x128xf32, #tpu.memory_space<hbm>> -> memref<1x128x128xf32, #tpu.memory_space<hbm>>
          %dma_wait3A_122 = tpu.memref_squeeze %dma_wait3A_121 : memref<1x128x128xf32, #tpu.memory_space<hbm>> -> memref<128x128xf32, #tpu.memory_space<hbm>>
          tpu.wait_dma2 semaphore(%run_scoped3A : memref<!tpu.dma_semaphore, #tpu.memory_space<semaphore_mem>>) src(%arg7 : memref<128x128xf32, #tpu.memory_space<vmem>>) dst(%dma_wait3A_122 : memref<128x128xf32, #tpu.memory_space<hbm>>)
          tpu.yield
        }) : () -> ()
      } else {
      }
    }
    %scan3A_93 = arith.constant 78 : i32
    %eq3A_94 = arith.constant 15 : i32
    %eq3A_95 = arith.cmpi eq, %arg1, %eq3A_94 : i32
    %convert_element_type3A_96 = arith.extui %eq3A_95 : i1 to i32
    %cond3A_97 = arith.constant 0 : i32
    %cond3A_98 = arith.cmpi ne, %convert_element_type3A_96, %cond3A_97 : i32
    scf.if %cond3A_98 {
      "tpu.region"() ({
        %run_scoped3A = tpu.sem_alloc : memref<!tpu.dma_semaphore, #tpu.memory_space<semaphore_mem>>
        %dma_start3A = arith.constant 0 : i32
        %dma_start3A_99 = arith.constant 0 : i32
        %dma_start3A_100 = tpu.memref_slice %arg7[%dma_start3A, %dma_start3A_99] : memref<128x128xf32, #tpu.memory_space<vmem>> -> memref<16x128xf32, #tpu.memory_space<vmem>>
        %dma_start3A_101 = arith.constant 9984 : i32
        %dma_start3A_102 = arith.constant 0 : i32
        %dma_start3A_103 = tpu.memref_slice %arg8[%dma_start3A_101, %dma_start3A_102] : memref<10000x128xf32, #tpu.memory_space<vmem_shared>> -> memref<16x128xf32, #tpu.memory_space<vmem_shared>>
        %dma_start3A_104 = arith.constant 0 : i32
        %dma_start3A_105 = arith.constant 0 : i32
        %dma_start3A_106 = tpu.memref_slice %arg7[%dma_start3A_104, %dma_start3A_105] : memref<128x128xf32, #tpu.memory_space<vmem>> -> memref<16x128xf32, #tpu.memory_space<vmem>>
        %dma_start3A_107 = arith.constant 9984 : i32
        %dma_start3A_108 = arith.constant 0 : i32
        %dma_start3A_109 = tpu.memref_slice %arg8[%dma_start3A_107, %dma_start3A_108] : memref<10000x128xf32, #tpu.memory_space<vmem_shared>> -> memref<16x128xf32, #tpu.memory_space<vmem_shared>>
        tpu.enqueue_dma source(%dma_start3A_109 : memref<16x128xf32, #tpu.memory_space<vmem_shared>>) target(%dma_start3A_106 : memref<16x128xf32, #tpu.memory_space<vmem>>) target_semaphore(%run_scoped3A : memref<!tpu.dma_semaphore, #tpu.memory_space<semaphore_mem>>)
        %dma_wait3A = arith.constant 0 : i32
        %dma_wait3A_110 = arith.constant 0 : i32
        %dma_wait3A_111 = tpu.memref_slice %arg7[%dma_wait3A, %dma_wait3A_110] : memref<128x128xf32, #tpu.memory_space<vmem>> -> memref<16x128xf32, #tpu.memory_space<vmem>>
        %dma_wait3A_112 = arith.constant 9984 : i32
        %dma_wait3A_113 = arith.constant 0 : i32
        %dma_wait3A_114 = tpu.memref_slice %arg8[%dma_wait3A_112, %dma_wait3A_113] : memref<10000x128xf32, #tpu.memory_space<vmem_shared>> -> memref<16x128xf32, #tpu.memory_space<vmem_shared>>
        %dma_wait3A_115 = arith.constant 0 : i32
        %dma_wait3A_116 = arith.constant 0 : i32
        %dma_wait3A_117 = tpu.memref_slice %arg7[%dma_wait3A_115, %dma_wait3A_116] : memref<128x128xf32, #tpu.memory_space<vmem>> -> memref<16x128xf32, #tpu.memory_space<vmem>>
        %dma_wait3A_118 = arith.constant 9984 : i32
        %dma_wait3A_119 = arith.constant 0 : i32
        %dma_wait3A_120 = tpu.memref_slice %arg8[%dma_wait3A_118, %dma_wait3A_119] : memref<10000x128xf32, #tpu.memory_space<vmem_shared>> -> memref<16x128xf32, #tpu.memory_space<vmem_shared>>
        tpu.wait_dma2 semaphore(%run_scoped3A : memref<!tpu.dma_semaphore, #tpu.memory_space<semaphore_mem>>) src(%dma_wait3A_120 : memref<16x128xf32, #tpu.memory_space<vmem_shared>>) dst(%dma_wait3A_117 : memref<16x128xf32, #tpu.memory_space<vmem>>)
        tpu.yield
      }) : () -> ()
      "tpu.region"() ({
        %run_scoped3A = tpu.sem_alloc : memref<!tpu.dma_semaphore, #tpu.memory_space<semaphore_mem>>
        %dma_start3A = arith.constant 0 : i32
        %dma_start3A_99 = arith.constant 0 : i32
        %dma_start3A_100 = tpu.memref_slice %arg7[%dma_start3A, %dma_start3A_99] : memref<128x128xf32, #tpu.memory_space<vmem>> -> memref<16x128xf32, #tpu.memory_space<vmem>>
        %dma_start3A_101 = arith.constant 9984 : i32
        %dma_start3A_102 = arith.constant 0 : i32
        %dma_start3A_103 = tpu.memref_slice %arg5[%arg0, %dma_start3A_101, %dma_start3A_102] : memref<2x10000x128xf32, #tpu.memory_space<hbm>> -> memref<1x16x128xf32, #tpu.memory_space<hbm>>
        %dma_start3A_104 = tpu.memref_squeeze %dma_start3A_103 : memref<1x16x128xf32, #tpu.memory_space<hbm>> -> memref<16x128xf32, #tpu.memory_space<hbm>>
        %dma_start3A_105 = arith.constant 9984 : i32
        %dma_start3A_106 = arith.constant 0 : i32
        %dma_start3A_107 = tpu.memref_slice %arg5[%arg0, %dma_start3A_105, %dma_start3A_106] : memref<2x10000x128xf32, #tpu.memory_space<hbm>> -> memref<1x16x128xf32, #tpu.memory_space<hbm>>
        %dma_start3A_108 = tpu.memref_squeeze %dma_start3A_107 : memref<1x16x128xf32, #tpu.memory_space<hbm>> -> memref<16x128xf32, #tpu.memory_space<hbm>>
        %dma_start3A_109 = arith.constant 0 : i32
        %dma_start3A_110 = arith.constant 0 : i32
        %dma_start3A_111 = tpu.memref_slice %arg7[%dma_start3A_109, %dma_start3A_110] : memref<128x128xf32, #tpu.memory_space<vmem>> -> memref<16x128xf32, #tpu.memory_space<vmem>>
        tpu.enqueue_dma source(%dma_start3A_111 : memref<16x128xf32, #tpu.memory_space<vmem>>) target(%dma_start3A_108 : memref<16x128xf32, #tpu.memory_space<hbm>>) target_semaphore(%run_scoped3A : memref<!tpu.dma_semaphore, #tpu.memory_space<semaphore_mem>>)
        %dma_wait3A = arith.constant 0 : i32
        %dma_wait3A_112 = arith.constant 0 : i32
        %dma_wait3A_113 = tpu.memref_slice %arg7[%dma_wait3A, %dma_wait3A_112] : memref<128x128xf32, #tpu.memory_space<vmem>> -> memref<16x128xf32, #tpu.memory_space<vmem>>
        %dma_wait3A_114 = arith.constant 9984 : i32
        %dma_wait3A_115 = arith.constant 0 : i32
        %dma_wait3A_116 = tpu.memref_slice %arg5[%arg0, %dma_wait3A_114, %dma_wait3A_115] : memref<2x10000x128xf32, #tpu.memory_space<hbm>> -> memref<1x16x128xf32, #tpu.memory_space<hbm>>
        %dma_wait3A_117 = tpu.memref_squeeze %dma_wait3A_116 : memref<1x16x128xf32, #tpu.memory_space<hbm>> -> memref<16x128xf32, #tpu.memory_space<hbm>>
        %dma_wait3A_118 = arith.constant 9984 : i32
        %dma_wait3A_119 = arith.constant 0 : i32
        %dma_wait3A_120 = tpu.memref_slice %arg5[%arg0, %dma_wait3A_118, %dma_wait3A_119] : memref<2x10000x128xf32, #tpu.memory_space<hbm>> -> memref<1x16x128xf32, #tpu.memory_space<hbm>>
        %dma_wait3A_121 = tpu.memref_squeeze %dma_wait3A_120 : memref<1x16x128xf32, #tpu.memory_space<hbm>> -> memref<16x128xf32, #tpu.memory_space<hbm>>
        %dma_wait3A_122 = arith.constant 0 : i32
        %dma_wait3A_123 = arith.constant 0 : i32
        %dma_wait3A_124 = tpu.memref_slice %arg7[%dma_wait3A_122, %dma_wait3A_123] : memref<128x128xf32, #tpu.memory_space<vmem>> -> memref<16x128xf32, #tpu.memory_space<vmem>>
        tpu.wait_dma2 semaphore(%run_scoped3A : memref<!tpu.dma_semaphore, #tpu.memory_space<semaphore_mem>>) src(%dma_wait3A_124 : memref<16x128xf32, #tpu.memory_space<vmem>>) dst(%dma_wait3A_121 : memref<16x128xf32, #tpu.memory_space<hbm>>)
        tpu.yield
      }) : () -> ()
    } else {
    }
    return
  }
}

module attributes {stable_mosaic.version = 14 : i64} {
  func.func @_lin1_body(%arg0: i32, %arg1: memref<1000x128xf32, #tpu.memory_space<vmem>>, %arg2: memref<128x128xf32, #tpu.memory_space<vmem>>, %arg3: memref<1000x128xf32, #tpu.memory_space<vmem>>) attributes {dimension_semantics = [#tpu.dimension_semantics<arbitrary>], iteration_bounds = array<i64: 10>, scalar_prefetch = 0 : i64, scratch_operands = 0 : i64, tpu.core_type = #tpu.core_type<tc>, window_params = [{transform_indices = @transform_0, window_bounds = array<i64: 1000, 128>}, {pipeline_mode = #tpu.pipeline_mode<synchronous>, transform_indices = @transform_1, window_bounds = array<i64: 128, 128>}, {transform_indices = @transform_2, window_bounds = array<i64: 1000, 128>}]} {
    %get3A = arith.constant 0 : index
    %get3A_0 = arith.constant 0 : index
    %get3A_1 = vector.load %arg1[%get3A, %get3A_0] : memref<1000x128xf32, #tpu.memory_space<vmem>>, vector<1000x128xf32>
    %get3A_2 = arith.constant 0 : index
    %get3A_3 = arith.constant 0 : index
    %get3A_4 = vector.load %arg2[%get3A_2, %get3A_3] : memref<128x128xf32, #tpu.memory_space<vmem>>, vector<128x128xf32>
    %dot_general3A = arith.constant dense<0.000000e+00> : vector<1000x128xf32>
    %dot_general3A_5 = tpu.matmul %get3A_1, %get3A_4, %dot_general3A {dimension_numbers = #tpu.dot_dimension_numbers<[1], [1], [0], [0], [0, 0, 1, 0], [], []>, transpose_lhs_hint = false} : vector<1000x128xf32>, vector<128x128xf32>, vector<1000x128xf32> -> vector<1000x128xf32>
    %swap3A = arith.constant 0 : index
    %swap3A_6 = arith.constant 0 : index
    %swap3A_7 = vector.load %arg3[%swap3A, %swap3A_6] : memref<1000x128xf32, #tpu.memory_space<vmem>>, vector<1000x128xf32>
    tpu.vector_store %arg3[%swap3A, %swap3A_6], %dot_general3A_5 {strides = array<i32>} : memref<1000x128xf32, #tpu.memory_space<vmem>>, vector<1000x128xf32>,
    return
  }
  func.func @transform_0(%arg0: i32) -> (i32, i32) {
    %c0_i32 = arith.constant 0 : i32
    %c0_i32_0 = arith.constant 0 : i32
    return %arg0, %c0_i32 : i32, i32
  }
  func.func @transform_1(%arg0: i32) -> (i32, i32) {
    %c0_i32 = arith.constant 0 : i32
    %c0_i32_0 = arith.constant 0 : i32
    %c0_i32_1 = arith.constant 0 : i32
    return %c0_i32, %c0_i32_0 : i32, i32
  }
  func.func @transform_2(%arg0: i32) -> (i32, i32) {
    %c0_i32 = arith.constant 0 : i32
    %c0_i32_0 = arith.constant 0 : i32
    return %arg0, %c0_i32 : i32, i32
  }
}

module attributes {stable_mosaic.version = 14 : i64} {
  func.func @_edge_body(%arg0: i32, %arg1: memref<2048x50xf32, #tpu.memory_space<vmem>>, %arg2: memref<16x128xf32, #tpu.memory_space<vmem>>, %arg3: memref<2048x128xf32, #tpu.memory_space<vmem>>, %arg4: memref<128x50xf32, #tpu.memory_space<vmem>>, %arg5: memref<1x128xf32, #tpu.memory_space<vmem>>, %arg6: memref<128x128xf32, #tpu.memory_space<vmem>>, %arg7: memref<1x128xf32, #tpu.memory_space<vmem>>, %arg8: memref<2048x128xf32, #tpu.memory_space<vmem>>) attributes {dimension_semantics = [#tpu.dimension_semantics<arbitrary>], iteration_bounds = array<i64: 157>, scalar_prefetch = 0 : i64, scratch_operands = 0 : i64, tpu.core_type = #tpu.core_type<tc>, window_params = [{transform_indices = @transform_0, window_bounds = array<i64: 2048, 50>}, {transform_indices = @transform_1, window_bounds = array<i64: 16, 128>}, {transform_indices = @transform_2, window_bounds = array<i64: 2048, 128>}, {pipeline_mode = #tpu.pipeline_mode<synchronous>, transform_indices = @transform_3, window_bounds = array<i64: 128, 50>}, {pipeline_mode = #tpu.pipeline_mode<synchronous>, transform_indices = @transform_4, window_bounds = array<i64: 1, 128>}, {pipeline_mode = #tpu.pipeline_mode<synchronous>, transform_indices = @transform_5, window_bounds = array<i64: 128, 128>}, {pipeline_mode = #tpu.pipeline_mode<synchronous>, transform_indices = @transform_6, window_bounds = array<i64: 1, 128>}, {transform_indices = @transform_7, window_bounds = array<i64: 2048, 128>}]} {
    %get3A = arith.constant 0 : index
    %get3A_0 = arith.constant 0 : index
    %get3A_1 = vector.load %arg1[%get3A, %get3A_0] : memref<2048x50xf32, #tpu.memory_space<vmem>>, vector<2048x50xf32>
    %get3A_2 = arith.constant 0 : index
    %get3A_3 = arith.constant 0 : index
    %get3A_4 = vector.load %arg4[%get3A_2, %get3A_3] : memref<128x50xf32, #tpu.memory_space<vmem>>, vector<128x50xf32>
    %dot_general3A = arith.constant dense<0.000000e+00> : vector<2048x128xf32>
    %dot_general3A_5 = tpu.matmul %get3A_1, %get3A_4, %dot_general3A {dimension_numbers = #tpu.dot_dimension_numbers<[1], [1], [0], [0], [0, 0, 1, 0], [], []>, transpose_lhs_hint = false} : vector<2048x50xf32>, vector<128x50xf32>, vector<2048x128xf32> -> vector<2048x128xf32>
    %get3A_6 = arith.constant 0 : index
    %get3A_7 = arith.constant 0 : index
    %get3A_8 = vector.load %arg5[%get3A_6, %get3A_7] : memref<1x128xf32, #tpu.memory_space<vmem>>, vector<1x128xf32>
    %add3A = vector.broadcast %get3A_8 : vector<1x128xf32> to vector<2048x128xf32>
    %add3A_9 = arith.addf %dot_general3A_5, %add3A : vector<2048x128xf32>
    %custom_jvp_call3A = arith.constant 0.000000e+00 : f32
    %max3A = vector.broadcast %custom_jvp_call3A : f32 to vector<2048x128xf32>
    %max3A_10 = arith.maximumf %add3A_9, %max3A : vector<2048x128xf32>
    %sub3A = vector.broadcast %custom_jvp_call3A : f32 to vector<2048x128xf32>
    %sub3A_11 = arith.subf %add3A_9, %sub3A : vector<2048x128xf32>
    %ne3A = arith.cmpf one, %sub3A_11, %sub3A_11 : vector<2048x128xf32>
    %add3A_12 = vector.broadcast %custom_jvp_call3A : f32 to vector<2048x128xf32>
    %add3A_13 = arith.addf %add3A_9, %add3A_12 : vector<2048x128xf32>
    %abs3A = math.absf %sub3A_11 : vector<2048x128xf32>
    %neg3A = arith.constant 0.000000e+00 : f32
    %neg3A_14 = vector.broadcast %neg3A : f32 to vector<2048x128xf32>
    %neg3A_15 = arith.subf %neg3A_14, %abs3A : vector<2048x128xf32>
    %exp3A = math.exp %neg3A_15 : vector<2048x128xf32>
    %log1p3A = math.log1p %exp3A : vector<2048x128xf32>
    %add3A_16 = arith.addf %max3A_10, %log1p3A : vector<2048x128xf32>
    %select_n3A = arith.select %ne3A, %add3A_13, %add3A_16 : vector<2048x128xi1>, vector<2048x128xf32>
    %sub3A_17 = arith.constant 0.693147182 : f32
    %sub3A_18 = vector.broadcast %sub3A_17 : f32 to vector<2048x128xf32>
    %sub3A_19 = arith.subf %select_n3A, %sub3A_18 : vector<2048x128xf32>
    %get3A_20 = arith.constant 0 : index
    %get3A_21 = arith.constant 0 : index
    %get3A_22 = vector.load %arg6[%get3A_20, %get3A_21] : memref<128x128xf32, #tpu.memory_space<vmem>>, vector<128x128xf32>
    %dot_general3A_23 = arith.constant dense<0.000000e+00> : vector<2048x128xf32>
    %dot_general3A_24 = tpu.matmul %sub3A_19, %get3A_22, %dot_general3A_23 {dimension_numbers = #tpu.dot_dimension_numbers<[1], [1], [0], [0], [0, 0, 1, 0], [], []>, transpose_lhs_hint = false} : vector<2048x128xf32>, vector<128x128xf32>, vector<2048x128xf32> -> vector<2048x128xf32>
    %get3A_25 = arith.constant 0 : index
    %get3A_26 = arith.constant 0 : index
    %get3A_27 = vector.load %arg7[%get3A_25, %get3A_26] : memref<1x128xf32, #tpu.memory_space<vmem>>, vector<1x128xf32>
    %add3A_28 = vector.broadcast %get3A_27 : vector<1x128xf32> to vector<2048x128xf32>
    %add3A_29 = arith.addf %dot_general3A_24, %add3A_28 : vector<2048x128xf32>
    %get3A_30 = arith.constant 0 : index
    %get3A_31 = arith.constant 0 : index
    %get3A_32 = vector.load %arg2[%get3A_30, %get3A_31] : memref<16x128xf32, #tpu.memory_space<vmem>>, vector<16x128xf32>
    %mul3A = arith.constant 0.314159274 : f32
    %mul3A_33 = vector.broadcast %mul3A : f32 to vector<16x128xf32>
    %mul3A_34 = arith.mulf %get3A_32, %mul3A_33 : vector<16x128xf32>
    %cos3A = math.cos %mul3A_34 : vector<16x128xf32>
    %add3A_35 = arith.constant 1.000000e+00 : f32
    %add3A_36 = vector.broadcast %add3A_35 : f32 to vector<16x128xf32>
    %add3A_37 = arith.addf %cos3A, %add3A_36 : vector<16x128xf32>
    %mul3A_38 = arith.constant 5.000000e-01 : f32
    %mul3A_39 = vector.broadcast %mul3A_38 : f32 to vector<16x128xf32>
    %mul3A_40 = arith.mulf %mul3A_39, %add3A_37 : vector<16x128xf32>
    %transpose3A = tpu.transpose %mul3A_40, [1, 0] : vector<16x128xf32> -> vector<128x16xf32>
    %get3A_41 = arith.constant 0 : index
    %get3A_42 = arith.constant 0 : index
    %get3A_43 = vector.load %arg3[%get3A_41, %get3A_42] : memref<2048x128xf32, #tpu.memory_space<vmem>>, vector<2048x128xf32>
    %mul3A_44 = arith.mulf %add3A_29, %get3A_43 : vector<2048x128xf32>
    %slice3A = vector.extract_strided_slice %mul3A_44 {offsets = [0, 0], sizes = [128, 128], strides = [1, 1]} : vector<2048x128xf32> to vector<128x128xf32>
    %slice3A_45 = vector.extract_strided_slice %transpose3A {offsets = [0, 0], sizes = [128, 1], strides = [1, 1]} : vector<128x16xf32> to vector<128x1xf32>
    %mul3A_46 = vector.broadcast %slice3A_45 : vector<128x1xf32> to vector<128x128xf32>
    %mul3A_47 = arith.mulf %slice3A, %mul3A_46 : vector<128x128xf32>
    %swap3A = arith.constant 0 : index
    %swap3A_48 = arith.constant 0 : index
    %swap3A_49 = vector.load %arg8[%swap3A, %swap3A_48] : memref<2048x128xf32, #tpu.memory_space<vmem>>, vector<128x128xf32>
    tpu.vector_store %arg8[%swap3A, %swap3A_48], %mul3A_47 {strides = array<i32>} : memref<2048x128xf32, #tpu.memory_space<vmem>>, vector<128x128xf32>,
    %slice3A_50 = vector.extract_strided_slice %mul3A_44 {offsets = [128, 0], sizes = [128, 128], strides = [1, 1]} : vector<2048x128xf32> to vector<128x128xf32>
    %slice3A_51 = vector.extract_strided_slice %transpose3A {offsets = [0, 1], sizes = [128, 1], strides = [1, 1]} : vector<128x16xf32> to vector<128x1xf32>
    %mul3A_52 = vector.broadcast %slice3A_51 : vector<128x1xf32> to vector<128x128xf32>
    %mul3A_53 = arith.mulf %slice3A_50, %mul3A_52 : vector<128x128xf32>
    %swap3A_54 = arith.constant 128 : index
    %swap3A_55 = arith.constant 0 : index
    %swap3A_56 = vector.load %arg8[%swap3A_54, %swap3A_55] : memref<2048x128xf32, #tpu.memory_space<vmem>>, vector<128x128xf32>
    tpu.vector_store %arg8[%swap3A_54, %swap3A_55], %mul3A_53 {strides = array<i32>} : memref<2048x128xf32, #tpu.memory_space<vmem>>, vector<128x128xf32>,
    %slice3A_57 = vector.extract_strided_slice %mul3A_44 {offsets = [256, 0], sizes = [128, 128], strides = [1, 1]} : vector<2048x128xf32> to vector<128x128xf32>
    %slice3A_58 = vector.extract_strided_slice %transpose3A {offsets = [0, 2], sizes = [128, 1], strides = [1, 1]} : vector<128x16xf32> to vector<128x1xf32>
    %mul3A_59 = vector.broadcast %slice3A_58 : vector<128x1xf32> to vector<128x128xf32>
    %mul3A_60 = arith.mulf %slice3A_57, %mul3A_59 : vector<128x128xf32>
    %swap3A_61 = arith.constant 256 : index
    %swap3A_62 = arith.constant 0 : index
    %swap3A_63 = vector.load %arg8[%swap3A_61, %swap3A_62] : memref<2048x128xf32, #tpu.memory_space<vmem>>, vector<128x128xf32>
    tpu.vector_store %arg8[%swap3A_61, %swap3A_62], %mul3A_60 {strides = array<i32>} : memref<2048x128xf32, #tpu.memory_space<vmem>>, vector<128x128xf32>,
    %slice3A_64 = vector.extract_strided_slice %mul3A_44 {offsets = [384, 0], sizes = [128, 128], strides = [1, 1]} : vector<2048x128xf32> to vector<128x128xf32>
    %slice3A_65 = vector.extract_strided_slice %transpose3A {offsets = [0, 3], sizes = [128, 1], strides = [1, 1]} : vector<128x16xf32> to vector<128x1xf32>
    %mul3A_66 = vector.broadcast %slice3A_65 : vector<128x1xf32> to vector<128x128xf32>
    %mul3A_67 = arith.mulf %slice3A_64, %mul3A_66 : vector<128x128xf32>
    %swap3A_68 = arith.constant 384 : index
    %swap3A_69 = arith.constant 0 : index
    %swap3A_70 = vector.load %arg8[%swap3A_68, %swap3A_69] : memref<2048x128xf32, #tpu.memory_space<vmem>>, vector<128x128xf32>
    tpu.vector_store %arg8[%swap3A_68, %swap3A_69], %mul3A_67 {strides = array<i32>} : memref<2048x128xf32, #tpu.memory_space<vmem>>, vector<128x128xf32>,
    %slice3A_71 = vector.extract_strided_slice %mul3A_44 {offsets = [512, 0], sizes = [128, 128], strides = [1, 1]} : vector<2048x128xf32> to vector<128x128xf32>
    %slice3A_72 = vector.extract_strided_slice %transpose3A {offsets = [0, 4], sizes = [128, 1], strides = [1, 1]} : vector<128x16xf32> to vector<128x1xf32>
    %mul3A_73 = vector.broadcast %slice3A_72 : vector<128x1xf32> to vector<128x128xf32>
    %mul3A_74 = arith.mulf %slice3A_71, %mul3A_73 : vector<128x128xf32>
    %swap3A_75 = arith.constant 512 : index
    %swap3A_76 = arith.constant 0 : index
    %swap3A_77 = vector.load %arg8[%swap3A_75, %swap3A_76] : memref<2048x128xf32, #tpu.memory_space<vmem>>, vector<128x128xf32>
    tpu.vector_store %arg8[%swap3A_75, %swap3A_76], %mul3A_74 {strides = array<i32>} : memref<2048x128xf32, #tpu.memory_space<vmem>>, vector<128x128xf32>,
    %slice3A_78 = vector.extract_strided_slice %mul3A_44 {offsets = [640, 0], sizes = [128, 128], strides = [1, 1]} : vector<2048x128xf32> to vector<128x128xf32>
    %slice3A_79 = vector.extract_strided_slice %transpose3A {offsets = [0, 5], sizes = [128, 1], strides = [1, 1]} : vector<128x16xf32> to vector<128x1xf32>
    %mul3A_80 = vector.broadcast %slice3A_79 : vector<128x1xf32> to vector<128x128xf32>
    %mul3A_81 = arith.mulf %slice3A_78, %mul3A_80 : vector<128x128xf32>
    %swap3A_82 = arith.constant 640 : index
    %swap3A_83 = arith.constant 0 : index
    %swap3A_84 = vector.load %arg8[%swap3A_82, %swap3A_83] : memref<2048x128xf32, #tpu.memory_space<vmem>>, vector<128x128xf32>
    tpu.vector_store %arg8[%swap3A_82, %swap3A_83], %mul3A_81 {strides = array<i32>} : memref<2048x128xf32, #tpu.memory_space<vmem>>, vector<128x128xf32>,
    %slice3A_85 = vector.extract_strided_slice %mul3A_44 {offsets = [768, 0], sizes = [128, 128], strides = [1, 1]} : vector<2048x128xf32> to vector<128x128xf32>
    %slice3A_86 = vector.extract_strided_slice %transpose3A {offsets = [0, 6], sizes = [128, 1], strides = [1, 1]} : vector<128x16xf32> to vector<128x1xf32>
    %mul3A_87 = vector.broadcast %slice3A_86 : vector<128x1xf32> to vector<128x128xf32>
    %mul3A_88 = arith.mulf %slice3A_85, %mul3A_87 : vector<128x128xf32>
    %swap3A_89 = arith.constant 768 : index
    %swap3A_90 = arith.constant 0 : index
    %swap3A_91 = vector.load %arg8[%swap3A_89, %swap3A_90] : memref<2048x128xf32, #tpu.memory_space<vmem>>, vector<128x128xf32>
    tpu.vector_store %arg8[%swap3A_89, %swap3A_90], %mul3A_88 {strides = array<i32>} : memref<2048x128xf32, #tpu.memory_space<vmem>>, vector<128x128xf32>,
    %slice3A_92 = vector.extract_strided_slice %mul3A_44 {offsets = [896, 0], sizes = [128, 128], strides = [1, 1]} : vector<2048x128xf32> to vector<128x128xf32>
    %slice3A_93 = vector.extract_strided_slice %transpose3A {offsets = [0, 7], sizes = [128, 1], strides = [1, 1]} : vector<128x16xf32> to vector<128x1xf32>
    %mul3A_94 = vector.broadcast %slice3A_93 : vector<128x1xf32> to vector<128x128xf32>
    %mul3A_95 = arith.mulf %slice3A_92, %mul3A_94 : vector<128x128xf32>
    %swap3A_96 = arith.constant 896 : index
    %swap3A_97 = arith.constant 0 : index
    %swap3A_98 = vector.load %arg8[%swap3A_96, %swap3A_97] : memref<2048x128xf32, #tpu.memory_space<vmem>>, vector<128x128xf32>
    tpu.vector_store %arg8[%swap3A_96, %swap3A_97], %mul3A_95 {strides = array<i32>} : memref<2048x128xf32, #tpu.memory_space<vmem>>, vector<128x128xf32>,
    %slice3A_99 = vector.extract_strided_slice %mul3A_44 {offsets = [1024, 0], sizes = [128, 128], strides = [1, 1]} : vector<2048x128xf32> to vector<128x128xf32>
    %slice3A_100 = vector.extract_strided_slice %transpose3A {offsets = [0, 8], sizes = [128, 1], strides = [1, 1]} : vector<128x16xf32> to vector<128x1xf32>
    %mul3A_101 = vector.broadcast %slice3A_100 : vector<128x1xf32> to vector<128x128xf32>
    %mul3A_102 = arith.mulf %slice3A_99, %mul3A_101 : vector<128x128xf32>
    %swap3A_103 = arith.constant 1024 : index
    %swap3A_104 = arith.constant 0 : index
    %swap3A_105 = vector.load %arg8[%swap3A_103, %swap3A_104] : memref<2048x128xf32, #tpu.memory_space<vmem>>, vector<128x128xf32>
    tpu.vector_store %arg8[%swap3A_103, %swap3A_104], %mul3A_102 {strides = array<i32>} : memref<2048x128xf32, #tpu.memory_space<vmem>>, vector<128x128xf32>,
    %slice3A_106 = vector.extract_strided_slice %mul3A_44 {offsets = [1152, 0], sizes = [128, 128], strides = [1, 1]} : vector<2048x128xf32> to vector<128x128xf32>
    %slice3A_107 = vector.extract_strided_slice %transpose3A {offsets = [0, 9], sizes = [128, 1], strides = [1, 1]} : vector<128x16xf32> to vector<128x1xf32>
    %mul3A_108 = vector.broadcast %slice3A_107 : vector<128x1xf32> to vector<128x128xf32>
    %mul3A_109 = arith.mulf %slice3A_106, %mul3A_108 : vector<128x128xf32>
    %swap3A_110 = arith.constant 1152 : index
    %swap3A_111 = arith.constant 0 : index
    %swap3A_112 = vector.load %arg8[%swap3A_110, %swap3A_111] : memref<2048x128xf32, #tpu.memory_space<vmem>>, vector<128x128xf32>
    tpu.vector_store %arg8[%swap3A_110, %swap3A_111], %mul3A_109 {strides = array<i32>} : memref<2048x128xf32, #tpu.memory_space<vmem>>, vector<128x128xf32>,
    %slice3A_113 = vector.extract_strided_slice %mul3A_44 {offsets = [1280, 0], sizes = [128, 128], strides = [1, 1]} : vector<2048x128xf32> to vector<128x128xf32>
    %slice3A_114 = vector.extract_strided_slice %transpose3A {offsets = [0, 10], sizes = [128, 1], strides = [1, 1]} : vector<128x16xf32> to vector<128x1xf32>
    %mul3A_115 = vector.broadcast %slice3A_114 : vector<128x1xf32> to vector<128x128xf32>
    %mul3A_116 = arith.mulf %slice3A_113, %mul3A_115 : vector<128x128xf32>
    %swap3A_117 = arith.constant 1280 : index
    %swap3A_118 = arith.constant 0 : index
    %swap3A_119 = vector.load %arg8[%swap3A_117, %swap3A_118] : memref<2048x128xf32, #tpu.memory_space<vmem>>, vector<128x128xf32>
    tpu.vector_store %arg8[%swap3A_117, %swap3A_118], %mul3A_116 {strides = array<i32>} : memref<2048x128xf32, #tpu.memory_space<vmem>>, vector<128x128xf32>,
    %slice3A_120 = vector.extract_strided_slice %mul3A_44 {offsets = [1408, 0], sizes = [128, 128], strides = [1, 1]} : vector<2048x128xf32> to vector<128x128xf32>
    %slice3A_121 = vector.extract_strided_slice %transpose3A {offsets = [0, 11], sizes = [128, 1], strides = [1, 1]} : vector<128x16xf32> to vector<128x1xf32>
    %mul3A_122 = vector.broadcast %slice3A_121 : vector<128x1xf32> to vector<128x128xf32>
    %mul3A_123 = arith.mulf %slice3A_120, %mul3A_122 : vector<128x128xf32>
    %swap3A_124 = arith.constant 1408 : index
    %swap3A_125 = arith.constant 0 : index
    %swap3A_126 = vector.load %arg8[%swap3A_124, %swap3A_125] : memref<2048x128xf32, #tpu.memory_space<vmem>>, vector<128x128xf32>
    tpu.vector_store %arg8[%swap3A_124, %swap3A_125], %mul3A_123 {strides = array<i32>} : memref<2048x128xf32, #tpu.memory_space<vmem>>, vector<128x128xf32>,
    %slice3A_127 = vector.extract_strided_slice %mul3A_44 {offsets = [1536, 0], sizes = [128, 128], strides = [1, 1]} : vector<2048x128xf32> to vector<128x128xf32>
    %slice3A_128 = vector.extract_strided_slice %transpose3A {offsets = [0, 12], sizes = [128, 1], strides = [1, 1]} : vector<128x16xf32> to vector<128x1xf32>
    %mul3A_129 = vector.broadcast %slice3A_128 : vector<128x1xf32> to vector<128x128xf32>
    %mul3A_130 = arith.mulf %slice3A_127, %mul3A_129 : vector<128x128xf32>
    %swap3A_131 = arith.constant 1536 : index
    %swap3A_132 = arith.constant 0 : index
    %swap3A_133 = vector.load %arg8[%swap3A_131, %swap3A_132] : memref<2048x128xf32, #tpu.memory_space<vmem>>, vector<128x128xf32>
    tpu.vector_store %arg8[%swap3A_131, %swap3A_132], %mul3A_130 {strides = array<i32>} : memref<2048x128xf32, #tpu.memory_space<vmem>>, vector<128x128xf32>,
    %slice3A_134 = vector.extract_strided_slice %mul3A_44 {offsets = [1664, 0], sizes = [128, 128], strides = [1, 1]} : vector<2048x128xf32> to vector<128x128xf32>
    %slice3A_135 = vector.extract_strided_slice %transpose3A {offsets = [0, 13], sizes = [128, 1], strides = [1, 1]} : vector<128x16xf32> to vector<128x1xf32>
    %mul3A_136 = vector.broadcast %slice3A_135 : vector<128x1xf32> to vector<128x128xf32>
    %mul3A_137 = arith.mulf %slice3A_134, %mul3A_136 : vector<128x128xf32>
    %swap3A_138 = arith.constant 1664 : index
    %swap3A_139 = arith.constant 0 : index
    %swap3A_140 = vector.load %arg8[%swap3A_138, %swap3A_139] : memref<2048x128xf32, #tpu.memory_space<vmem>>, vector<128x128xf32>
    tpu.vector_store %arg8[%swap3A_138, %swap3A_139], %mul3A_137 {strides = array<i32>} : memref<2048x128xf32, #tpu.memory_space<vmem>>, vector<128x128xf32>,
    %slice3A_141 = vector.extract_strided_slice %mul3A_44 {offsets = [1792, 0], sizes = [128, 128], strides = [1, 1]} : vector<2048x128xf32> to vector<128x128xf32>
    %slice3A_142 = vector.extract_strided_slice %transpose3A {offsets = [0, 14], sizes = [128, 1], strides = [1, 1]} : vector<128x16xf32> to vector<128x1xf32>
    %mul3A_143 = vector.broadcast %slice3A_142 : vector<128x1xf32> to vector<128x128xf32>
    %mul3A_144 = arith.mulf %slice3A_141, %mul3A_143 : vector<128x128xf32>
    %swap3A_145 = arith.constant 1792 : index
    %swap3A_146 = arith.constant 0 : index
    %swap3A_147 = vector.load %arg8[%swap3A_145, %swap3A_146] : memref<2048x128xf32, #tpu.memory_space<vmem>>, vector<128x128xf32>
    tpu.vector_store %arg8[%swap3A_145, %swap3A_146], %mul3A_144 {strides = array<i32>} : memref<2048x128xf32, #tpu.memory_space<vmem>>, vector<128x128xf32>,
    %slice3A_148 = vector.extract_strided_slice %mul3A_44 {offsets = [1920, 0], sizes = [128, 128], strides = [1, 1]} : vector<2048x128xf32> to vector<128x128xf32>
    %slice3A_149 = vector.extract_strided_slice %transpose3A {offsets = [0, 15], sizes = [128, 1], strides = [1, 1]} : vector<128x16xf32> to vector<128x1xf32>
    %mul3A_150 = vector.broadcast %slice3A_149 : vector<128x1xf32> to vector<128x128xf32>
    %mul3A_151 = arith.mulf %slice3A_148, %mul3A_150 : vector<128x128xf32>
    %swap3A_152 = arith.constant 1920 : index
    %swap3A_153 = arith.constant 0 : index
    %swap3A_154 = vector.load %arg8[%swap3A_152, %swap3A_153] : memref<2048x128xf32, #tpu.memory_space<vmem>>, vector<128x128xf32>
    tpu.vector_store %arg8[%swap3A_152, %swap3A_153], %mul3A_151 {strides = array<i32>} : memref<2048x128xf32, #tpu.memory_space<vmem>>, vector<128x128xf32>,
    return
  }
  func.func @transform_0(%arg0: i32) -> (i32, i32) {
    %c0_i32 = arith.constant 0 : i32
    %c0_i32_0 = arith.constant 0 : i32
    return %arg0, %c0_i32 : i32, i32
  }
  func.func @transform_1(%arg0: i32) -> (i32, i32) {
    %c0_i32 = arith.constant 0 : i32
    %c0_i32_0 = arith.constant 0 : i32
    return %arg0, %c0_i32 : i32, i32
  }
  func.func @transform_2(%arg0: i32) -> (i32, i32) {
    %c0_i32 = arith.constant 0 : i32
    %c0_i32_0 = arith.constant 0 : i32
    return %arg0, %c0_i32 : i32, i32
  }
  func.func @transform_3(%arg0: i32) -> (i32, i32) {
    %c0_i32 = arith.constant 0 : i32
    %c0_i32_0 = arith.constant 0 : i32
    %c0_i32_1 = arith.constant 0 : i32
    return %c0_i32, %c0_i32_0 : i32, i32
  }
  func.func @transform_4(%arg0: i32) -> (i32, i32) {
    %c0_i32 = arith.constant 0 : i32
    %c0_i32_0 = arith.constant 0 : i32
    %c0_i32_1 = arith.constant 0 : i32
    return %c0_i32, %c0_i32_0 : i32, i32
  }
  func.func @transform_5(%arg0: i32) -> (i32, i32) {
    %c0_i32 = arith.constant 0 : i32
    %c0_i32_0 = arith.constant 0 : i32
    %c0_i32_1 = arith.constant 0 : i32
    return %c0_i32, %c0_i32_0 : i32, i32
  }
  func.func @transform_6(%arg0: i32) -> (i32, i32) {
    %c0_i32 = arith.constant 0 : i32
    %c0_i32_0 = arith.constant 0 : i32
    %c0_i32_1 = arith.constant 0 : i32
    return %c0_i32, %c0_i32_0 : i32, i32
  }
  func.func @transform_7(%arg0: i32) -> (i32, i32) {
    %c0_i32 = arith.constant 0 : i32
    %c0_i32_0 = arith.constant 0 : i32
    return %arg0, %c0_i32 : i32, i32
  }
}

module attributes {stable_mosaic.version = 14 : i64} {
  func.func @_final_body(%arg0: i32, %arg1: memref<2x1000x128xf32, #tpu.memory_space<vmem>>, %arg2: memref<2x1000x128xf32, #tpu.memory_space<vmem>>, %arg3: memref<128x128xf32, #tpu.memory_space<vmem>>, %arg4: memref<1x128xf32, #tpu.memory_space<vmem>>, %arg5: memref<128x128xf32, #tpu.memory_space<vmem>>, %arg6: memref<1x128xf32, #tpu.memory_space<vmem>>, %arg7: memref<1000x128xf32, #tpu.memory_space<vmem>>) attributes {dimension_semantics = [#tpu.dimension_semantics<arbitrary>], iteration_bounds = array<i64: 10>, scalar_prefetch = 0 : i64, scratch_operands = 0 : i64, tpu.core_type = #tpu.core_type<tc>, window_params = [{transform_indices = @transform_0, window_bounds = array<i64: 2, 1000, 128>}, {transform_indices = @transform_1, window_bounds = array<i64: 2, 1000, 128>}, {pipeline_mode = #tpu.pipeline_mode<synchronous>, transform_indices = @transform_2, window_bounds = array<i64: 128, 128>}, {pipeline_mode = #tpu.pipeline_mode<synchronous>, transform_indices = @transform_3, window_bounds = array<i64: 1, 128>}, {pipeline_mode = #tpu.pipeline_mode<synchronous>, transform_indices = @transform_4, window_bounds = array<i64: 128, 128>}, {pipeline_mode = #tpu.pipeline_mode<synchronous>, transform_indices = @transform_5, window_bounds = array<i64: 1, 128>}, {transform_indices = @transform_6, window_bounds = array<i64: 1000, 128>}]} {
    %get3A = arith.constant 0 : index
    %get3A_0 = arith.constant 0 : index
    %get3A_1 = arith.constant 0 : index
    %get3A_2 = vector.load %arg1[%get3A, %get3A_0, %get3A_1] : memref<2x1000x128xf32, #tpu.memory_space<vmem>>, vector<1x1000x128xf32>
    %get3A_3 = vector.shape_cast %get3A_2 : vector<1x1000x128xf32> to vector<1000x128xf32>
    %get3A_4 = arith.constant 1 : index
    %get3A_5 = arith.constant 0 : index
    %get3A_6 = arith.constant 0 : index
    %get3A_7 = vector.load %arg1[%get3A_4, %get3A_5, %get3A_6] : memref<2x1000x128xf32, #tpu.memory_space<vmem>>, vector<1x1000x128xf32>
    %get3A_8 = vector.shape_cast %get3A_7 : vector<1x1000x128xf32> to vector<1000x128xf32>
    %add3A = arith.addf %get3A_3, %get3A_8 : vector<1000x128xf32>
    %get3A_9 = arith.constant 0 : index
    %get3A_10 = arith.constant 0 : index
    %get3A_11 = arith.constant 0 : index
    %get3A_12 = vector.load %arg2[%get3A_9, %get3A_10, %get3A_11] : memref<2x1000x128xf32, #tpu.memory_space<vmem>>, vector<1x1000x1xf32>
    %get3A_13 = vector.shape_cast %get3A_12 : vector<1x1000x1xf32> to vector<1000x1xf32>
    %get3A_14 = arith.constant 1 : index
    %get3A_15 = arith.constant 0 : index
    %get3A_16 = arith.constant 0 : index
    %get3A_17 = vector.load %arg2[%get3A_14, %get3A_15, %get3A_16] : memref<2x1000x128xf32, #tpu.memory_space<vmem>>, vector<1x1000x1xf32>
    %get3A_18 = vector.shape_cast %get3A_17 : vector<1x1000x1xf32> to vector<1000x1xf32>
    %add3A_19 = arith.addf %get3A_13, %get3A_18 : vector<1000x1xf32>
    %max3A = arith.constant 1.000000e+00 : f32
    %max3A_20 = vector.broadcast %max3A : f32 to vector<1000x1xf32>
    %max3A_21 = arith.maximumf %add3A_19, %max3A_20 : vector<1000x1xf32>
    %div3A = vector.broadcast %max3A_21 : vector<1000x1xf32> to vector<1000x128xf32>
    %div3A_22 = arith.divf %add3A, %div3A : vector<1000x128xf32>
    %get3A_23 = arith.constant 0 : index
    %get3A_24 = arith.constant 0 : index
    %get3A_25 = vector.load %arg3[%get3A_23, %get3A_24] : memref<128x128xf32, #tpu.memory_space<vmem>>, vector<128x128xf32>
    %dot_general3A = arith.constant dense<0.000000e+00> : vector<1000x128xf32>
    %dot_general3A_26 = tpu.matmul %div3A_22, %get3A_25, %dot_general3A {dimension_numbers = #tpu.dot_dimension_numbers<[1], [1], [0], [0], [0, 0, 1, 0], [], []>, transpose_lhs_hint = false} : vector<1000x128xf32>, vector<128x128xf32>, vector<1000x128xf32> -> vector<1000x128xf32>
    %get3A_27 = arith.constant 0 : index
    %get3A_28 = arith.constant 0 : index
    %get3A_29 = vector.load %arg4[%get3A_27, %get3A_28] : memref<1x128xf32, #tpu.memory_space<vmem>>, vector<1x128xf32>
    %add3A_30 = vector.broadcast %get3A_29 : vector<1x128xf32> to vector<1000x128xf32>
    %add3A_31 = arith.addf %dot_general3A_26, %add3A_30 : vector<1000x128xf32>
    %custom_jvp_call3A = arith.constant 0.000000e+00 : f32
    %max3A_32 = vector.broadcast %custom_jvp_call3A : f32 to vector<1000x128xf32>
    %max3A_33 = arith.maximumf %add3A_31, %max3A_32 : vector<1000x128xf32>
    %sub3A = vector.broadcast %custom_jvp_call3A : f32 to vector<1000x128xf32>
    %sub3A_34 = arith.subf %add3A_31, %sub3A : vector<1000x128xf32>
    %ne3A = arith.cmpf one, %sub3A_34, %sub3A_34 : vector<1000x128xf32>
    %add3A_35 = vector.broadcast %custom_jvp_call3A : f32 to vector<1000x128xf32>
    %add3A_36 = arith.addf %add3A_31, %add3A_35 : vector<1000x128xf32>
    %abs3A = math.absf %sub3A_34 : vector<1000x128xf32>
    %neg3A = arith.constant 0.000000e+00 : f32
    %neg3A_37 = vector.broadcast %neg3A : f32 to vector<1000x128xf32>
    %neg3A_38 = arith.subf %neg3A_37, %abs3A : vector<1000x128xf32>
    %exp3A = math.exp %neg3A_38 : vector<1000x128xf32>
    %log1p3A = math.log1p %exp3A : vector<1000x128xf32>
    %add3A_39 = arith.addf %max3A_33, %log1p3A : vector<1000x128xf32>
    %select_n3A = arith.select %ne3A, %add3A_36, %add3A_39 : vector<1000x128xi1>, vector<1000x128xf32>
    %sub3A_40 = arith.constant 0.693147182 : f32
    %sub3A_41 = vector.broadcast %sub3A_40 : f32 to vector<1000x128xf32>
    %sub3A_42 = arith.subf %select_n3A, %sub3A_41 : vector<1000x128xf32>
    %get3A_43 = arith.constant 0 : index
    %get3A_44 = arith.constant 0 : index
    %get3A_45 = vector.load %arg5[%get3A_43, %get3A_44] : memref<128x128xf32, #tpu.memory_space<vmem>>, vector<128x128xf32>
    %dot_general3A_46 = arith.constant dense<0.000000e+00> : vector<1000x128xf32>
    %dot_general3A_47 = tpu.matmul %sub3A_42, %get3A_45, %dot_general3A_46 {dimension_numbers = #tpu.dot_dimension_numbers<[1], [1], [0], [0], [0, 0, 1, 0], [], []>, transpose_lhs_hint = false} : vector<1000x128xf32>, vector<128x128xf32>, vector<1000x128xf32> -> vector<1000x128xf32>
    %get3A_48 = arith.constant 0 : index
    %get3A_49 = arith.constant 0 : index
    %get3A_50 = vector.load %arg6[%get3A_48, %get3A_49] : memref<1x128xf32, #tpu.memory_space<vmem>>, vector<1x128xf32>
    %add3A_51 = vector.broadcast %get3A_50 : vector<1x128xf32> to vector<1000x128xf32>
    %add3A_52 = arith.addf %dot_general3A_47, %add3A_51 : vector<1000x128xf32>
    %swap3A = arith.constant 0 : index
    %swap3A_53 = arith.constant 0 : index
    %swap3A_54 = vector.load %arg7[%swap3A, %swap3A_53] : memref<1000x128xf32, #tpu.memory_space<vmem>>, vector<1000x128xf32>
    tpu.vector_store %arg7[%swap3A, %swap3A_53], %add3A_52 {strides = array<i32>} : memref<1000x128xf32, #tpu.memory_space<vmem>>, vector<1000x128xf32>,
    return
  }
  func.func @transform_0(%arg0: i32) -> (i32, i32, i32) {
    %c0_i32 = arith.constant 0 : i32
    %c0_i32_0 = arith.constant 0 : i32
    %c0_i32_1 = arith.constant 0 : i32
    return %c0_i32, %arg0, %c0_i32_0 : i32, i32, i32
  }
  func.func @transform_1(%arg0: i32) -> (i32, i32, i32) {
    %c0_i32 = arith.constant 0 : i32
    %c0_i32_0 = arith.constant 0 : i32
    %c0_i32_1 = arith.constant 0 : i32
    return %c0_i32, %arg0, %c0_i32_0 : i32, i32, i32
  }
  func.func @transform_2(%arg0: i32) -> (i32, i32) {
    %c0_i32 = arith.constant 0 : i32
    %c0_i32_0 = arith.constant 0 : i32
    %c0_i32_1 = arith.constant 0 : i32
    return %c0_i32, %c0_i32_0 : i32, i32
  }
  func.func @transform_3(%arg0: i32) -> (i32, i32) {
    %c0_i32 = arith.constant 0 : i32
    %c0_i32_0 = arith.constant 0 : i32
    %c0_i32_1 = arith.constant 0 : i32
    return %c0_i32, %c0_i32_0 : i32, i32
  }
  func.func @transform_4(%arg0: i32) -> (i32, i32) {
    %c0_i32 = arith.constant 0 : i32
    %c0_i32_0 = arith.constant 0 : i32
    %c0_i32_1 = arith.constant 0 : i32
    return %c0_i32, %c0_i32_0 : i32, i32
  }
  func.func @transform_5(%arg0: i32) -> (i32, i32) {
    %c0_i32 = arith.constant 0 : i32
    %c0_i32_0 = arith.constant 0 : i32
    %c0_i32_1 = arith.constant 0 : i32
    return %c0_i32, %c0_i32_0 : i32, i32
  }
  func.func @transform_6(%arg0: i32) -> (i32, i32) {
    %c0_i32 = arith.constant 0 : i32
    %c0_i32_0 = arith.constant 0 : i32
    return %arg0, %c0_i32 : i32, i32
  }
}

</mosaic_0001>

<sc_bundles>
// kernel: kernel.11.cloned.1.call-start
scs
__scs_entry_jumppad:
0x0: {  	(pc) =	sbr.rel $0x88, $3  }
0x1: {  	(tag) =	ssettag $0x0;
	lr =	simm.s32 $0x1  }
0x2: {  	[smem:$0x3F94] =	sst lr;
	_ =	strace $0xD0000000  }
0x3: {  	_ = 	snop  }
0x4: {  	_ = 	snop  }
0x5: {  	_ = 	snop  }
0x6: {  	_ = 	snop  }
0x7: {  	_ = 	snop  }
__scs_overlays_trampoline_lowered:
0x8: {  	[smem:$0x3FA3] =	sst s0  }
0x9: {  	[smem:$0x3FA4] =	sst s1  }
0xa: {  	[smem:$0x3FA5] =	sst s2  }
0xb: {  	[smem:$0x3FA6] =	sst s3  }
0xc: {  	[smem:$0x3FA7] =	sst s4  }
0xd: {  	[smem:$0x3FA8] =	sst s5  }
0xe: {  	[smem:$0x3FA9] =	sst s6  }
0xf: {  	[smem:$0x3FAA] =	sst s7  }
0x10: {  	[smem:$0x3FAB] =	sst s8  }
0x11: {  	[smem:$0x3FAC] =	sst s9;
	s0 =	simm.s32 @!p0 $0x0  }
0x12: {  	s1 =	sld [smem:$0x3F92];
	s0 =	simm.s32 @p0 $0x1  }
0x13: {  	[smem:$0x3FAD] =	sst s0;
	s0 =	simm.s32 @!p1 $0x0  }
0x14: {  	s2 =	sld [smem:$0x3F91];
	s0 =	simm.s32 @p1 $0x1  }
0x15: {  	[smem:$0x3FAE] =	sst s0;
	s0 =	simm.s32 @!p2 $0x0  }
0x16: {  	s3 =	sld [smem:$0x3FDB];
	s0 =	simm.s32 @p2 $0x1  }
0x17: {  	s4 =	simm.s32 $0x1BF5;
	[smem:$0x3FB0] =	sst s0  }
0x18: {  	s0 =	sld [smem:$0x3F93];
	_ =	swait.ge [sflag:s4], $0x0  }
0x19: {  	s7 =	sld [smem:$0x3F94]  }
0x1a: {  	s8 =	sadd.s32 $0xFFFFE003, lr  }
0x1b: {  	s9 =	sadd.s32 $0xFFFFFEF7, lr;
	s5 =	simm.s32 $0xFFFFFFFF;
	p2 =	slt.u32 s8, $0xFFFFF086  }
0x1c: {  	p1 =	slt.u32 s9, $0xF7A;
	s5 =	simm.s32 @!p2 $0x0  }
0x1d: {  	s5 =	simm.s32 @p1 $0x1;
	p0 =	seq.s32 s7, s2  }
0x1e: {  	s7 =	smul.u32 @!p0 $0xF7A, s2;
	p2 =	seq.s32 @!p0 s5, $0x0  }
0x1f: {  	s9 =	smul.u32 $0xF7A, s1;
	s8 =	simm.s32 @!p0 $0x1BF5;
	p2 =	por !p2, p0  }
0x20: {  	[sflag:s8] =	ssyncset.s32 @!p0 $0xFFFFF086;
	s6 =	sadd.s32 @!p0 s3, s7;
	s7 =	simm.s32 @!p0 $0x108  }
0x21: {  	s3 =	sadd.s32 s3, s9;
	s6 =	sadd.s32 @!p0 $0x88, s6;
	s7 =	simm.s32 @p2 $0x1082  }
0x22: {  	[simem:s7], [sflag:s8] =	dma.local @!p0 [hbm:s6], $0xF7A  }
0x23: {  	s9 =	sor.u32 $0xD0000000, s2;
	s6 =	simm.s32 $0x108;
	_ =	swait.ge @!p0 [sflag:s8], $0x0  }
0x24: {  	s3 =	sadd.s32 $0x88, s3;
	s6 =	simm.s32 @!p1 $0x1082;
	[sflag:s4] =	ssyncset.s32 $0xFFFFF086  }
0x25: {  	[simem:s6], [sflag:s4] =	dma.local [hbm:s3], $0xF7A  }
0x26: {  	[smem:$0x3F94] =	sst s1;
	(tag) =	ssettag s2;
	_ =	strace s9  }
0x27: {  	s1 =	sld [smem:$0x3FA4]  }
0x28: {  	s2 =	sld [smem:$0x3FA5]  }
0x29: {  	s4 =	sld [smem:$0x3FA7]  }
0x2a: {  	p0 =	seq.s32 s5, $0x0;
	s5 =	sld [smem:$0x3FA8]  }
0x2b: {  	s6 =	sld [smem:$0x3FA9]  }
0x2c: {  	s7 =	sld [smem:$0x3FAA]  }
0x2d: {  	s3 =	simm.s32 $0x108;
	s8 =	sld [smem:$0x3FAB]  }
0x2e: {  	s3 =	simm.s32 @!p0 $0x1082;
	s9 =	sld [smem:$0x3FAC]  }
0x2f: {  	lr =	sadd.s32 s0, s3;
	s0 =	sld [smem:$0x3FA3]  }
0x30: {  	s3 =	sld [smem:$0x3FA6]  }
0x31: {  	[smem:$0x3FAF] =	sst s10  }
0x32: {  	s10 =	sld [smem:$0x3FAD];
	_ =	sdelay $0x3  }
0x33: {  	p0 =	seq.s32 s10, $0x1;
	s10 =	sld [smem:$0x3FAF];
	_ =	sdelay $0x3  }
0x34: {  	[smem:$0x3FAF] =	sst s10  }
0x35: {  	s10 =	sld [smem:$0x3FAE];
	_ =	sdelay $0x3  }
0x36: {  	p1 =	seq.s32 s10, $0x1;
	s10 =	sld [smem:$0x3FAF];
	_ =	sdelay $0x3  }
0x37: {  	[smem:$0x3FAF] =	sst s10  }
0x38: {  	s10 =	sld [smem:$0x3FB0]  }
0x39: {  	_ = 	snop;
	(pc) =	sbr.ind lr, $3  }
0x3a: {  	_ = 	snop  }
0x3b: {  	_ = 	snop  }
0x3c: {  	p2 =	seq.s32 s10, $0x1;
	s10 =	sld [smem:$0x3FAF]  }
0x3d: {  	_ =	shalt  }
0x3e: {  	_ =	shalt  }
0x3f: {  	_ =	shalt  }
0x40: {  	_ =	shalt  }
0x41: {  	_ =	shalt  }
0x42: {  	_ =	shalt  }
0x43: {  	_ =	shalt  }
0x44: {  	_ =	shalt  }
0x45: {  	_ =	shalt  }
0x46: {  	_ =	shalt  }
0x47: {  	_ =	shalt  }
0x48: {  	_ =	shalt  }
0x49: {  	_ =	shalt  }
0x4a: {  	_ =	shalt  }
0x4b: {  	_ =	shalt  }
0x4c: {  	_ =	shalt  }
0x4d: {  	_ =	shalt  }
0x4e: {  	_ =	shalt  }
0x4f: {  	_ =	shalt  }
0x50: {  	_ =	shalt  }
0x51: {  	_ =	shalt  }
0x52: {  	_ =	shalt  }
0x53: {  	_ =	shalt  }
0x54: {  	_ =	shalt  }
0x55: {  	_ =	shalt  }
0x56: {  	_ =	shalt  }
0x57: {  	_ =	shalt  }
0x58: {  	_ =	shalt  }
0x59: {  	_ =	shalt  }
0x5a: {  	_ =	shalt  }
0x5b: {  	_ =	shalt  }
0x5c: {  	_ =	shalt  }
0x5d: {  	_ =	shalt  }
0x5e: {  	_ =	shalt  }
0x5f: {  	_ =	shalt  }
0x60: {  	_ =	shalt  }
0x61: {  	_ =	shalt  }
0x62: {  	_ =	shalt  }
0x63: {  	_ =	shalt  }
0x64: {  	_ =	shalt  }
0x65: {  	_ =	shalt  }
0x66: {  	_ =	shalt  }
0x67: {  	_ =	shalt  }
0x68: {  	_ =	shalt  }
0x69: {  	_ =	shalt  }
0x6a: {  	_ =	shalt  }
0x6b: {  	_ =	shalt  }
0x6c: {  	_ =	shalt  }
0x6d: {  	_ =	shalt  }
0x6e: {  	_ =	shalt  }
0x6f: {  	_ =	shalt  }
0x70: {  	_ =	shalt  }
0x71: {  	_ =	shalt  }
0x72: {  	_ =	shalt  }
0x73: {  	_ =	shalt  }
0x74: {  	_ =	shalt  }
0x75: {  	_ =	shalt  }
0x76: {  	_ =	shalt  }
0x77: {  	_ =	shalt  }
0x78: {  	_ =	shalt  }
0x79: {  	_ =	shalt  }
0x7a: {  	_ =	shalt  }
0x7b: {  	_ =	shalt  }
0x7c: {  	_ =	shalt  }
0x7d: {  	_ =	shalt  }
0x7e: {  	_ =	shalt  }
0x7f: {  	_ =	shalt  }
0x80: {  	_ =	shalt  }
0x81: {  	_ =	shalt  }
0x82: {  	_ =	shalt  }
0x83: {  	_ =	shalt  }
0x84: {  	_ =	shalt  }
0x85: {  	_ =	shalt  }
0x86: {  	_ =	shalt  }
0x87: {  	_ =	shalt  }
.Lfunc_end0:
.L_simem_size_0:
called_computation.1_lowered:
.L_overlay_start_0:
0x88: {  	s2 =	sld [smem:$0x3FD9]  }
0x89: {  	s3 =	sld [smem:$0x3FFE];
	_ =	sdelay $0x1  }
0x8a: {  	s1 =	srdreg.scid  }
0x8b: {  	s0 =	sand.u32 $0x1, s1  }
0x8c: {  	s17 =	sshll.u32 s0, $0xA;
	s2 =	sadd.s32 s3, s2  }
0x8d: {  	s2 =	sadd.s32 s2, s17  }
0x8e: {  	[smem:$0x3FBB] =	sst s2  }
0x8f: {  	_ = 	snop  }
0x90: {  	(tm) =	ssettm $0x1  }
0x91: {  	s18 =	sld [smem:$0x3FFB];
	_ =	sdelay $0x3  }
0x92: {  	_ =	strace s18  }
0x93: {  	s2 =	sld [smem:$0x3FFC];
	_ =	sdelay $0x3  }
0x94: {  	_ =	strace s2  }
0x95: {  	s2 =	sld [smem:$0x3FFD];
	_ =	sdelay $0x3  }
0x96: {  	_ =	strace s2  }
0x97: {  	_ =	strace $0x8FFFFFFF  }
0x98: {  	s19 =	sld [smem:$0x3FDB];
	_ =	sdelay $0x1  }
0x99: {  	s20 =	simm.s32 $_scs_section_size  }
0x9a: {  	s4 =	simm.s32 $_size__tile_overlayer_lowered;
	s5 =	simm.s32 $_tile_overlayer_lowered  }
0x9b: {  	s6 =	simm.s32 $0x1BFF;
	s21 =	sshll.u32 s5, $0x1;
	s3 =	sadd.s32 s20, s19  }
0x9c: {  	s22 =	simm.s32 $0x0;
	s4 =	sshll.u32 s4, $0x1;
	s5 =	sadd.s32 s21, s3  }
0x9d: {  	[timem:s22], [sflag:s6] =	dma.local [hbm:s5], s4  }
0x9e: {  	_ =	swait.ge [sflag:s6], s4  }
0x9f: {  	s4 =	ssub.s32 $0x0, s4;
	[sflag:s6] =	ssyncset.done $0x0  }
0xa0: {  	[sflag:s6] =	ssyncadd.s32 s4;
	_ =	sdelay $0x1  }
0xa1: {  	s23 =	simm.s32 $0x1B8B  }
0xa2: {  	_ =	swait.ge [sflag:s23], $0x1  }
0xa3: {  	[sflag:s23] =	ssyncset.done $0x0  }
0xa4: {  	[sflag:s23] =	ssyncadd.s32 $0xFFFFFFFF  }
0xa5: {  	s4 =	sld [smem:$0x0]  }
0xa6: {  	s5 =	sand.u32 $0xFFFFFFFE, s1  }
0xa7: {  	p0 =	sne.s32 s1, s5  }
0xa8: {  	s5 =	sshll.u32 @p0 s5, $0xE  }
0xa9: {  	s5 =	sadd.s32 @p0 $0x11B8D, s5;
	s6 =	sshll.u32 @p0 s4, $0x11  }
0xaa: {  	s5 =	sor.u32 @p0 s6, s5  }
0xab: {  	[sflag:s5] =	ssyncadd.remote.s32 @p0 $0x1;
	_ =	sdelay $0x1  }
0xac: {  	s5 =	simm.s32 @p0 $0x1B8D  }
0xad: {  	_ =	swait.eq @p0 [sflag:s5], $0x1  }
0xae: {  	[sflag:s5] =	ssyncadd.s32 @p0 $0xFFFFFFFF  }
0xaf: {  	s6 =	sshll.u32 @!p0 s1, $0xE  }
0xb0: {  	s6 =	sor.u32 @!p0 $0x4000, s6;
	s5 =	simm.s32 @!p0 $0x1B8D  }
0xb1: {  	s4 =	sshll.u32 @!p0 s4, $0x11;
	s6 =	sadd.s32 @!p0 $0x11B8D, s6;
	_ =	swait.eq @!p0 [sflag:s5], $0x1  }
0xb2: {  	s4 =	sor.u32 @!p0 s4, s6;
	[sflag:s5] =	ssyncadd.s32 @!p0 $0xFFFFFFFF  }
0xb3: {  	s25 =	simm.s32 $0x1B8E;
	s24 =	sld [smem:$0x3FFE];
	[sflag:s4] =	ssyncadd.remote.s32 @!p0 $0x1  }
0xb4: {  	s26 =	simm.s32 $execute0_lowered;
	[smem:$0x3FD2] =	sst s25  }
0xb5: {  	s5 =	sshll.u32 s26, $0x1;
	_ =	strace $0x80000049;
	[dreg:$0x1] =	wrdreg $0xFFFFFFFF  }
0xb6: {  	s28 =	simm.s32 $_size_execute0_lowered;
	s3 =	sadd.s32 s3, s5;
	[dreg:$0x0] =	wrdreg $0x0  }
0xb7: {  	s5 =	sshll.u32 s28, $0x1;
	[dreg:$0x2] =	wrdreg s3  }
0xb8: {  	[dreg:$0x3] =	wrdreg s5  }
0xb9: {  	[dreg:$0x4] =	wrdreg $0xC0  }
0xba: {  	_ =	task [dreg:s22], $0x5FFFF  }
0xbb: {  	[dreg:$0x1] =	wrdreg $0xFFFFFFFF  }
0xbc: {  	[dreg:$0x0] =	wrdreg $0x60  }
0xbd: {  	[dreg:$0x2] =	wrdreg s24  }
0xbe: {  	[dreg:$0x3] =	wrdreg $0x68000  }
0xbf: {  	[dreg:$0x4] =	wrdreg $0x9  }
0xc0: {  	_ =	task.clear_ibuf [dreg:s22], $0x5FFFF;
	_ =	strace $0x90000049  }
0xc1: {  	s29 =	simm.s32 $0x9;
	_ =	strace $0x8000004B  }
0xc2: {  	_ =	swait.ge [sflag:s29], $0x1  }
0xc3: {  	[sflag:s29] =	ssyncadd.s32 $0xFFFFFFFF  }
0xc4: {  	_ =	strace $0x9000004B  }
0xc5: {  	_ =	sfence  }
0xc6: {  	s30 =	sld [smem:$0x0];
	_ =	sdelay $0x2  }
0xc7: {  	s31 =	sshll.u32 s1, $0xD;
	s1 =	sshrl.u32 s1, $0x2  }
0xc8: {  	s4 =	sand.u32 $0x4000, s31;
	s1 =	sadd.s32 s1, s30  }
0xc9: {  	s0 =	sor.u32 s4, s0;
	s1 =	sshll.u32 s1, $0x11  }
0xca: {  	s0 =	sor.u32 s1, s0  }
0xcb: {  	s0 =	sadd.s32 $0x8F2B, s0  }
0xcc: {  	[sflag:s0] =	ssyncadd.remote.s32 $0x1  }
0xcd: {  	_ =	sfence.sel $0xFFFF  }
0xce: {  	[dreg:$0x0] =	wrdreg $0xFFFFFFFF;
	(pc) =	sbr.abs _section_cstart, $3  }
0xcf: {  	[dreg:$0x1] =	wrdreg $0xFFFFFFFF  }
0xd0: {  	_ =	task.clear_ibuf [dreg:s22], $0x2FFFF;
	_ =	strace $0x9FFFFFFF  }
0xd1: {  	(tm) =	ssettm $0x7FFFFFFF  }
tec
execute0_lowered:
.L_overlay_start_1:
0x0: {  	(tag) =	ssettag $0x1  }
0x1: {  	s7 =	rddreg [dreg:$0x0]  }
0x2: {  	s2 =	rddreg [dreg:$0x1]  }
0x3: {  	s0 =	rddreg [dreg:$0x2]  }
0x4: {  	s3 =	simm.s32 $0x0;
	s1 =	stileid.u32;
	s6 =	srdreg.scid  }
0x5: {  	s15 =	simm.s32 $0x100;
	s16 =	simm.s32 $0x180;
	s17 =	simm.s32 $0x2  }
0x6: {  	s18 =	simm.s32 $0x0;
	[smem:$0x7FF] =	sst s3;
	s4 =	sshll.u32 s1, $0x5  }
0x7: {  	s5 =	sadd.s32 $0x4F8600, s7;
	s8 =	sand.u32 $0x1, s6;
	s9 =	sshll.u32 s1, $0x1  }
0x8: {  	s13 =	sadd.s32 $0x4F8E00, s7;
	p0 =	sne.s32 s1, $0xF;
	p1 =	slt.u32 s1, $0x2  }
0x9: {  	p2 =	sgt.u32 s1, $0x1;
	_ =	strace $0x8000004A;
	s4 =	sand.u32 $0x180, s4  }
0xa: {  	s11 =	ssub.s32 $0x2, s8;
	s6 =	sor.u32 s8, s9;
	s12 =	smul.u32 $0x138800, s8  }
0xb: {  	s31 =	smul.u32 $0x27100, s8;
	s8 =	sadd.s32 $0x138000, s2;
	s10 =	sadd.s32 s4, s7  }
0xc: {  	s4 =	sadd.s32 $0x4F7E00, s7;
	s29 =	sshrl.u32 s11, $0x1;
	s14 =	sshll.u32 s6, $0x4  }
0xd: {  	s7 =	ssub.s32 $0x9C4, s9;
	s14 =	sand.u32 $0x70, s14;
	s12 =	sshrl.u32 s12, $0x3  }
0xe: {  	s11 =	ssub.s32 s11, s29;
	s30 =	sadd.s32 s13, s12;
	s14 =	sadd.s32 s14, s10  }
0xf: {  	s10 =	smax.u32 s11, $0x1;
	s12 =	sadd.s32 s31, s13;
	s13 =	simm.s32 $0x2800  }
0x10: {  	s9 =	sadd.s32 $0x27000, s30;
	s11 =	sadd.s32 $0xC000, s14;
	s14 =	simm.s32 $0x3  }
.LBB2_1:
0x11: {  	s19 =	smov.u32 s6;
	s20 =	simm.s32 $0x0  }
.LBB2_2:
0x12: {  	p3 =	sgt.u32 s19, $0x9C3  }
0x13: {  	s21 =	sshra.s32 @!p3 s20, $0x2  }
0x14: {  	s22 =	sadd.s32 @!p3 s20, s11;
	s23 =	simm.s32 @!p3 $0x0;
	s20 =	sadd.s32 $0x200, s20  }
0x15: {  	[tilespmem:s21], [sflag:$0x1] =	stream.linear.gather @!p3 [hbm4b:s22+s23], $0x80, $0x38;
	[tilespmem:$0x1A080] =	vst v63  }
0x16: {  	p3 =	sne.s32 s20, $0x9E00  }
.Ltmp0:
0x17: {  	_ = 	snop;
	(pc) =	sbr.rel @p3 .LBB2_2-.Ltmp0, $2  }
0x18: {  	_ =	sdelay $0x2  }
0x19: {  	s19 =	sadd.s32 $0x20, s19  }
0x1a: {  	p3 =	sle.u32 s7, $0x0  }
0x1b: {  	s20 =	simm.s32 @!p3 $0x1  }
0x1c: {  	_ =	swait.ge @!p3 [sflag:s20], $0x80  }
0x1d: {  	s19 =	simm.s32 $0x20;
	[sflag:s20] =	ssyncset.done @!p3 $0x0  }
.LBB2_4:
0x1e: {  	[sflag:s20] =	ssyncadd.s32 @!p3 $0xFFFFFF80;
	s20 =	smov.u32 s19;
	s19 =	sadd.s32 $0x20, s19  }
0x1f: {  	p4 =	sne.s32 s19, $0x9E0  }
.Ltmp1:
0x20: {  	(pc) =	sbr.rel @p4 .LBB2_4-.Ltmp1, $4  }
0x21: {  	p3 =	sge.u32 s20, s7  }
0x22: {  	s20 =	simm.s32 @!p3 $0x1  }
0x23: {  	_ =	swait.ge @!p3 [sflag:s20], $0x80  }
0x24: {  	[sflag:s20] =	ssyncset.done @!p3 $0x0  }
0x25: {  	[sflag:s20] =	ssyncadd.s32 @!p3 $0xFFFFFF80;
	s19 =	simm.s32 $0x0  }
0x26: {  	[tilespmem:s13], [sflag:$0x3] =	stream.linear.gather [hbm4b:s4+s19], $0x4000, $0x38;
	[tilespmem:$0x1A080] =	vst v63  }
0x27: {  	s19 =	sand.u32 $0xF, s19;
	_ =	swait.ge [sflag:s14], $0x4000  }
0x28: {  	p3 =	sne.s32 s19, s1;
	[sflag:s14] =	ssyncset.done $0x0  }
0x29: {  	s19 =	simm.s32 @!p3 $0x2800;
	s22 =	simm.s32 @!p3 $0x3;
	[sflag:s14] =	ssyncadd.s32 $0xFFFFC000  }
0x2a: {  	[spmem:s2] =	stream.linear.scatter @!p3 [tilespmem:s19], [sflag:$0x3], $0x4000, $0x38;
	[tilespmem:$0x1A080] =	vst v63  }
0x2b: {  	s20 =	simm.s32 $0x1;
	_ =	swait.ge @!p3 [sflag:s22], $0x4000  }
0x2c: {  	s21 =	simm.s32 $0x2;
	s19 =	sadd.s32 $0x4000, s2;
	[sflag:s22] =	ssyncset.done @!p3 $0x0  }
.LBB2_6:
0x2d: {  	s23 =	sand.u32 $0xF, s20;
	s20 =	smov.u32 s21;
	s21 =	sadd.s32 $0x1, s21  }
0x2e: {  	[sflag:s22] =	ssyncadd.s32 @!p3 $0xFFFFC000;
	p4 =	sne.s32 s21, $0x4E  }
.Ltmp2:
0x2f: {  	p3 =	sne.s32 s23, s1;
	(pc) =	sbr.rel @p4 .LBB2_6-.Ltmp2, $4  }
0x30: {  	s23 =	simm.s32 @!p3 $0x2800;
	s22 =	simm.s32 @!p3 $0x3  }
0x31: {  	[spmem:s19] =	stream.linear.scatter @!p3 [tilespmem:s23], [sflag:$0x3], $0x4000, $0x38;
	[tilespmem:$0x1A080] =	vst v63  }
0x32: {  	_ =	swait.ge @!p3 [sflag:s22], $0x4000  }
0x33: {  	s19 =	sadd.s32 $0x4000, s19;
	[sflag:s22] =	ssyncset.done @!p3 $0x0  }
0x34: {  	s20 =	sand.u32 $0xF, s20  }
0x35: {  	p4 =	sne.s32 s20, s1  }
0x36: {  	[sflag:s22] =	ssyncadd.s32 @!p3 $0xFFFFC000;
	s20 =	simm.s32 @!p4 $0x2800;
	s21 =	simm.s32 @!p4 $0x3  }
0x37: {  	[spmem:s19] =	stream.linear.scatter @!p4 [tilespmem:s20], [sflag:$0x3], $0x4000, $0x38;
	[tilespmem:$0x1A080] =	vst v63  }
0x38: {  	_ =	swait.ge @!p4 [sflag:s21], $0x4000  }
0x39: {  	[sflag:s21] =	ssyncset.done @!p4 $0x0  }
0x3a: {  	s19 =	simm.s32 @!p0 $0x2800;
	[sflag:s21] =	ssyncadd.s32 @!p4 $0xFFFFC000  }
0x3b: {  	[spmem:s8] =	stream.linear.scatter @!p0 [tilespmem:s19], [sflag:$0x3], $0x800, $0x38;
	[tilespmem:$0x1A080] =	vst v63  }
0x3c: {  	s19 =	simm.s32 @!p0 $0x3  }
0x3d: {  	_ =	swait.ge @!p0 [sflag:s19], $0x800  }
0x3e: {  	[sflag:s19] =	ssyncset.done @!p0 $0x0  }
0x3f: {  	[sflag:s19] =	ssyncadd.s32 @!p0 $0xFFFFF800  }
0x40: {  	[tilespmem:s13], [sflag:$0x3] =	stream.linear.gather [hbm4b:s5+s3], $0x4000, $0x38;
	[tilespmem:$0x1A080] =	vst v63  }
0x41: {  	_ =	swait.ge [sflag:s14], $0x4000  }
0x42: {  	[sflag:s14] =	ssyncset.done $0x0  }
0x43: {  	[sflag:s14] =	ssyncadd.s32 $0xFFFFC000  }
0x44: {  	s31 =	simm.s32 $0x80;
	[bflag:$0x0] =	sbarrier.arrive $0xFFFF  }
0x45: {  	[spmem:s2] =	stream.indirect.scatter.add.f32 [tilespmem:s13], [sflag:$0x2], $0x80, s3, s31, $0xb8;
	[tilespmem:$0x1A080] =	vst v63  }
0x46: {  	_ = 	snop  }
0x47: {  	[spmem:s2] =	stream.indirect.scatter.add.f32 [tilespmem:s13], [sflag:$0x2], $0x80, s31, s31, $0xb8;
	[tilespmem:$0x1A080] =	vst v63  }
0x48: {  	p3 =	sle.u32 s7, $0x80  }
0x49: {  	[spmem:s2] =	stream.indirect.scatter.add.f32 [tilespmem:s13], [sflag:$0x2], $0x80, s15, s31, $0xb8;
	[tilespmem:$0x1A080] =	vst v63  }
0x4a: {  	s22 =	simm.s32 @!p3 $0x2  }
0x4b: {  	[spmem:s2] =	stream.indirect.scatter.add.f32 [tilespmem:s13], [sflag:$0x2], $0x80, s16, s31, $0xb8;
	[tilespmem:$0x1A080] =	vst v63  }
0x4c: {  	s23 =	simm.s32 @!p3 $0x2800;
	_ =	swait.ge @!p3 [sflag:s22], $0x4000  }
0x4d: {  	s20 =	simm.s32 $0x280;
	s21 =	simm.s32 $0x200;
	[sflag:s22] =	ssyncset.done @!p3 $0x0  }
0x4e: {  	s19 =	simm.s32 $0xA0;
	[sflag:s22] =	ssyncadd.s32 @!p3 $0xFFFFC000;
	s22 =	simm.s32 @!p3 $0x80  }
.LBB2_8:
0x4f: {  	[spmem:s2] =	stream.indirect.scatter.add.f32 @!p3 [tilespmem:s23], [sflag:$0x2], $0x80, s21, s22, $0xb8;
	[tilespmem:$0x1A080] =	vst v63  }
0x50: {  	p3 =	sge.u32 s19, s7;
	s19 =	sadd.s32 $0x20, s19  }
0x51: {  	p4 =	sne.s32 s19, $0x9E0  }
.Ltmp3:
0x52: {  	(pc) =	sbr.rel @p4 .LBB2_8-.Ltmp3, $4  }
0x53: {  	s21 =	smov.u32 s20;
	s22 =	simm.s32 @!p3 $0x2  }
0x54: {  	_ =	swait.ge @!p3 [sflag:s22], $0x4000  }
0x55: {  	s20 =	sadd.s32 $0x80, s20;
	[sflag:s22] =	ssyncset.done @!p3 $0x0  }
0x56: {  	s23 =	simm.s32 @!p3 $0x2800;
	[sflag:s22] =	ssyncadd.s32 @!p3 $0xFFFFC000;
	s22 =	simm.s32 @!p3 $0x80  }
0x57: {  	[spmem:s2] =	stream.indirect.scatter.add.f32 @!p3 [tilespmem:s23], [sflag:$0x2], $0x80, s21, s22, $0xb8;
	[tilespmem:$0x1A080] =	vst v63  }
0x58: {  	s19 =	simm.s32 @!p1 $0x2  }
0x59: {  	_ =	swait.ge @!p1 [sflag:s19], $0x4000  }
0x5a: {  	[sflag:s19] =	ssyncset.done @!p1 $0x0  }
0x5b: {  	[sflag:s19] =	ssyncadd.s32 @!p1 $0xFFFFC000  }
0x5c: {  	_ =	swait.ge [sflag:s17], $0x4000  }
0x5d: {  	[sflag:s17] =	ssyncset.done $0x0  }
0x5e: {  	[sflag:s17] =	ssyncadd.s32 $0xFFFFC000  }
0x5f: {  	_ =	swait.ge [sflag:s17], $0x4000  }
0x60: {  	[sflag:s17] =	ssyncset.done $0x0  }
0x61: {  	[sflag:s17] =	ssyncadd.s32 $0xFFFFC000  }
0x62: {  	_ =	swait.ge [sflag:s17], $0x4000  }
0x63: {  	[sflag:s17] =	ssyncset.done $0x0  }
0x64: {  	s20 =	simm.s32 $0x0;
	s19 =	simm.s32 @!p2 $0x2;
	[sflag:s17] =	ssyncadd.s32 $0xFFFFC000  }
0x65: {  	s29 =	sand.u32 $0xF, s20;
	_ =	swait.ge @!p2 [sflag:s19], $0x4000  }
0x66: {  	p3 =	sne.s32 s29, s1;
	[sflag:s19] =	ssyncset.done @!p2 $0x0  }
0x67: {  	s21 =	simm.s32 @!p3 $0x4;
	[sflag:s19] =	ssyncadd.s32 @!p2 $0xFFFFC000  }
0x68: {  	s19 =	simm.s32 @!p3 $0x2800;
	p3 =	por p3, p3;
	[bflag:$0x0] =	sbarrier.arrive $0xFFFF  }
0x69: {  	[tilespmem:s19], [sflag:$0x4] =	stream.linear.gather @!p3 [spmem:s2], $0x4000, $0x38;
	[tilespmem:$0x1A080] =	vst v63  }
0x6a: {  	s30 =	simm.s32 $0x1;
	_ =	swait.ge @!p3 [sflag:s21], $0x4000  }
0x6b: {  	s31 =	sand.u32 $0xF, s30;
	[sflag:s21] =	ssyncset.done @!p3 $0x0  }
0x6c: {  	s22 =	simm.s32 @!p3 $0x3;
	[sflag:s21] =	ssyncadd.s32 @!p3 $0xFFFFC000;
	s21 =	simm.s32 @!p3 $0x0  }
0x6d: {  	[hbm4b:s12+s21] =	stream.linear.scatter @!p3 [tilespmem:s19], [sflag:$0x3], $0x4000, $0x38;
	[tilespmem:$0x1A080] =	vst v63  }
0x6e: {  	s20 =	simm.s32 $0x2;
	p4 =	sne.s32 s31, s1;
	_ =	swait.ge @!p3 [sflag:s22], $0x4000  }
0x6f: {  	s21 =	sadd.s32 $0x4000, s2;
	s19 =	sadd.s32 $0x800, s12;
	[sflag:s22] =	ssyncset.done @!p3 $0x0  }
.LBB2_10:
0x70: {  	s23 =	simm.s32 @!p4 $0x2800;
	s24 =	simm.s32 @!p4 $0x4;
	[sflag:s22] =	ssyncadd.s32 @!p3 $0xFFFFC000  }
0x71: {  	s25 =	smov.u32 s20;
	p3 =	por p4, p4;
	s20 =	sadd.s32 $0x1, s20  }
0x72: {  	[tilespmem:s23], [sflag:$0x4] =	stream.linear.gather @!p3 [spmem:s21], $0x4000, $0x38;
	[tilespmem:$0x1A080] =	vst v63  }
0x73: {  	p5 =	sne.s32 s20, $0x4E;
	_ =	swait.ge @!p3 [sflag:s24], $0x4000  }
.Ltmp4:
0x74: {  	[sflag:s24] =	ssyncset.done @!p3 $0x0;
	(pc) =	sbr.rel @p5 .LBB2_10-.Ltmp4, $4  }
0x75: {  	s22 =	simm.s32 @!p3 $0x3;
	[sflag:s24] =	ssyncadd.s32 @!p3 $0xFFFFC000;
	s24 =	simm.s32 @!p3 $0x0  }
0x76: {  	[hbm4b:s19+s24] =	stream.linear.scatter @!p3 [tilespmem:s23], [sflag:$0x3], $0x4000, $0x38;
	[tilespmem:$0x1A080] =	vst v63  }
0x77: {  	s21 =	sadd.s32 $0x4000, s21;
	s23 =	sand.u32 $0xF, s25;
	_ =	swait.ge @!p3 [sflag:s22], $0x4000  }
0x78: {  	s19 =	sadd.s32 $0x800, s19;
	p4 =	sne.s32 s23, s1;
	[sflag:s22] =	ssyncset.done @!p3 $0x0  }
0x79: {  	s20 =	simm.s32 @!p4 $0x2800  }
0x7a: {  	s23 =	simm.s32 @!p4 $0x4;
	[sflag:s22] =	ssyncadd.s32 @!p3 $0xFFFFC000;
	p3 =	por p4, p4  }
0x7b: {  	[tilespmem:s20], [sflag:$0x4] =	stream.linear.gather @!p3 [spmem:s21], $0x4000, $0x38;
	[tilespmem:$0x1A080] =	vst v63  }
0x7c: {  	_ =	swait.ge @!p3 [sflag:s23], $0x4000  }
0x7d: {  	[sflag:s23] =	ssyncset.done @!p3 $0x0  }
0x7e: {  	s21 =	simm.s32 @!p3 $0x0;
	s22 =	simm.s32 @!p3 $0x3;
	[sflag:s23] =	ssyncadd.s32 @!p3 $0xFFFFC000  }
0x7f: {  	[hbm4b:s19+s21] =	stream.linear.scatter @!p3 [tilespmem:s20], [sflag:$0x3], $0x4000, $0x38;
	[tilespmem:$0x1A080] =	vst v63  }
0x80: {  	_ =	swait.ge @!p3 [sflag:s22], $0x4000  }
0x81: {  	[sflag:s22] =	ssyncset.done @!p3 $0x0  }
0x82: {  	s19 =	simm.s32 @!p0 $0x2800;
	s20 =	simm.s32 @!p0 $0x3;
	[sflag:s22] =	ssyncadd.s32 @!p3 $0xFFFFC000  }
0x83: {  	[tilespmem:s19], [sflag:$0x3] =	stream.linear.gather @!p0 [spmem:s8], $0x800, $0x38;
	[tilespmem:$0x1A080] =	vst v63  }
0x84: {  	s18 =	sadd.s32 $0x1, s18;
	_ =	swait.ge @!p0 [sflag:s20], $0x800  }
0x85: {  	p3 =	sne.s32 s18, s10;
	[sflag:s20] =	ssyncset.done @!p0 $0x0  }
.Ltmp5:
0x86: {  	s21 =	simm.s32 @!p0 $0x0;
	[sflag:s20] =	ssyncadd.s32 @!p0 $0xFFFFF800;
	(pc) =	sbr.rel @p3 .LBB2_1-.Ltmp5, $4  }
0x87: {  	[hbm4b:s9+s21] =	stream.linear.scatter @!p0 [tilespmem:s19], [sflag:$0x3], $0x800, $0x38;
	[tilespmem:$0x1A080] =	vst v63  }
0x88: {  	_ =	swait.ge @!p0 [sflag:s20], $0x800  }
0x89: {  	[sflag:s20] =	ssyncset.done @!p0 $0x0  }
0x8a: {  	[sflag:s20] =	ssyncadd.s32 @!p0 $0xFFFFF800  }
0x8b: {  	_ =	sfence.sel $0x180000  }
0x8c: {  	[bflag:$0x0] =	sbarrier.arrive $0xFFFF  }
0x8d: {  	p0 =	sne.s32 s1, $0x0;
	_ =	strace $0x9000004A  }
0x8e: {  	s0 =	sadd.s32 @!p0 $0x100000, s0;
	[bflag:$0x2] =	sbarrier.arrive $0xFFFF  }
0x8f: {  	[sflag:s0] =	ssyncadd.tile.s32 @!p0 $0x1;
	_ =	shalt  }
.Lfunc_end2:
_tile_overlayer_lowered:
.L_overlay_start_2:
0x90: {  	(tag) =	ssettag $0x2  }
0x91: {  	s0 =	rddreg [dreg:$0x0];
	s2 =	stileid.u32  }
0x92: {  	s1 =	rddreg [dreg:$0x1];
	p0 =	sne.s32 s2, $0x0  }
0x93: {  	s3 =	rddreg [dreg:$0x2];
	[bflag:$0x3] =	sbarrier.arrive $0xFFFF;
	s2 =	simm.s32 @!p0 $0x1C03  }
0x94: {  	[timem:s3], [sflag:s2] =	dma.local @!p0 [hbm:s0], s1  }
0x95: {  	s0 =	simm.s32 @!p0 $0x3  }
0x96: {  	_ =	swait.ge @!p0 [sflag:s0], s1  }
0x97: {  	s1 =	ssub.s32 @!p0 $0x0, s1;
	[sflag:s0] =	ssyncset.done @!p0 $0x0  }
0x98: {  	[sflag:s0] =	ssyncadd.s32 @!p0 s1  }
0x99: {  	[bflag:$0x3] =	sbarrier.arrive $0xFFFF  }
0x9a: {  	_ =	shalt  }

// kernel: kernel.14.cloned.1.call-start
scs
__scs_entry_jumppad:
0x0: {  	(pc) =	sbr.rel $0x88, $3  }
0x1: {  	(tag) =	ssettag $0x0;
	lr =	simm.s32 $0x1  }
0x2: {  	[smem:$0x3F94] =	sst lr;
	_ =	strace $0xD0000000  }
0x3: {  	_ = 	snop  }
0x4: {  	_ = 	snop  }
0x5: {  	_ = 	snop  }
0x6: {  	_ = 	snop  }
0x7: {  	_ = 	snop  }
__scs_overlays_trampoline_lowered:
0x8: {  	[smem:$0x3FA3] =	sst s0  }
0x9: {  	[smem:$0x3FA4] =	sst s1  }
0xa: {  	[smem:$0x3FA5] =	sst s2  }
0xb: {  	[smem:$0x3FA6] =	sst s3  }
0xc: {  	[smem:$0x3FA7] =	sst s4  }
0xd: {  	[smem:$0x3FA8] =	sst s5  }
0xe: {  	[smem:$0x3FA9] =	sst s6  }
0xf: {  	[smem:$0x3FAA] =	sst s7  }
0x10: {  	[smem:$0x3FAB] =	sst s8  }
0x11: {  	[smem:$0x3FAC] =	sst s9;
	s0 =	simm.s32 @!p0 $0x0  }
0x12: {  	s1 =	sld [smem:$0x3F92];
	s0 =	simm.s32 @p0 $0x1  }
0x13: {  	[smem:$0x3FAD] =	sst s0;
	s0 =	simm.s32 @!p1 $0x0  }
0x14: {  	s2 =	sld [smem:$0x3F91];
	s0 =	simm.s32 @p1 $0x1  }
0x15: {  	[smem:$0x3FAE] =	sst s0;
	s0 =	simm.s32 @!p2 $0x0  }
0x16: {  	s3 =	sld [smem:$0x3FDB];
	s0 =	simm.s32 @p2 $0x1  }
0x17: {  	s4 =	simm.s32 $0x1BF5;
	[smem:$0x3FB0] =	sst s0  }
0x18: {  	s0 =	sld [smem:$0x3F93];
	_ =	swait.ge [sflag:s4], $0x0  }
0x19: {  	s7 =	sld [smem:$0x3F94]  }
0x1a: {  	s8 =	sadd.s32 $0xFFFFE003, lr  }
0x1b: {  	s9 =	sadd.s32 $0xFFFFFEF7, lr;
	s5 =	simm.s32 $0xFFFFFFFF;
	p2 =	slt.u32 s8, $0xFFFFF086  }
0x1c: {  	p1 =	slt.u32 s9, $0xF7A;
	s5 =	simm.s32 @!p2 $0x0  }
0x1d: {  	s5 =	simm.s32 @p1 $0x1;
	p0 =	seq.s32 s7, s2  }
0x1e: {  	s7 =	smul.u32 @!p0 $0xF7A, s2;
	p2 =	seq.s32 @!p0 s5, $0x0  }
0x1f: {  	s9 =	smul.u32 $0xF7A, s1;
	s8 =	simm.s32 @!p0 $0x1BF5;
	p2 =	por !p2, p0  }
0x20: {  	[sflag:s8] =	ssyncset.s32 @!p0 $0xFFFFF086;
	s6 =	sadd.s32 @!p0 s3, s7;
	s7 =	simm.s32 @!p0 $0x108  }
0x21: {  	s3 =	sadd.s32 s3, s9;
	s6 =	sadd.s32 @!p0 $0x88, s6;
	s7 =	simm.s32 @p2 $0x1082  }
0x22: {  	[simem:s7], [sflag:s8] =	dma.local @!p0 [hbm:s6], $0xF7A  }
0x23: {  	s9 =	sor.u32 $0xD0000000, s2;
	s6 =	simm.s32 $0x108;
	_ =	swait.ge @!p0 [sflag:s8], $0x0  }
0x24: {  	s3 =	sadd.s32 $0x88, s3;
	s6 =	simm.s32 @!p1 $0x1082;
	[sflag:s4] =	ssyncset.s32 $0xFFFFF086  }
0x25: {  	[simem:s6], [sflag:s4] =	dma.local [hbm:s3], $0xF7A  }
0x26: {  	[smem:$0x3F94] =	sst s1;
	(tag) =	ssettag s2;
	_ =	strace s9  }
0x27: {  	s1 =	sld [smem:$0x3FA4]  }
0x28: {  	s2 =	sld [smem:$0x3FA5]  }
0x29: {  	s4 =	sld [smem:$0x3FA7]  }
0x2a: {  	p0 =	seq.s32 s5, $0x0;
	s5 =	sld [smem:$0x3FA8]  }
0x2b: {  	s6 =	sld [smem:$0x3FA9]  }
0x2c: {  	s7 =	sld [smem:$0x3FAA]  }
0x2d: {  	s3 =	simm.s32 $0x108;
	s8 =	sld [smem:$0x3FAB]  }
0x2e: {  	s3 =	simm.s32 @!p0 $0x1082;
	s9 =	sld [smem:$0x3FAC]  }
0x2f: {  	lr =	sadd.s32 s0, s3;
	s0 =	sld [smem:$0x3FA3]  }
0x30: {  	s3 =	sld [smem:$0x3FA6]  }
0x31: {  	[smem:$0x3FAF] =	sst s10  }
0x32: {  	s10 =	sld [smem:$0x3FAD];
	_ =	sdelay $0x3  }
0x33: {  	p0 =	seq.s32 s10, $0x1;
	s10 =	sld [smem:$0x3FAF];
	_ =	sdelay $0x3  }
0x34: {  	[smem:$0x3FAF] =	sst s10  }
0x35: {  	s10 =	sld [smem:$0x3FAE];
	_ =	sdelay $0x3  }
0x36: {  	p1 =	seq.s32 s10, $0x1;
	s10 =	sld [smem:$0x3FAF];
	_ =	sdelay $0x3  }
0x37: {  	[smem:$0x3FAF] =	sst s10  }
0x38: {  	s10 =	sld [smem:$0x3FB0]  }
0x39: {  	_ = 	snop;
	(pc) =	sbr.ind lr, $3  }
0x3a: {  	_ = 	snop  }
0x3b: {  	_ = 	snop  }
0x3c: {  	p2 =	seq.s32 s10, $0x1;
	s10 =	sld [smem:$0x3FAF]  }
0x3d: {  	_ =	shalt  }
0x3e: {  	_ =	shalt  }
0x3f: {  	_ =	shalt  }
0x40: {  	_ =	shalt  }
0x41: {  	_ =	shalt  }
0x42: {  	_ =	shalt  }
0x43: {  	_ =	shalt  }
0x44: {  	_ =	shalt  }
0x45: {  	_ =	shalt  }
0x46: {  	_ =	shalt  }
0x47: {  	_ =	shalt  }
0x48: {  	_ =	shalt  }
0x49: {  	_ =	shalt  }
0x4a: {  	_ =	shalt  }
0x4b: {  	_ =	shalt  }
0x4c: {  	_ =	shalt  }
0x4d: {  	_ =	shalt  }
0x4e: {  	_ =	shalt  }
0x4f: {  	_ =	shalt  }
0x50: {  	_ =	shalt  }
0x51: {  	_ =	shalt  }
0x52: {  	_ =	shalt  }
0x53: {  	_ =	shalt  }
0x54: {  	_ =	shalt  }
0x55: {  	_ =	shalt  }
0x56: {  	_ =	shalt  }
0x57: {  	_ =	shalt  }
0x58: {  	_ =	shalt  }
0x59: {  	_ =	shalt  }
0x5a: {  	_ =	shalt  }
0x5b: {  	_ =	shalt  }
0x5c: {  	_ =	shalt  }
0x5d: {  	_ =	shalt  }
0x5e: {  	_ =	shalt  }
0x5f: {  	_ =	shalt  }
0x60: {  	_ =	shalt  }
0x61: {  	_ =	shalt  }
0x62: {  	_ =	shalt  }
0x63: {  	_ =	shalt  }
0x64: {  	_ =	shalt  }
0x65: {  	_ =	shalt  }
0x66: {  	_ =	shalt  }
0x67: {  	_ =	shalt  }
0x68: {  	_ =	shalt  }
0x69: {  	_ =	shalt  }
0x6a: {  	_ =	shalt  }
0x6b: {  	_ =	shalt  }
0x6c: {  	_ =	shalt  }
0x6d: {  	_ =	shalt  }
0x6e: {  	_ =	shalt  }
0x6f: {  	_ =	shalt  }
0x70: {  	_ =	shalt  }
0x71: {  	_ =	shalt  }
0x72: {  	_ =	shalt  }
0x73: {  	_ =	shalt  }
0x74: {  	_ =	shalt  }
0x75: {  	_ =	shalt  }
0x76: {  	_ =	shalt  }
0x77: {  	_ =	shalt  }
0x78: {  	_ =	shalt  }
0x79: {  	_ =	shalt  }
0x7a: {  	_ =	shalt  }
0x7b: {  	_ =	shalt  }
0x7c: {  	_ =	shalt  }
0x7d: {  	_ =	shalt  }
0x7e: {  	_ =	shalt  }
0x7f: {  	_ =	shalt  }
0x80: {  	_ =	shalt  }
0x81: {  	_ =	shalt  }
0x82: {  	_ =	shalt  }
0x83: {  	_ =	shalt  }
0x84: {  	_ =	shalt  }
0x85: {  	_ =	shalt  }
0x86: {  	_ =	shalt  }
0x87: {  	_ =	shalt  }
.Lfunc_end0:
.L_simem_size_0:
called_computation.2_lowered:
.L_overlay_start_0:
0x88: {  	s2 =	sld [smem:$0x3FD9]  }
0x89: {  	s3 =	sld [smem:$0x3FFE];
	_ =	sdelay $0x1  }
0x8a: {  	s1 =	srdreg.scid  }
0x8b: {  	s0 =	sand.u32 $0x1, s1  }
0x8c: {  	s17 =	sshll.u32 s0, $0xA;
	s2 =	sadd.s32 s3, s2  }
0x8d: {  	s2 =	sadd.s32 s2, s17  }
0x8e: {  	[smem:$0x3FBB] =	sst s2  }
0x8f: {  	_ = 	snop  }
0x90: {  	s18 =	sld [smem:$0x3FD0];
	(tm) =	ssettm $0x1  }
0x91: {  	s19 =	sld [smem:$0x3FFB];
	_ =	sdelay $0x3  }
0x92: {  	_ =	strace s19  }
0x93: {  	s2 =	sld [smem:$0x3FFC];
	_ =	sdelay $0x3  }
0x94: {  	_ =	strace s2  }
0x95: {  	s2 =	sld [smem:$0x3FFD];
	_ =	sdelay $0x3  }
0x96: {  	_ =	strace s2  }
0x97: {  	_ =	strace $0x8FFFFFFF  }
0x98: {  	s20 =	sld [smem:$0x3FDB];
	_ =	sdelay $0x1  }
0x99: {  	s4 =	simm.s32 $_scs_section_size  }
0x9a: {  	s5 =	simm.s32 $_size__tile_overlayer_lowered;
	s6 =	simm.s32 $_tile_overlayer_lowered  }
0x9b: {  	s7 =	simm.s32 $0x1BFF;
	s21 =	sshll.u32 s6, $0x1;
	s4 =	sadd.s32 s4, s20  }
0x9c: {  	s22 =	simm.s32 $0x0;
	s5 =	sshll.u32 s5, $0x1;
	s6 =	sadd.s32 s21, s4  }
0x9d: {  	[timem:s22], [sflag:s7] =	dma.local [hbm:s6], s5  }
0x9e: {  	_ =	swait.ge [sflag:s7], s5  }
0x9f: {  	s5 =	ssub.s32 $0x0, s5;
	[sflag:s7] =	ssyncset.done $0x0  }
0xa0: {  	[sflag:s7] =	ssyncadd.s32 s5;
	_ =	sdelay $0x1  }
0xa1: {  	s23 =	simm.s32 $0x1B8B  }
0xa2: {  	_ =	swait.ge [sflag:s23], $0x1  }
0xa3: {  	[sflag:s23] =	ssyncset.done $0x0  }
0xa4: {  	[sflag:s23] =	ssyncadd.s32 $0xFFFFFFFF  }
0xa5: {  	s5 =	sld [smem:$0x0]  }
0xa6: {  	s6 =	sand.u32 $0xFFFFFFFE, s1  }
0xa7: {  	p0 =	sne.s32 s1, s6  }
0xa8: {  	s6 =	sshll.u32 @p0 s6, $0xE  }
0xa9: {  	s6 =	sadd.s32 @p0 $0x11B8D, s6;
	s7 =	sshll.u32 @p0 s5, $0x11  }
0xaa: {  	s6 =	sor.u32 @p0 s7, s6  }
0xab: {  	[sflag:s6] =	ssyncadd.remote.s32 @p0 $0x1;
	_ =	sdelay $0x1  }
0xac: {  	s6 =	simm.s32 @p0 $0x1B8D  }
0xad: {  	_ =	swait.eq @p0 [sflag:s6], $0x1  }
0xae: {  	[sflag:s6] =	ssyncadd.s32 @p0 $0xFFFFFFFF  }
0xaf: {  	s7 =	sshll.u32 @!p0 s1, $0xE  }
0xb0: {  	s7 =	sor.u32 @!p0 $0x4000, s7;
	s6 =	simm.s32 @!p0 $0x1B8D  }
0xb1: {  	s5 =	sshll.u32 @!p0 s5, $0x11;
	s7 =	sadd.s32 @!p0 $0x11B8D, s7;
	_ =	swait.eq @!p0 [sflag:s6], $0x1  }
0xb2: {  	s5 =	sor.u32 @!p0 s5, s7;
	[sflag:s6] =	ssyncadd.s32 @!p0 $0xFFFFFFFF  }
0xb3: {  	s25 =	simm.s32 $0x1B8E;
	s24 =	sld [smem:$0x3FFE];
	[sflag:s5] =	ssyncadd.remote.s32 @!p0 $0x1  }
0xb4: {  	s26 =	simm.s32 $execute0_lowered;
	[smem:$0x3FD2] =	sst s25  }
0xb5: {  	s6 =	sshll.u32 s26, $0x1;
	_ =	strace $0x8000004C;
	[dreg:$0x1] =	wrdreg $0xFFFFFFFF  }
0xb6: {  	s28 =	simm.s32 $_size_execute0_lowered;
	s4 =	sadd.s32 s4, s6;
	[dreg:$0x0] =	wrdreg $0x0  }
0xb7: {  	s6 =	sshll.u32 s28, $0x1;
	[dreg:$0x2] =	wrdreg s4  }
0xb8: {  	[dreg:$0x3] =	wrdreg s6  }
0xb9: {  	[dreg:$0x4] =	wrdreg $0xC0  }
0xba: {  	_ =	task [dreg:s22], $0x5FFFF  }
0xbb: {  	[dreg:$0x1] =	wrdreg $0xFFFFFFFF  }
0xbc: {  	[dreg:$0x0] =	wrdreg $0x60  }
0xbd: {  	[dreg:$0x2] =	wrdreg s24  }
0xbe: {  	[dreg:$0x3] =	wrdreg s18  }
0xbf: {  	[dreg:$0x4] =	wrdreg $0xB0000  }
0xc0: {  	[dreg:$0x5] =	wrdreg $0xA  }
0xc1: {  	_ =	task.clear_ibuf [dreg:s22], $0x6FFFF;
	_ =	strace $0x9000004C  }
0xc2: {  	s29 =	simm.s32 $0xA;
	_ =	strace $0x8000004E  }
0xc3: {  	_ =	swait.ge [sflag:s29], $0x1  }
0xc4: {  	[sflag:s29] =	ssyncadd.s32 $0xFFFFFFFF  }
0xc5: {  	_ =	strace $0x9000004E  }
0xc6: {  	_ =	sfence  }
0xc7: {  	s30 =	sld [smem:$0x0];
	_ =	sdelay $0x2  }
0xc8: {  	s31 =	sshll.u32 s1, $0xD;
	s1 =	sshrl.u32 s1, $0x2  }
0xc9: {  	s4 =	sand.u32 $0x4000, s31;
	s1 =	sadd.s32 s1, s30  }
0xca: {  	s0 =	sor.u32 s4, s0;
	s1 =	sshll.u32 s1, $0x11  }
0xcb: {  	s0 =	sor.u32 s1, s0  }
0xcc: {  	s0 =	sadd.s32 $0x8F2B, s0  }
0xcd: {  	[sflag:s0] =	ssyncadd.remote.s32 $0x1  }
0xce: {  	_ =	sfence.sel $0xFFFF  }
0xcf: {  	[dreg:$0x0] =	wrdreg $0xFFFFFFFF;
	(pc) =	sbr.abs _section_cstart, $3  }
0xd0: {  	[dreg:$0x1] =	wrdreg $0xFFFFFFFF  }
0xd1: {  	_ =	task.clear_ibuf [dreg:s22], $0x2FFFF;
	_ =	strace $0x9FFFFFFF  }
0xd2: {  	(tm) =	ssettm $0x7FFFFFFF  }
0xd3: {  	_ =	shalt  }
tec
execute0_lowered:
.L_overlay_start_1:
0x0: {  	(tag) =	ssettag $0x1  }
0x1: {  	s1 =	rddreg [dreg:$0x0]  }
0x2: {  	s2 =	srdreg.scid;
	s0 =	stileid.u32  }
0x3: {  	s3 =	rddreg [dreg:$0x2];
	s4 =	simm.s32 $0x0;
	s18 =	simm.s32 $0x5000  }
0x4: {  	s19 =	simm.s32 $0x8;
	s28 =	simm.s32 $0x6;
	s29 =	simm.s32 $0x4  }
0x5: {  	s31 =	simm.s32 $0x7;
	s2 =	sand.u32 $0x1, s2;
	s5 =	sshll.u32 s0, $0x5  }
0x6: {  	[smem:$0x7FF] =	sst s4;
	s14 =	sadd.s32 $0xA3CA00, s1;
	s7 =	sshll.u32 s0, $0x1  }
0x7: {  	s26 =	sshll.u32 s0, $0xB;
	p0 =	sne.s32 s0, $0xF;
	p1 =	slt.u32 s0, $0x4  }
0x8: {  	p2 =	sgt.u32 s0, $0x3;
	s6 =	sshll.u32 s2, $0x4;
	_ =	strace $0x8000004D  }
0x9: {  	s20 =	ssub.s32 $0x2, s2;
	s8 =	smul.u32 $0x138800, s2;
	s16 =	sadd.s32 s26, s14  }
0xa: {  	s17 =	sshll.u32 s2, $0xA;
	s9 =	sor.u32 s6, s5;
	s10 =	sshrl.u32 s20, $0x1  }
0xb: {  	s6 =	ssub.s32 $0x1388, s7;
	s16 =	sadd.s32 s17, s16;
	s5 =	sand.u32 $0x180, s9  }
0xc: {  	s11 =	ssub.s32 s20, s10;
	s8 =	sshrl.u32 s8, $0x3;
	s9 =	sand.u32 $0x70, s9  }
0xd: {  	s20 =	simm.s32 $0x7000;
	s15 =	sadd.s32 s5, s1;
	s1 =	sadd.s32 $0x15E00, s1  }
0xe: {  	s5 =	sor.u32 s2, s7;
	s23 =	smax.u32 s11, $0x1;
	s2 =	smul.u32 $0x27100, s2  }
0xf: {  	s21 =	sshll.u32 s5, $0xA;
	s22 =	sadd.s32 s1, s8;
	s8 =	sadd.s32 $0x138000, s3  }
0x10: {  	[dreg:$0x6] =	wrdreg s23;
	s9 =	sadd.s32 s9, s15;
	s23 =	simm.s32 $0x40  }
0x11: {  	s7 =	sadd.s32 s14, s21;
	s10 =	sadd.s32 $0x27000, s22;
	s15 =	sadd.s32 $0x547000, s9  }
0x12: {  	s17 =	sadd.s32 s2, s1;
	s12 =	sadd.s32 $0x8000, s7;
	[dreg:$0x5] =	wrdreg s10  }
0x13: {  	s21 =	simm.s32 $0x9000;
	s24 =	sadd.s32 $0x10000, s7;
	[dreg:$0x4] =	wrdreg s12  }
0x14: {  	s22 =	simm.s32 $0x2;
	s25 =	sadd.s32 $0x18000, s7;
	[dreg:$0x7] =	wrdreg s24  }
0x15: {  	s1 =	simm.s32 $0x0;
	s30 =	sadd.s32 $0x20000, s7;
	[dreg:$0x8] =	wrdreg s25  }
0x16: {  	[dreg:$0x9] =	wrdreg s30;
	s24 =	simm.s32 $0x5;
	s25 =	simm.s32 $0x3  }
.LBB2_1:
0x17: {  	s2 =	smov.u32 s5;
	s9 =	simm.s32 $0x0  }
.LBB2_2:
0x18: {  	p3 =	sgt.u32 s2, $0x1387  }
0x19: {  	s26 =	sshra.s32 @!p3 s9, $0x2  }
0x1a: {  	s30 =	sadd.s32 @!p3 s9, s15;
	s10 =	simm.s32 @!p3 $0x0;
	s9 =	sadd.s32 $0x200, s9  }
0x1b: {  	[tilespmem:s26], [sflag:$0x1] =	stream.linear.gather @!p3 [hbm4b:s30+s10], $0x80, $0x38;
	[tilespmem:$0x1E880] =	vst v63  }
0x1c: {  	p3 =	sne.s32 s9, $0x13A00  }
.Ltmp0:
0x1d: {  	_ = 	snop;
	(pc) =	sbr.rel @p3 .LBB2_2-.Ltmp0, $2  }
0x1e: {  	_ =	sdelay $0x2  }
0x1f: {  	s2 =	sadd.s32 $0x20, s2  }
0x20: {  	p3 =	sle.u32 s6, $0x0  }
0x21: {  	s9 =	simm.s32 @!p3 $0x1  }
0x22: {  	_ =	swait.ge @!p3 [sflag:s9], $0x80  }
0x23: {  	s2 =	simm.s32 $0x20;
	[sflag:s9] =	ssyncset.done @!p3 $0x0  }
.LBB2_4:
0x24: {  	[sflag:s9] =	ssyncadd.s32 @!p3 $0xFFFFFF80;
	s9 =	smov.u32 s2;
	s2 =	sadd.s32 $0x20, s2  }
0x25: {  	p4 =	sne.s32 s2, $0x13A0  }
.Ltmp1:
0x26: {  	(pc) =	sbr.rel @p4 .LBB2_4-.Ltmp1, $4  }
0x27: {  	p3 =	sge.u32 s9, s6  }
0x28: {  	s9 =	simm.s32 @!p3 $0x1  }
0x29: {  	_ =	swait.ge @!p3 [sflag:s9], $0x80  }
0x2a: {  	[sflag:s9] =	ssyncset.done @!p3 $0x0  }
0x2b: {  	[sflag:s9] =	ssyncadd.s32 @!p3 $0xFFFFFF80  }
0x2c: {  	s2 =	simm.s32 $0x0;
	s9 =	rddreg [dreg:$0x1]  }
0x2d: {  	[tilespmem:s18], [sflag:$0x8] =	stream.linear.gather [hbm4b:s9+s2], $0x2000, $0x38;
	[tilespmem:$0x1E880] =	vst v63  }
0x2e: {  	s2 =	sand.u32 $0xF, s2;
	_ =	swait.ge [sflag:s19], $0x2000  }
0x2f: {  	p3 =	sne.s32 s2, s0;
	[sflag:s19] =	ssyncset.done $0x0  }
0x30: {  	s2 =	simm.s32 @!p3 $0x5000;
	s30 =	simm.s32 @!p3 $0x8;
	[sflag:s19] =	ssyncadd.s32 $0xFFFFE000  }
0x31: {  	[spmem:s3] =	stream.linear.scatter @!p3 [tilespmem:s2], [sflag:$0x8], $0x2000, $0x38;
	[tilespmem:$0x1E880] =	vst v63  }
0x32: {  	s26 =	simm.s32 $0x2;
	_ =	swait.ge @!p3 [sflag:s30], $0x2000  }
0x33: {  	s9 =	simm.s32 $0x1;
	s2 =	sadd.s32 $0x2000, s3;
	[sflag:s30] =	ssyncset.done @!p3 $0x0  }
.LBB2_6:
0x34: {  	s10 =	sand.u32 $0xF, s9;
	s9 =	smov.u32 s26;
	s26 =	sadd.s32 $0x1, s26  }
0x35: {  	[sflag:s30] =	ssyncadd.s32 @!p3 $0xFFFFE000;
	p4 =	sne.s32 s26, $0x9C  }
.Ltmp2:
0x36: {  	p3 =	sne.s32 s10, s0;
	(pc) =	sbr.rel @p4 .LBB2_6-.Ltmp2, $4  }
0x37: {  	s10 =	simm.s32 @!p3 $0x5000;
	s30 =	simm.s32 @!p3 $0x8  }
0x38: {  	[spmem:s2] =	stream.linear.scatter @!p3 [tilespmem:s10], [sflag:$0x8], $0x2000, $0x38;
	[tilespmem:$0x1E880] =	vst v63  }
0x39: {  	_ =	swait.ge @!p3 [sflag:s30], $0x2000  }
0x3a: {  	s2 =	sadd.s32 $0x2000, s2;
	[sflag:s30] =	ssyncset.done @!p3 $0x0  }
0x3b: {  	s9 =	sand.u32 $0xF, s9  }
0x3c: {  	p4 =	sne.s32 s9, s0  }
0x3d: {  	[sflag:s30] =	ssyncadd.s32 @!p3 $0xFFFFE000;
	s9 =	simm.s32 @!p4 $0x5000;
	s10 =	simm.s32 @!p4 $0x8  }
0x3e: {  	[spmem:s2] =	stream.linear.scatter @!p4 [tilespmem:s9], [sflag:$0x8], $0x2000, $0x38;
	[tilespmem:$0x1E880] =	vst v63  }
0x3f: {  	_ =	swait.ge @!p4 [sflag:s10], $0x2000  }
0x40: {  	[sflag:s10] =	ssyncset.done @!p4 $0x0  }
0x41: {  	s2 =	simm.s32 @!p0 $0x5000;
	[sflag:s10] =	ssyncadd.s32 @!p4 $0xFFFFE000  }
0x42: {  	[spmem:s8] =	stream.linear.scatter @!p0 [tilespmem:s2], [sflag:$0x8], $0x800, $0x38;
	[tilespmem:$0x1E880] =	vst v63  }
0x43: {  	s2 =	simm.s32 @!p0 $0x8  }
0x44: {  	_ =	swait.ge @!p0 [sflag:s2], $0x800  }
0x45: {  	[sflag:s2] =	ssyncset.done @!p0 $0x0  }
0x46: {  	[sflag:s2] =	ssyncadd.s32 @!p0 $0xFFFFF800  }
0x47: {  	s2 =	simm.s32 $0x0;
	[bflag:$0x0] =	sbarrier.arrive $0xFFFF  }
0x48: {  	[tilespmem:s18], [sflag:$0x2] =	stream.linear.gather [hbm4b:s7+s2], $0x2000, $0x38;
	[tilespmem:$0x1E880] =	vst v63  }
0x49: {  	s10 =	rddreg [dreg:$0x4]  }
0x4a: {  	[tilespmem:s20], [sflag:$0x3] =	stream.linear.gather [hbm4b:s10+s2], $0x2000, $0x38;
	[tilespmem:$0x1E880] =	vst v63  }
0x4b: {  	s11 =	rddreg [dreg:$0x7]  }
0x4c: {  	[tilespmem:s21], [sflag:$0x4] =	stream.linear.gather [hbm4b:s11+s2], $0x2000, $0x38;
	[tilespmem:$0x1E880] =	vst v63  }
0x4d: {  	_ =	swait.ge [sflag:s22], $0x2000  }
0x4e: {  	[sflag:s22] =	ssyncset.done $0x0  }
0x4f: {  	[sflag:s22] =	ssyncadd.s32 $0xFFFFE000  }
0x50: {  	[spmem:s3] =	stream.indirect.scatter.add.f32 [tilespmem:s18], [sflag:$0x5], $0x80, s2, s23, $0xb8;
	[tilespmem:$0x1E880] =	vst v63  }
0x51: {  	_ =	swait.ge [sflag:s24], $0x2000  }
0x52: {  	[sflag:s24] =	ssyncset.done $0x0  }
0x53: {  	s12 =	rddreg [dreg:$0x8];
	[sflag:s24] =	ssyncadd.s32 $0xFFFFE000  }
0x54: {  	[tilespmem:s18], [sflag:$0x2] =	stream.linear.gather [hbm4b:s12+s2], $0x2000, $0x38;
	[tilespmem:$0x1E880] =	vst v63  }
0x55: {  	_ =	swait.ge [sflag:s25], $0x2000  }
0x56: {  	[sflag:s25] =	ssyncset.done $0x0  }
0x57: {  	s13 =	simm.s32 $0x80;
	[sflag:s25] =	ssyncadd.s32 $0xFFFFE000  }
0x58: {  	[spmem:s3] =	stream.indirect.scatter.add.f32 [tilespmem:s20], [sflag:$0x6], $0x80, s13, s23, $0xb8;
	[tilespmem:$0x1E880] =	vst v63  }
0x59: {  	_ =	swait.ge [sflag:s28], $0x2000  }
0x5a: {  	[sflag:s28] =	ssyncset.done $0x0  }
0x5b: {  	s14 =	rddreg [dreg:$0x9];
	[sflag:s28] =	ssyncadd.s32 $0xFFFFE000  }
0x5c: {  	[tilespmem:s20], [sflag:$0x3] =	stream.linear.gather [hbm4b:s14+s2], $0x2000, $0x38;
	[tilespmem:$0x1E880] =	vst v63  }
0x5d: {  	_ =	swait.ge [sflag:s29], $0x2000  }
0x5e: {  	[sflag:s29] =	ssyncset.done $0x0  }
0x5f: {  	s26 =	simm.s32 $0x100;
	[sflag:s29] =	ssyncadd.s32 $0xFFFFE000  }
0x60: {  	[spmem:s3] =	stream.indirect.scatter.add.f32 [tilespmem:s21], [sflag:$0x7], $0x80, s26, s23, $0xb8;
	[tilespmem:$0x1E880] =	vst v63  }
0x61: {  	_ =	swait.ge [sflag:s31], $0x2000  }
0x62: {  	s10 =	sadd.s32 $0x0, s16;
	[sflag:s31] =	ssyncset.done $0x0  }
0x63: {  	s9 =	sadd.s32 $0x28000, s10;
	s11 =	sadd.s32 $0x0, s5;
	[sflag:s31] =	ssyncadd.s32 $0xFFFFE000  }
0x64: {  	[tilespmem:s21], [sflag:$0x4] =	stream.linear.gather [hbm4b:s9+s4], $0x2000, $0x38;
	[tilespmem:$0x1E880] =	vst v63  }
0x65: {  	s12 =	sadd.s32 $0xC0, s11;
	_ =	swait.ge [sflag:s22], $0x2000  }
0x66: {  	p3 =	sgt.u32 s12, $0x1387;
	[sflag:s22] =	ssyncset.done $0x0  }
0x67: {  	s13 =	simm.s32 $0x180;
	s26 =	simm.s32 @!p3 $0x5;
	[sflag:s22] =	ssyncadd.s32 $0xFFFFE000  }
0x68: {  	[spmem:s3] =	stream.indirect.scatter.add.f32 [tilespmem:s18], [sflag:$0x5], $0x80, s13, s23, $0xb8;
	[tilespmem:$0x1E880] =	vst v63  }
0x69: {  	_ =	swait.ge @!p3 [sflag:s26], $0x2000  }
0x6a: {  	s30 =	simm.s32 @!p3 $0x0;
	s9 =	sadd.s32 @!p3 $0x0, s16;
	[sflag:s26] =	ssyncset.done @!p3 $0x0  }
0x6b: {  	s9 =	sadd.s32 @!p3 $0x30000, s9;
	[sflag:s26] =	ssyncadd.s32 @!p3 $0xFFFFE000;
	s26 =	simm.s32 @!p3 $0x5000  }
0x6c: {  	[tilespmem:s26], [sflag:$0x2] =	stream.linear.gather @!p3 [hbm4b:s9+s30], $0x2000, $0x38;
	[tilespmem:$0x1E880] =	vst v63  }
0x6d: {  	s14 =	sadd.s32 $0xE0, s11;
	_ =	swait.ge [sflag:s25], $0x2000  }
0x6e: {  	p3 =	sgt.u32 s14, $0x1387;
	[sflag:s25] =	ssyncset.done $0x0  }
0x6f: {  	s26 =	simm.s32 $0x200;
	s10 =	simm.s32 @!p3 $0x6;
	[sflag:s25] =	ssyncadd.s32 $0xFFFFE000  }
0x70: {  	[spmem:s3] =	stream.indirect.scatter.add.f32 [tilespmem:s20], [sflag:$0x6], $0x80, s26, s23, $0xb8;
	[tilespmem:$0x1E880] =	vst v63  }
0x71: {  	s9 =	sadd.s32 @!p3 $0x0, s16;
	_ =	swait.ge @!p3 [sflag:s10], $0x2000  }
0x72: {  	s9 =	sadd.s32 @!p3 $0x38000, s9;
	[sflag:s10] =	ssyncset.done @!p3 $0x0  }
0x73: {  	s26 =	simm.s32 @!p3 $0x0;
	[sflag:s10] =	ssyncadd.s32 @!p3 $0xFFFFE000;
	s10 =	simm.s32 @!p3 $0x7000  }
0x74: {  	[tilespmem:s10], [sflag:$0x3] =	stream.linear.gather @!p3 [hbm4b:s9+s26], $0x2000, $0x38;
	[tilespmem:$0x1E880] =	vst v63  }
0x75: {  	s30 =	simm.s32 $0x300;
	_ =	swait.ge [sflag:s29], $0x2000  }
0x76: {  	s26 =	simm.s32 $0x18000;
	s9 =	simm.s32 $0x280;
	[sflag:s29] =	ssyncset.done $0x0  }
.LBB2_8:
0x77: {  	[sflag:s29] =	ssyncadd.s32 $0xFFFFE000  }
0x78: {  	s2 =	sadd.s32 $0x60, s2;
	s10 =	smov.u32 s26;
	s26 =	sadd.s32 $0x18000, s26  }
0x79: {  	[spmem:s3] =	stream.indirect.scatter.add.f32 [tilespmem:s21], [sflag:$0x7], $0x80, s9, s23, $0xb8;
	[tilespmem:$0x1E880] =	vst v63  }
0x7a: {  	s9 =	sadd.s32 s10, s16;
	p3 =	sne.s32 s26, $0x4C8000;
	_ =	swait.ge [sflag:s31], $0x2000  }
0x7b: {  	s9 =	sadd.s32 $0x28000, s9;
	[sflag:s31] =	ssyncset.done $0x0  }
0x7c: {  	s11 =	sadd.s32 s2, s5;
	[sflag:s31] =	ssyncadd.s32 $0xFFFFE000  }
0x7d: {  	[tilespmem:s21], [sflag:$0x4] =	stream.linear.gather [hbm4b:s9+s4], $0x2000, $0x38;
	[tilespmem:$0x1E880] =	vst v63  }
0x7e: {  	s9 =	sadd.s32 $0xC0, s11;
	s11 =	sadd.s32 $0xE0, s11;
	_ =	swait.ge [sflag:s22], $0x2000  }
0x7f: {  	p4 =	sgt.u32 s9, $0x1387;
	[sflag:s22] =	ssyncset.done $0x0  }
0x80: {  	s9 =	simm.s32 @!p4 $0x5;
	s12 =	sadd.s32 @!p4 s10, s16;
	[sflag:s22] =	ssyncadd.s32 $0xFFFFE000  }
0x81: {  	[spmem:s3] =	stream.indirect.scatter.add.f32 [tilespmem:s18], [sflag:$0x5], $0x80, s30, s23, $0xb8;
	[tilespmem:$0x1E880] =	vst v63  }
0x82: {  	s12 =	sadd.s32 @!p4 $0x30000, s12;
	_ =	swait.ge @!p4 [sflag:s9], $0x2000  }
0x83: {  	s13 =	simm.s32 @!p4 $0x0;
	s14 =	simm.s32 @!p4 $0x5000;
	[sflag:s9] =	ssyncset.done @!p4 $0x0  }
0x84: {  	[sflag:s9] =	ssyncadd.s32 @!p4 $0xFFFFE000  }
0x85: {  	[tilespmem:s14], [sflag:$0x2] =	stream.linear.gather @!p4 [hbm4b:s12+s13], $0x2000, $0x38;
	[tilespmem:$0x1E880] =	vst v63  }
0x86: {  	_ =	swait.ge [sflag:s25], $0x2000  }
0x87: {  	s9 =	sadd.s32 $0x80, s30;
	p4 =	sgt.u32 s11, $0x1387;
	[sflag:s25] =	ssyncset.done $0x0  }
0x88: {  	s11 =	simm.s32 @!p4 $0x6;
	s10 =	sadd.s32 @!p4 s10, s16;
	[sflag:s25] =	ssyncadd.s32 $0xFFFFE000  }
0x89: {  	[spmem:s3] =	stream.indirect.scatter.add.f32 [tilespmem:s20], [sflag:$0x6], $0x80, s9, s23, $0xb8;
	[tilespmem:$0x1E880] =	vst v63  }
0x8a: {  	s9 =	sadd.s32 @!p4 $0x38000, s10;
	s10 =	simm.s32 @!p4 $0x0;
	_ =	swait.ge @!p4 [sflag:s11], $0x2000  }
.Ltmp3:
0x8b: {  	s12 =	simm.s32 @!p4 $0x7000;
	[sflag:s11] =	ssyncset.done @!p4 $0x0;
	(pc) =	sbr.rel @p3 .LBB2_8-.Ltmp3, $4  }
0x8c: {  	[sflag:s11] =	ssyncadd.s32 @!p4 $0xFFFFE000  }
0x8d: {  	[tilespmem:s12], [sflag:$0x3] =	stream.linear.gather @!p4 [hbm4b:s9+s10], $0x2000, $0x38;
	[tilespmem:$0x1E880] =	vst v63  }
0x8e: {  	_ =	swait.ge [sflag:s29], $0x2000  }
0x8f: {  	s9 =	sadd.s32 $0x100, s30;
	s30 =	sadd.s32 $0x180, s30;
	[sflag:s29] =	ssyncset.done $0x0  }
0x90: {  	[sflag:s29] =	ssyncadd.s32 $0xFFFFE000;
	s2 =	sadd.s32 $0x60, s2  }
0x91: {  	[spmem:s3] =	stream.indirect.scatter.add.f32 [tilespmem:s21], [sflag:$0x7], $0x80, s9, s23, $0xb8;
	[tilespmem:$0x1E880] =	vst v63  }
0x92: {  	s10 =	sadd.s32 $0x60, s2  }
0x93: {  	p3 =	sge.u32 s10, s6  }
0x94: {  	s9 =	simm.s32 @!p3 $0x2  }
0x95: {  	s2 =	sadd.s32 s2, s5;
	_ =	swait.ge @!p3 [sflag:s9], $0x2000  }
0x96: {  	s2 =	sadd.s32 $0xE0, s2;
	[sflag:s9] =	ssyncset.done @!p3 $0x0  }
0x97: {  	s10 =	simm.s32 @!p3 $0x5000;
	[sflag:s9] =	ssyncadd.s32 @!p3 $0xFFFFE000;
	s9 =	simm.s32 @!p3 $0x40  }
0x98: {  	[spmem:s3] =	stream.indirect.scatter.add.f32 @!p3 [tilespmem:s10], [sflag:$0x5], $0x80, s30, s9, $0xb8;
	[tilespmem:$0x1E880] =	vst v63  }
0x99: {  	p3 =	sgt.u32 s2, $0x1387  }
0x9a: {  	s2 =	simm.s32 @!p3 $0x6  }
0x9b: {  	_ =	swait.ge @!p3 [sflag:s2], $0x2000  }
0x9c: {  	[sflag:s2] =	ssyncset.done @!p3 $0x0  }
0x9d: {  	[sflag:s2] =	ssyncadd.s32 @!p3 $0xFFFFE000;
	s2 =	sadd.s32 @!p3 s26, s16  }
0x9e: {  	s9 =	simm.s32 @!p3 $0x0;
	s10 =	simm.s32 @!p3 $0x7000;
	s2 =	sadd.s32 @!p3 $0x38000, s2  }
0x9f: {  	[tilespmem:s10], [sflag:$0x3] =	stream.linear.gather @!p3 [hbm4b:s2+s9], $0x2000, $0x38;
	[tilespmem:$0x1E880] =	vst v63  }
0xa0: {  	s2 =	simm.s32 @!p1 $0x5  }
0xa1: {  	_ =	swait.ge @!p1 [sflag:s2], $0x2000  }
0xa2: {  	[sflag:s2] =	ssyncset.done @!p1 $0x0  }
0xa3: {  	[sflag:s2] =	ssyncadd.s32 @!p1 $0xFFFFE000  }
0xa4: {  	_ =	swait.ge [sflag:s28], $0x2000  }
0xa5: {  	[sflag:s28] =	ssyncset.done $0x0  }
0xa6: {  	[sflag:s28] =	ssyncadd.s32 $0xFFFFE000  }
0xa7: {  	_ =	swait.ge [sflag:s31], $0x2000  }
0xa8: {  	[sflag:s31] =	ssyncset.done $0x0  }
0xa9: {  	s11 =	simm.s32 $0x0;
	s2 =	simm.s32 @!p2 $0x5;
	[sflag:s31] =	ssyncadd.s32 $0xFFFFE000  }
0xaa: {  	s12 =	sand.u32 $0xF, s11;
	_ =	swait.ge @!p2 [sflag:s2], $0x2000  }
0xab: {  	p3 =	sne.s32 s12, s0;
	[sflag:s2] =	ssyncset.done @!p2 $0x0  }
0xac: {  	s9 =	simm.s32 @!p3 $0x9;
	[sflag:s2] =	ssyncadd.s32 @!p2 $0xFFFFE000  }
0xad: {  	s2 =	simm.s32 @!p3 $0x5000;
	p3 =	por p3, p3;
	[bflag:$0x0] =	sbarrier.arrive $0xFFFF  }
0xae: {  	[tilespmem:s2], [sflag:$0x9] =	stream.linear.gather @!p3 [spmem:s3], $0x2000, $0x38;
	[tilespmem:$0x1E880] =	vst v63  }
0xaf: {  	s13 =	simm.s32 $0x1;
	_ =	swait.ge @!p3 [sflag:s9], $0x2000  }
0xb0: {  	s14 =	sand.u32 $0xF, s13;
	[sflag:s9] =	ssyncset.done @!p3 $0x0  }
0xb1: {  	s11 =	simm.s32 @!p3 $0x0;
	[sflag:s9] =	ssyncadd.s32 @!p3 $0xFFFFE000;
	s9 =	simm.s32 @!p3 $0x8  }
0xb2: {  	[hbm4b:s17+s11] =	stream.linear.scatter @!p3 [tilespmem:s2], [sflag:$0x8], $0x2000, $0x38;
	[tilespmem:$0x1E880] =	vst v63  }
0xb3: {  	p4 =	sne.s32 s14, s0;
	s30 =	sadd.s32 $0x2000, s3;
	_ =	swait.ge @!p3 [sflag:s9], $0x2000  }
0xb4: {  	s26 =	simm.s32 $0x2;
	s2 =	sadd.s32 $0x400, s17;
	[sflag:s9] =	ssyncset.done @!p3 $0x0  }
.LBB2_10:
0xb5: {  	s10 =	simm.s32 @!p4 $0x5000;
	s11 =	simm.s32 @!p4 $0x9;
	[sflag:s9] =	ssyncadd.s32 @!p3 $0xFFFFE000  }
0xb6: {  	s12 =	smov.u32 s26;
	p3 =	por p4, p4;
	s26 =	sadd.s32 $0x1, s26  }
0xb7: {  	[tilespmem:s10], [sflag:$0x9] =	stream.linear.gather @!p3 [spmem:s30], $0x2000, $0x38;
	[tilespmem:$0x1E880] =	vst v63  }
0xb8: {  	p5 =	sne.s32 s26, $0x9C;
	_ =	swait.ge @!p3 [sflag:s11], $0x2000  }
.Ltmp4:
0xb9: {  	[sflag:s11] =	ssyncset.done @!p3 $0x0;
	(pc) =	sbr.rel @p5 .LBB2_10-.Ltmp4, $4  }
0xba: {  	s9 =	simm.s32 @!p3 $0x8;
	[sflag:s11] =	ssyncadd.s32 @!p3 $0xFFFFE000;
	s11 =	simm.s32 @!p3 $0x0  }
0xbb: {  	[hbm4b:s2+s11] =	stream.linear.scatter @!p3 [tilespmem:s10], [sflag:$0x8], $0x2000, $0x38;
	[tilespmem:$0x1E880] =	vst v63  }
0xbc: {  	s30 =	sadd.s32 $0x2000, s30;
	s10 =	sand.u32 $0xF, s12;
	_ =	swait.ge @!p3 [sflag:s9], $0x2000  }
0xbd: {  	s2 =	sadd.s32 $0x400, s2;
	p4 =	sne.s32 s10, s0;
	[sflag:s9] =	ssyncset.done @!p3 $0x0  }
0xbe: {  	s10 =	simm.s32 @!p4 $0x5000  }
0xbf: {  	s11 =	simm.s32 @!p4 $0x9;
	[sflag:s9] =	ssyncadd.s32 @!p3 $0xFFFFE000;
	p3 =	por p4, p4  }
0xc0: {  	[tilespmem:s10], [sflag:$0x9] =	stream.linear.gather @!p3 [spmem:s30], $0x2000, $0x38;
	[tilespmem:$0x1E880] =	vst v63  }
0xc1: {  	_ =	swait.ge @!p3 [sflag:s11], $0x2000  }
0xc2: {  	[sflag:s11] =	ssyncset.done @!p3 $0x0  }
0xc3: {  	s9 =	simm.s32 @!p3 $0x0;
	[sflag:s11] =	ssyncadd.s32 @!p3 $0xFFFFE000;
	s11 =	simm.s32 @!p3 $0x8  }
0xc4: {  	[hbm4b:s2+s9] =	stream.linear.scatter @!p3 [tilespmem:s10], [sflag:$0x8], $0x2000, $0x38;
	[tilespmem:$0x1E880] =	vst v63  }
0xc5: {  	_ =	swait.ge @!p3 [sflag:s11], $0x2000  }
0xc6: {  	[sflag:s11] =	ssyncset.done @!p3 $0x0  }
0xc7: {  	s2 =	simm.s32 @!p0 $0x5000;
	s9 =	simm.s32 @!p0 $0x8;
	[sflag:s11] =	ssyncadd.s32 @!p3 $0xFFFFE000  }
0xc8: {  	[tilespmem:s2], [sflag:$0x8] =	stream.linear.gather @!p0 [spmem:s8], $0x800, $0x38;
	[tilespmem:$0x1E880] =	vst v63  }
0xc9: {  	_ =	swait.ge @!p0 [sflag:s9], $0x800  }
0xca: {  	[sflag:s9] =	ssyncset.done @!p0 $0x0  }
0xcb: {  	s10 =	simm.s32 @!p0 $0x0;
	s11 =	rddreg [dreg:$0x5];
	[sflag:s9] =	ssyncadd.s32 @!p0 $0xFFFFF800  }
0xcc: {  	[hbm4b:s11+s10] =	stream.linear.scatter @!p0 [tilespmem:s2], [sflag:$0x8], $0x800, $0x38;
	[tilespmem:$0x1E880] =	vst v63  }
0xcd: {  	_ =	swait.ge @!p0 [sflag:s9], $0x800  }
0xce: {  	s1 =	sadd.s32 $0x1, s1;
	s30 =	rddreg [dreg:$0x6]  }
0xcf: {  	p3 =	sne.s32 s1, s30  }
.Ltmp5:
0xd0: {  	_ = 	snop;
	(pc) =	sbr.rel @p3 .LBB2_1-.Ltmp5, $3  }
0xd1: {  	_ =	sdelay $0x1  }
0xd2: {  	[sflag:s9] =	ssyncset.done @!p0 $0x0  }
0xd3: {  	[sflag:s9] =	ssyncadd.s32 @!p0 $0xFFFFF800  }
0xd4: {  	_ =	sfence.sel $0x180000  }
0xd5: {  	[bflag:$0x0] =	sbarrier.arrive $0xFFFF  }
0xd6: {  	_ =	strace $0x9000004D  }
0xd7: {  	[bflag:$0x2] =	sbarrier.arrive $0xFFFF  }
0xd8: {  	p0 =	sne.s32 s0, $0x0;
	s0 =	rddreg [dreg:$0x3]  }
0xd9: {  	s0 =	sadd.s32 @!p0 $0x100000, s0  }
0xda: {  	[sflag:s0] =	ssyncadd.tile.s32 @!p0 $0x1;
	_ =	shalt  }
.Lfunc_end2:
_tile_overlayer_lowered:
.L_overlay_start_2:
0xdb: {  	(tag) =	ssettag $0x2  }
0xdc: {  	s0 =	rddreg [dreg:$0x0];
	s2 =	stileid.u32  }
0xdd: {  	s1 =	rddreg [dreg:$0x1];
	p0 =	sne.s32 s2, $0x0  }
0xde: {  	s3 =	rddreg [dreg:$0x2];
	[bflag:$0x3] =	sbarrier.arrive $0xFFFF;
	s2 =	simm.s32 @!p0 $0x1C08  }
0xdf: {  	[timem:s3], [sflag:s2] =	dma.local @!p0 [hbm:s0], s1  }
0xe0: {  	s0 =	simm.s32 @!p0 $0x8  }
0xe1: {  	_ =	swait.ge @!p0 [sflag:s0], s1  }
0xe2: {  	s1 =	ssub.s32 @!p0 $0x0, s1;
	[sflag:s0] =	ssyncset.done @!p0 $0x0  }
0xe3: {  	[sflag:s0] =	ssyncadd.s32 @!p0 s1  }
0xe4: {  	[bflag:$0x3] =	sbarrier.arrive $0xFFFF  }
0xe5: {  	_ =	shalt  }

// kernel: kernel.8.cloned.1.call-start
scs
__scs_entry_jumppad:
0x0: {  	(pc) =	sbr.rel $0x88, $3  }
0x1: {  	(tag) =	ssettag $0x0;
	lr =	simm.s32 $0x1  }
0x2: {  	[smem:$0x3F94] =	sst lr;
	_ =	strace $0xD0000000  }
0x3: {  	_ = 	snop  }
0x4: {  	_ = 	snop  }
0x5: {  	_ = 	snop  }
0x6: {  	_ = 	snop  }
0x7: {  	_ = 	snop  }
__scs_overlays_trampoline_lowered:
0x8: {  	[smem:$0x3FA3] =	sst s0  }
0x9: {  	[smem:$0x3FA4] =	sst s1  }
0xa: {  	[smem:$0x3FA5] =	sst s2  }
0xb: {  	[smem:$0x3FA6] =	sst s3  }
0xc: {  	[smem:$0x3FA7] =	sst s4  }
0xd: {  	[smem:$0x3FA8] =	sst s5  }
0xe: {  	[smem:$0x3FA9] =	sst s6  }
0xf: {  	[smem:$0x3FAA] =	sst s7  }
0x10: {  	[smem:$0x3FAB] =	sst s8  }
0x11: {  	[smem:$0x3FAC] =	sst s9;
	s0 =	simm.s32 @!p0 $0x0  }
0x12: {  	s1 =	sld [smem:$0x3F92];
	s0 =	simm.s32 @p0 $0x1  }
0x13: {  	[smem:$0x3FAD] =	sst s0;
	s0 =	simm.s32 @!p1 $0x0  }
0x14: {  	s2 =	sld [smem:$0x3F91];
	s0 =	simm.s32 @p1 $0x1  }
0x15: {  	[smem:$0x3FAE] =	sst s0;
	s0 =	simm.s32 @!p2 $0x0  }
0x16: {  	s3 =	sld [smem:$0x3FDB];
	s0 =	simm.s32 @p2 $0x1  }
0x17: {  	s4 =	simm.s32 $0x1BF5;
	[smem:$0x3FB0] =	sst s0  }
0x18: {  	s0 =	sld [smem:$0x3F93];
	_ =	swait.ge [sflag:s4], $0x0  }
0x19: {  	s7 =	sld [smem:$0x3F94]  }
0x1a: {  	s8 =	sadd.s32 $0xFFFFE003, lr  }
0x1b: {  	s9 =	sadd.s32 $0xFFFFFEF7, lr;
	s5 =	simm.s32 $0xFFFFFFFF;
	p2 =	slt.u32 s8, $0xFFFFF086  }
0x1c: {  	p1 =	slt.u32 s9, $0xF7A;
	s5 =	simm.s32 @!p2 $0x0  }
0x1d: {  	s5 =	simm.s32 @p1 $0x1;
	p0 =	seq.s32 s7, s2  }
0x1e: {  	s7 =	smul.u32 @!p0 $0xF7A, s2;
	p2 =	seq.s32 @!p0 s5, $0x0  }
0x1f: {  	s9 =	smul.u32 $0xF7A, s1;
	s8 =	simm.s32 @!p0 $0x1BF5;
	p2 =	por !p2, p0  }
0x20: {  	[sflag:s8] =	ssyncset.s32 @!p0 $0xFFFFF086;
	s6 =	sadd.s32 @!p0 s3, s7;
	s7 =	simm.s32 @!p0 $0x108  }
0x21: {  	s3 =	sadd.s32 s3, s9;
	s6 =	sadd.s32 @!p0 $0x88, s6;
	s7 =	simm.s32 @p2 $0x1082  }
0x22: {  	[simem:s7], [sflag:s8] =	dma.local @!p0 [hbm:s6], $0xF7A  }
0x23: {  	s9 =	sor.u32 $0xD0000000, s2;
	s6 =	simm.s32 $0x108;
	_ =	swait.ge @!p0 [sflag:s8], $0x0  }
0x24: {  	s3 =	sadd.s32 $0x88, s3;
	s6 =	simm.s32 @!p1 $0x1082;
	[sflag:s4] =	ssyncset.s32 $0xFFFFF086  }
0x25: {  	[simem:s6], [sflag:s4] =	dma.local [hbm:s3], $0xF7A  }
0x26: {  	[smem:$0x3F94] =	sst s1;
	(tag) =	ssettag s2;
	_ =	strace s9  }
0x27: {  	s1 =	sld [smem:$0x3FA4]  }
0x28: {  	s2 =	sld [smem:$0x3FA5]  }
0x29: {  	s4 =	sld [smem:$0x3FA7]  }
0x2a: {  	p0 =	seq.s32 s5, $0x0;
	s5 =	sld [smem:$0x3FA8]  }
0x2b: {  	s6 =	sld [smem:$0x3FA9]  }
0x2c: {  	s7 =	sld [smem:$0x3FAA]  }
0x2d: {  	s3 =	simm.s32 $0x108;
	s8 =	sld [smem:$0x3FAB]  }
0x2e: {  	s3 =	simm.s32 @!p0 $0x1082;
	s9 =	sld [smem:$0x3FAC]  }
0x2f: {  	lr =	sadd.s32 s0, s3;
	s0 =	sld [smem:$0x3FA3]  }
0x30: {  	s3 =	sld [smem:$0x3FA6]  }
0x31: {  	[smem:$0x3FAF] =	sst s10  }
0x32: {  	s10 =	sld [smem:$0x3FAD];
	_ =	sdelay $0x3  }
0x33: {  	p0 =	seq.s32 s10, $0x1;
	s10 =	sld [smem:$0x3FAF];
	_ =	sdelay $0x3  }
0x34: {  	[smem:$0x3FAF] =	sst s10  }
0x35: {  	s10 =	sld [smem:$0x3FAE];
	_ =	sdelay $0x3  }
0x36: {  	p1 =	seq.s32 s10, $0x1;
	s10 =	sld [smem:$0x3FAF];
	_ =	sdelay $0x3  }
0x37: {  	[smem:$0x3FAF] =	sst s10  }
0x38: {  	s10 =	sld [smem:$0x3FB0]  }
0x39: {  	_ = 	snop;
	(pc) =	sbr.ind lr, $3  }
0x3a: {  	_ = 	snop  }
0x3b: {  	_ = 	snop  }
0x3c: {  	p2 =	seq.s32 s10, $0x1;
	s10 =	sld [smem:$0x3FAF]  }
0x3d: {  	_ =	shalt  }
0x3e: {  	_ =	shalt  }
0x3f: {  	_ =	shalt  }
0x40: {  	_ =	shalt  }
0x41: {  	_ =	shalt  }
0x42: {  	_ =	shalt  }
0x43: {  	_ =	shalt  }
0x44: {  	_ =	shalt  }
0x45: {  	_ =	shalt  }
0x46: {  	_ =	shalt  }
0x47: {  	_ =	shalt  }
0x48: {  	_ =	shalt  }
0x49: {  	_ =	shalt  }
0x4a: {  	_ =	shalt  }
0x4b: {  	_ =	shalt  }
0x4c: {  	_ =	shalt  }
0x4d: {  	_ =	shalt  }
0x4e: {  	_ =	shalt  }
0x4f: {  	_ =	shalt  }
0x50: {  	_ =	shalt  }
0x51: {  	_ =	shalt  }
0x52: {  	_ =	shalt  }
0x53: {  	_ =	shalt  }
0x54: {  	_ =	shalt  }
0x55: {  	_ =	shalt  }
0x56: {  	_ =	shalt  }
0x57: {  	_ =	shalt  }
0x58: {  	_ =	shalt  }
0x59: {  	_ =	shalt  }
0x5a: {  	_ =	shalt  }
0x5b: {  	_ =	shalt  }
0x5c: {  	_ =	shalt  }
0x5d: {  	_ =	shalt  }
0x5e: {  	_ =	shalt  }
0x5f: {  	_ =	shalt  }
0x60: {  	_ =	shalt  }
0x61: {  	_ =	shalt  }
0x62: {  	_ =	shalt  }
0x63: {  	_ =	shalt  }
0x64: {  	_ =	shalt  }
0x65: {  	_ =	shalt  }
0x66: {  	_ =	shalt  }
0x67: {  	_ =	shalt  }
0x68: {  	_ =	shalt  }
0x69: {  	_ =	shalt  }
0x6a: {  	_ =	shalt  }
0x6b: {  	_ =	shalt  }
0x6c: {  	_ =	shalt  }
0x6d: {  	_ =	shalt  }
0x6e: {  	_ =	shalt  }
0x6f: {  	_ =	shalt  }
0x70: {  	_ =	shalt  }
0x71: {  	_ =	shalt  }
0x72: {  	_ =	shalt  }
0x73: {  	_ =	shalt  }
0x74: {  	_ =	shalt  }
0x75: {  	_ =	shalt  }
0x76: {  	_ =	shalt  }
0x77: {  	_ =	shalt  }
0x78: {  	_ =	shalt  }
0x79: {  	_ =	shalt  }
0x7a: {  	_ =	shalt  }
0x7b: {  	_ =	shalt  }
0x7c: {  	_ =	shalt  }
0x7d: {  	_ =	shalt  }
0x7e: {  	_ =	shalt  }
0x7f: {  	_ =	shalt  }
0x80: {  	_ =	shalt  }
0x81: {  	_ =	shalt  }
0x82: {  	_ =	shalt  }
0x83: {  	_ =	shalt  }
0x84: {  	_ =	shalt  }
0x85: {  	_ =	shalt  }
0x86: {  	_ =	shalt  }
0x87: {  	_ =	shalt  }
.Lfunc_end0:
.L_simem_size_0:
called_computation_lowered:
.L_overlay_start_0:
0x88: {  	s2 =	sld [smem:$0x3FD9]  }
0x89: {  	s3 =	sld [smem:$0x3FFE];
	_ =	sdelay $0x1  }
0x8a: {  	s1 =	srdreg.scid  }
0x8b: {  	s0 =	sand.u32 $0x1, s1  }
0x8c: {  	s17 =	sshll.u32 s0, $0xA;
	s2 =	sadd.s32 s3, s2  }
0x8d: {  	s2 =	sadd.s32 s2, s17  }
0x8e: {  	[smem:$0x3FBB] =	sst s2  }
0x8f: {  	_ = 	snop  }
0x90: {  	s2 =	sld [smem:$0x3FD0];
	(tm) =	ssettm $0x1  }
0x91: {  	s18 =	sld [smem:$0x3FFB];
	_ =	sdelay $0x3  }
0x92: {  	_ =	strace s18  }
0x93: {  	s3 =	sld [smem:$0x3FFC];
	_ =	sdelay $0x3  }
0x94: {  	_ =	strace s3  }
0x95: {  	s3 =	sld [smem:$0x3FFD];
	_ =	sdelay $0x3  }
0x96: {  	_ =	strace s3  }
0x97: {  	_ =	strace $0x8FFFFFFF  }
0x98: {  	s19 =	sld [smem:$0x3FDB];
	_ =	sdelay $0x1  }
0x99: {  	s4 =	simm.s32 $_scs_section_size  }
0x9a: {  	s5 =	simm.s32 $_size__tile_overlayer_lowered;
	s6 =	simm.s32 $_tile_overlayer_lowered  }
0x9b: {  	s22 =	simm.s32 $0x1BFF;
	s21 =	sshll.u32 s6, $0x1;
	s3 =	sadd.s32 s4, s19  }
0x9c: {  	s7 =	simm.s32 $0x0;
	s20 =	sshll.u32 s5, $0x1;
	s5 =	sadd.s32 s21, s3  }
0x9d: {  	[timem:s7], [sflag:s22] =	dma.local [hbm:s5], s20  }
0x9e: {  	_ =	swait.ge [sflag:s22], s20  }
0x9f: {  	s4 =	ssub.s32 $0x0, s20;
	[sflag:s22] =	ssyncset.done $0x0  }
0xa0: {  	[sflag:s22] =	ssyncadd.s32 s4;
	_ =	sdelay $0x1  }
0xa1: {  	s23 =	simm.s32 $0x1B8B  }
0xa2: {  	_ =	swait.ge [sflag:s23], $0x1  }
0xa3: {  	[sflag:s23] =	ssyncset.done $0x0  }
0xa4: {  	s25 =	simm.s32 $0x1B8E;
	s24 =	sld [smem:$0x3FFE];
	[sflag:s23] =	ssyncadd.s32 $0xFFFFFFFF  }
0xa5: {  	s26 =	simm.s32 $execute0_lowered;
	[smem:$0x3FD2] =	sst s25  }
0xa6: {  	s5 =	sshll.u32 s26, $0x1;
	_ =	strace $0x80000046;
	[dreg:$0x1] =	wrdreg $0xFFFFFFFF  }
0xa7: {  	s28 =	simm.s32 $_size_execute0_lowered;
	s3 =	sadd.s32 s3, s5;
	[dreg:$0x0] =	wrdreg $0x0  }
0xa8: {  	s5 =	sshll.u32 s28, $0x1;
	[dreg:$0x2] =	wrdreg s3  }
0xa9: {  	[dreg:$0x3] =	wrdreg s5  }
0xaa: {  	[dreg:$0x4] =	wrdreg $0xC0  }
0xab: {  	_ =	task [dreg:s7], $0x5FFFF  }
0xac: {  	[dreg:$0x1] =	wrdreg $0xFFFFFFFF  }
0xad: {  	[dreg:$0x0] =	wrdreg $0x60  }
0xae: {  	[dreg:$0x2] =	wrdreg s2  }
0xaf: {  	[dreg:$0x3] =	wrdreg s24  }
0xb0: {  	[dreg:$0x4] =	wrdreg $0xA  }
0xb1: {  	_ =	task.clear_ibuf [dreg:s7], $0x5FFFF;
	_ =	strace $0x90000046  }
0xb2: {  	s29 =	simm.s32 $0xA;
	_ =	strace $0x80000048  }
0xb3: {  	_ =	swait.ge [sflag:s29], $0x1  }
0xb4: {  	[sflag:s29] =	ssyncadd.s32 $0xFFFFFFFF  }
0xb5: {  	_ =	strace $0x90000048  }
0xb6: {  	_ =	sfence  }
0xb7: {  	s30 =	sld [smem:$0x0];
	_ =	sdelay $0x2  }
0xb8: {  	s31 =	sshll.u32 s1, $0xD;
	s1 =	sshrl.u32 s1, $0x2  }
0xb9: {  	s3 =	sand.u32 $0x4000, s31;
	s1 =	sadd.s32 s1, s30  }
0xba: {  	s0 =	sor.u32 s3, s0;
	s1 =	sshll.u32 s1, $0x11  }
0xbb: {  	s0 =	sor.u32 s1, s0  }
0xbc: {  	s0 =	sadd.s32 $0x8F2B, s0  }
0xbd: {  	[sflag:s0] =	ssyncadd.remote.s32 $0x1  }
0xbe: {  	_ =	sfence.sel $0xFFFF  }
0xbf: {  	[dreg:$0x0] =	wrdreg $0xFFFFFFFF;
	(pc) =	sbr.abs _section_cstart, $3  }
0xc0: {  	[dreg:$0x1] =	wrdreg $0xFFFFFFFF  }
0xc1: {  	_ =	task.clear_ibuf [dreg:s7], $0x2FFFF;
	_ =	strace $0x9FFFFFFF  }
0xc2: {  	(tm) =	ssettm $0x7FFFFFFF  }
0xc3: {  	_ =	shalt  }
tec
execute0_lowered:
.L_overlay_start_1:
0x0: {  	(tag) =	ssettag $0x1  }
0x1: {  	s2 =	rddreg [dreg:$0x0]  }
0x2: {  	s0 =	rddreg [dreg:$0x1];
	s1 =	simm.s32 $0x0;
	s10 =	stileid.u32  }
0x3: {  	s3 =	srdreg.scid;
	s9 =	simm.s32 $0x80;
	s13 =	simm.s32 $0x9  }
0x4: {  	s14 =	simm.s32 $0xA;
	s15 =	simm.s32 $0xB;
	s16 =	simm.s32 $0xC  }
0x5: {  	s17 =	simm.s32 $0xD;
	s18 =	simm.s32 $0x0;
	[smem:$0x7FF] =	sst s1  }
0x6: {  	s28 =	sshll.u32 s10, $0x5;
	s3 =	sand.u32 $0x1, s3;
	s5 =	sshll.u32 s10, $0x1  }
0x7: {  	s6 =	sshll.u32 s10, $0xC;
	p0 =	slt.u32 s10, $0x2;
	p1 =	sgt.u32 s10, $0x1  }
0x8: {  	_ =	strace $0x80000047;
	s1 =	sand.u32 $0x180, s28;
	s7 =	ssub.s32 $0x2, s3  }
0x9: {  	s4 =	sor.u32 s3, s5;
	s3 =	sshll.u32 s3, $0xB;
	s1 =	sadd.s32 s1, s0  }
0xa: {  	s0 =	sadd.s32 s6, s0;
	s29 =	sshrl.u32 s7, $0x1;
	s8 =	sand.u32 $0x7, s4  }
0xb: {  	s6 =	ssub.s32 s7, s29;
	s30 =	sshll.u32 s8, $0x4;
	s0 =	sadd.s32 s3, s0  }
0xc: {  	s31 =	smax.u32 s6, $0x1;
	s8 =	sadd.s32 $0x15E00, s0;
	s0 =	simm.s32 @!p0 $0x0  }
0xd: {  	s1 =	sadd.s32 s30, s1;
	[dreg:$0x3] =	wrdreg s31;
	s0 =	simm.s32 @p0 $0x1  }
0xe: {  	s5 =	ssub.s32 $0x9C4, s5;
	s7 =	sadd.s32 $0x2200, s1;
	[smem:$0x7FD] =	sst s0  }
.LBB2_1:
0xf: {  	s0 =	smov.u32 s4;
	s1 =	simm.s32 $0x0  }
.LBB2_2:
0x10: {  	p0 =	sgt.u32 s0, $0x9C3  }
0x11: {  	s3 =	sshra.s32 @!p0 s1, $0x2  }
0x12: {  	s10 =	sadd.s32 @!p0 s1, s7;
	s11 =	simm.s32 @!p0 $0x0;
	s1 =	sadd.s32 $0x200, s1  }
0x13: {  	[tilespmem:s3], [sflag:$0x1] =	stream.linear.gather @!p0 [hbm4b:s10+s11], $0x80, $0x38;
	[tilespmem:$0x1A800] =	vst v63  }
0x14: {  	p0 =	sne.s32 s1, $0x9E00  }
.Ltmp0:
0x15: {  	_ = 	snop;
	(pc) =	sbr.rel @p0 .LBB2_2-.Ltmp0, $2  }
0x16: {  	_ =	sdelay $0x2  }
0x17: {  	s0 =	sadd.s32 $0x20, s0  }
0x18: {  	p0 =	sle.u32 s5, $0x0  }
0x19: {  	s1 =	simm.s32 @!p0 $0x1  }
0x1a: {  	_ =	swait.ge @!p0 [sflag:s1], $0x80  }
0x1b: {  	s0 =	simm.s32 $0x20;
	[sflag:s1] =	ssyncset.done @!p0 $0x0  }
.LBB2_4:
0x1c: {  	[sflag:s1] =	ssyncadd.s32 @!p0 $0xFFFFFF80;
	s1 =	smov.u32 s0;
	s0 =	sadd.s32 $0x20, s0  }
0x1d: {  	p2 =	sne.s32 s0, $0x9E0  }
.Ltmp1:
0x1e: {  	(pc) =	sbr.rel @p2 .LBB2_4-.Ltmp1, $4  }
0x1f: {  	p0 =	sge.u32 s1, s5  }
0x20: {  	s1 =	simm.s32 @!p0 $0x1  }
0x21: {  	_ =	swait.ge @!p0 [sflag:s1], $0x80  }
0x22: {  	[sflag:s1] =	ssyncset.done @!p0 $0x0  }
0x23: {  	[sflag:s1] =	ssyncadd.s32 @!p0 $0xFFFFFF80  }
0x24: {  	s0 =	simm.s32 $0x0;
	s19 =	simm.s32 $0x2800;
	s23 =	sadd.s32 $0x100, s4  }
0x25: {  	[tilespmem:s19], [sflag:$0x2] =	stream.indirect.gather [hbm4b:s2+s9], $0x80, s0, s9, $0xb8;
	[tilespmem:$0x1A800] =	vst v63  }
0x26: {  	s24 =	sadd.s32 $0xFFFFFF60, s23  }
0x27: {  	s20 =	simm.s32 $0x6800;
	p4 =	sgt.u32 s24, $0x9C3  }
0x28: {  	[tilespmem:s20], [sflag:$0x3] =	stream.indirect.gather [hbm4b:s2+s9], $0x80, s9, s9, $0xb8;
	[tilespmem:$0x1A800] =	vst v63  }
0x29: {  	s21 =	simm.s32 $0x100;
	s22 =	simm.s32 $0xA800;
	p0 =	por @!p4 $0x1, $0x1  }
0x2a: {  	p6 =	sle.u32 s5, $0x100;
	s28 =	sadd.s32 $0x1C0, s4;
	p2 =	por p0, p4  }
0x2b: {  	[tilespmem:s22], [sflag:$0x4] =	stream.indirect.gather [hbm4b:s2+s9], $0x80, s21, s9, $0xb8;
	[tilespmem:$0x1A800] =	vst v63  }
0x2c: {  	s3 =	sadd.s32 $0xFFFFFF00, s23;
	s10 =	sadd.s32 $0xFFFFFF80, s23;
	s11 =	simm.s32 @!p2 $0xB  }
0x2d: {  	s0 =	simm.s32 @!p4 $0xE800;
	p0 =	sgt.u32 s3, $0x9C3;
	_ =	swait.ge @!p2 [sflag:s11], $0x4000  }
0x2e: {  	s3 =	simm.s32 @!p4 $0x180;
	s19 =	simm.s32 @!p0 $0x2;
	[sflag:s11] =	ssyncset.done @!p2 $0x0  }
0x2f: {  	[sflag:s11] =	ssyncadd.s32 @!p2 $0xFFFFC000;
	s11 =	simm.s32 @!p4 $0x80;
	p2 =	sgt.u32 s10, $0x9C3  }
0x30: {  	[tilespmem:s0], [sflag:$0x5] =	stream.indirect.gather @!p4 [hbm4b:s2+s11], $0x80, s3, s11, $0xb8;
	[tilespmem:$0x1A800] =	vst v63  }
0x31: {  	s25 =	sadd.s32 $0xFFFFFF20, s23;
	p3 =	por @!p2 $0x1, $0x1;
	_ =	swait.ge @!p0 [sflag:s19], $0x4000  }
0x32: {  	s10 =	simm.s32 @!p0 $0x2800;
	p3 =	por p3, p2;
	[sflag:s19] =	ssyncset.done @!p0 $0x0  }
0x33: {  	s11 =	simm.s32 @!p0 $0x0;
	[sflag:s19] =	ssyncadd.s32 @!p0 $0xFFFFC000;
	s19 =	simm.s32 @!p3 $0xC  }
0x34: {  	[hbm4b:s8+s11] =	stream.linear.scatter @!p0 [tilespmem:s10], [sflag:$0x8], $0x4000, $0x38;
	[tilespmem:$0x1A800] =	vst v63  }
0x35: {  	s26 =	sadd.s32 $0xFFFFFFA0, s23;
	s24 =	simm.s32 @!p2 $0x12800;
	_ =	swait.ge @!p3 [sflag:s19], $0x4000  }
0x36: {  	s3 =	simm.s32 @!p2 $0x200;
	p0 =	sgt.u32 s25, $0x9C3;
	[sflag:s19] =	ssyncset.done @!p3 $0x0  }
0x37: {  	s11 =	simm.s32 @!p2 $0x80;
	[sflag:s19] =	ssyncadd.s32 @!p3 $0xFFFFC000;
	s19 =	simm.s32 @!p0 $0x3  }
0x38: {  	[tilespmem:s24], [sflag:$0x6] =	stream.indirect.gather @!p2 [hbm4b:s2+s11], $0x80, s3, s11, $0xb8;
	[tilespmem:$0x1A800] =	vst v63  }
0x39: {  	s10 =	simm.s32 @!p0 $0x6800;
	p3 =	sgt.u32 s26, $0x9C3;
	_ =	swait.ge @!p0 [sflag:s19], $0x4000  }
0x3a: {  	s3 =	simm.s32 @!p0 $0x0;
	p5 =	por @!p3 $0x1, $0x1;
	[sflag:s19] =	ssyncset.done @!p0 $0x0  }
0x3b: {  	s11 =	sadd.s32 @!p0 $0x10000, s8;
	p5 =	por p5, p3;
	[sflag:s19] =	ssyncadd.s32 @!p0 $0xFFFFC000  }
0x3c: {  	[hbm4b:s11+s3] =	stream.linear.scatter @!p0 [tilespmem:s10], [sflag:$0x9], $0x4000, $0x38;
	[tilespmem:$0x1A800] =	vst v63  }
0x3d: {  	s1 =	sadd.s32 $0xFFFFFF40, s23;
	s23 =	simm.s32 $0x280;
	s3 =	simm.s32 @!p5 $0xD  }
0x3e: {  	s31 =	sadd.s32 $0xFFFFFF20, s28;
	s25 =	simm.s32 @!p3 $0x16800;
	_ =	swait.ge @!p5 [sflag:s3], $0x4000  }
0x3f: {  	p0 =	sgt.u32 s1, $0x9C3;
	s1 =	simm.s32 @!p3 $0x280;
	[sflag:s3] =	ssyncset.done @!p5 $0x0  }
0x40: {  	s10 =	simm.s32 @!p3 $0x80;
	[sflag:s3] =	ssyncadd.s32 @!p5 $0xFFFFC000;
	s3 =	simm.s32 @!p0 $0x4  }
0x41: {  	[tilespmem:s25], [sflag:$0x7] =	stream.indirect.gather @!p3 [hbm4b:s2+s10], $0x80, s1, s10, $0xb8;
	[tilespmem:$0x1A800] =	vst v63  }
0x42: {  	s29 =	sadd.s32 $0xFFFFFFA0, s28;
	p5 =	sle.u32 s5, $0xC0;
	_ =	swait.ge @!p0 [sflag:s3], $0x4000  }
0x43: {  	s1 =	simm.s32 @!p0 $0xA800;
	s10 =	sadd.s32 @!p0 $0x20000, s8;
	[sflag:s3] =	ssyncset.done @!p0 $0x0  }
0x44: {  	s11 =	simm.s32 @!p5 $0x8;
	[sflag:s3] =	ssyncadd.s32 @!p0 $0xFFFFC000;
	s3 =	simm.s32 @!p0 $0x0  }
0x45: {  	[hbm4b:s10+s3] =	stream.linear.scatter @!p0 [tilespmem:s1], [sflag:$0xA], $0x4000, $0x38;
	[tilespmem:$0x1A800] =	vst v63  }
0x46: {  	s20 =	simm.s32 $0x1C0;
	s22 =	simm.s32 $0x400;
	_ =	swait.ge @!p5 [sflag:s11], $0x4000  }
0x47: {  	s1 =	simm.s32 @!p5 $0x2800;
	s3 =	simm.s32 @!p5 $0x300;
	[sflag:s11] =	ssyncset.done @!p5 $0x0  }
0x48: {  	s10 =	simm.s32 @!p5 $0x80;
	[sflag:s11] =	ssyncadd.s32 @!p5 $0xFFFFC000;
	s11 =	simm.s32 @!p4 $0x5  }
0x49: {  	[tilespmem:s1], [sflag:$0x2] =	stream.indirect.gather @!p5 [hbm4b:s2+s10], $0x80, s3, s10, $0xb8;
	[tilespmem:$0x1A800] =	vst v63  }
0x4a: {  	s21 =	sadd.s32 $0x60000, s8;
	s30 =	simm.s32 @!p2 $0x0;
	_ =	swait.ge @!p4 [sflag:s11], $0x4000  }
0x4b: {  	p0 =	sle.u32 s5, $0xE0;
	s3 =	simm.s32 @!p4 $0x0;
	[sflag:s11] =	ssyncset.done @!p4 $0x0  }
0x4c: {  	s10 =	sadd.s32 @!p4 $0x30000, s8;
	[sflag:s11] =	ssyncadd.s32 @!p4 $0xFFFFC000;
	s11 =	simm.s32 @!p0 $0x9  }
0x4d: {  	[hbm4b:s10+s3] =	stream.linear.scatter @!p4 [tilespmem:s0], [sflag:$0xB], $0x4000, $0x38;
	[tilespmem:$0x1A800] =	vst v63  }
0x4e: {  	s12 =	simm.s32 @!p2 $0x6;
	s19 =	simm.s32 $0x700;
	_ =	swait.ge @!p0 [sflag:s11], $0x4000  }
0x4f: {  	s26 =	simm.s32 @!p0 $0x6800;
	s1 =	simm.s32 @!p6 $0xA;
	[sflag:s11] =	ssyncset.done @!p0 $0x0  }
0x50: {  	s3 =	simm.s32 @!p0 $0x380;
	s10 =	simm.s32 @!p0 $0x80;
	[sflag:s11] =	ssyncadd.s32 @!p0 $0xFFFFC000  }
0x51: {  	[tilespmem:s26], [sflag:$0x3] =	stream.indirect.gather @!p0 [hbm4b:s2+s10], $0x80, s3, s10, $0xb8;
	[tilespmem:$0x1A800] =	vst v63  }
0x52: {  	s0 =	sadd.s32 @!p2 $0x40000, s8;
	s11 =	sadd.s32 $0xFFFFFF60, s28;
	_ =	swait.ge @!p2 [sflag:s12], $0x4000  }
0x53: {  	s3 =	sadd.s32 $0xFFFFFF00, s28;
	s10 =	sadd.s32 $0xFFFFFF80, s28;
	[sflag:s12] =	ssyncset.done @!p2 $0x0  }
0x54: {  	s26 =	sadd.s32 $0xFFFFFF40, s28;
	s28 =	smov.u32 s8;
	[sflag:s12] =	ssyncadd.s32 @!p2 $0xFFFFC000  }
.LBB2_6:
0x55: {  	[hbm4b:s0+s30] =	stream.linear.scatter @!p2 [tilespmem:s24], [sflag:$0xC], $0x4000, $0x38;
	[tilespmem:$0x1A800] =	vst v63  }
0x56: {  	s30 =	smov.u32 s20;
	s20 =	smov.u32 s23  }
0x57: {  	s23 =	sadd.s32 $0xC0, s23;
	s0 =	simm.s32 @!p6 $0xA800;
	_ =	swait.ge @!p6 [sflag:s1], $0x4000  }
0x58: {  	p5 =	sgt.u32 s11, $0x9C3;
	s11 =	simm.s32 @!p6 $0x80;
	[sflag:s1] =	ssyncset.done @!p6 $0x0  }
0x59: {  	p0 =	seq.s32 @!p5 s30, $0x100;
	[sflag:s1] =	ssyncadd.s32 @!p6 $0xFFFFC000;
	s1 =	simm.s32 @!p3 $0x7  }
0x5a: {  	[tilespmem:s0], [sflag:$0x4] =	stream.indirect.gather @!p6 [hbm4b:s2+s11], $0x80, s22, s11, $0xb8;
	[tilespmem:$0x1A800] =	vst v63  }
0x5b: {  	p2 =	por p0, p5;
	s0 =	simm.s32 @!p3 $0x0;
	_ =	swait.ge @!p3 [sflag:s1], $0x4000  }
0x5c: {  	s12 =	sadd.s32 @!p3 $0x50000, s28;
	s11 =	simm.s32 @!p2 $0xB;
	[sflag:s1] =	ssyncset.done @!p3 $0x0  }
0x5d: {  	p4 =	sne.s32 s23, $0xB80;
	s22 =	smov.u32 s19;
	[sflag:s1] =	ssyncadd.s32 @!p3 $0xFFFFC000  }
0x5e: {  	[hbm4b:s12+s0] =	stream.linear.scatter @!p3 [tilespmem:s25], [sflag:$0xD], $0x4000, $0x38;
	[tilespmem:$0x1A800] =	vst v63  }
0x5f: {  	s0 =	simm.s32 @!p5 $0xE800;
	p3 =	sgt.u32 s3, $0x9C3;
	_ =	swait.ge @!p2 [sflag:s11], $0x4000  }
0x60: {  	s1 =	sadd.s32 @!p5 $0xFFFFFD80, s19;
	s3 =	simm.s32 @!p3 $0x2;
	[sflag:s11] =	ssyncset.done @!p2 $0x0  }
0x61: {  	[sflag:s11] =	ssyncadd.s32 @!p2 $0xFFFFC000;
	s11 =	simm.s32 @!p5 $0x80;
	p2 =	sgt.u32 s10, $0x9C3  }
0x62: {  	[tilespmem:s0], [sflag:$0x5] =	stream.indirect.gather @!p5 [hbm4b:s2+s11], $0x80, s1, s11, $0xb8;
	[tilespmem:$0x1A800] =	vst v63  }
0x63: {  	s1 =	simm.s32 @!p3 $0x2800;
	p0 =	seq.s32 @!p2 s30, $0x100;
	_ =	swait.ge @!p3 [sflag:s3], $0x4000  }
0x64: {  	s10 =	simm.s32 @!p3 $0x0;
	p0 =	por p0, p2;
	[sflag:s3] =	ssyncset.done @!p3 $0x0  }
0x65: {  	s28 =	smov.u32 s21;
	[sflag:s3] =	ssyncadd.s32 @!p3 $0xFFFFC000;
	s3 =	simm.s32 @!p0 $0xC  }
0x66: {  	[hbm4b:s21+s10] =	stream.linear.scatter @!p3 [tilespmem:s1], [sflag:$0x8], $0x4000, $0x38;
	[tilespmem:$0x1A800] =	vst v63  }
0x67: {  	s1 =	simm.s32 @!p2 $0x80;
	_ =	swait.ge @!p0 [sflag:s3], $0x4000  }
0x68: {  	p6 =	sgt.u32 s31, $0x9C3;
	s24 =	simm.s32 @!p2 $0x12800;
	[sflag:s3] =	ssyncset.done @!p0 $0x0  }
0x69: {  	s10 =	simm.s32 @!p6 $0x3;
	[sflag:s3] =	ssyncadd.s32 @!p0 $0xFFFFC000;
	s3 =	sadd.s32 @!p2 $0xFFFFFE00, s19  }
0x6a: {  	[tilespmem:s24], [sflag:$0x6] =	stream.indirect.gather @!p2 [hbm4b:s2+s1], $0x80, s3, s1, $0xb8;
	[tilespmem:$0x1A800] =	vst v63  }
0x6b: {  	p3 =	sgt.u32 s29, $0x9C3;
	s1 =	simm.s32 @!p6 $0x0;
	_ =	swait.ge @!p6 [sflag:s10], $0x4000  }
0x6c: {  	p0 =	seq.s32 @!p3 s30, $0x100;
	s3 =	simm.s32 @!p6 $0x6800;
	[sflag:s10] =	ssyncset.done @!p6 $0x0  }
0x6d: {  	p0 =	por p0, p3;
	[sflag:s10] =	ssyncadd.s32 @!p6 $0xFFFFC000;
	s10 =	sadd.s32 @!p6 $0x10000, s21  }
0x6e: {  	[hbm4b:s10+s1] =	stream.linear.scatter @!p6 [tilespmem:s3], [sflag:$0x9], $0x4000, $0x38;
	[tilespmem:$0x1A800] =	vst v63  }
0x6f: {  	s6 =	simm.s32 @!p2 $0x6;
	s19 =	sadd.s32 $0x300, s19;
	s1 =	simm.s32 @!p0 $0xD  }
0x70: {  	s25 =	simm.s32 @!p3 $0x16800;
	p6 =	sgt.u32 s26, $0x9C3;
	_ =	swait.ge @!p0 [sflag:s1], $0x4000  }
0x71: {  	s3 =	sadd.s32 @!p3 $0xFFFFFE80, s22;
	s10 =	simm.s32 @!p3 $0x80;
	[sflag:s1] =	ssyncset.done @!p0 $0x0  }
0x72: {  	s21 =	sadd.s32 $0x60000, s21;
	[sflag:s1] =	ssyncadd.s32 @!p0 $0xFFFFC000;
	s1 =	simm.s32 @!p6 $0x4  }
0x73: {  	[tilespmem:s25], [sflag:$0x7] =	stream.indirect.gather @!p3 [hbm4b:s2+s10], $0x80, s3, s10, $0xb8;
	[tilespmem:$0x1A800] =	vst v63  }
0x74: {  	s3 =	simm.s32 @!p6 $0xA800;
	s10 =	sadd.s32 $0xFFFFFFC0, s30;
	_ =	swait.ge @!p6 [sflag:s1], $0x4000  }
0x75: {  	s11 =	sadd.s32 @!p6 $0x20000, s28;
	p0 =	sge.u32 s10, s5;
	[sflag:s1] =	ssyncset.done @!p6 $0x0  }
0x76: {  	s10 =	simm.s32 @!p0 $0x8;
	[sflag:s1] =	ssyncadd.s32 @!p6 $0xFFFFC000;
	s1 =	simm.s32 @!p6 $0x0  }
0x77: {  	[hbm4b:s11+s1] =	stream.linear.scatter @!p6 [tilespmem:s3], [sflag:$0xA], $0x4000, $0x38;
	[tilespmem:$0x1A800] =	vst v63  }
0x78: {  	s1 =	simm.s32 @!p0 $0x2800;
	s3 =	simm.s32 @!p5 $0x0;
	_ =	swait.ge @!p0 [sflag:s10], $0x4000  }
0x79: {  	s12 =	simm.s32 @!p0 $0x80;
	s11 =	sadd.s32 @!p0 $0xFFFFFF00, s22;
	[sflag:s10] =	ssyncset.done @!p0 $0x0  }
0x7a: {  	p6 =	sge.u32 s30, s5;
	[sflag:s10] =	ssyncadd.s32 @!p0 $0xFFFFC000;
	s10 =	simm.s32 @!p5 $0x5  }
0x7b: {  	[tilespmem:s1], [sflag:$0x2] =	stream.indirect.gather @!p0 [hbm4b:s2+s12], $0x80, s11, s12, $0xb8;
	[tilespmem:$0x1A800] =	vst v63  }
0x7c: {  	s11 =	sadd.s32 $0xFFFFFFE0, s30;
	s1 =	simm.s32 @!p6 $0xA;
	_ =	swait.ge @!p5 [sflag:s10], $0x4000  }
0x7d: {  	s12 =	sadd.s32 @!p5 $0x30000, s28;
	p0 =	sge.u32 s11, s5;
	[sflag:s10] =	ssyncset.done @!p5 $0x0  }
0x7e: {  	s11 =	simm.s32 @!p0 $0x6800;
	[sflag:s10] =	ssyncadd.s32 @!p5 $0xFFFFC000;
	s10 =	simm.s32 @!p0 $0x9  }
0x7f: {  	[hbm4b:s12+s3] =	stream.linear.scatter @!p5 [tilespmem:s0], [sflag:$0xB], $0x4000, $0x38;
	[tilespmem:$0x1A800] =	vst v63  }
0x80: {  	s3 =	sadd.s32 @!p0 $0xFFFFFF80, s22;
	s12 =	simm.s32 @!p0 $0x80;
	_ =	swait.ge @!p0 [sflag:s10], $0x4000  }
0x81: {  	s30 =	simm.s32 @!p2 $0x0;
	s0 =	sadd.s32 @!p2 $0x40000, s28;
	[sflag:s10] =	ssyncset.done @!p0 $0x0  }
.Ltmp2:
0x82: {  	s26 =	sadd.s32 s20, s4;
	[sflag:s10] =	ssyncadd.s32 @!p0 $0xFFFFC000;
	(pc) =	sbr.rel @p4 .LBB2_6-.Ltmp2, $4  }
0x83: {  	[tilespmem:s11], [sflag:$0x3] =	stream.indirect.gather @!p0 [hbm4b:s2+s12], $0x80, s3, s12, $0xb8;
	[tilespmem:$0x1A800] =	vst v63  }
0x84: {  	s3 =	sadd.s32 $0xFFFFFF00, s26;
	s11 =	sadd.s32 $0xFFFFFF60, s26;
	_ =	swait.ge @!p2 [sflag:s6], $0x4000  }
0x85: {  	s31 =	sadd.s32 $0xFFFFFF20, s26;
	s29 =	sadd.s32 $0xFFFFFFA0, s26;
	[sflag:s6] =	ssyncset.done @!p2 $0x0  }
0x86: {  	s10 =	sadd.s32 $0xFFFFFF80, s26;
	s26 =	sadd.s32 $0xFFFFFF40, s26;
	[sflag:s6] =	ssyncadd.s32 @!p2 $0xFFFFC000  }
0x87: {  	[hbm4b:s0+s30] =	stream.linear.scatter @!p2 [tilespmem:s24], [sflag:$0xC], $0x4000, $0x38;
	[tilespmem:$0x1A800] =	vst v63  }
0x88: {  	_ =	swait.ge @!p6 [sflag:s1], $0x4000  }
0x89: {  	s0 =	simm.s32 @!p6 $0xA800;
	p2 =	sgt.u32 s11, $0x9C3;
	[sflag:s1] =	ssyncset.done @!p6 $0x0  }
0x8a: {  	s6 =	simm.s32 @!p6 $0x80;
	[sflag:s1] =	ssyncadd.s32 @!p6 $0xFFFFC000;
	s1 =	simm.s32 @!p3 $0x7  }
0x8b: {  	[tilespmem:s0], [sflag:$0x4] =	stream.indirect.gather @!p6 [hbm4b:s2+s6], $0x80, s22, s6, $0xb8;
	[tilespmem:$0x1A800] =	vst v63  }
0x8c: {  	s11 =	sadd.s32 @!p3 $0x50000, s28;
	p0 =	seq.s32 @!p2 s20, $0x100;
	_ =	swait.ge @!p3 [sflag:s1], $0x4000  }
0x8d: {  	p4 =	por p0, p2;
	p0 =	sgt.u32 s3, $0x9C3;
	[sflag:s1] =	ssyncset.done @!p3 $0x0  }
0x8e: {  	s0 =	simm.s32 @!p3 $0x0;
	s6 =	simm.s32 @!p4 $0xB;
	[sflag:s1] =	ssyncadd.s32 @!p3 $0xFFFFC000  }
0x8f: {  	[hbm4b:s11+s0] =	stream.linear.scatter @!p3 [tilespmem:s25], [sflag:$0xD], $0x4000, $0x38;
	[tilespmem:$0x1A800] =	vst v63  }
0x90: {  	s3 =	simm.s32 @!p0 $0x2;
	_ =	swait.ge @!p4 [sflag:s6], $0x4000  }
0x91: {  	s1 =	sadd.s32 @!p2 $0xFFFFFD80, s19;
	s0 =	simm.s32 @!p2 $0xE800;
	[sflag:s6] =	ssyncset.done @!p4 $0x0  }
0x92: {  	p3 =	sgt.u32 s10, $0x9C3;
	[sflag:s6] =	ssyncadd.s32 @!p4 $0xFFFFC000;
	s6 =	simm.s32 @!p2 $0x80  }
0x93: {  	[tilespmem:s0], [sflag:$0x5] =	stream.indirect.gather @!p2 [hbm4b:s2+s6], $0x80, s1, s6, $0xb8;
	[tilespmem:$0x1A800] =	vst v63  }
0x94: {  	p4 =	seq.s32 @!p3 s20, $0x100;
	_ =	swait.ge @!p0 [sflag:s3], $0x4000  }
0x95: {  	s1 =	simm.s32 @!p0 $0x2800;
	p4 =	por p4, p3;
	[sflag:s3] =	ssyncset.done @!p0 $0x0  }
0x96: {  	s6 =	simm.s32 @!p0 $0x0;
	[sflag:s3] =	ssyncadd.s32 @!p0 $0xFFFFC000;
	s3 =	simm.s32 @!p4 $0xC  }
0x97: {  	[hbm4b:s21+s6] =	stream.linear.scatter @!p0 [tilespmem:s1], [sflag:$0x8], $0x4000, $0x38;
	[tilespmem:$0x1A800] =	vst v63  }
0x98: {  	s6 =	simm.s32 @!p3 $0x80;
	_ =	swait.ge @!p4 [sflag:s3], $0x4000  }
0x99: {  	s1 =	simm.s32 @!p3 $0x12800;
	p0 =	sgt.u32 s31, $0x9C3;
	[sflag:s3] =	ssyncset.done @!p4 $0x0  }
0x9a: {  	s10 =	simm.s32 @!p0 $0x3;
	[sflag:s3] =	ssyncadd.s32 @!p4 $0xFFFFC000;
	s3 =	sadd.s32 @!p3 $0xFFFFFE00, s19  }
0x9b: {  	[tilespmem:s1], [sflag:$0x6] =	stream.indirect.gather @!p3 [hbm4b:s2+s6], $0x80, s3, s6, $0xb8;
	[tilespmem:$0x1A800] =	vst v63  }
0x9c: {  	p4 =	sgt.u32 s29, $0x9C3;
	s3 =	simm.s32 @!p0 $0x0;
	_ =	swait.ge @!p0 [sflag:s10], $0x4000  }
0x9d: {  	s6 =	simm.s32 @!p0 $0x6800;
	p5 =	seq.s32 @!p4 s20, $0x100;
	[sflag:s10] =	ssyncset.done @!p0 $0x0  }
0x9e: {  	p5 =	por p5, p4;
	[sflag:s10] =	ssyncadd.s32 @!p0 $0xFFFFC000;
	s10 =	sadd.s32 @!p0 $0x10000, s21  }
0x9f: {  	[hbm4b:s10+s3] =	stream.linear.scatter @!p0 [tilespmem:s6], [sflag:$0x9], $0x4000, $0x38;
	[tilespmem:$0x1A800] =	vst v63  }
0xa0: {  	s6 =	simm.s32 @!p5 $0xD  }
0xa1: {  	s11 =	simm.s32 @!p4 $0x80;
	_ =	swait.ge @!p5 [sflag:s6], $0x4000  }
0xa2: {  	s3 =	simm.s32 @!p4 $0x16800;
	p0 =	sgt.u32 s26, $0x9C3;
	[sflag:s6] =	ssyncset.done @!p5 $0x0  }
0xa3: {  	s10 =	sadd.s32 @!p4 $0xFFFFFE80, s19;
	[sflag:s6] =	ssyncadd.s32 @!p5 $0xFFFFC000;
	s6 =	simm.s32 @!p0 $0x4  }
0xa4: {  	[tilespmem:s3], [sflag:$0x7] =	stream.indirect.gather @!p4 [hbm4b:s2+s11], $0x80, s10, s11, $0xb8;
	[tilespmem:$0x1A800] =	vst v63  }
0xa5: {  	s28 =	sadd.s32 $0xFFFFFFC0, s20;
	s12 =	sadd.s32 @!p0 $0x20000, s21;
	_ =	swait.ge @!p0 [sflag:s6], $0x4000  }
0xa6: {  	p5 =	sge.u32 s28, s5;
	s10 =	simm.s32 @!p0 $0xA800;
	[sflag:s6] =	ssyncset.done @!p0 $0x0  }
0xa7: {  	s11 =	simm.s32 @!p5 $0x8;
	[sflag:s6] =	ssyncadd.s32 @!p0 $0xFFFFC000;
	s6 =	simm.s32 @!p0 $0x0  }
0xa8: {  	[hbm4b:s12+s6] =	stream.linear.scatter @!p0 [tilespmem:s10], [sflag:$0xA], $0x4000, $0x38;
	[tilespmem:$0x1A800] =	vst v63  }
0xa9: {  	_ =	swait.ge @!p5 [sflag:s11], $0x4000  }
0xaa: {  	s6 =	simm.s32 @!p5 $0x2800;
	s10 =	sadd.s32 @!p5 $0xFFFFFF00, s19;
	[sflag:s11] =	ssyncset.done @!p5 $0x0  }
0xab: {  	s12 =	simm.s32 @!p5 $0x80;
	[sflag:s11] =	ssyncadd.s32 @!p5 $0xFFFFC000;
	s11 =	simm.s32 @!p2 $0x5  }
0xac: {  	[tilespmem:s6], [sflag:$0x2] =	stream.indirect.gather @!p5 [hbm4b:s2+s12], $0x80, s10, s12, $0xb8;
	[tilespmem:$0x1A800] =	vst v63  }
0xad: {  	s29 =	sadd.s32 $0xFFFFFFE0, s20;
	_ =	swait.ge @!p2 [sflag:s11], $0x4000  }
0xae: {  	p0 =	sge.u32 s29, s5;
	s10 =	simm.s32 @!p2 $0x0;
	[sflag:s11] =	ssyncset.done @!p2 $0x0  }
0xaf: {  	s6 =	sadd.s32 @!p2 $0x30000, s21;
	[sflag:s11] =	ssyncadd.s32 @!p2 $0xFFFFC000;
	s11 =	simm.s32 @!p0 $0x9  }
0xb0: {  	[hbm4b:s6+s10] =	stream.linear.scatter @!p2 [tilespmem:s0], [sflag:$0xB], $0x4000, $0x38;
	[tilespmem:$0x1A800] =	vst v63  }
0xb1: {  	_ =	swait.ge @!p0 [sflag:s11], $0x4000  }
0xb2: {  	s0 =	simm.s32 @!p0 $0x6800;
	s6 =	sadd.s32 @!p0 $0xFFFFFF80, s19;
	[sflag:s11] =	ssyncset.done @!p0 $0x0  }
0xb3: {  	s10 =	simm.s32 @!p0 $0x80;
	[sflag:s11] =	ssyncadd.s32 @!p0 $0xFFFFC000;
	s11 =	simm.s32 @!p3 $0x6  }
0xb4: {  	[tilespmem:s0], [sflag:$0x3] =	stream.indirect.gather @!p0 [hbm4b:s2+s10], $0x80, s6, s10, $0xb8;
	[tilespmem:$0x1A800] =	vst v63  }
0xb5: {  	_ =	swait.ge @!p3 [sflag:s11], $0x4000  }
0xb6: {  	p0 =	sge.u32 s20, s5;
	s6 =	sadd.s32 @!p3 $0x40000, s21;
	[sflag:s11] =	ssyncset.done @!p3 $0x0  }
0xb7: {  	s10 =	simm.s32 @!p3 $0x0;
	s0 =	simm.s32 @!p0 $0xA;
	[sflag:s11] =	ssyncadd.s32 @!p3 $0xFFFFC000  }
0xb8: {  	[hbm4b:s6+s10] =	stream.linear.scatter @!p3 [tilespmem:s1], [sflag:$0xC], $0x4000, $0x38;
	[tilespmem:$0x1A800] =	vst v63  }
0xb9: {  	_ =	swait.ge @!p0 [sflag:s0], $0x4000  }
0xba: {  	s1 =	simm.s32 @!p0 $0xA800;
	[sflag:s0] =	ssyncset.done @!p0 $0x0  }
0xbb: {  	s6 =	simm.s32 @!p0 $0x80;
	[sflag:s0] =	ssyncadd.s32 @!p0 $0xFFFFC000;
	s0 =	simm.s32 @!p4 $0x7  }
0xbc: {  	[tilespmem:s1], [sflag:$0x4] =	stream.indirect.gather @!p0 [hbm4b:s2+s6], $0x80, s19, s6, $0xb8;
	[tilespmem:$0x1A800] =	vst v63  }
0xbd: {  	_ =	swait.ge @!p4 [sflag:s0], $0x4000  }
0xbe: {  	[sflag:s0] =	ssyncset.done @!p4 $0x0;
	s30 =	sld [smem:$0x7FD]  }
0xbf: {  	s1 =	simm.s32 @!p4 $0x0;
	s6 =	sadd.s32 @!p4 $0x50000, s21;
	[sflag:s0] =	ssyncadd.s32 @!p4 $0xFFFFC000  }
0xc0: {  	[hbm4b:s6+s1] =	stream.linear.scatter @!p4 [tilespmem:s3], [sflag:$0xD], $0x4000, $0x38;
	[tilespmem:$0x1A800] =	vst v63  }
0xc1: {  	p0 =	seq.s32 s30, $0x1  }
0xc2: {  	s0 =	simm.s32 @!p0 $0x8  }
0xc3: {  	_ =	swait.ge @!p0 [sflag:s0], $0x4000  }
0xc4: {  	[sflag:s0] =	ssyncset.done @!p0 $0x0  }
0xc5: {  	[sflag:s0] =	ssyncadd.s32 @!p0 $0xFFFFC000  }
0xc6: {  	_ =	swait.ge [sflag:s13], $0x4000  }
0xc7: {  	[sflag:s13] =	ssyncset.done $0x0  }
0xc8: {  	[sflag:s13] =	ssyncadd.s32 $0xFFFFC000  }
0xc9: {  	_ =	swait.ge [sflag:s14], $0x4000  }
0xca: {  	[sflag:s14] =	ssyncset.done $0x0  }
0xcb: {  	[sflag:s14] =	ssyncadd.s32 $0xFFFFC000  }
0xcc: {  	_ =	swait.ge [sflag:s15], $0x4000  }
0xcd: {  	[sflag:s15] =	ssyncset.done $0x0  }
0xce: {  	[sflag:s15] =	ssyncadd.s32 $0xFFFFC000  }
0xcf: {  	_ =	swait.ge [sflag:s16], $0x4000  }
0xd0: {  	[sflag:s16] =	ssyncset.done $0x0  }
0xd1: {  	[sflag:s16] =	ssyncadd.s32 $0xFFFFC000  }
0xd2: {  	_ =	swait.ge [sflag:s17], $0x4000  }
0xd3: {  	[sflag:s17] =	ssyncset.done $0x0  }
0xd4: {  	s0 =	simm.s32 @!p1 $0x8;
	[sflag:s17] =	ssyncadd.s32 $0xFFFFC000  }
0xd5: {  	_ =	swait.ge @!p1 [sflag:s0], $0x4000  }
0xd6: {  	s18 =	sadd.s32 $0x1, s18;
	s31 =	rddreg [dreg:$0x3]  }
0xd7: {  	p0 =	sne.s32 s18, s31  }
.Ltmp3:
0xd8: {  	_ = 	snop;
	(pc) =	sbr.rel @p0 .LBB2_1-.Ltmp3, $3  }
0xd9: {  	_ =	sdelay $0x1  }
0xda: {  	[sflag:s0] =	ssyncset.done @!p1 $0x0  }
0xdb: {  	[sflag:s0] =	ssyncadd.s32 @!p1 $0xFFFFC000  }
0xdc: {  	_ =	sfence.sel $0x180000  }
0xdd: {  	[bflag:$0x0] =	sbarrier.arrive $0xFFFF  }
0xde: {  	_ =	strace $0x90000047  }
0xdf: {  	s0 =	stileid.u32;
	[bflag:$0x2] =	sbarrier.arrive $0xFFFF  }
0xe0: {  	p0 =	sne.s32 s0, $0x0;
	s0 =	rddreg [dreg:$0x2]  }
0xe1: {  	s0 =	sadd.s32 @!p0 $0x100000, s0  }
0xe2: {  	[sflag:s0] =	ssyncadd.tile.s32 @!p0 $0x1;
	_ =	shalt  }
.Lfunc_end2:
_tile_overlayer_lowered:
.L_overlay_start_2:
0xe3: {  	(tag) =	ssettag $0x2  }
0xe4: {  	s0 =	rddreg [dreg:$0x0];
	s2 =	stileid.u32  }
0xe5: {  	s1 =	rddreg [dreg:$0x1];
	p0 =	sne.s32 s2, $0x0  }
0xe6: {  	s3 =	rddreg [dreg:$0x2];
	[bflag:$0x3] =	sbarrier.arrive $0xFFFF;
	s2 =	simm.s32 @!p0 $0x1C0E  }
0xe7: {  	[timem:s3], [sflag:s2] =	dma.local @!p0 [hbm:s0], s1  }
0xe8: {  	s0 =	simm.s32 @!p0 $0xE  }
0xe9: {  	_ =	swait.ge @!p0 [sflag:s0], s1  }
0xea: {  	s1 =	ssub.s32 @!p0 $0x0, s1;
	[sflag:s0] =	ssyncset.done @!p0 $0x0  }
0xeb: {  	[sflag:s0] =	ssyncadd.s32 @!p0 s1  }
0xec: {  	[bflag:$0x3] =	sbarrier.arrive $0xFFFF  }
0xed: {  	_ =	shalt  }

</sc_bundles>
